<compile_context>
chip_gen: v7x
topology: tpu7x:2x2x1
jax: 0.10.2.dev20260603
libtpu: 0.0.44.dev20260713+nightly
codegen_flags: <defaults>
</compile_context>

<pallas_src>
import functools

import jax
import jax.numpy as jnp
from jax import lax
from jax.experimental import pallas as pl
from jax.experimental.pallas import tpu as pltpu
from jax.experimental.pallas import tpu_sc as plsc

N = 10000
E = 320000
D = 128
DE = 144
NP = 10240
BLK = 1024
NCORE = 2
NSUB = 16
NW = NCORE * NSUB
EPW = E // NW
C = 48
NCHUNK = 208
CR = 16
RPT = NP // NSUB
RING = 4
IRING = 6


def _stage1_body(h_ref, w_ref, a_ref, zx_ref, sdst_ref):
    ct = (((1,), (1,)), ((), ()))
    zb = lax.dot_general(h_ref[...], w_ref[...], ct,
                         preferred_element_type=jnp.float32)
    slc = lax.dot_general(zb, a_ref[0:1, 0:D], ct,
                          preferred_element_type=jnp.float32)
    srow = lax.dot_general(a_ref[0:1, D:2 * D], zb, ct,
                           preferred_element_type=jnp.float32)
    zx_ref[...] = jnp.concatenate(
        [zb, slc, jnp.zeros((BLK, DE - D - 1), jnp.float32)], axis=1)
    sdst_ref[...] = srow[0]


def _stage1(h, w, a):
    return pl.pallas_call(
        _stage1_body,
        grid=(NP // BLK,),
        in_specs=[
            pl.BlockSpec((BLK, D), lambda i: (i, 0)),
            pl.BlockSpec((D, D), lambda i: (0, 0)),
            pl.BlockSpec((1, 2 * D), lambda i: (0, 0)),
        ],
        out_specs=[
            pl.BlockSpec((BLK, DE), lambda i: (i, 0)),
            pl.BlockSpec((BLK,), lambda i: (i,)),
        ],
        out_shape=[
            jax.ShapeDtypeStruct((N, DE), jnp.float32),
            jax.ShapeDtypeStruct((N,), jnp.float32),
        ],
    )(h, w, a)


def _edge_body(zxhbm, sdst_h, eidx, pout,
               out_acc, sdst_t, idx_v, idxr,
               isem, gsem, rsem, rows_v):
    c = lax.axis_index("c")
    s = lax.axis_index("s")
    wid = c * NSUB + s

    zv = jnp.zeros((16,), jnp.float32)
    iota16 = lax.iota(jnp.int32, 16)
    col_w = jnp.full((16,), D, jnp.int32)

    def _zero_rows(r, carry):
        for j in range(DE // 16):
            rows_v[0, r, pl.ds(16 * j, 16)] = zv
        return carry

    lax.fori_loop(0, C, _zero_rows, 0)

    for kk in range(RPT // 40):
        pltpu.sync_copy(rows_v.at[0, pl.ds(0, 40)],
                        out_acc.at[pl.ds(RPT * s + 40 * kk, 40)])

    pltpu.sync_copy(sdst_h, sdst_t)
    plsc.subcore_barrier()

    ebase = wid * EPW

    def _drain(src, dst, sem):
        pltpu.make_async_copy(src, dst, sem).wait()

    def _compute_and_scale(rows_ref, dst_ref, nedge):
        for j in range(nedge // 16):
            di = dst_ref[pl.ds(16 * j, 16)]
            sl = plsc.load_gather(rows_ref, [16 * j + iota16, col_w])
            e = sl + plsc.load_gather(sdst_t, [di])
            e = jnp.maximum(e, e * 0.01)
            ex = jnp.exp(e)
            plsc.store_scatter(rows_ref, [16 * j + iota16, col_w], ex)

        def _scale(r, cc):
            w = rows_ref[r, pl.ds(D, 16)][0]
            for j in range(D // 16):
                rows_ref[r, pl.ds(16 * j, 16)] = (
                    rows_ref[r, pl.ds(16 * j, 16)] * w)
            return cc

        lax.fori_loop(0, nedge, _scale, 0, unroll=8)

    pltpu.sync_copy(eidx.at[:, pl.ds(ebase, C)], idx_v.at[0])
    pltpu.async_copy(eidx.at[:, pl.ds(ebase + C, C)], idx_v.at[1], isem)
    pltpu.async_copy(eidx.at[:, pl.ds(ebase + 2 * C, C)], idx_v.at[2], isem)
    pltpu.async_copy(zxhbm.at[idx_v.at[0, 0]], rows_v.at[0], gsem)
    _drain(eidx.at[:, pl.ds(0, C)], idx_v.at[1], isem)
    pltpu.async_copy(zxhbm.at[idx_v.at[1, 0]], rows_v.at[1], gsem)

    def _chunk(k, carry):
        p = lax.rem(k, RING)
        n2 = lax.rem(k + 2, RING)
        ip = lax.rem(k, IRING)
        i2 = lax.rem(k + 2, IRING)
        i3 = lax.rem(k + 3, IRING)

        @pl.when(k >= 2)
        def _wait_scatter():
            _drain(pout.at[0, pl.ds(0, C)], rows_v.at[p], rsem)

        @pl.when(k + 2 < NCHUNK)
        def _launch_next():
            _drain(eidx.at[:, pl.ds(0, C)], idx_v.at[i2], isem)
            pltpu.async_copy(zxhbm.at[idx_v.at[i2, 0]], rows_v.at[n2], gsem)

        @pl.when(k + 3 < NCHUNK)
        def _prefetch_ids():
            base = ebase + (k + 3) * C
            pltpu.async_copy(eidx.at[:, pl.ds(base, C)], idx_v.at[i3], isem)

        _drain(pout.at[0, pl.ds(0, C)], rows_v.at[p], gsem)
        _compute_and_scale(rows_v.at[p], idx_v.at[ip, 1], C)
        pltpu.async_copy(rows_v.at[p], out_acc.at[idx_v.at[ip, 1]], rsem,
                         add=True)

        return carry

    lax.fori_loop(0, NCHUNK, _chunk, 0)

    for q in range(2):
        _drain(pout.at[0, pl.ds(0, C)], rows_v.at[q], rsem)
    rbase = ebase + NCHUNK * C
    pltpu.sync_copy(eidx.at[:, pl.ds(rbase, CR)], idxr)
    pltpu.async_copy(zxhbm.at[idxr.at[0]], rows_v.at[0, pl.ds(0, CR)], gsem)
    _drain(pout.at[0, pl.ds(0, CR)], rows_v.at[0, pl.ds(0, CR)], gsem)
    _compute_and_scale(rows_v.at[0, pl.ds(0, CR)], idxr.at[1], CR)
    pltpu.sync_copy(rows_v.at[0, pl.ds(0, CR)], out_acc.at[idxr.at[1]],
                    add=True)

    plsc.subcore_barrier()
    for kk in range(RPT // 128):
        r0 = RPT * s + 128 * kk
        pltpu.sync_copy(out_acc.at[pl.ds(r0, 128)], pout.at[c, pl.ds(r0, 128)])


_edge_kernel = functools.partial(
    pl.kernel,
    out_type=jax.ShapeDtypeStruct((NCORE, NP, DE), jnp.float32),
    mesh=plsc.VectorSubcoreMesh(core_axis_name="c", subcore_axis_name="s"),
    compiler_params=pltpu.CompilerParams(
        needs_layout_passes=False, use_tc_tiling_on_sc=False),
    scratch_types=[
        pltpu.VMEM_SHARED((NP, DE), jnp.float32),
        pltpu.VMEM((N,), jnp.float32),
        pltpu.VMEM((IRING, 2, C), jnp.int32),
        pltpu.VMEM((2, CR), jnp.int32),
        pltpu.SemaphoreType.DMA,
        pltpu.SemaphoreType.DMA,
        pltpu.SemaphoreType.DMA,
        pltpu.VMEM((RING, C, DE), jnp.float32),
    ],
)(_edge_body)


def _combine_body(pout_ref, o_ref):
    p = pout_ref[...]
    den = p[0, :, D:D + 1] + p[1, :, D:D + 1]
    safe = jnp.where(den == 0.0, 1.0, den)
    o_ref[...] = (p[0, :, 0:D] + p[1, :, 0:D]) / safe


def _combine(pout):
    blkr = 1000
    return pl.pallas_call(
        _combine_body,
        grid=(N // blkr,),
        in_specs=[pl.BlockSpec((NCORE, blkr, DE), lambda i: (0, i, 0))],
        out_specs=pl.BlockSpec((blkr, D), lambda i: (i, 0)),
        out_shape=jax.ShapeDtypeStruct((N, D), jnp.float32),
    )(pout)


def kernel(h, edge_index, W, A):
    zx, sdst = _stage1(h, W, A)
    pout = _edge_kernel(zx, sdst, edge_index)
    return _combine(pout)

# --- scband reference (transcript-rebuilt; emitter-appended) ---
"""Pipeline reference for scband-gat-16037407884011 (READ-ONLY COPY).

The authoritative reference and input builder live on the scoring server;
editing this copy changes nothing except your own understanding.
"""

import jax, jax.numpy as jnp
import numpy as np

N = 10000
E = 320000
IN_DIM = 128
OUT_DIM = 128

def setup_inputs(seed: int = 0) -> dict:
    key = jax.random.key(seed)
    k1, k2, k3, k4 = jax.random.split(key, 4)
    h = jax.random.normal(k1, (N, IN_DIM), dtype=jnp.float32)
    edge_index = jax.random.randint(k2, (2, E), 0, N, dtype=jnp.int32)
    # learned params sized per init_kwargs (in_dim=128, out_dim=128)
    W = jax.random.normal(k3, (OUT_DIM, IN_DIM), dtype=jnp.float32) * 0.05   # fc weight
    A = jax.random.normal(k4, (1, 2 * OUT_DIM), dtype=jnp.float32) * 0.05    # attn_fc weight
    return {"h": h, "edge_index": edge_index, "W": W, "A": A}

def reference(h, edge_index, W, A):
    src = edge_index[0]
    dst = edge_index[1]
    # z = self.fc(h)
    z = h @ W.T                                             # [N, OUT]
    # edge_attention: cat([z_src, z_dst]) -> attn_fc -> leaky_relu
    z2 = jnp.concatenate([z[src], z[dst]], axis=1)          # [E, 2*OUT] (gather)
    e = jax.nn.leaky_relu(z2 @ A.T, negative_slope=0.01)    # [E, 1]
    e = e[:, 0]
    # reduce_func: softmax over incoming edges per dst node, weighted sum of z_src
    m = jax.ops.segment_max(e, dst, num_segments=N)
    m = jnp.where(jnp.isneginf(m), 0.0, m)
    ex = jnp.exp(e - m[dst])
    denom = jax.ops.segment_sum(ex, dst, num_segments=N)
    denom_safe = jnp.where(denom == 0.0, 1.0, denom)
    alpha = ex / denom_safe[dst]
    out = jax.ops.segment_sum(alpha[:, None] * z[src], dst, num_segments=N)  # [N, OUT] scatter-add
    return out

if __name__ == "__main__":
    import jax
    _d = setup_inputs()
    print(jax.jit(kernel)(*tuple(_d.values())))

</pallas_src>

<mosaic_0001>
#map = affine_map<(d0, d1) -> (0, 0)>
#map1 = affine_map<(d0, d1) -> (0)>
#map2 = affine_map<(d0, d1) -> (0, 0, 0)>
module attributes {stable_mosaic.version = 14 : i64} {
  func.func @_edge_body(%arg0: i32, %arg1: i32, %arg2: memref<10000x144xf32, #tpu.memory_space<hbm>>, %arg3: memref<10000xf32, #tpu.memory_space<hbm>>, %arg4: memref<2x320000xi32, #tpu.memory_space<hbm>>, %arg5: memref<2x10240x144xf32, #tpu.memory_space<hbm>>, %arg6: memref<10240x144xf32, #tpu.memory_space<vmem_shared>>, %arg7: memref<10000xf32, #tpu.memory_space<vmem>>, %arg8: memref<6x2x48xi32, #tpu.memory_space<vmem>>, %arg9: memref<2x16xi32, #tpu.memory_space<vmem>>, %arg10: memref<!tpu.dma_semaphore, #tpu.memory_space<semaphore_mem>>, %arg11: memref<!tpu.dma_semaphore, #tpu.memory_space<semaphore_mem>>, %arg12: memref<!tpu.dma_semaphore, #tpu.memory_space<semaphore_mem>>, %arg13: memref<4x48x144xf32, #tpu.memory_space<vmem>>) attributes {dimension_semantics = [#tpu.dimension_semantics<core_parallel>, #tpu.dimension_semantics<subcore_parallel>], iteration_bounds = array<i64: 2, 16>, scalar_prefetch = 0 : i64, scratch_operands = 8 : i64, tpu.core_type = #tpu.core_type<sc_vector_subcore>, window_params = [{transform_indices = #map}, {transform_indices = #map1}, {transform_indices = #map}, {transform_indices = #map2}]} {
    %mul3A = arith.constant 16 : i32
    %mul3A_0 = arith.muli %arg0, %mul3A : i32
    %add3A = arith.addi %mul3A_0, %arg1 : i32
    %broadcast_in_dim3A = arith.constant 0.000000e+00 : f32
    %broadcast_in_dim3A_1 = vector.broadcast %broadcast_in_dim3A : f32 to vector<16xf32>
    %iota3A = tpu.iota {dimensions = array<i32: 0>} : vector<16xi32>
    %broadcast_in_dim3A_2 = arith.constant 128 : i32
    %broadcast_in_dim3A_3 = vector.broadcast %broadcast_in_dim3A_2 : i32 to vector<16xi32>
    %scan3A = arith.constant 0 : i32
    %scan3A_4 = arith.constant 0 : i32
    %scan3A_5 = arith.constant 48 : i32
    %scan3A_6 = arith.addi %scan3A_4, %scan3A_5 : i32
    %scan3A_7 = arith.constant 1 : i32
    scf.for %scan3A_289 = %scan3A_4 to %scan3A_6 step %scan3A_7  : i32 {
      %swap3A = arith.constant 0 : i32
      %swap3A_290 = arith.index_cast %swap3A : i32 to index
      %swap3A_291 = arith.index_cast %scan3A_289 : i32 to index
      %swap3A_292 = arith.constant 0 : index
      %swap3A_293 = tpu.vector_load %arg13[%swap3A_290, %swap3A_291, %swap3A_292] {strides = array<i32>} : memref<4x48x144xf32, #tpu.memory_space<vmem>>, vector<16xf32>,
      tpu.vector_store %arg13[%swap3A_290, %swap3A_291, %swap3A_292], %broadcast_in_dim3A_1 {strides = array<i32>} : memref<4x48x144xf32, #tpu.memory_space<vmem>>, vector<16xf32>,
      %swap3A_294 = arith.constant 0 : i32
      %swap3A_295 = arith.index_cast %swap3A_294 : i32 to index
      %swap3A_296 = arith.index_cast %scan3A_289 : i32 to index
      %swap3A_297 = arith.constant 16 : index
      %swap3A_298 = tpu.vector_load %arg13[%swap3A_295, %swap3A_296, %swap3A_297] {strides = array<i32>} : memref<4x48x144xf32, #tpu.memory_space<vmem>>, vector<16xf32>,
      tpu.vector_store %arg13[%swap3A_295, %swap3A_296, %swap3A_297], %broadcast_in_dim3A_1 {strides = array<i32>} : memref<4x48x144xf32, #tpu.memory_space<vmem>>, vector<16xf32>,
      %swap3A_299 = arith.constant 0 : i32
      %swap3A_300 = arith.index_cast %swap3A_299 : i32 to index
      %swap3A_301 = arith.index_cast %scan3A_289 : i32 to index
      %swap3A_302 = arith.constant 32 : index
      %swap3A_303 = tpu.vector_load %arg13[%swap3A_300, %swap3A_301, %swap3A_302] {strides = array<i32>} : memref<4x48x144xf32, #tpu.memory_space<vmem>>, vector<16xf32>,
      tpu.vector_store %arg13[%swap3A_300, %swap3A_301, %swap3A_302], %broadcast_in_dim3A_1 {strides = array<i32>} : memref<4x48x144xf32, #tpu.memory_space<vmem>>, vector<16xf32>,
      %swap3A_304 = arith.constant 0 : i32
      %swap3A_305 = arith.index_cast %swap3A_304 : i32 to index
      %swap3A_306 = arith.index_cast %scan3A_289 : i32 to index
      %swap3A_307 = arith.constant 48 : index
      %swap3A_308 = tpu.vector_load %arg13[%swap3A_305, %swap3A_306, %swap3A_307] {strides = array<i32>} : memref<4x48x144xf32, #tpu.memory_space<vmem>>, vector<16xf32>,
      tpu.vector_store %arg13[%swap3A_305, %swap3A_306, %swap3A_307], %broadcast_in_dim3A_1 {strides = array<i32>} : memref<4x48x144xf32, #tpu.memory_space<vmem>>, vector<16xf32>,
      %swap3A_309 = arith.constant 0 : i32
      %swap3A_310 = arith.index_cast %swap3A_309 : i32 to index
      %swap3A_311 = arith.index_cast %scan3A_289 : i32 to index
      %swap3A_312 = arith.constant 64 : index
      %swap3A_313 = tpu.vector_load %arg13[%swap3A_310, %swap3A_311, %swap3A_312] {strides = array<i32>} : memref<4x48x144xf32, #tpu.memory_space<vmem>>, vector<16xf32>,
      tpu.vector_store %arg13[%swap3A_310, %swap3A_311, %swap3A_312], %broadcast_in_dim3A_1 {strides = array<i32>} : memref<4x48x144xf32, #tpu.memory_space<vmem>>, vector<16xf32>,
      %swap3A_314 = arith.constant 0 : i32
      %swap3A_315 = arith.index_cast %swap3A_314 : i32 to index
      %swap3A_316 = arith.index_cast %scan3A_289 : i32 to index
      %swap3A_317 = arith.constant 80 : index
      %swap3A_318 = tpu.vector_load %arg13[%swap3A_315, %swap3A_316, %swap3A_317] {strides = array<i32>} : memref<4x48x144xf32, #tpu.memory_space<vmem>>, vector<16xf32>,
      tpu.vector_store %arg13[%swap3A_315, %swap3A_316, %swap3A_317], %broadcast_in_dim3A_1 {strides = array<i32>} : memref<4x48x144xf32, #tpu.memory_space<vmem>>, vector<16xf32>,
      %swap3A_319 = arith.constant 0 : i32
      %swap3A_320 = arith.index_cast %swap3A_319 : i32 to index
      %swap3A_321 = arith.index_cast %scan3A_289 : i32 to index
      %swap3A_322 = arith.constant 96 : index
      %swap3A_323 = tpu.vector_load %arg13[%swap3A_320, %swap3A_321, %swap3A_322] {strides = array<i32>} : memref<4x48x144xf32, #tpu.memory_space<vmem>>, vector<16xf32>,
      tpu.vector_store %arg13[%swap3A_320, %swap3A_321, %swap3A_322], %broadcast_in_dim3A_1 {strides = array<i32>} : memref<4x48x144xf32, #tpu.memory_space<vmem>>, vector<16xf32>,
      %swap3A_324 = arith.constant 0 : i32
      %swap3A_325 = arith.index_cast %swap3A_324 : i32 to index
      %swap3A_326 = arith.index_cast %scan3A_289 : i32 to index
      %swap3A_327 = arith.constant 112 : index
      %swap3A_328 = tpu.vector_load %arg13[%swap3A_325, %swap3A_326, %swap3A_327] {strides = array<i32>} : memref<4x48x144xf32, #tpu.memory_space<vmem>>, vector<16xf32>,
      tpu.vector_store %arg13[%swap3A_325, %swap3A_326, %swap3A_327], %broadcast_in_dim3A_1 {strides = array<i32>} : memref<4x48x144xf32, #tpu.memory_space<vmem>>, vector<16xf32>,
      %swap3A_329 = arith.constant 0 : i32
      %swap3A_330 = arith.index_cast %swap3A_329 : i32 to index
      %swap3A_331 = arith.index_cast %scan3A_289 : i32 to index
      %swap3A_332 = arith.constant 128 : index
      %swap3A_333 = tpu.vector_load %arg13[%swap3A_330, %swap3A_331, %swap3A_332] {strides = array<i32>} : memref<4x48x144xf32, #tpu.memory_space<vmem>>, vector<16xf32>,
      tpu.vector_store %arg13[%swap3A_330, %swap3A_331, %swap3A_332], %broadcast_in_dim3A_1 {strides = array<i32>} : memref<4x48x144xf32, #tpu.memory_space<vmem>>, vector<16xf32>,
    }
    %scan3A_8 = arith.constant 48 : i32
    %mul3A_9 = arith.constant 640 : i32
    %mul3A_10 = arith.muli %mul3A_9, %arg1 : i32
    %add3A_11 = arith.constant 0 : i32
    %add3A_12 = arith.addi %mul3A_10, %add3A_11 : i32
    %run_scoped3A = arith.constant 0 : i32
    "tpu.region"() ({
      %run_scoped3A_289 = tpu.sem_alloc : memref<!tpu.dma_semaphore, #tpu.memory_space<semaphore_mem>>
      %dma_start3A_290 = arith.constant 0 : i32
      %dma_start3A_291 = arith.constant 0 : i32
      %dma_start3A_292 = tpu.memref_slice %arg13[%run_scoped3A, %dma_start3A_290, %dma_start3A_291] : memref<4x48x144xf32, #tpu.memory_space<vmem>> -> memref<1x40x144xf32, #tpu.memory_space<vmem>>
      %dma_start3A_293 = tpu.memref_squeeze %dma_start3A_292 : memref<1x40x144xf32, #tpu.memory_space<vmem>> -> memref<40x144xf32, #tpu.memory_space<vmem>>
      %dma_start3A_294 = arith.constant 0 : i32
      %dma_start3A_295 = tpu.memref_slice %arg6[%add3A_12, %dma_start3A_294] : memref<10240x144xf32, #tpu.memory_space<vmem_shared>> -> memref<40x144xf32, #tpu.memory_space<vmem_shared>>
      %dma_start3A_296 = arith.constant 0 : i32
      %dma_start3A_297 = tpu.memref_slice %arg6[%add3A_12, %dma_start3A_296] : memref<10240x144xf32, #tpu.memory_space<vmem_shared>> -> memref<40x144xf32, #tpu.memory_space<vmem_shared>>
      %dma_start3A_298 = arith.constant 0 : i32
      %dma_start3A_299 = arith.constant 0 : i32
      %dma_start3A_300 = tpu.memref_slice %arg13[%run_scoped3A, %dma_start3A_298, %dma_start3A_299] : memref<4x48x144xf32, #tpu.memory_space<vmem>> -> memref<1x40x144xf32, #tpu.memory_space<vmem>>
      %dma_start3A_301 = tpu.memref_squeeze %dma_start3A_300 : memref<1x40x144xf32, #tpu.memory_space<vmem>> -> memref<40x144xf32, #tpu.memory_space<vmem>>
      tpu.enqueue_dma source(%dma_start3A_301 : memref<40x144xf32, #tpu.memory_space<vmem>>) target(%dma_start3A_297 : memref<40x144xf32, #tpu.memory_space<vmem_shared>>) target_semaphore(%run_scoped3A_289 : memref<!tpu.dma_semaphore, #tpu.memory_space<semaphore_mem>>)
      %dma_wait3A_302 = arith.constant 0 : i32
      %dma_wait3A_303 = arith.constant 0 : i32
      %dma_wait3A_304 = tpu.memref_slice %arg13[%run_scoped3A, %dma_wait3A_302, %dma_wait3A_303] : memref<4x48x144xf32, #tpu.memory_space<vmem>> -> memref<1x40x144xf32, #tpu.memory_space<vmem>>
      %dma_wait3A_305 = tpu.memref_squeeze %dma_wait3A_304 : memref<1x40x144xf32, #tpu.memory_space<vmem>> -> memref<40x144xf32, #tpu.memory_space<vmem>>
      %dma_wait3A_306 = arith.constant 0 : i32
      %dma_wait3A_307 = tpu.memref_slice %arg6[%add3A_12, %dma_wait3A_306] : memref<10240x144xf32, #tpu.memory_space<vmem_shared>> -> memref<40x144xf32, #tpu.memory_space<vmem_shared>>
      %dma_wait3A_308 = arith.constant 0 : i32
      %dma_wait3A_309 = tpu.memref_slice %arg6[%add3A_12, %dma_wait3A_308] : memref<10240x144xf32, #tpu.memory_space<vmem_shared>> -> memref<40x144xf32, #tpu.memory_space<vmem_shared>>
      %dma_wait3A_310 = arith.constant 0 : i32
      %dma_wait3A_311 = arith.constant 0 : i32
      %dma_wait3A_312 = tpu.memref_slice %arg13[%run_scoped3A, %dma_wait3A_310, %dma_wait3A_311] : memref<4x48x144xf32, #tpu.memory_space<vmem>> -> memref<1x40x144xf32, #tpu.memory_space<vmem>>
      %dma_wait3A_313 = tpu.memref_squeeze %dma_wait3A_312 : memref<1x40x144xf32, #tpu.memory_space<vmem>> -> memref<40x144xf32, #tpu.memory_space<vmem>>
      tpu.wait_dma2 semaphore(%run_scoped3A_289 : memref<!tpu.dma_semaphore, #tpu.memory_space<semaphore_mem>>) src(%dma_wait3A_313 : memref<40x144xf32, #tpu.memory_space<vmem>>) dst(%dma_wait3A_309 : memref<40x144xf32, #tpu.memory_space<vmem_shared>>)
      tpu.yield
    }) : () -> ()
    %mul3A_13 = arith.constant 640 : i32
    %mul3A_14 = arith.muli %mul3A_13, %arg1 : i32
    %add3A_15 = arith.constant 40 : i32
    %add3A_16 = arith.addi %mul3A_14, %add3A_15 : i32
    %run_scoped3A_17 = arith.constant 0 : i32
    "tpu.region"() ({
      %run_scoped3A_289 = tpu.sem_alloc : memref<!tpu.dma_semaphore, #tpu.memory_space<semaphore_mem>>
      %dma_start3A_290 = arith.constant 0 : i32
      %dma_start3A_291 = arith.constant 0 : i32
      %dma_start3A_292 = tpu.memref_slice %arg13[%run_scoped3A_17, %dma_start3A_290, %dma_start3A_291] : memref<4x48x144xf32, #tpu.memory_space<vmem>> -> memref<1x40x144xf32, #tpu.memory_space<vmem>>
      %dma_start3A_293 = tpu.memref_squeeze %dma_start3A_292 : memref<1x40x144xf32, #tpu.memory_space<vmem>> -> memref<40x144xf32, #tpu.memory_space<vmem>>
      %dma_start3A_294 = arith.constant 0 : i32
      %dma_start3A_295 = tpu.memref_slice %arg6[%add3A_16, %dma_start3A_294] : memref<10240x144xf32, #tpu.memory_space<vmem_shared>> -> memref<40x144xf32, #tpu.memory_space<vmem_shared>>
      %dma_start3A_296 = arith.constant 0 : i32
      %dma_start3A_297 = tpu.memref_slice %arg6[%add3A_16, %dma_start3A_296] : memref<10240x144xf32, #tpu.memory_space<vmem_shared>> -> memref<40x144xf32, #tpu.memory_space<vmem_shared>>
      %dma_start3A_298 = arith.constant 0 : i32
      %dma_start3A_299 = arith.constant 0 : i32
      %dma_start3A_300 = tpu.memref_slice %arg13[%run_scoped3A_17, %dma_start3A_298, %dma_start3A_299] : memref<4x48x144xf32, #tpu.memory_space<vmem>> -> memref<1x40x144xf32, #tpu.memory_space<vmem>>
      %dma_start3A_301 = tpu.memref_squeeze %dma_start3A_300 : memref<1x40x144xf32, #tpu.memory_space<vmem>> -> memref<40x144xf32, #tpu.memory_space<vmem>>
      tpu.enqueue_dma source(%dma_start3A_301 : memref<40x144xf32, #tpu.memory_space<vmem>>) target(%dma_start3A_297 : memref<40x144xf32, #tpu.memory_space<vmem_shared>>) target_semaphore(%run_scoped3A_289 : memref<!tpu.dma_semaphore, #tpu.memory_space<semaphore_mem>>)
      %dma_wait3A_302 = arith.constant 0 : i32
      %dma_wait3A_303 = arith.constant 0 : i32
      %dma_wait3A_304 = tpu.memref_slice %arg13[%run_scoped3A_17, %dma_wait3A_302, %dma_wait3A_303] : memref<4x48x144xf32, #tpu.memory_space<vmem>> -> memref<1x40x144xf32, #tpu.memory_space<vmem>>
      %dma_wait3A_305 = tpu.memref_squeeze %dma_wait3A_304 : memref<1x40x144xf32, #tpu.memory_space<vmem>> -> memref<40x144xf32, #tpu.memory_space<vmem>>
      %dma_wait3A_306 = arith.constant 0 : i32
      %dma_wait3A_307 = tpu.memref_slice %arg6[%add3A_16, %dma_wait3A_306] : memref<10240x144xf32, #tpu.memory_space<vmem_shared>> -> memref<40x144xf32, #tpu.memory_space<vmem_shared>>
      %dma_wait3A_308 = arith.constant 0 : i32
      %dma_wait3A_309 = tpu.memref_slice %arg6[%add3A_16, %dma_wait3A_308] : memref<10240x144xf32, #tpu.memory_space<vmem_shared>> -> memref<40x144xf32, #tpu.memory_space<vmem_shared>>
      %dma_wait3A_310 = arith.constant 0 : i32
      %dma_wait3A_311 = arith.constant 0 : i32
      %dma_wait3A_312 = tpu.memref_slice %arg13[%run_scoped3A_17, %dma_wait3A_310, %dma_wait3A_311] : memref<4x48x144xf32, #tpu.memory_space<vmem>> -> memref<1x40x144xf32, #tpu.memory_space<vmem>>
      %dma_wait3A_313 = tpu.memref_squeeze %dma_wait3A_312 : memref<1x40x144xf32, #tpu.memory_space<vmem>> -> memref<40x144xf32, #tpu.memory_space<vmem>>
      tpu.wait_dma2 semaphore(%run_scoped3A_289 : memref<!tpu.dma_semaphore, #tpu.memory_space<semaphore_mem>>) src(%dma_wait3A_313 : memref<40x144xf32, #tpu.memory_space<vmem>>) dst(%dma_wait3A_309 : memref<40x144xf32, #tpu.memory_space<vmem_shared>>)
      tpu.yield
    }) : () -> ()
    %mul3A_18 = arith.constant 640 : i32
    %mul3A_19 = arith.muli %mul3A_18, %arg1 : i32
    %add3A_20 = arith.constant 80 : i32
    %add3A_21 = arith.addi %mul3A_19, %add3A_20 : i32
    %run_scoped3A_22 = arith.constant 0 : i32
    "tpu.region"() ({
      %run_scoped3A_289 = tpu.sem_alloc : memref<!tpu.dma_semaphore, #tpu.memory_space<semaphore_mem>>
      %dma_start3A_290 = arith.constant 0 : i32
      %dma_start3A_291 = arith.constant 0 : i32
      %dma_start3A_292 = tpu.memref_slice %arg13[%run_scoped3A_22, %dma_start3A_290, %dma_start3A_291] : memref<4x48x144xf32, #tpu.memory_space<vmem>> -> memref<1x40x144xf32, #tpu.memory_space<vmem>>
      %dma_start3A_293 = tpu.memref_squeeze %dma_start3A_292 : memref<1x40x144xf32, #tpu.memory_space<vmem>> -> memref<40x144xf32, #tpu.memory_space<vmem>>
      %dma_start3A_294 = arith.constant 0 : i32
      %dma_start3A_295 = tpu.memref_slice %arg6[%add3A_21, %dma_start3A_294] : memref<10240x144xf32, #tpu.memory_space<vmem_shared>> -> memref<40x144xf32, #tpu.memory_space<vmem_shared>>
      %dma_start3A_296 = arith.constant 0 : i32
      %dma_start3A_297 = tpu.memref_slice %arg6[%add3A_21, %dma_start3A_296] : memref<10240x144xf32, #tpu.memory_space<vmem_shared>> -> memref<40x144xf32, #tpu.memory_space<vmem_shared>>
      %dma_start3A_298 = arith.constant 0 : i32
      %dma_start3A_299 = arith.constant 0 : i32
      %dma_start3A_300 = tpu.memref_slice %arg13[%run_scoped3A_22, %dma_start3A_298, %dma_start3A_299] : memref<4x48x144xf32, #tpu.memory_space<vmem>> -> memref<1x40x144xf32, #tpu.memory_space<vmem>>
      %dma_start3A_301 = tpu.memref_squeeze %dma_start3A_300 : memref<1x40x144xf32, #tpu.memory_space<vmem>> -> memref<40x144xf32, #tpu.memory_space<vmem>>
      tpu.enqueue_dma source(%dma_start3A_301 : memref<40x144xf32, #tpu.memory_space<vmem>>) target(%dma_start3A_297 : memref<40x144xf32, #tpu.memory_space<vmem_shared>>) target_semaphore(%run_scoped3A_289 : memref<!tpu.dma_semaphore, #tpu.memory_space<semaphore_mem>>)
      %dma_wait3A_302 = arith.constant 0 : i32
      %dma_wait3A_303 = arith.constant 0 : i32
      %dma_wait3A_304 = tpu.memref_slice %arg13[%run_scoped3A_22, %dma_wait3A_302, %dma_wait3A_303] : memref<4x48x144xf32, #tpu.memory_space<vmem>> -> memref<1x40x144xf32, #tpu.memory_space<vmem>>
      %dma_wait3A_305 = tpu.memref_squeeze %dma_wait3A_304 : memref<1x40x144xf32, #tpu.memory_space<vmem>> -> memref<40x144xf32, #tpu.memory_space<vmem>>
      %dma_wait3A_306 = arith.constant 0 : i32
      %dma_wait3A_307 = tpu.memref_slice %arg6[%add3A_21, %dma_wait3A_306] : memref<10240x144xf32, #tpu.memory_space<vmem_shared>> -> memref<40x144xf32, #tpu.memory_space<vmem_shared>>
      %dma_wait3A_308 = arith.constant 0 : i32
      %dma_wait3A_309 = tpu.memref_slice %arg6[%add3A_21, %dma_wait3A_308] : memref<10240x144xf32, #tpu.memory_space<vmem_shared>> -> memref<40x144xf32, #tpu.memory_space<vmem_shared>>
      %dma_wait3A_310 = arith.constant 0 : i32
      %dma_wait3A_311 = arith.constant 0 : i32
      %dma_wait3A_312 = tpu.memref_slice %arg13[%run_scoped3A_22, %dma_wait3A_310, %dma_wait3A_311] : memref<4x48x144xf32, #tpu.memory_space<vmem>> -> memref<1x40x144xf32, #tpu.memory_space<vmem>>
      %dma_wait3A_313 = tpu.memref_squeeze %dma_wait3A_312 : memref<1x40x144xf32, #tpu.memory_space<vmem>> -> memref<40x144xf32, #tpu.memory_space<vmem>>
      tpu.wait_dma2 semaphore(%run_scoped3A_289 : memref<!tpu.dma_semaphore, #tpu.memory_space<semaphore_mem>>) src(%dma_wait3A_313 : memref<40x144xf32, #tpu.memory_space<vmem>>) dst(%dma_wait3A_309 : memref<40x144xf32, #tpu.memory_space<vmem_shared>>)
      tpu.yield
    }) : () -> ()
    %mul3A_23 = arith.constant 640 : i32
    %mul3A_24 = arith.muli %mul3A_23, %arg1 : i32
    %add3A_25 = arith.constant 120 : i32
    %add3A_26 = arith.addi %mul3A_24, %add3A_25 : i32
    %run_scoped3A_27 = arith.constant 0 : i32
    "tpu.region"() ({
      %run_scoped3A_289 = tpu.sem_alloc : memref<!tpu.dma_semaphore, #tpu.memory_space<semaphore_mem>>
      %dma_start3A_290 = arith.constant 0 : i32
      %dma_start3A_291 = arith.constant 0 : i32
      %dma_start3A_292 = tpu.memref_slice %arg13[%run_scoped3A_27, %dma_start3A_290, %dma_start3A_291] : memref<4x48x144xf32, #tpu.memory_space<vmem>> -> memref<1x40x144xf32, #tpu.memory_space<vmem>>
      %dma_start3A_293 = tpu.memref_squeeze %dma_start3A_292 : memref<1x40x144xf32, #tpu.memory_space<vmem>> -> memref<40x144xf32, #tpu.memory_space<vmem>>
      %dma_start3A_294 = arith.constant 0 : i32
      %dma_start3A_295 = tpu.memref_slice %arg6[%add3A_26, %dma_start3A_294] : memref<10240x144xf32, #tpu.memory_space<vmem_shared>> -> memref<40x144xf32, #tpu.memory_space<vmem_shared>>
      %dma_start3A_296 = arith.constant 0 : i32
      %dma_start3A_297 = tpu.memref_slice %arg6[%add3A_26, %dma_start3A_296] : memref<10240x144xf32, #tpu.memory_space<vmem_shared>> -> memref<40x144xf32, #tpu.memory_space<vmem_shared>>
      %dma_start3A_298 = arith.constant 0 : i32
      %dma_start3A_299 = arith.constant 0 : i32
      %dma_start3A_300 = tpu.memref_slice %arg13[%run_scoped3A_27, %dma_start3A_298, %dma_start3A_299] : memref<4x48x144xf32, #tpu.memory_space<vmem>> -> memref<1x40x144xf32, #tpu.memory_space<vmem>>
      %dma_start3A_301 = tpu.memref_squeeze %dma_start3A_300 : memref<1x40x144xf32, #tpu.memory_space<vmem>> -> memref<40x144xf32, #tpu.memory_space<vmem>>
      tpu.enqueue_dma source(%dma_start3A_301 : memref<40x144xf32, #tpu.memory_space<vmem>>) target(%dma_start3A_297 : memref<40x144xf32, #tpu.memory_space<vmem_shared>>) target_semaphore(%run_scoped3A_289 : memref<!tpu.dma_semaphore, #tpu.memory_space<semaphore_mem>>)
      %dma_wait3A_302 = arith.constant 0 : i32
      %dma_wait3A_303 = arith.constant 0 : i32
      %dma_wait3A_304 = tpu.memref_slice %arg13[%run_scoped3A_27, %dma_wait3A_302, %dma_wait3A_303] : memref<4x48x144xf32, #tpu.memory_space<vmem>> -> memref<1x40x144xf32, #tpu.memory_space<vmem>>
      %dma_wait3A_305 = tpu.memref_squeeze %dma_wait3A_304 : memref<1x40x144xf32, #tpu.memory_space<vmem>> -> memref<40x144xf32, #tpu.memory_space<vmem>>
      %dma_wait3A_306 = arith.constant 0 : i32
      %dma_wait3A_307 = tpu.memref_slice %arg6[%add3A_26, %dma_wait3A_306] : memref<10240x144xf32, #tpu.memory_space<vmem_shared>> -> memref<40x144xf32, #tpu.memory_space<vmem_shared>>
      %dma_wait3A_308 = arith.constant 0 : i32
      %dma_wait3A_309 = tpu.memref_slice %arg6[%add3A_26, %dma_wait3A_308] : memref<10240x144xf32, #tpu.memory_space<vmem_shared>> -> memref<40x144xf32, #tpu.memory_space<vmem_shared>>
      %dma_wait3A_310 = arith.constant 0 : i32
      %dma_wait3A_311 = arith.constant 0 : i32
      %dma_wait3A_312 = tpu.memref_slice %arg13[%run_scoped3A_27, %dma_wait3A_310, %dma_wait3A_311] : memref<4x48x144xf32, #tpu.memory_space<vmem>> -> memref<1x40x144xf32, #tpu.memory_space<vmem>>
      %dma_wait3A_313 = tpu.memref_squeeze %dma_wait3A_312 : memref<1x40x144xf32, #tpu.memory_space<vmem>> -> memref<40x144xf32, #tpu.memory_space<vmem>>
      tpu.wait_dma2 semaphore(%run_scoped3A_289 : memref<!tpu.dma_semaphore, #tpu.memory_space<semaphore_mem>>) src(%dma_wait3A_313 : memref<40x144xf32, #tpu.memory_space<vmem>>) dst(%dma_wait3A_309 : memref<40x144xf32, #tpu.memory_space<vmem_shared>>)
      tpu.yield
    }) : () -> ()
    %mul3A_28 = arith.constant 640 : i32
    %mul3A_29 = arith.muli %mul3A_28, %arg1 : i32
    %add3A_30 = arith.constant 160 : i32
    %add3A_31 = arith.addi %mul3A_29, %add3A_30 : i32
    %run_scoped3A_32 = arith.constant 0 : i32
    "tpu.region"() ({
      %run_scoped3A_289 = tpu.sem_alloc : memref<!tpu.dma_semaphore, #tpu.memory_space<semaphore_mem>>
      %dma_start3A_290 = arith.constant 0 : i32
      %dma_start3A_291 = arith.constant 0 : i32
      %dma_start3A_292 = tpu.memref_slice %arg13[%run_scoped3A_32, %dma_start3A_290, %dma_start3A_291] : memref<4x48x144xf32, #tpu.memory_space<vmem>> -> memref<1x40x144xf32, #tpu.memory_space<vmem>>
      %dma_start3A_293 = tpu.memref_squeeze %dma_start3A_292 : memref<1x40x144xf32, #tpu.memory_space<vmem>> -> memref<40x144xf32, #tpu.memory_space<vmem>>
      %dma_start3A_294 = arith.constant 0 : i32
      %dma_start3A_295 = tpu.memref_slice %arg6[%add3A_31, %dma_start3A_294] : memref<10240x144xf32, #tpu.memory_space<vmem_shared>> -> memref<40x144xf32, #tpu.memory_space<vmem_shared>>
      %dma_start3A_296 = arith.constant 0 : i32
      %dma_start3A_297 = tpu.memref_slice %arg6[%add3A_31, %dma_start3A_296] : memref<10240x144xf32, #tpu.memory_space<vmem_shared>> -> memref<40x144xf32, #tpu.memory_space<vmem_shared>>
      %dma_start3A_298 = arith.constant 0 : i32
      %dma_start3A_299 = arith.constant 0 : i32
      %dma_start3A_300 = tpu.memref_slice %arg13[%run_scoped3A_32, %dma_start3A_298, %dma_start3A_299] : memref<4x48x144xf32, #tpu.memory_space<vmem>> -> memref<1x40x144xf32, #tpu.memory_space<vmem>>
      %dma_start3A_301 = tpu.memref_squeeze %dma_start3A_300 : memref<1x40x144xf32, #tpu.memory_space<vmem>> -> memref<40x144xf32, #tpu.memory_space<vmem>>
      tpu.enqueue_dma source(%dma_start3A_301 : memref<40x144xf32, #tpu.memory_space<vmem>>) target(%dma_start3A_297 : memref<40x144xf32, #tpu.memory_space<vmem_shared>>) target_semaphore(%run_scoped3A_289 : memref<!tpu.dma_semaphore, #tpu.memory_space<semaphore_mem>>)
      %dma_wait3A_302 = arith.constant 0 : i32
      %dma_wait3A_303 = arith.constant 0 : i32
      %dma_wait3A_304 = tpu.memref_slice %arg13[%run_scoped3A_32, %dma_wait3A_302, %dma_wait3A_303] : memref<4x48x144xf32, #tpu.memory_space<vmem>> -> memref<1x40x144xf32, #tpu.memory_space<vmem>>
      %dma_wait3A_305 = tpu.memref_squeeze %dma_wait3A_304 : memref<1x40x144xf32, #tpu.memory_space<vmem>> -> memref<40x144xf32, #tpu.memory_space<vmem>>
      %dma_wait3A_306 = arith.constant 0 : i32
      %dma_wait3A_307 = tpu.memref_slice %arg6[%add3A_31, %dma_wait3A_306] : memref<10240x144xf32, #tpu.memory_space<vmem_shared>> -> memref<40x144xf32, #tpu.memory_space<vmem_shared>>
      %dma_wait3A_308 = arith.constant 0 : i32
      %dma_wait3A_309 = tpu.memref_slice %arg6[%add3A_31, %dma_wait3A_308] : memref<10240x144xf32, #tpu.memory_space<vmem_shared>> -> memref<40x144xf32, #tpu.memory_space<vmem_shared>>
      %dma_wait3A_310 = arith.constant 0 : i32
      %dma_wait3A_311 = arith.constant 0 : i32
      %dma_wait3A_312 = tpu.memref_slice %arg13[%run_scoped3A_32, %dma_wait3A_310, %dma_wait3A_311] : memref<4x48x144xf32, #tpu.memory_space<vmem>> -> memref<1x40x144xf32, #tpu.memory_space<vmem>>
      %dma_wait3A_313 = tpu.memref_squeeze %dma_wait3A_312 : memref<1x40x144xf32, #tpu.memory_space<vmem>> -> memref<40x144xf32, #tpu.memory_space<vmem>>
      tpu.wait_dma2 semaphore(%run_scoped3A_289 : memref<!tpu.dma_semaphore, #tpu.memory_space<semaphore_mem>>) src(%dma_wait3A_313 : memref<40x144xf32, #tpu.memory_space<vmem>>) dst(%dma_wait3A_309 : memref<40x144xf32, #tpu.memory_space<vmem_shared>>)
      tpu.yield
    }) : () -> ()
    %mul3A_33 = arith.constant 640 : i32
    %mul3A_34 = arith.muli %mul3A_33, %arg1 : i32
    %add3A_35 = arith.constant 200 : i32
    %add3A_36 = arith.addi %mul3A_34, %add3A_35 : i32
    %run_scoped3A_37 = arith.constant 0 : i32
    "tpu.region"() ({
      %run_scoped3A_289 = tpu.sem_alloc : memref<!tpu.dma_semaphore, #tpu.memory_space<semaphore_mem>>
      %dma_start3A_290 = arith.constant 0 : i32
      %dma_start3A_291 = arith.constant 0 : i32
      %dma_start3A_292 = tpu.memref_slice %arg13[%run_scoped3A_37, %dma_start3A_290, %dma_start3A_291] : memref<4x48x144xf32, #tpu.memory_space<vmem>> -> memref<1x40x144xf32, #tpu.memory_space<vmem>>
      %dma_start3A_293 = tpu.memref_squeeze %dma_start3A_292 : memref<1x40x144xf32, #tpu.memory_space<vmem>> -> memref<40x144xf32, #tpu.memory_space<vmem>>
      %dma_start3A_294 = arith.constant 0 : i32
      %dma_start3A_295 = tpu.memref_slice %arg6[%add3A_36, %dma_start3A_294] : memref<10240x144xf32, #tpu.memory_space<vmem_shared>> -> memref<40x144xf32, #tpu.memory_space<vmem_shared>>
      %dma_start3A_296 = arith.constant 0 : i32
      %dma_start3A_297 = tpu.memref_slice %arg6[%add3A_36, %dma_start3A_296] : memref<10240x144xf32, #tpu.memory_space<vmem_shared>> -> memref<40x144xf32, #tpu.memory_space<vmem_shared>>
      %dma_start3A_298 = arith.constant 0 : i32
      %dma_start3A_299 = arith.constant 0 : i32
      %dma_start3A_300 = tpu.memref_slice %arg13[%run_scoped3A_37, %dma_start3A_298, %dma_start3A_299] : memref<4x48x144xf32, #tpu.memory_space<vmem>> -> memref<1x40x144xf32, #tpu.memory_space<vmem>>
      %dma_start3A_301 = tpu.memref_squeeze %dma_start3A_300 : memref<1x40x144xf32, #tpu.memory_space<vmem>> -> memref<40x144xf32, #tpu.memory_space<vmem>>
      tpu.enqueue_dma source(%dma_start3A_301 : memref<40x144xf32, #tpu.memory_space<vmem>>) target(%dma_start3A_297 : memref<40x144xf32, #tpu.memory_space<vmem_shared>>) target_semaphore(%run_scoped3A_289 : memref<!tpu.dma_semaphore, #tpu.memory_space<semaphore_mem>>)
      %dma_wait3A_302 = arith.constant 0 : i32
      %dma_wait3A_303 = arith.constant 0 : i32
      %dma_wait3A_304 = tpu.memref_slice %arg13[%run_scoped3A_37, %dma_wait3A_302, %dma_wait3A_303] : memref<4x48x144xf32, #tpu.memory_space<vmem>> -> memref<1x40x144xf32, #tpu.memory_space<vmem>>
      %dma_wait3A_305 = tpu.memref_squeeze %dma_wait3A_304 : memref<1x40x144xf32, #tpu.memory_space<vmem>> -> memref<40x144xf32, #tpu.memory_space<vmem>>
      %dma_wait3A_306 = arith.constant 0 : i32
      %dma_wait3A_307 = tpu.memref_slice %arg6[%add3A_36, %dma_wait3A_306] : memref<10240x144xf32, #tpu.memory_space<vmem_shared>> -> memref<40x144xf32, #tpu.memory_space<vmem_shared>>
      %dma_wait3A_308 = arith.constant 0 : i32
      %dma_wait3A_309 = tpu.memref_slice %arg6[%add3A_36, %dma_wait3A_308] : memref<10240x144xf32, #tpu.memory_space<vmem_shared>> -> memref<40x144xf32, #tpu.memory_space<vmem_shared>>
      %dma_wait3A_310 = arith.constant 0 : i32
      %dma_wait3A_311 = arith.constant 0 : i32
      %dma_wait3A_312 = tpu.memref_slice %arg13[%run_scoped3A_37, %dma_wait3A_310, %dma_wait3A_311] : memref<4x48x144xf32, #tpu.memory_space<vmem>> -> memref<1x40x144xf32, #tpu.memory_space<vmem>>
      %dma_wait3A_313 = tpu.memref_squeeze %dma_wait3A_312 : memref<1x40x144xf32, #tpu.memory_space<vmem>> -> memref<40x144xf32, #tpu.memory_space<vmem>>
      tpu.wait_dma2 semaphore(%run_scoped3A_289 : memref<!tpu.dma_semaphore, #tpu.memory_space<semaphore_mem>>) src(%dma_wait3A_313 : memref<40x144xf32, #tpu.memory_space<vmem>>) dst(%dma_wait3A_309 : memref<40x144xf32, #tpu.memory_space<vmem_shared>>)
      tpu.yield
    }) : () -> ()
    %mul3A_38 = arith.constant 640 : i32
    %mul3A_39 = arith.muli %mul3A_38, %arg1 : i32
    %add3A_40 = arith.constant 240 : i32
    %add3A_41 = arith.addi %mul3A_39, %add3A_40 : i32
    %run_scoped3A_42 = arith.constant 0 : i32
    "tpu.region"() ({
      %run_scoped3A_289 = tpu.sem_alloc : memref<!tpu.dma_semaphore, #tpu.memory_space<semaphore_mem>>
      %dma_start3A_290 = arith.constant 0 : i32
      %dma_start3A_291 = arith.constant 0 : i32
      %dma_start3A_292 = tpu.memref_slice %arg13[%run_scoped3A_42, %dma_start3A_290, %dma_start3A_291] : memref<4x48x144xf32, #tpu.memory_space<vmem>> -> memref<1x40x144xf32, #tpu.memory_space<vmem>>
      %dma_start3A_293 = tpu.memref_squeeze %dma_start3A_292 : memref<1x40x144xf32, #tpu.memory_space<vmem>> -> memref<40x144xf32, #tpu.memory_space<vmem>>
      %dma_start3A_294 = arith.constant 0 : i32
      %dma_start3A_295 = tpu.memref_slice %arg6[%add3A_41, %dma_start3A_294] : memref<10240x144xf32, #tpu.memory_space<vmem_shared>> -> memref<40x144xf32, #tpu.memory_space<vmem_shared>>
      %dma_start3A_296 = arith.constant 0 : i32
      %dma_start3A_297 = tpu.memref_slice %arg6[%add3A_41, %dma_start3A_296] : memref<10240x144xf32, #tpu.memory_space<vmem_shared>> -> memref<40x144xf32, #tpu.memory_space<vmem_shared>>
      %dma_start3A_298 = arith.constant 0 : i32
      %dma_start3A_299 = arith.constant 0 : i32
      %dma_start3A_300 = tpu.memref_slice %arg13[%run_scoped3A_42, %dma_start3A_298, %dma_start3A_299] : memref<4x48x144xf32, #tpu.memory_space<vmem>> -> memref<1x40x144xf32, #tpu.memory_space<vmem>>
      %dma_start3A_301 = tpu.memref_squeeze %dma_start3A_300 : memref<1x40x144xf32, #tpu.memory_space<vmem>> -> memref<40x144xf32, #tpu.memory_space<vmem>>
      tpu.enqueue_dma source(%dma_start3A_301 : memref<40x144xf32, #tpu.memory_space<vmem>>) target(%dma_start3A_297 : memref<40x144xf32, #tpu.memory_space<vmem_shared>>) target_semaphore(%run_scoped3A_289 : memref<!tpu.dma_semaphore, #tpu.memory_space<semaphore_mem>>)
      %dma_wait3A_302 = arith.constant 0 : i32
      %dma_wait3A_303 = arith.constant 0 : i32
      %dma_wait3A_304 = tpu.memref_slice %arg13[%run_scoped3A_42, %dma_wait3A_302, %dma_wait3A_303] : memref<4x48x144xf32, #tpu.memory_space<vmem>> -> memref<1x40x144xf32, #tpu.memory_space<vmem>>
      %dma_wait3A_305 = tpu.memref_squeeze %dma_wait3A_304 : memref<1x40x144xf32, #tpu.memory_space<vmem>> -> memref<40x144xf32, #tpu.memory_space<vmem>>
      %dma_wait3A_306 = arith.constant 0 : i32
      %dma_wait3A_307 = tpu.memref_slice %arg6[%add3A_41, %dma_wait3A_306] : memref<10240x144xf32, #tpu.memory_space<vmem_shared>> -> memref<40x144xf32, #tpu.memory_space<vmem_shared>>
      %dma_wait3A_308 = arith.constant 0 : i32
      %dma_wait3A_309 = tpu.memref_slice %arg6[%add3A_41, %dma_wait3A_308] : memref<10240x144xf32, #tpu.memory_space<vmem_shared>> -> memref<40x144xf32, #tpu.memory_space<vmem_shared>>
      %dma_wait3A_310 = arith.constant 0 : i32
      %dma_wait3A_311 = arith.constant 0 : i32
      %dma_wait3A_312 = tpu.memref_slice %arg13[%run_scoped3A_42, %dma_wait3A_310, %dma_wait3A_311] : memref<4x48x144xf32, #tpu.memory_space<vmem>> -> memref<1x40x144xf32, #tpu.memory_space<vmem>>
      %dma_wait3A_313 = tpu.memref_squeeze %dma_wait3A_312 : memref<1x40x144xf32, #tpu.memory_space<vmem>> -> memref<40x144xf32, #tpu.memory_space<vmem>>
      tpu.wait_dma2 semaphore(%run_scoped3A_289 : memref<!tpu.dma_semaphore, #tpu.memory_space<semaphore_mem>>) src(%dma_wait3A_313 : memref<40x144xf32, #tpu.memory_space<vmem>>) dst(%dma_wait3A_309 : memref<40x144xf32, #tpu.memory_space<vmem_shared>>)
      tpu.yield
    }) : () -> ()
    %mul3A_43 = arith.constant 640 : i32
    %mul3A_44 = arith.muli %mul3A_43, %arg1 : i32
    %add3A_45 = arith.constant 280 : i32
    %add3A_46 = arith.addi %mul3A_44, %add3A_45 : i32
    %run_scoped3A_47 = arith.constant 0 : i32
    "tpu.region"() ({
      %run_scoped3A_289 = tpu.sem_alloc : memref<!tpu.dma_semaphore, #tpu.memory_space<semaphore_mem>>
      %dma_start3A_290 = arith.constant 0 : i32
      %dma_start3A_291 = arith.constant 0 : i32
      %dma_start3A_292 = tpu.memref_slice %arg13[%run_scoped3A_47, %dma_start3A_290, %dma_start3A_291] : memref<4x48x144xf32, #tpu.memory_space<vmem>> -> memref<1x40x144xf32, #tpu.memory_space<vmem>>
      %dma_start3A_293 = tpu.memref_squeeze %dma_start3A_292 : memref<1x40x144xf32, #tpu.memory_space<vmem>> -> memref<40x144xf32, #tpu.memory_space<vmem>>
      %dma_start3A_294 = arith.constant 0 : i32
      %dma_start3A_295 = tpu.memref_slice %arg6[%add3A_46, %dma_start3A_294] : memref<10240x144xf32, #tpu.memory_space<vmem_shared>> -> memref<40x144xf32, #tpu.memory_space<vmem_shared>>
      %dma_start3A_296 = arith.constant 0 : i32
      %dma_start3A_297 = tpu.memref_slice %arg6[%add3A_46, %dma_start3A_296] : memref<10240x144xf32, #tpu.memory_space<vmem_shared>> -> memref<40x144xf32, #tpu.memory_space<vmem_shared>>
      %dma_start3A_298 = arith.constant 0 : i32
      %dma_start3A_299 = arith.constant 0 : i32
      %dma_start3A_300 = tpu.memref_slice %arg13[%run_scoped3A_47, %dma_start3A_298, %dma_start3A_299] : memref<4x48x144xf32, #tpu.memory_space<vmem>> -> memref<1x40x144xf32, #tpu.memory_space<vmem>>
      %dma_start3A_301 = tpu.memref_squeeze %dma_start3A_300 : memref<1x40x144xf32, #tpu.memory_space<vmem>> -> memref<40x144xf32, #tpu.memory_space<vmem>>
      tpu.enqueue_dma source(%dma_start3A_301 : memref<40x144xf32, #tpu.memory_space<vmem>>) target(%dma_start3A_297 : memref<40x144xf32, #tpu.memory_space<vmem_shared>>) target_semaphore(%run_scoped3A_289 : memref<!tpu.dma_semaphore, #tpu.memory_space<semaphore_mem>>)
      %dma_wait3A_302 = arith.constant 0 : i32
      %dma_wait3A_303 = arith.constant 0 : i32
      %dma_wait3A_304 = tpu.memref_slice %arg13[%run_scoped3A_47, %dma_wait3A_302, %dma_wait3A_303] : memref<4x48x144xf32, #tpu.memory_space<vmem>> -> memref<1x40x144xf32, #tpu.memory_space<vmem>>
      %dma_wait3A_305 = tpu.memref_squeeze %dma_wait3A_304 : memref<1x40x144xf32, #tpu.memory_space<vmem>> -> memref<40x144xf32, #tpu.memory_space<vmem>>
      %dma_wait3A_306 = arith.constant 0 : i32
      %dma_wait3A_307 = tpu.memref_slice %arg6[%add3A_46, %dma_wait3A_306] : memref<10240x144xf32, #tpu.memory_space<vmem_shared>> -> memref<40x144xf32, #tpu.memory_space<vmem_shared>>
      %dma_wait3A_308 = arith.constant 0 : i32
      %dma_wait3A_309 = tpu.memref_slice %arg6[%add3A_46, %dma_wait3A_308] : memref<10240x144xf32, #tpu.memory_space<vmem_shared>> -> memref<40x144xf32, #tpu.memory_space<vmem_shared>>
      %dma_wait3A_310 = arith.constant 0 : i32
      %dma_wait3A_311 = arith.constant 0 : i32
      %dma_wait3A_312 = tpu.memref_slice %arg13[%run_scoped3A_47, %dma_wait3A_310, %dma_wait3A_311] : memref<4x48x144xf32, #tpu.memory_space<vmem>> -> memref<1x40x144xf32, #tpu.memory_space<vmem>>
      %dma_wait3A_313 = tpu.memref_squeeze %dma_wait3A_312 : memref<1x40x144xf32, #tpu.memory_space<vmem>> -> memref<40x144xf32, #tpu.memory_space<vmem>>
      tpu.wait_dma2 semaphore(%run_scoped3A_289 : memref<!tpu.dma_semaphore, #tpu.memory_space<semaphore_mem>>) src(%dma_wait3A_313 : memref<40x144xf32, #tpu.memory_space<vmem>>) dst(%dma_wait3A_309 : memref<40x144xf32, #tpu.memory_space<vmem_shared>>)
      tpu.yield
    }) : () -> ()
    %mul3A_48 = arith.constant 640 : i32
    %mul3A_49 = arith.muli %mul3A_48, %arg1 : i32
    %add3A_50 = arith.constant 320 : i32
    %add3A_51 = arith.addi %mul3A_49, %add3A_50 : i32
    %run_scoped3A_52 = arith.constant 0 : i32
    "tpu.region"() ({
      %run_scoped3A_289 = tpu.sem_alloc : memref<!tpu.dma_semaphore, #tpu.memory_space<semaphore_mem>>
      %dma_start3A_290 = arith.constant 0 : i32
      %dma_start3A_291 = arith.constant 0 : i32
      %dma_start3A_292 = tpu.memref_slice %arg13[%run_scoped3A_52, %dma_start3A_290, %dma_start3A_291] : memref<4x48x144xf32, #tpu.memory_space<vmem>> -> memref<1x40x144xf32, #tpu.memory_space<vmem>>
      %dma_start3A_293 = tpu.memref_squeeze %dma_start3A_292 : memref<1x40x144xf32, #tpu.memory_space<vmem>> -> memref<40x144xf32, #tpu.memory_space<vmem>>
      %dma_start3A_294 = arith.constant 0 : i32
      %dma_start3A_295 = tpu.memref_slice %arg6[%add3A_51, %dma_start3A_294] : memref<10240x144xf32, #tpu.memory_space<vmem_shared>> -> memref<40x144xf32, #tpu.memory_space<vmem_shared>>
      %dma_start3A_296 = arith.constant 0 : i32
      %dma_start3A_297 = tpu.memref_slice %arg6[%add3A_51, %dma_start3A_296] : memref<10240x144xf32, #tpu.memory_space<vmem_shared>> -> memref<40x144xf32, #tpu.memory_space<vmem_shared>>
      %dma_start3A_298 = arith.constant 0 : i32
      %dma_start3A_299 = arith.constant 0 : i32
      %dma_start3A_300 = tpu.memref_slice %arg13[%run_scoped3A_52, %dma_start3A_298, %dma_start3A_299] : memref<4x48x144xf32, #tpu.memory_space<vmem>> -> memref<1x40x144xf32, #tpu.memory_space<vmem>>
      %dma_start3A_301 = tpu.memref_squeeze %dma_start3A_300 : memref<1x40x144xf32, #tpu.memory_space<vmem>> -> memref<40x144xf32, #tpu.memory_space<vmem>>
      tpu.enqueue_dma source(%dma_start3A_301 : memref<40x144xf32, #tpu.memory_space<vmem>>) target(%dma_start3A_297 : memref<40x144xf32, #tpu.memory_space<vmem_shared>>) target_semaphore(%run_scoped3A_289 : memref<!tpu.dma_semaphore, #tpu.memory_space<semaphore_mem>>)
      %dma_wait3A_302 = arith.constant 0 : i32
      %dma_wait3A_303 = arith.constant 0 : i32
      %dma_wait3A_304 = tpu.memref_slice %arg13[%run_scoped3A_52, %dma_wait3A_302, %dma_wait3A_303] : memref<4x48x144xf32, #tpu.memory_space<vmem>> -> memref<1x40x144xf32, #tpu.memory_space<vmem>>
      %dma_wait3A_305 = tpu.memref_squeeze %dma_wait3A_304 : memref<1x40x144xf32, #tpu.memory_space<vmem>> -> memref<40x144xf32, #tpu.memory_space<vmem>>
      %dma_wait3A_306 = arith.constant 0 : i32
      %dma_wait3A_307 = tpu.memref_slice %arg6[%add3A_51, %dma_wait3A_306] : memref<10240x144xf32, #tpu.memory_space<vmem_shared>> -> memref<40x144xf32, #tpu.memory_space<vmem_shared>>
      %dma_wait3A_308 = arith.constant 0 : i32
      %dma_wait3A_309 = tpu.memref_slice %arg6[%add3A_51, %dma_wait3A_308] : memref<10240x144xf32, #tpu.memory_space<vmem_shared>> -> memref<40x144xf32, #tpu.memory_space<vmem_shared>>
      %dma_wait3A_310 = arith.constant 0 : i32
      %dma_wait3A_311 = arith.constant 0 : i32
      %dma_wait3A_312 = tpu.memref_slice %arg13[%run_scoped3A_52, %dma_wait3A_310, %dma_wait3A_311] : memref<4x48x144xf32, #tpu.memory_space<vmem>> -> memref<1x40x144xf32, #tpu.memory_space<vmem>>
      %dma_wait3A_313 = tpu.memref_squeeze %dma_wait3A_312 : memref<1x40x144xf32, #tpu.memory_space<vmem>> -> memref<40x144xf32, #tpu.memory_space<vmem>>
      tpu.wait_dma2 semaphore(%run_scoped3A_289 : memref<!tpu.dma_semaphore, #tpu.memory_space<semaphore_mem>>) src(%dma_wait3A_313 : memref<40x144xf32, #tpu.memory_space<vmem>>) dst(%dma_wait3A_309 : memref<40x144xf32, #tpu.memory_space<vmem_shared>>)
      tpu.yield
    }) : () -> ()
    %mul3A_53 = arith.constant 640 : i32
    %mul3A_54 = arith.muli %mul3A_53, %arg1 : i32
    %add3A_55 = arith.constant 360 : i32
    %add3A_56 = arith.addi %mul3A_54, %add3A_55 : i32
    %run_scoped3A_57 = arith.constant 0 : i32
    "tpu.region"() ({
      %run_scoped3A_289 = tpu.sem_alloc : memref<!tpu.dma_semaphore, #tpu.memory_space<semaphore_mem>>
      %dma_start3A_290 = arith.constant 0 : i32
      %dma_start3A_291 = arith.constant 0 : i32
      %dma_start3A_292 = tpu.memref_slice %arg13[%run_scoped3A_57, %dma_start3A_290, %dma_start3A_291] : memref<4x48x144xf32, #tpu.memory_space<vmem>> -> memref<1x40x144xf32, #tpu.memory_space<vmem>>
      %dma_start3A_293 = tpu.memref_squeeze %dma_start3A_292 : memref<1x40x144xf32, #tpu.memory_space<vmem>> -> memref<40x144xf32, #tpu.memory_space<vmem>>
      %dma_start3A_294 = arith.constant 0 : i32
      %dma_start3A_295 = tpu.memref_slice %arg6[%add3A_56, %dma_start3A_294] : memref<10240x144xf32, #tpu.memory_space<vmem_shared>> -> memref<40x144xf32, #tpu.memory_space<vmem_shared>>
      %dma_start3A_296 = arith.constant 0 : i32
      %dma_start3A_297 = tpu.memref_slice %arg6[%add3A_56, %dma_start3A_296] : memref<10240x144xf32, #tpu.memory_space<vmem_shared>> -> memref<40x144xf32, #tpu.memory_space<vmem_shared>>
      %dma_start3A_298 = arith.constant 0 : i32
      %dma_start3A_299 = arith.constant 0 : i32
      %dma_start3A_300 = tpu.memref_slice %arg13[%run_scoped3A_57, %dma_start3A_298, %dma_start3A_299] : memref<4x48x144xf32, #tpu.memory_space<vmem>> -> memref<1x40x144xf32, #tpu.memory_space<vmem>>
      %dma_start3A_301 = tpu.memref_squeeze %dma_start3A_300 : memref<1x40x144xf32, #tpu.memory_space<vmem>> -> memref<40x144xf32, #tpu.memory_space<vmem>>
      tpu.enqueue_dma source(%dma_start3A_301 : memref<40x144xf32, #tpu.memory_space<vmem>>) target(%dma_start3A_297 : memref<40x144xf32, #tpu.memory_space<vmem_shared>>) target_semaphore(%run_scoped3A_289 : memref<!tpu.dma_semaphore, #tpu.memory_space<semaphore_mem>>)
      %dma_wait3A_302 = arith.constant 0 : i32
      %dma_wait3A_303 = arith.constant 0 : i32
      %dma_wait3A_304 = tpu.memref_slice %arg13[%run_scoped3A_57, %dma_wait3A_302, %dma_wait3A_303] : memref<4x48x144xf32, #tpu.memory_space<vmem>> -> memref<1x40x144xf32, #tpu.memory_space<vmem>>
      %dma_wait3A_305 = tpu.memref_squeeze %dma_wait3A_304 : memref<1x40x144xf32, #tpu.memory_space<vmem>> -> memref<40x144xf32, #tpu.memory_space<vmem>>
      %dma_wait3A_306 = arith.constant 0 : i32
      %dma_wait3A_307 = tpu.memref_slice %arg6[%add3A_56, %dma_wait3A_306] : memref<10240x144xf32, #tpu.memory_space<vmem_shared>> -> memref<40x144xf32, #tpu.memory_space<vmem_shared>>
      %dma_wait3A_308 = arith.constant 0 : i32
      %dma_wait3A_309 = tpu.memref_slice %arg6[%add3A_56, %dma_wait3A_308] : memref<10240x144xf32, #tpu.memory_space<vmem_shared>> -> memref<40x144xf32, #tpu.memory_space<vmem_shared>>
      %dma_wait3A_310 = arith.constant 0 : i32
      %dma_wait3A_311 = arith.constant 0 : i32
      %dma_wait3A_312 = tpu.memref_slice %arg13[%run_scoped3A_57, %dma_wait3A_310, %dma_wait3A_311] : memref<4x48x144xf32, #tpu.memory_space<vmem>> -> memref<1x40x144xf32, #tpu.memory_space<vmem>>
      %dma_wait3A_313 = tpu.memref_squeeze %dma_wait3A_312 : memref<1x40x144xf32, #tpu.memory_space<vmem>> -> memref<40x144xf32, #tpu.memory_space<vmem>>
      tpu.wait_dma2 semaphore(%run_scoped3A_289 : memref<!tpu.dma_semaphore, #tpu.memory_space<semaphore_mem>>) src(%dma_wait3A_313 : memref<40x144xf32, #tpu.memory_space<vmem>>) dst(%dma_wait3A_309 : memref<40x144xf32, #tpu.memory_space<vmem_shared>>)
      tpu.yield
    }) : () -> ()
    %mul3A_58 = arith.constant 640 : i32
    %mul3A_59 = arith.muli %mul3A_58, %arg1 : i32
    %add3A_60 = arith.constant 400 : i32
    %add3A_61 = arith.addi %mul3A_59, %add3A_60 : i32
    %run_scoped3A_62 = arith.constant 0 : i32
    "tpu.region"() ({
      %run_scoped3A_289 = tpu.sem_alloc : memref<!tpu.dma_semaphore, #tpu.memory_space<semaphore_mem>>
      %dma_start3A_290 = arith.constant 0 : i32
      %dma_start3A_291 = arith.constant 0 : i32
      %dma_start3A_292 = tpu.memref_slice %arg13[%run_scoped3A_62, %dma_start3A_290, %dma_start3A_291] : memref<4x48x144xf32, #tpu.memory_space<vmem>> -> memref<1x40x144xf32, #tpu.memory_space<vmem>>
      %dma_start3A_293 = tpu.memref_squeeze %dma_start3A_292 : memref<1x40x144xf32, #tpu.memory_space<vmem>> -> memref<40x144xf32, #tpu.memory_space<vmem>>
      %dma_start3A_294 = arith.constant 0 : i32
      %dma_start3A_295 = tpu.memref_slice %arg6[%add3A_61, %dma_start3A_294] : memref<10240x144xf32, #tpu.memory_space<vmem_shared>> -> memref<40x144xf32, #tpu.memory_space<vmem_shared>>
      %dma_start3A_296 = arith.constant 0 : i32
      %dma_start3A_297 = tpu.memref_slice %arg6[%add3A_61, %dma_start3A_296] : memref<10240x144xf32, #tpu.memory_space<vmem_shared>> -> memref<40x144xf32, #tpu.memory_space<vmem_shared>>
      %dma_start3A_298 = arith.constant 0 : i32
      %dma_start3A_299 = arith.constant 0 : i32
      %dma_start3A_300 = tpu.memref_slice %arg13[%run_scoped3A_62, %dma_start3A_298, %dma_start3A_299] : memref<4x48x144xf32, #tpu.memory_space<vmem>> -> memref<1x40x144xf32, #tpu.memory_space<vmem>>
      %dma_start3A_301 = tpu.memref_squeeze %dma_start3A_300 : memref<1x40x144xf32, #tpu.memory_space<vmem>> -> memref<40x144xf32, #tpu.memory_space<vmem>>
      tpu.enqueue_dma source(%dma_start3A_301 : memref<40x144xf32, #tpu.memory_space<vmem>>) target(%dma_start3A_297 : memref<40x144xf32, #tpu.memory_space<vmem_shared>>) target_semaphore(%run_scoped3A_289 : memref<!tpu.dma_semaphore, #tpu.memory_space<semaphore_mem>>)
      %dma_wait3A_302 = arith.constant 0 : i32
      %dma_wait3A_303 = arith.constant 0 : i32
      %dma_wait3A_304 = tpu.memref_slice %arg13[%run_scoped3A_62, %dma_wait3A_302, %dma_wait3A_303] : memref<4x48x144xf32, #tpu.memory_space<vmem>> -> memref<1x40x144xf32, #tpu.memory_space<vmem>>
      %dma_wait3A_305 = tpu.memref_squeeze %dma_wait3A_304 : memref<1x40x144xf32, #tpu.memory_space<vmem>> -> memref<40x144xf32, #tpu.memory_space<vmem>>
      %dma_wait3A_306 = arith.constant 0 : i32
      %dma_wait3A_307 = tpu.memref_slice %arg6[%add3A_61, %dma_wait3A_306] : memref<10240x144xf32, #tpu.memory_space<vmem_shared>> -> memref<40x144xf32, #tpu.memory_space<vmem_shared>>
      %dma_wait3A_308 = arith.constant 0 : i32
      %dma_wait3A_309 = tpu.memref_slice %arg6[%add3A_61, %dma_wait3A_308] : memref<10240x144xf32, #tpu.memory_space<vmem_shared>> -> memref<40x144xf32, #tpu.memory_space<vmem_shared>>
      %dma_wait3A_310 = arith.constant 0 : i32
      %dma_wait3A_311 = arith.constant 0 : i32
      %dma_wait3A_312 = tpu.memref_slice %arg13[%run_scoped3A_62, %dma_wait3A_310, %dma_wait3A_311] : memref<4x48x144xf32, #tpu.memory_space<vmem>> -> memref<1x40x144xf32, #tpu.memory_space<vmem>>
      %dma_wait3A_313 = tpu.memref_squeeze %dma_wait3A_312 : memref<1x40x144xf32, #tpu.memory_space<vmem>> -> memref<40x144xf32, #tpu.memory_space<vmem>>
      tpu.wait_dma2 semaphore(%run_scoped3A_289 : memref<!tpu.dma_semaphore, #tpu.memory_space<semaphore_mem>>) src(%dma_wait3A_313 : memref<40x144xf32, #tpu.memory_space<vmem>>) dst(%dma_wait3A_309 : memref<40x144xf32, #tpu.memory_space<vmem_shared>>)
      tpu.yield
    }) : () -> ()
    %mul3A_63 = arith.constant 640 : i32
    %mul3A_64 = arith.muli %mul3A_63, %arg1 : i32
    %add3A_65 = arith.constant 440 : i32
    %add3A_66 = arith.addi %mul3A_64, %add3A_65 : i32
    %run_scoped3A_67 = arith.constant 0 : i32
    "tpu.region"() ({
      %run_scoped3A_289 = tpu.sem_alloc : memref<!tpu.dma_semaphore, #tpu.memory_space<semaphore_mem>>
      %dma_start3A_290 = arith.constant 0 : i32
      %dma_start3A_291 = arith.constant 0 : i32
      %dma_start3A_292 = tpu.memref_slice %arg13[%run_scoped3A_67, %dma_start3A_290, %dma_start3A_291] : memref<4x48x144xf32, #tpu.memory_space<vmem>> -> memref<1x40x144xf32, #tpu.memory_space<vmem>>
      %dma_start3A_293 = tpu.memref_squeeze %dma_start3A_292 : memref<1x40x144xf32, #tpu.memory_space<vmem>> -> memref<40x144xf32, #tpu.memory_space<vmem>>
      %dma_start3A_294 = arith.constant 0 : i32
      %dma_start3A_295 = tpu.memref_slice %arg6[%add3A_66, %dma_start3A_294] : memref<10240x144xf32, #tpu.memory_space<vmem_shared>> -> memref<40x144xf32, #tpu.memory_space<vmem_shared>>
      %dma_start3A_296 = arith.constant 0 : i32
      %dma_start3A_297 = tpu.memref_slice %arg6[%add3A_66, %dma_start3A_296] : memref<10240x144xf32, #tpu.memory_space<vmem_shared>> -> memref<40x144xf32, #tpu.memory_space<vmem_shared>>
      %dma_start3A_298 = arith.constant 0 : i32
      %dma_start3A_299 = arith.constant 0 : i32
      %dma_start3A_300 = tpu.memref_slice %arg13[%run_scoped3A_67, %dma_start3A_298, %dma_start3A_299] : memref<4x48x144xf32, #tpu.memory_space<vmem>> -> memref<1x40x144xf32, #tpu.memory_space<vmem>>
      %dma_start3A_301 = tpu.memref_squeeze %dma_start3A_300 : memref<1x40x144xf32, #tpu.memory_space<vmem>> -> memref<40x144xf32, #tpu.memory_space<vmem>>
      tpu.enqueue_dma source(%dma_start3A_301 : memref<40x144xf32, #tpu.memory_space<vmem>>) target(%dma_start3A_297 : memref<40x144xf32, #tpu.memory_space<vmem_shared>>) target_semaphore(%run_scoped3A_289 : memref<!tpu.dma_semaphore, #tpu.memory_space<semaphore_mem>>)
      %dma_wait3A_302 = arith.constant 0 : i32
      %dma_wait3A_303 = arith.constant 0 : i32
      %dma_wait3A_304 = tpu.memref_slice %arg13[%run_scoped3A_67, %dma_wait3A_302, %dma_wait3A_303] : memref<4x48x144xf32, #tpu.memory_space<vmem>> -> memref<1x40x144xf32, #tpu.memory_space<vmem>>
      %dma_wait3A_305 = tpu.memref_squeeze %dma_wait3A_304 : memref<1x40x144xf32, #tpu.memory_space<vmem>> -> memref<40x144xf32, #tpu.memory_space<vmem>>
      %dma_wait3A_306 = arith.constant 0 : i32
      %dma_wait3A_307 = tpu.memref_slice %arg6[%add3A_66, %dma_wait3A_306] : memref<10240x144xf32, #tpu.memory_space<vmem_shared>> -> memref<40x144xf32, #tpu.memory_space<vmem_shared>>
      %dma_wait3A_308 = arith.constant 0 : i32
      %dma_wait3A_309 = tpu.memref_slice %arg6[%add3A_66, %dma_wait3A_308] : memref<10240x144xf32, #tpu.memory_space<vmem_shared>> -> memref<40x144xf32, #tpu.memory_space<vmem_shared>>
      %dma_wait3A_310 = arith.constant 0 : i32
      %dma_wait3A_311 = arith.constant 0 : i32
      %dma_wait3A_312 = tpu.memref_slice %arg13[%run_scoped3A_67, %dma_wait3A_310, %dma_wait3A_311] : memref<4x48x144xf32, #tpu.memory_space<vmem>> -> memref<1x40x144xf32, #tpu.memory_space<vmem>>
      %dma_wait3A_313 = tpu.memref_squeeze %dma_wait3A_312 : memref<1x40x144xf32, #tpu.memory_space<vmem>> -> memref<40x144xf32, #tpu.memory_space<vmem>>
      tpu.wait_dma2 semaphore(%run_scoped3A_289 : memref<!tpu.dma_semaphore, #tpu.memory_space<semaphore_mem>>) src(%dma_wait3A_313 : memref<40x144xf32, #tpu.memory_space<vmem>>) dst(%dma_wait3A_309 : memref<40x144xf32, #tpu.memory_space<vmem_shared>>)
      tpu.yield
    }) : () -> ()
    %mul3A_68 = arith.constant 640 : i32
    %mul3A_69 = arith.muli %mul3A_68, %arg1 : i32
    %add3A_70 = arith.constant 480 : i32
    %add3A_71 = arith.addi %mul3A_69, %add3A_70 : i32
    %run_scoped3A_72 = arith.constant 0 : i32
    "tpu.region"() ({
      %run_scoped3A_289 = tpu.sem_alloc : memref<!tpu.dma_semaphore, #tpu.memory_space<semaphore_mem>>
      %dma_start3A_290 = arith.constant 0 : i32
      %dma_start3A_291 = arith.constant 0 : i32
      %dma_start3A_292 = tpu.memref_slice %arg13[%run_scoped3A_72, %dma_start3A_290, %dma_start3A_291] : memref<4x48x144xf32, #tpu.memory_space<vmem>> -> memref<1x40x144xf32, #tpu.memory_space<vmem>>
      %dma_start3A_293 = tpu.memref_squeeze %dma_start3A_292 : memref<1x40x144xf32, #tpu.memory_space<vmem>> -> memref<40x144xf32, #tpu.memory_space<vmem>>
      %dma_start3A_294 = arith.constant 0 : i32
      %dma_start3A_295 = tpu.memref_slice %arg6[%add3A_71, %dma_start3A_294] : memref<10240x144xf32, #tpu.memory_space<vmem_shared>> -> memref<40x144xf32, #tpu.memory_space<vmem_shared>>
      %dma_start3A_296 = arith.constant 0 : i32
      %dma_start3A_297 = tpu.memref_slice %arg6[%add3A_71, %dma_start3A_296] : memref<10240x144xf32, #tpu.memory_space<vmem_shared>> -> memref<40x144xf32, #tpu.memory_space<vmem_shared>>
      %dma_start3A_298 = arith.constant 0 : i32
      %dma_start3A_299 = arith.constant 0 : i32
      %dma_start3A_300 = tpu.memref_slice %arg13[%run_scoped3A_72, %dma_start3A_298, %dma_start3A_299] : memref<4x48x144xf32, #tpu.memory_space<vmem>> -> memref<1x40x144xf32, #tpu.memory_space<vmem>>
      %dma_start3A_301 = tpu.memref_squeeze %dma_start3A_300 : memref<1x40x144xf32, #tpu.memory_space<vmem>> -> memref<40x144xf32, #tpu.memory_space<vmem>>
      tpu.enqueue_dma source(%dma_start3A_301 : memref<40x144xf32, #tpu.memory_space<vmem>>) target(%dma_start3A_297 : memref<40x144xf32, #tpu.memory_space<vmem_shared>>) target_semaphore(%run_scoped3A_289 : memref<!tpu.dma_semaphore, #tpu.memory_space<semaphore_mem>>)
      %dma_wait3A_302 = arith.constant 0 : i32
      %dma_wait3A_303 = arith.constant 0 : i32
      %dma_wait3A_304 = tpu.memref_slice %arg13[%run_scoped3A_72, %dma_wait3A_302, %dma_wait3A_303] : memref<4x48x144xf32, #tpu.memory_space<vmem>> -> memref<1x40x144xf32, #tpu.memory_space<vmem>>
      %dma_wait3A_305 = tpu.memref_squeeze %dma_wait3A_304 : memref<1x40x144xf32, #tpu.memory_space<vmem>> -> memref<40x144xf32, #tpu.memory_space<vmem>>
      %dma_wait3A_306 = arith.constant 0 : i32
      %dma_wait3A_307 = tpu.memref_slice %arg6[%add3A_71, %dma_wait3A_306] : memref<10240x144xf32, #tpu.memory_space<vmem_shared>> -> memref<40x144xf32, #tpu.memory_space<vmem_shared>>
      %dma_wait3A_308 = arith.constant 0 : i32
      %dma_wait3A_309 = tpu.memref_slice %arg6[%add3A_71, %dma_wait3A_308] : memref<10240x144xf32, #tpu.memory_space<vmem_shared>> -> memref<40x144xf32, #tpu.memory_space<vmem_shared>>
      %dma_wait3A_310 = arith.constant 0 : i32
      %dma_wait3A_311 = arith.constant 0 : i32
      %dma_wait3A_312 = tpu.memref_slice %arg13[%run_scoped3A_72, %dma_wait3A_310, %dma_wait3A_311] : memref<4x48x144xf32, #tpu.memory_space<vmem>> -> memref<1x40x144xf32, #tpu.memory_space<vmem>>
      %dma_wait3A_313 = tpu.memref_squeeze %dma_wait3A_312 : memref<1x40x144xf32, #tpu.memory_space<vmem>> -> memref<40x144xf32, #tpu.memory_space<vmem>>
      tpu.wait_dma2 semaphore(%run_scoped3A_289 : memref<!tpu.dma_semaphore, #tpu.memory_space<semaphore_mem>>) src(%dma_wait3A_313 : memref<40x144xf32, #tpu.memory_space<vmem>>) dst(%dma_wait3A_309 : memref<40x144xf32, #tpu.memory_space<vmem_shared>>)
      tpu.yield
    }) : () -> ()
    %mul3A_73 = arith.constant 640 : i32
    %mul3A_74 = arith.muli %mul3A_73, %arg1 : i32
    %add3A_75 = arith.constant 520 : i32
    %add3A_76 = arith.addi %mul3A_74, %add3A_75 : i32
    %run_scoped3A_77 = arith.constant 0 : i32
    "tpu.region"() ({
      %run_scoped3A_289 = tpu.sem_alloc : memref<!tpu.dma_semaphore, #tpu.memory_space<semaphore_mem>>
      %dma_start3A_290 = arith.constant 0 : i32
      %dma_start3A_291 = arith.constant 0 : i32
      %dma_start3A_292 = tpu.memref_slice %arg13[%run_scoped3A_77, %dma_start3A_290, %dma_start3A_291] : memref<4x48x144xf32, #tpu.memory_space<vmem>> -> memref<1x40x144xf32, #tpu.memory_space<vmem>>
      %dma_start3A_293 = tpu.memref_squeeze %dma_start3A_292 : memref<1x40x144xf32, #tpu.memory_space<vmem>> -> memref<40x144xf32, #tpu.memory_space<vmem>>
      %dma_start3A_294 = arith.constant 0 : i32
      %dma_start3A_295 = tpu.memref_slice %arg6[%add3A_76, %dma_start3A_294] : memref<10240x144xf32, #tpu.memory_space<vmem_shared>> -> memref<40x144xf32, #tpu.memory_space<vmem_shared>>
      %dma_start3A_296 = arith.constant 0 : i32
      %dma_start3A_297 = tpu.memref_slice %arg6[%add3A_76, %dma_start3A_296] : memref<10240x144xf32, #tpu.memory_space<vmem_shared>> -> memref<40x144xf32, #tpu.memory_space<vmem_shared>>
      %dma_start3A_298 = arith.constant 0 : i32
      %dma_start3A_299 = arith.constant 0 : i32
      %dma_start3A_300 = tpu.memref_slice %arg13[%run_scoped3A_77, %dma_start3A_298, %dma_start3A_299] : memref<4x48x144xf32, #tpu.memory_space<vmem>> -> memref<1x40x144xf32, #tpu.memory_space<vmem>>
      %dma_start3A_301 = tpu.memref_squeeze %dma_start3A_300 : memref<1x40x144xf32, #tpu.memory_space<vmem>> -> memref<40x144xf32, #tpu.memory_space<vmem>>
      tpu.enqueue_dma source(%dma_start3A_301 : memref<40x144xf32, #tpu.memory_space<vmem>>) target(%dma_start3A_297 : memref<40x144xf32, #tpu.memory_space<vmem_shared>>) target_semaphore(%run_scoped3A_289 : memref<!tpu.dma_semaphore, #tpu.memory_space<semaphore_mem>>)
      %dma_wait3A_302 = arith.constant 0 : i32
      %dma_wait3A_303 = arith.constant 0 : i32
      %dma_wait3A_304 = tpu.memref_slice %arg13[%run_scoped3A_77, %dma_wait3A_302, %dma_wait3A_303] : memref<4x48x144xf32, #tpu.memory_space<vmem>> -> memref<1x40x144xf32, #tpu.memory_space<vmem>>
      %dma_wait3A_305 = tpu.memref_squeeze %dma_wait3A_304 : memref<1x40x144xf32, #tpu.memory_space<vmem>> -> memref<40x144xf32, #tpu.memory_space<vmem>>
      %dma_wait3A_306 = arith.constant 0 : i32
      %dma_wait3A_307 = tpu.memref_slice %arg6[%add3A_76, %dma_wait3A_306] : memref<10240x144xf32, #tpu.memory_space<vmem_shared>> -> memref<40x144xf32, #tpu.memory_space<vmem_shared>>
      %dma_wait3A_308 = arith.constant 0 : i32
      %dma_wait3A_309 = tpu.memref_slice %arg6[%add3A_76, %dma_wait3A_308] : memref<10240x144xf32, #tpu.memory_space<vmem_shared>> -> memref<40x144xf32, #tpu.memory_space<vmem_shared>>
      %dma_wait3A_310 = arith.constant 0 : i32
      %dma_wait3A_311 = arith.constant 0 : i32
      %dma_wait3A_312 = tpu.memref_slice %arg13[%run_scoped3A_77, %dma_wait3A_310, %dma_wait3A_311] : memref<4x48x144xf32, #tpu.memory_space<vmem>> -> memref<1x40x144xf32, #tpu.memory_space<vmem>>
      %dma_wait3A_313 = tpu.memref_squeeze %dma_wait3A_312 : memref<1x40x144xf32, #tpu.memory_space<vmem>> -> memref<40x144xf32, #tpu.memory_space<vmem>>
      tpu.wait_dma2 semaphore(%run_scoped3A_289 : memref<!tpu.dma_semaphore, #tpu.memory_space<semaphore_mem>>) src(%dma_wait3A_313 : memref<40x144xf32, #tpu.memory_space<vmem>>) dst(%dma_wait3A_309 : memref<40x144xf32, #tpu.memory_space<vmem_shared>>)
      tpu.yield
    }) : () -> ()
    %mul3A_78 = arith.constant 640 : i32
    %mul3A_79 = arith.muli %mul3A_78, %arg1 : i32
    %add3A_80 = arith.constant 560 : i32
    %add3A_81 = arith.addi %mul3A_79, %add3A_80 : i32
    %run_scoped3A_82 = arith.constant 0 : i32
    "tpu.region"() ({
      %run_scoped3A_289 = tpu.sem_alloc : memref<!tpu.dma_semaphore, #tpu.memory_space<semaphore_mem>>
      %dma_start3A_290 = arith.constant 0 : i32
      %dma_start3A_291 = arith.constant 0 : i32
      %dma_start3A_292 = tpu.memref_slice %arg13[%run_scoped3A_82, %dma_start3A_290, %dma_start3A_291] : memref<4x48x144xf32, #tpu.memory_space<vmem>> -> memref<1x40x144xf32, #tpu.memory_space<vmem>>
      %dma_start3A_293 = tpu.memref_squeeze %dma_start3A_292 : memref<1x40x144xf32, #tpu.memory_space<vmem>> -> memref<40x144xf32, #tpu.memory_space<vmem>>
      %dma_start3A_294 = arith.constant 0 : i32
      %dma_start3A_295 = tpu.memref_slice %arg6[%add3A_81, %dma_start3A_294] : memref<10240x144xf32, #tpu.memory_space<vmem_shared>> -> memref<40x144xf32, #tpu.memory_space<vmem_shared>>
      %dma_start3A_296 = arith.constant 0 : i32
      %dma_start3A_297 = tpu.memref_slice %arg6[%add3A_81, %dma_start3A_296] : memref<10240x144xf32, #tpu.memory_space<vmem_shared>> -> memref<40x144xf32, #tpu.memory_space<vmem_shared>>
      %dma_start3A_298 = arith.constant 0 : i32
      %dma_start3A_299 = arith.constant 0 : i32
      %dma_start3A_300 = tpu.memref_slice %arg13[%run_scoped3A_82, %dma_start3A_298, %dma_start3A_299] : memref<4x48x144xf32, #tpu.memory_space<vmem>> -> memref<1x40x144xf32, #tpu.memory_space<vmem>>
      %dma_start3A_301 = tpu.memref_squeeze %dma_start3A_300 : memref<1x40x144xf32, #tpu.memory_space<vmem>> -> memref<40x144xf32, #tpu.memory_space<vmem>>
      tpu.enqueue_dma source(%dma_start3A_301 : memref<40x144xf32, #tpu.memory_space<vmem>>) target(%dma_start3A_297 : memref<40x144xf32, #tpu.memory_space<vmem_shared>>) target_semaphore(%run_scoped3A_289 : memref<!tpu.dma_semaphore, #tpu.memory_space<semaphore_mem>>)
      %dma_wait3A_302 = arith.constant 0 : i32
      %dma_wait3A_303 = arith.constant 0 : i32
      %dma_wait3A_304 = tpu.memref_slice %arg13[%run_scoped3A_82, %dma_wait3A_302, %dma_wait3A_303] : memref<4x48x144xf32, #tpu.memory_space<vmem>> -> memref<1x40x144xf32, #tpu.memory_space<vmem>>
      %dma_wait3A_305 = tpu.memref_squeeze %dma_wait3A_304 : memref<1x40x144xf32, #tpu.memory_space<vmem>> -> memref<40x144xf32, #tpu.memory_space<vmem>>
      %dma_wait3A_306 = arith.constant 0 : i32
      %dma_wait3A_307 = tpu.memref_slice %arg6[%add3A_81, %dma_wait3A_306] : memref<10240x144xf32, #tpu.memory_space<vmem_shared>> -> memref<40x144xf32, #tpu.memory_space<vmem_shared>>
      %dma_wait3A_308 = arith.constant 0 : i32
      %dma_wait3A_309 = tpu.memref_slice %arg6[%add3A_81, %dma_wait3A_308] : memref<10240x144xf32, #tpu.memory_space<vmem_shared>> -> memref<40x144xf32, #tpu.memory_space<vmem_shared>>
      %dma_wait3A_310 = arith.constant 0 : i32
      %dma_wait3A_311 = arith.constant 0 : i32
      %dma_wait3A_312 = tpu.memref_slice %arg13[%run_scoped3A_82, %dma_wait3A_310, %dma_wait3A_311] : memref<4x48x144xf32, #tpu.memory_space<vmem>> -> memref<1x40x144xf32, #tpu.memory_space<vmem>>
      %dma_wait3A_313 = tpu.memref_squeeze %dma_wait3A_312 : memref<1x40x144xf32, #tpu.memory_space<vmem>> -> memref<40x144xf32, #tpu.memory_space<vmem>>
      tpu.wait_dma2 semaphore(%run_scoped3A_289 : memref<!tpu.dma_semaphore, #tpu.memory_space<semaphore_mem>>) src(%dma_wait3A_313 : memref<40x144xf32, #tpu.memory_space<vmem>>) dst(%dma_wait3A_309 : memref<40x144xf32, #tpu.memory_space<vmem_shared>>)
      tpu.yield
    }) : () -> ()
    %mul3A_83 = arith.constant 640 : i32
    %mul3A_84 = arith.muli %mul3A_83, %arg1 : i32
    %add3A_85 = arith.constant 600 : i32
    %add3A_86 = arith.addi %mul3A_84, %add3A_85 : i32
    %run_scoped3A_87 = arith.constant 0 : i32
    "tpu.region"() ({
      %run_scoped3A_289 = tpu.sem_alloc : memref<!tpu.dma_semaphore, #tpu.memory_space<semaphore_mem>>
      %dma_start3A_290 = arith.constant 0 : i32
      %dma_start3A_291 = arith.constant 0 : i32
      %dma_start3A_292 = tpu.memref_slice %arg13[%run_scoped3A_87, %dma_start3A_290, %dma_start3A_291] : memref<4x48x144xf32, #tpu.memory_space<vmem>> -> memref<1x40x144xf32, #tpu.memory_space<vmem>>
      %dma_start3A_293 = tpu.memref_squeeze %dma_start3A_292 : memref<1x40x144xf32, #tpu.memory_space<vmem>> -> memref<40x144xf32, #tpu.memory_space<vmem>>
      %dma_start3A_294 = arith.constant 0 : i32
      %dma_start3A_295 = tpu.memref_slice %arg6[%add3A_86, %dma_start3A_294] : memref<10240x144xf32, #tpu.memory_space<vmem_shared>> -> memref<40x144xf32, #tpu.memory_space<vmem_shared>>
      %dma_start3A_296 = arith.constant 0 : i32
      %dma_start3A_297 = tpu.memref_slice %arg6[%add3A_86, %dma_start3A_296] : memref<10240x144xf32, #tpu.memory_space<vmem_shared>> -> memref<40x144xf32, #tpu.memory_space<vmem_shared>>
      %dma_start3A_298 = arith.constant 0 : i32
      %dma_start3A_299 = arith.constant 0 : i32
      %dma_start3A_300 = tpu.memref_slice %arg13[%run_scoped3A_87, %dma_start3A_298, %dma_start3A_299] : memref<4x48x144xf32, #tpu.memory_space<vmem>> -> memref<1x40x144xf32, #tpu.memory_space<vmem>>
      %dma_start3A_301 = tpu.memref_squeeze %dma_start3A_300 : memref<1x40x144xf32, #tpu.memory_space<vmem>> -> memref<40x144xf32, #tpu.memory_space<vmem>>
      tpu.enqueue_dma source(%dma_start3A_301 : memref<40x144xf32, #tpu.memory_space<vmem>>) target(%dma_start3A_297 : memref<40x144xf32, #tpu.memory_space<vmem_shared>>) target_semaphore(%run_scoped3A_289 : memref<!tpu.dma_semaphore, #tpu.memory_space<semaphore_mem>>)
      %dma_wait3A_302 = arith.constant 0 : i32
      %dma_wait3A_303 = arith.constant 0 : i32
      %dma_wait3A_304 = tpu.memref_slice %arg13[%run_scoped3A_87, %dma_wait3A_302, %dma_wait3A_303] : memref<4x48x144xf32, #tpu.memory_space<vmem>> -> memref<1x40x144xf32, #tpu.memory_space<vmem>>
      %dma_wait3A_305 = tpu.memref_squeeze %dma_wait3A_304 : memref<1x40x144xf32, #tpu.memory_space<vmem>> -> memref<40x144xf32, #tpu.memory_space<vmem>>
      %dma_wait3A_306 = arith.constant 0 : i32
      %dma_wait3A_307 = tpu.memref_slice %arg6[%add3A_86, %dma_wait3A_306] : memref<10240x144xf32, #tpu.memory_space<vmem_shared>> -> memref<40x144xf32, #tpu.memory_space<vmem_shared>>
      %dma_wait3A_308 = arith.constant 0 : i32
      %dma_wait3A_309 = tpu.memref_slice %arg6[%add3A_86, %dma_wait3A_308] : memref<10240x144xf32, #tpu.memory_space<vmem_shared>> -> memref<40x144xf32, #tpu.memory_space<vmem_shared>>
      %dma_wait3A_310 = arith.constant 0 : i32
      %dma_wait3A_311 = arith.constant 0 : i32
      %dma_wait3A_312 = tpu.memref_slice %arg13[%run_scoped3A_87, %dma_wait3A_310, %dma_wait3A_311] : memref<4x48x144xf32, #tpu.memory_space<vmem>> -> memref<1x40x144xf32, #tpu.memory_space<vmem>>
      %dma_wait3A_313 = tpu.memref_squeeze %dma_wait3A_312 : memref<1x40x144xf32, #tpu.memory_space<vmem>> -> memref<40x144xf32, #tpu.memory_space<vmem>>
      tpu.wait_dma2 semaphore(%run_scoped3A_289 : memref<!tpu.dma_semaphore, #tpu.memory_space<semaphore_mem>>) src(%dma_wait3A_313 : memref<40x144xf32, #tpu.memory_space<vmem>>) dst(%dma_wait3A_309 : memref<40x144xf32, #tpu.memory_space<vmem_shared>>)
      tpu.yield
    }) : () -> ()
    "tpu.region"() ({
      %run_scoped3A_289 = tpu.sem_alloc : memref<!tpu.dma_semaphore, #tpu.memory_space<semaphore_mem>>
      tpu.enqueue_dma source(%arg3 : memref<10000xf32, #tpu.memory_space<hbm>>) target(%arg7 : memref<10000xf32, #tpu.memory_space<vmem>>) target_semaphore(%run_scoped3A_289 : memref<!tpu.dma_semaphore, #tpu.memory_space<semaphore_mem>>)
      tpu.wait_dma2 semaphore(%run_scoped3A_289 : memref<!tpu.dma_semaphore, #tpu.memory_space<semaphore_mem>>) src(%arg3 : memref<10000xf32, #tpu.memory_space<hbm>>) dst(%arg7 : memref<10000xf32, #tpu.memory_space<vmem>>)
      tpu.yield
    }) : () -> ()
    %barrier3A = arith.constant 0 : index
    tpu.barrier barrier_id(%barrier3A)
    %mul3A_88 = arith.constant 10000 : i32
    %mul3A_89 = arith.muli %add3A, %mul3A_88 : i32
    %run_scoped3A_90 = arith.constant 0 : i32
    "tpu.region"() ({
      %run_scoped3A_289 = tpu.sem_alloc : memref<!tpu.dma_semaphore, #tpu.memory_space<semaphore_mem>>
      %dma_start3A_290 = arith.constant 0 : i32
      %dma_start3A_291 = arith.constant 0 : i32
      %dma_start3A_292 = tpu.memref_slice %arg8[%run_scoped3A_90, %dma_start3A_290, %dma_start3A_291] : memref<6x2x48xi32, #tpu.memory_space<vmem>> -> memref<1x2x48xi32, #tpu.memory_space<vmem>>
      %dma_start3A_293 = tpu.memref_squeeze %dma_start3A_292 : memref<1x2x48xi32, #tpu.memory_space<vmem>> -> memref<2x48xi32, #tpu.memory_space<vmem>>
      %dma_start3A_294 = arith.constant 0 : i32
      %dma_start3A_295 = tpu.memref_slice %arg4[%dma_start3A_294, %mul3A_89] : memref<2x320000xi32, #tpu.memory_space<hbm>> -> memref<2x48xi32, #tpu.memory_space<hbm>>
      %dma_start3A_296 = arith.constant 0 : i32
      %dma_start3A_297 = arith.constant 0 : i32
      %dma_start3A_298 = tpu.memref_slice %arg8[%run_scoped3A_90, %dma_start3A_296, %dma_start3A_297] : memref<6x2x48xi32, #tpu.memory_space<vmem>> -> memref<1x2x48xi32, #tpu.memory_space<vmem>>
      %dma_start3A_299 = tpu.memref_squeeze %dma_start3A_298 : memref<1x2x48xi32, #tpu.memory_space<vmem>> -> memref<2x48xi32, #tpu.memory_space<vmem>>
      %dma_start3A_300 = arith.constant 0 : i32
      %dma_start3A_301 = tpu.memref_slice %arg4[%dma_start3A_300, %mul3A_89] : memref<2x320000xi32, #tpu.memory_space<hbm>> -> memref<2x48xi32, #tpu.memory_space<hbm>>
      tpu.enqueue_dma source(%dma_start3A_301 : memref<2x48xi32, #tpu.memory_space<hbm>>) target(%dma_start3A_299 : memref<2x48xi32, #tpu.memory_space<vmem>>) target_semaphore(%run_scoped3A_289 : memref<!tpu.dma_semaphore, #tpu.memory_space<semaphore_mem>>)
      %dma_wait3A_302 = arith.constant 0 : i32
      %dma_wait3A_303 = arith.constant 0 : i32
      %dma_wait3A_304 = tpu.memref_slice %arg8[%run_scoped3A_90, %dma_wait3A_302, %dma_wait3A_303] : memref<6x2x48xi32, #tpu.memory_space<vmem>> -> memref<1x2x48xi32, #tpu.memory_space<vmem>>
      %dma_wait3A_305 = tpu.memref_squeeze %dma_wait3A_304 : memref<1x2x48xi32, #tpu.memory_space<vmem>> -> memref<2x48xi32, #tpu.memory_space<vmem>>
      %dma_wait3A_306 = arith.constant 0 : i32
      %dma_wait3A_307 = tpu.memref_slice %arg4[%dma_wait3A_306, %mul3A_89] : memref<2x320000xi32, #tpu.memory_space<hbm>> -> memref<2x48xi32, #tpu.memory_space<hbm>>
      %dma_wait3A_308 = arith.constant 0 : i32
      %dma_wait3A_309 = arith.constant 0 : i32
      %dma_wait3A_310 = tpu.memref_slice %arg8[%run_scoped3A_90, %dma_wait3A_308, %dma_wait3A_309] : memref<6x2x48xi32, #tpu.memory_space<vmem>> -> memref<1x2x48xi32, #tpu.memory_space<vmem>>
      %dma_wait3A_311 = tpu.memref_squeeze %dma_wait3A_310 : memref<1x2x48xi32, #tpu.memory_space<vmem>> -> memref<2x48xi32, #tpu.memory_space<vmem>>
      %dma_wait3A_312 = arith.constant 0 : i32
      %dma_wait3A_313 = tpu.memref_slice %arg4[%dma_wait3A_312, %mul3A_89] : memref<2x320000xi32, #tpu.memory_space<hbm>> -> memref<2x48xi32, #tpu.memory_space<hbm>>
      tpu.wait_dma2 semaphore(%run_scoped3A_289 : memref<!tpu.dma_semaphore, #tpu.memory_space<semaphore_mem>>) src(%dma_wait3A_313 : memref<2x48xi32, #tpu.memory_space<hbm>>) dst(%dma_wait3A_311 : memref<2x48xi32, #tpu.memory_space<vmem>>)
      tpu.yield
    }) : () -> ()
    %add3A_91 = arith.constant 48 : i32
    %add3A_92 = arith.addi %mul3A_89, %add3A_91 : i32
    %dma_start3A = arith.constant 1 : i32
    %dma_start3A_93 = arith.constant 0 : i32
    %dma_start3A_94 = arith.constant 0 : i32
    %dma_start3A_95 = tpu.memref_slice %arg8[%dma_start3A, %dma_start3A_93, %dma_start3A_94] : memref<6x2x48xi32, #tpu.memory_space<vmem>> -> memref<1x2x48xi32, #tpu.memory_space<vmem>>
    %dma_start3A_96 = tpu.memref_squeeze %dma_start3A_95 : memref<1x2x48xi32, #tpu.memory_space<vmem>> -> memref<2x48xi32, #tpu.memory_space<vmem>>
    %dma_start3A_97 = arith.constant 0 : i32
    %dma_start3A_98 = tpu.memref_slice %arg4[%dma_start3A_97, %add3A_92] : memref<2x320000xi32, #tpu.memory_space<hbm>> -> memref<2x48xi32, #tpu.memory_space<hbm>>
    %dma_start3A_99 = arith.constant 0 : i32
    %dma_start3A_100 = arith.constant 0 : i32
    %dma_start3A_101 = tpu.memref_slice %arg8[%dma_start3A, %dma_start3A_99, %dma_start3A_100] : memref<6x2x48xi32, #tpu.memory_space<vmem>> -> memref<1x2x48xi32, #tpu.memory_space<vmem>>
    %dma_start3A_102 = tpu.memref_squeeze %dma_start3A_101 : memref<1x2x48xi32, #tpu.memory_space<vmem>> -> memref<2x48xi32, #tpu.memory_space<vmem>>
    %dma_start3A_103 = arith.constant 0 : i32
    %dma_start3A_104 = tpu.memref_slice %arg4[%dma_start3A_103, %add3A_92] : memref<2x320000xi32, #tpu.memory_space<hbm>> -> memref<2x48xi32, #tpu.memory_space<hbm>>
    tpu.enqueue_dma source(%dma_start3A_104 : memref<2x48xi32, #tpu.memory_space<hbm>>) target(%dma_start3A_102 : memref<2x48xi32, #tpu.memory_space<vmem>>) target_semaphore(%arg10 : memref<!tpu.dma_semaphore, #tpu.memory_space<semaphore_mem>>)
    %add3A_105 = arith.constant 96 : i32
    %add3A_106 = arith.addi %mul3A_89, %add3A_105 : i32
    %dma_start3A_107 = arith.constant 2 : i32
    %dma_start3A_108 = arith.constant 0 : i32
    %dma_start3A_109 = arith.constant 0 : i32
    %dma_start3A_110 = tpu.memref_slice %arg8[%dma_start3A_107, %dma_start3A_108, %dma_start3A_109] : memref<6x2x48xi32, #tpu.memory_space<vmem>> -> memref<1x2x48xi32, #tpu.memory_space<vmem>>
    %dma_start3A_111 = tpu.memref_squeeze %dma_start3A_110 : memref<1x2x48xi32, #tpu.memory_space<vmem>> -> memref<2x48xi32, #tpu.memory_space<vmem>>
    %dma_start3A_112 = arith.constant 0 : i32
    %dma_start3A_113 = tpu.memref_slice %arg4[%dma_start3A_112, %add3A_106] : memref<2x320000xi32, #tpu.memory_space<hbm>> -> memref<2x48xi32, #tpu.memory_space<hbm>>
    %dma_start3A_114 = arith.constant 0 : i32
    %dma_start3A_115 = arith.constant 0 : i32
    %dma_start3A_116 = tpu.memref_slice %arg8[%dma_start3A_107, %dma_start3A_114, %dma_start3A_115] : memref<6x2x48xi32, #tpu.memory_space<vmem>> -> memref<1x2x48xi32, #tpu.memory_space<vmem>>
    %dma_start3A_117 = tpu.memref_squeeze %dma_start3A_116 : memref<1x2x48xi32, #tpu.memory_space<vmem>> -> memref<2x48xi32, #tpu.memory_space<vmem>>
    %dma_start3A_118 = arith.constant 0 : i32
    %dma_start3A_119 = tpu.memref_slice %arg4[%dma_start3A_118, %add3A_106] : memref<2x320000xi32, #tpu.memory_space<hbm>> -> memref<2x48xi32, #tpu.memory_space<hbm>>
    tpu.enqueue_dma source(%dma_start3A_119 : memref<2x48xi32, #tpu.memory_space<hbm>>) target(%dma_start3A_117 : memref<2x48xi32, #tpu.memory_space<vmem>>) target_semaphore(%arg10 : memref<!tpu.dma_semaphore, #tpu.memory_space<semaphore_mem>>)
    %dma_start3A_120 = arith.constant 0 : i32
    %dma_start3A_121 = arith.constant 0 : i32
    %dma_start3A_122 = arith.constant 0 : i32
    %dma_start3A_123 = arith.constant 0 : i32
    %dma_start3A_124 = arith.constant 0 : i32
    %dma_start3A_125 = tpu.memref_slice %arg13[%dma_start3A_122, %dma_start3A_123, %dma_start3A_124] : memref<4x48x144xf32, #tpu.memory_space<vmem>> -> memref<1x48x144xf32, #tpu.memory_space<vmem>>
    %dma_start3A_126 = tpu.memref_squeeze %dma_start3A_125 : memref<1x48x144xf32, #tpu.memory_space<vmem>> -> memref<48x144xf32, #tpu.memory_space<vmem>>
    %dma_start3A_127 = arith.constant 0 : i32
    %dma_start3A_128 = tpu.memref_slice %arg8[%dma_start3A_120, %dma_start3A_121, %dma_start3A_127] : memref<6x2x48xi32, #tpu.memory_space<vmem>> -> memref<1x1x48xi32, #tpu.memory_space<vmem>>
    %dma_start3A_129 = tpu.memref_squeeze %dma_start3A_128 : memref<1x1x48xi32, #tpu.memory_space<vmem>> -> memref<48xi32, #tpu.memory_space<vmem>>
    %dma_start3A_130 = arith.constant 0 : i32
    %dma_start3A_131 = arith.constant 0 : i32
    %dma_start3A_132 = tpu.memref_slice %arg2[%dma_start3A_130, %dma_start3A_131] : memref<10000x144xf32, #tpu.memory_space<hbm>> -> memref<10000x144xf32, #tpu.memory_space<hbm>>
    tpu.enqueue_indirect_dma source(%dma_start3A_132 : memref<10000x144xf32, #tpu.memory_space<hbm>>) target(%dma_start3A_126 : memref<48x144xf32, #tpu.memory_space<vmem>>) offsets(%dma_start3A_129 : memref<48xi32, #tpu.memory_space<vmem>>) semaphore(%arg11 : memref<!tpu.dma_semaphore, #tpu.memory_space<semaphore_mem>>)
    %dma_wait3A = arith.constant 1 : i32
    %dma_wait3A_133 = arith.constant 0 : i32
    %dma_wait3A_134 = arith.constant 0 : i32
    %dma_wait3A_135 = tpu.memref_slice %arg8[%dma_wait3A, %dma_wait3A_133, %dma_wait3A_134] : memref<6x2x48xi32, #tpu.memory_space<vmem>> -> memref<1x2x48xi32, #tpu.memory_space<vmem>>
    %dma_wait3A_136 = tpu.memref_squeeze %dma_wait3A_135 : memref<1x2x48xi32, #tpu.memory_space<vmem>> -> memref<2x48xi32, #tpu.memory_space<vmem>>
    %dma_wait3A_137 = arith.constant 0 : i32
    %dma_wait3A_138 = arith.constant 0 : i32
    %dma_wait3A_139 = tpu.memref_slice %arg4[%dma_wait3A_137, %dma_wait3A_138] : memref<2x320000xi32, #tpu.memory_space<hbm>> -> memref<2x48xi32, #tpu.memory_space<hbm>>
    %dma_wait3A_140 = arith.constant 0 : i32
    %dma_wait3A_141 = arith.constant 0 : i32
    %dma_wait3A_142 = tpu.memref_slice %arg8[%dma_wait3A, %dma_wait3A_140, %dma_wait3A_141] : memref<6x2x48xi32, #tpu.memory_space<vmem>> -> memref<1x2x48xi32, #tpu.memory_space<vmem>>
    %dma_wait3A_143 = tpu.memref_squeeze %dma_wait3A_142 : memref<1x2x48xi32, #tpu.memory_space<vmem>> -> memref<2x48xi32, #tpu.memory_space<vmem>>
    %dma_wait3A_144 = arith.constant 0 : i32
    %dma_wait3A_145 = arith.constant 0 : i32
    %dma_wait3A_146 = tpu.memref_slice %arg4[%dma_wait3A_144, %dma_wait3A_145] : memref<2x320000xi32, #tpu.memory_space<hbm>> -> memref<2x48xi32, #tpu.memory_space<hbm>>
    tpu.wait_dma2 semaphore(%arg10 : memref<!tpu.dma_semaphore, #tpu.memory_space<semaphore_mem>>) src(%dma_wait3A_146 : memref<2x48xi32, #tpu.memory_space<hbm>>) dst(%dma_wait3A_143 : memref<2x48xi32, #tpu.memory_space<vmem>>)
    %dma_start3A_147 = arith.constant 1 : i32
    %dma_start3A_148 = arith.constant 0 : i32
    %dma_start3A_149 = arith.constant 1 : i32
    %dma_start3A_150 = arith.constant 0 : i32
    %dma_start3A_151 = arith.constant 0 : i32
    %dma_start3A_152 = tpu.memref_slice %arg13[%dma_start3A_149, %dma_start3A_150, %dma_start3A_151] : memref<4x48x144xf32, #tpu.memory_space<vmem>> -> memref<1x48x144xf32, #tpu.memory_space<vmem>>
    %dma_start3A_153 = tpu.memref_squeeze %dma_start3A_152 : memref<1x48x144xf32, #tpu.memory_space<vmem>> -> memref<48x144xf32, #tpu.memory_space<vmem>>
    %dma_start3A_154 = arith.constant 0 : i32
    %dma_start3A_155 = tpu.memref_slice %arg8[%dma_start3A_147, %dma_start3A_148, %dma_start3A_154] : memref<6x2x48xi32, #tpu.memory_space<vmem>> -> memref<1x1x48xi32, #tpu.memory_space<vmem>>
    %dma_start3A_156 = tpu.memref_squeeze %dma_start3A_155 : memref<1x1x48xi32, #tpu.memory_space<vmem>> -> memref<48xi32, #tpu.memory_space<vmem>>
    %dma_start3A_157 = arith.constant 0 : i32
    %dma_start3A_158 = arith.constant 0 : i32
    %dma_start3A_159 = tpu.memref_slice %arg2[%dma_start3A_157, %dma_start3A_158] : memref<10000x144xf32, #tpu.memory_space<hbm>> -> memref<10000x144xf32, #tpu.memory_space<hbm>>
    tpu.enqueue_indirect_dma source(%dma_start3A_159 : memref<10000x144xf32, #tpu.memory_space<hbm>>) target(%dma_start3A_153 : memref<48x144xf32, #tpu.memory_space<vmem>>) offsets(%dma_start3A_156 : memref<48xi32, #tpu.memory_space<vmem>>) semaphore(%arg11 : memref<!tpu.dma_semaphore, #tpu.memory_space<semaphore_mem>>)
    %scan3A_160 = arith.constant 0 : i32
    %scan3A_161 = arith.constant 0 : i32
    %scan3A_162 = arith.constant 208 : i32
    %scan3A_163 = arith.addi %scan3A_161, %scan3A_162 : i32
    %scan3A_164 = arith.constant 1 : i32
    scf.for %scan3A_289 = %scan3A_161 to %scan3A_163 step %scan3A_164  : i32 {
      %rem3A = arith.constant 4 : i32
      %rem3A_290 = arith.remsi %scan3A_289, %rem3A : i32
      %add3A_291 = arith.constant 2 : i32
      %add3A_292 = arith.addi %scan3A_289, %add3A_291 : i32
      %rem3A_293 = arith.constant 4 : i32
      %rem3A_294 = arith.remsi %add3A_292, %rem3A_293 : i32
      %rem3A_295 = arith.constant 6 : i32
      %rem3A_296 = arith.remsi %scan3A_289, %rem3A_295 : i32
      %add3A_297 = arith.constant 2 : i32
      %add3A_298 = arith.addi %scan3A_289, %add3A_297 : i32
      %rem3A_299 = arith.constant 6 : i32
      %rem3A_300 = arith.remsi %add3A_298, %rem3A_299 : i32
      %add3A_301 = arith.constant 3 : i32
      %add3A_302 = arith.addi %scan3A_289, %add3A_301 : i32
      %rem3A_303 = arith.constant 6 : i32
      %rem3A_304 = arith.remsi %add3A_302, %rem3A_303 : i32
      %ge3A = arith.constant 2 : i32
      %ge3A_305 = arith.cmpi sge, %scan3A_289, %ge3A : i32
      %convert_element_type3A = arith.extui %ge3A_305 : i1 to i32
      %cond3A = arith.constant 0 : i32
      %cond3A_306 = arith.cmpi ne, %convert_element_type3A, %cond3A : i32
      scf.if %cond3A_306 {
        %dma_wait3A_438 = arith.constant 0 : i32
        %dma_wait3A_439 = arith.constant 0 : i32
        %dma_wait3A_440 = arith.constant 0 : i32
        %dma_wait3A_441 = tpu.memref_slice %arg13[%rem3A_290, %dma_wait3A_439, %dma_wait3A_440] : memref<4x48x144xf32, #tpu.memory_space<vmem>> -> memref<1x48x144xf32, #tpu.memory_space<vmem>>
        %dma_wait3A_442 = tpu.memref_squeeze %dma_wait3A_441 : memref<1x48x144xf32, #tpu.memory_space<vmem>> -> memref<48x144xf32, #tpu.memory_space<vmem>>
        %dma_wait3A_443 = arith.constant 0 : i32
        %dma_wait3A_444 = arith.constant 0 : i32
        %dma_wait3A_445 = tpu.memref_slice %arg5[%dma_wait3A_438, %dma_wait3A_443, %dma_wait3A_444] : memref<2x10240x144xf32, #tpu.memory_space<hbm>> -> memref<1x48x144xf32, #tpu.memory_space<hbm>>
        %dma_wait3A_446 = tpu.memref_squeeze %dma_wait3A_445 : memref<1x48x144xf32, #tpu.memory_space<hbm>> -> memref<48x144xf32, #tpu.memory_space<hbm>>
        %dma_wait3A_447 = arith.constant 0 : i32
        %dma_wait3A_448 = arith.constant 0 : i32
        %dma_wait3A_449 = tpu.memref_slice %arg13[%rem3A_290, %dma_wait3A_447, %dma_wait3A_448] : memref<4x48x144xf32, #tpu.memory_space<vmem>> -> memref<1x48x144xf32, #tpu.memory_space<vmem>>
        %dma_wait3A_450 = tpu.memref_squeeze %dma_wait3A_449 : memref<1x48x144xf32, #tpu.memory_space<vmem>> -> memref<48x144xf32, #tpu.memory_space<vmem>>
        %dma_wait3A_451 = arith.constant 0 : i32
        %dma_wait3A_452 = arith.constant 0 : i32
        %dma_wait3A_453 = tpu.memref_slice %arg5[%dma_wait3A_438, %dma_wait3A_451, %dma_wait3A_452] : memref<2x10240x144xf32, #tpu.memory_space<hbm>> -> memref<1x48x144xf32, #tpu.memory_space<hbm>>
        %dma_wait3A_454 = tpu.memref_squeeze %dma_wait3A_453 : memref<1x48x144xf32, #tpu.memory_space<hbm>> -> memref<48x144xf32, #tpu.memory_space<hbm>>
        tpu.wait_dma2 semaphore(%arg12 : memref<!tpu.dma_semaphore, #tpu.memory_space<semaphore_mem>>) src(%dma_wait3A_454 : memref<48x144xf32, #tpu.memory_space<hbm>>) dst(%dma_wait3A_450 : memref<48x144xf32, #tpu.memory_space<vmem>>)
      } else {
      }
      %add3A_307 = arith.constant 2 : i32
      %add3A_308 = arith.addi %scan3A_289, %add3A_307 : i32
      %lt3A = arith.constant 208 : i32
      %lt3A_309 = arith.cmpi slt, %add3A_308, %lt3A : i32
      %convert_element_type3A_310 = arith.extui %lt3A_309 : i1 to i32
      %cond3A_311 = arith.constant 0 : i32
      %cond3A_312 = arith.cmpi ne, %convert_element_type3A_310, %cond3A_311 : i32
      scf.if %cond3A_312 {
        %dma_wait3A_438 = arith.constant 0 : i32
        %dma_wait3A_439 = arith.constant 0 : i32
        %dma_wait3A_440 = tpu.memref_slice %arg8[%rem3A_300, %dma_wait3A_438, %dma_wait3A_439] : memref<6x2x48xi32, #tpu.memory_space<vmem>> -> memref<1x2x48xi32, #tpu.memory_space<vmem>>
        %dma_wait3A_441 = tpu.memref_squeeze %dma_wait3A_440 : memref<1x2x48xi32, #tpu.memory_space<vmem>> -> memref<2x48xi32, #tpu.memory_space<vmem>>
        %dma_wait3A_442 = arith.constant 0 : i32
        %dma_wait3A_443 = arith.constant 0 : i32
        %dma_wait3A_444 = tpu.memref_slice %arg4[%dma_wait3A_442, %dma_wait3A_443] : memref<2x320000xi32, #tpu.memory_space<hbm>> -> memref<2x48xi32, #tpu.memory_space<hbm>>
        %dma_wait3A_445 = arith.constant 0 : i32
        %dma_wait3A_446 = arith.constant 0 : i32
        %dma_wait3A_447 = tpu.memref_slice %arg8[%rem3A_300, %dma_wait3A_445, %dma_wait3A_446] : memref<6x2x48xi32, #tpu.memory_space<vmem>> -> memref<1x2x48xi32, #tpu.memory_space<vmem>>
        %dma_wait3A_448 = tpu.memref_squeeze %dma_wait3A_447 : memref<1x2x48xi32, #tpu.memory_space<vmem>> -> memref<2x48xi32, #tpu.memory_space<vmem>>
        %dma_wait3A_449 = arith.constant 0 : i32
        %dma_wait3A_450 = arith.constant 0 : i32
        %dma_wait3A_451 = tpu.memref_slice %arg4[%dma_wait3A_449, %dma_wait3A_450] : memref<2x320000xi32, #tpu.memory_space<hbm>> -> memref<2x48xi32, #tpu.memory_space<hbm>>
        tpu.wait_dma2 semaphore(%arg10 : memref<!tpu.dma_semaphore, #tpu.memory_space<semaphore_mem>>) src(%dma_wait3A_451 : memref<2x48xi32, #tpu.memory_space<hbm>>) dst(%dma_wait3A_448 : memref<2x48xi32, #tpu.memory_space<vmem>>)
        %dma_start3A_452 = arith.constant 0 : i32
        %dma_start3A_453 = arith.constant 0 : i32
        %dma_start3A_454 = arith.constant 0 : i32
        %dma_start3A_455 = tpu.memref_slice %arg13[%rem3A_294, %dma_start3A_453, %dma_start3A_454] : memref<4x48x144xf32, #tpu.memory_space<vmem>> -> memref<1x48x144xf32, #tpu.memory_space<vmem>>
        %dma_start3A_456 = tpu.memref_squeeze %dma_start3A_455 : memref<1x48x144xf32, #tpu.memory_space<vmem>> -> memref<48x144xf32, #tpu.memory_space<vmem>>
        %dma_start3A_457 = arith.constant 0 : i32
        %dma_start3A_458 = tpu.memref_slice %arg8[%rem3A_300, %dma_start3A_452, %dma_start3A_457] : memref<6x2x48xi32, #tpu.memory_space<vmem>> -> memref<1x1x48xi32, #tpu.memory_space<vmem>>
        %dma_start3A_459 = tpu.memref_squeeze %dma_start3A_458 : memref<1x1x48xi32, #tpu.memory_space<vmem>> -> memref<48xi32, #tpu.memory_space<vmem>>
        %dma_start3A_460 = arith.constant 0 : i32
        %dma_start3A_461 = arith.constant 0 : i32
        %dma_start3A_462 = tpu.memref_slice %arg2[%dma_start3A_460, %dma_start3A_461] : memref<10000x144xf32, #tpu.memory_space<hbm>> -> memref<10000x144xf32, #tpu.memory_space<hbm>>
        tpu.enqueue_indirect_dma source(%dma_start3A_462 : memref<10000x144xf32, #tpu.memory_space<hbm>>) target(%dma_start3A_456 : memref<48x144xf32, #tpu.memory_space<vmem>>) offsets(%dma_start3A_459 : memref<48xi32, #tpu.memory_space<vmem>>) semaphore(%arg11 : memref<!tpu.dma_semaphore, #tpu.memory_space<semaphore_mem>>)
      } else {
      }
      %add3A_313 = arith.constant 3 : i32
      %add3A_314 = arith.addi %scan3A_289, %add3A_313 : i32
      %lt3A_315 = arith.constant 208 : i32
      %lt3A_316 = arith.cmpi slt, %add3A_314, %lt3A_315 : i32
      %convert_element_type3A_317 = arith.extui %lt3A_316 : i1 to i32
      %cond3A_318 = arith.constant 0 : i32
      %cond3A_319 = arith.cmpi ne, %convert_element_type3A_317, %cond3A_318 : i32
      scf.if %cond3A_319 {
        %add3A_438 = arith.constant 3 : i32
        %add3A_439 = arith.addi %scan3A_289, %add3A_438 : i32
        %mul3A_440 = arith.constant 48 : i32
        %mul3A_441 = arith.muli %add3A_439, %mul3A_440 : i32
        %add3A_442 = arith.addi %mul3A_89, %mul3A_441 : i32
        %dma_start3A_443 = arith.constant 0 : i32
        %dma_start3A_444 = arith.constant 0 : i32
        %dma_start3A_445 = tpu.memref_slice %arg8[%rem3A_304, %dma_start3A_443, %dma_start3A_444] : memref<6x2x48xi32, #tpu.memory_space<vmem>> -> memref<1x2x48xi32, #tpu.memory_space<vmem>>
        %dma_start3A_446 = tpu.memref_squeeze %dma_start3A_445 : memref<1x2x48xi32, #tpu.memory_space<vmem>> -> memref<2x48xi32, #tpu.memory_space<vmem>>
        %dma_start3A_447 = arith.constant 0 : i32
        %dma_start3A_448 = tpu.memref_slice %arg4[%dma_start3A_447, %add3A_442] : memref<2x320000xi32, #tpu.memory_space<hbm>> -> memref<2x48xi32, #tpu.memory_space<hbm>>
        %dma_start3A_449 = arith.constant 0 : i32
        %dma_start3A_450 = arith.constant 0 : i32
        %dma_start3A_451 = tpu.memref_slice %arg8[%rem3A_304, %dma_start3A_449, %dma_start3A_450] : memref<6x2x48xi32, #tpu.memory_space<vmem>> -> memref<1x2x48xi32, #tpu.memory_space<vmem>>
        %dma_start3A_452 = tpu.memref_squeeze %dma_start3A_451 : memref<1x2x48xi32, #tpu.memory_space<vmem>> -> memref<2x48xi32, #tpu.memory_space<vmem>>
        %dma_start3A_453 = arith.constant 0 : i32
        %dma_start3A_454 = tpu.memref_slice %arg4[%dma_start3A_453, %add3A_442] : memref<2x320000xi32, #tpu.memory_space<hbm>> -> memref<2x48xi32, #tpu.memory_space<hbm>>
        tpu.enqueue_dma source(%dma_start3A_454 : memref<2x48xi32, #tpu.memory_space<hbm>>) target(%dma_start3A_452 : memref<2x48xi32, #tpu.memory_space<vmem>>) target_semaphore(%arg10 : memref<!tpu.dma_semaphore, #tpu.memory_space<semaphore_mem>>)
      } else {
      }
      %dma_wait3A_320 = arith.constant 0 : i32
      %dma_wait3A_321 = arith.constant 0 : i32
      %dma_wait3A_322 = arith.constant 0 : i32
      %dma_wait3A_323 = tpu.memref_slice %arg13[%rem3A_290, %dma_wait3A_321, %dma_wait3A_322] : memref<4x48x144xf32, #tpu.memory_space<vmem>> -> memref<1x48x144xf32, #tpu.memory_space<vmem>>
      %dma_wait3A_324 = tpu.memref_squeeze %dma_wait3A_323 : memref<1x48x144xf32, #tpu.memory_space<vmem>> -> memref<48x144xf32, #tpu.memory_space<vmem>>
      %dma_wait3A_325 = arith.constant 0 : i32
      %dma_wait3A_326 = arith.constant 0 : i32
      %dma_wait3A_327 = tpu.memref_slice %arg5[%dma_wait3A_320, %dma_wait3A_325, %dma_wait3A_326] : memref<2x10240x144xf32, #tpu.memory_space<hbm>> -> memref<1x48x144xf32, #tpu.memory_space<hbm>>
      %dma_wait3A_328 = tpu.memref_squeeze %dma_wait3A_327 : memref<1x48x144xf32, #tpu.memory_space<hbm>> -> memref<48x144xf32, #tpu.memory_space<hbm>>
      %dma_wait3A_329 = arith.constant 0 : i32
      %dma_wait3A_330 = arith.constant 0 : i32
      %dma_wait3A_331 = tpu.memref_slice %arg13[%rem3A_290, %dma_wait3A_329, %dma_wait3A_330] : memref<4x48x144xf32, #tpu.memory_space<vmem>> -> memref<1x48x144xf32, #tpu.memory_space<vmem>>
      %dma_wait3A_332 = tpu.memref_squeeze %dma_wait3A_331 : memref<1x48x144xf32, #tpu.memory_space<vmem>> -> memref<48x144xf32, #tpu.memory_space<vmem>>
      %dma_wait3A_333 = arith.constant 0 : i32
      %dma_wait3A_334 = arith.constant 0 : i32
      %dma_wait3A_335 = tpu.memref_slice %arg5[%dma_wait3A_320, %dma_wait3A_333, %dma_wait3A_334] : memref<2x10240x144xf32, #tpu.memory_space<hbm>> -> memref<1x48x144xf32, #tpu.memory_space<hbm>>
      %dma_wait3A_336 = tpu.memref_squeeze %dma_wait3A_335 : memref<1x48x144xf32, #tpu.memory_space<hbm>> -> memref<48x144xf32, #tpu.memory_space<hbm>>
      tpu.wait_dma2 semaphore(%arg11 : memref<!tpu.dma_semaphore, #tpu.memory_space<semaphore_mem>>) src(%dma_wait3A_336 : memref<48x144xf32, #tpu.memory_space<hbm>>) dst(%dma_wait3A_332 : memref<48x144xf32, #tpu.memory_space<vmem>>)
      %get3A_337 = arith.constant 1 : i32
      %get3A_338 = arith.constant 0 : i32
      %get3A_339 = tpu.memref_slice %arg8[%rem3A_296, %get3A_337, %get3A_338] : memref<6x2x48xi32, #tpu.memory_space<vmem>> -> memref<1x1x48xi32, #tpu.memory_space<vmem>>
      %get3A_340 = tpu.memref_squeeze %get3A_339 : memref<1x1x48xi32, #tpu.memory_space<vmem>> -> memref<48xi32, #tpu.memory_space<vmem>>
      %get3A_341 = arith.constant 0 : index
      %get3A_342 = tpu.vector_load %get3A_340[%get3A_341] {strides = array<i32>} : memref<48xi32, #tpu.memory_space<vmem>>, vector<16xi32>,
      %add3A_343 = arith.constant 0 : i32
      %add3A_344 = vector.broadcast %add3A_343 : i32 to vector<16xi32>
      %add3A_345 = arith.addi %add3A_344, %iota3A : vector<16xi32>
      %gather3A_346 = arith.constant 0 : i32
      %gather3A_347 = arith.constant 0 : i32
      %gather3A_348 = tpu.memref_slice %arg13[%rem3A_290, %gather3A_346, %gather3A_347] : memref<4x48x144xf32, #tpu.memory_space<vmem>> -> memref<1x48x144xf32, #tpu.memory_space<vmem>>
      %gather3A_349 = tpu.memref_squeeze %gather3A_348 : memref<1x48x144xf32, #tpu.memory_space<vmem>> -> memref<48x144xf32, #tpu.memory_space<vmem>>
      %gather3A_350 = tpu.vector_load_idx %gather3A_349[%add3A_345, %broadcast_in_dim3A_3] : memref<48x144xf32, #tpu.memory_space<vmem>>[vector<16xi32>, vector<16xi32>], vector<16xf32>,
      %gather3A_351 = tpu.vector_load_idx %arg7[%get3A_342] : memref<10000xf32, #tpu.memory_space<vmem>>[vector<16xi32>], vector<16xf32>,
      %add3A_352 = arith.addf %gather3A_350, %gather3A_351 : vector<16xf32>
      %mul3A_353 = arith.constant 0.00999999977 : f32
      %mul3A_354 = vector.broadcast %mul3A_353 : f32 to vector<16xf32>
      %mul3A_355 = arith.mulf %add3A_352, %mul3A_354 : vector<16xf32>
      %max3A_356 = arith.maximumf %add3A_352, %mul3A_355 : vector<16xf32>
      %exp3A_357 = math.exp %max3A_356 : vector<16xf32>
      %add3A_358 = arith.constant 0 : i32
      %add3A_359 = vector.broadcast %add3A_358 : i32 to vector<16xi32>
      %add3A_360 = arith.addi %add3A_359, %iota3A : vector<16xi32>
      %scatter3A_361 = arith.constant 0 : i32
      %scatter3A_362 = arith.constant 0 : i32
      %scatter3A_363 = tpu.memref_slice %arg13[%rem3A_290, %scatter3A_361, %scatter3A_362] : memref<4x48x144xf32, #tpu.memory_space<vmem>> -> memref<1x48x144xf32, #tpu.memory_space<vmem>>
      %scatter3A_364 = tpu.memref_squeeze %scatter3A_363 : memref<1x48x144xf32, #tpu.memory_space<vmem>> -> memref<48x144xf32, #tpu.memory_space<vmem>>
      tpu.vector_store_idx %scatter3A_364[%add3A_360, %broadcast_in_dim3A_3], %exp3A_357 : memref<48x144xf32, #tpu.memory_space<vmem>>[vector<16xi32>, vector<16xi32>], vector<16xf32>,
      %get3A_365 = arith.constant 1 : i32
      %get3A_366 = arith.constant 0 : i32
      %get3A_367 = tpu.memref_slice %arg8[%rem3A_296, %get3A_365, %get3A_366] : memref<6x2x48xi32, #tpu.memory_space<vmem>> -> memref<1x1x48xi32, #tpu.memory_space<vmem>>
      %get3A_368 = tpu.memref_squeeze %get3A_367 : memref<1x1x48xi32, #tpu.memory_space<vmem>> -> memref<48xi32, #tpu.memory_space<vmem>>
      %get3A_369 = arith.constant 16 : index
      %get3A_370 = tpu.vector_load %get3A_368[%get3A_369] {strides = array<i32>} : memref<48xi32, #tpu.memory_space<vmem>>, vector<16xi32>,
      %add3A_371 = arith.constant 16 : i32
      %add3A_372 = vector.broadcast %add3A_371 : i32 to vector<16xi32>
      %add3A_373 = arith.addi %add3A_372, %iota3A : vector<16xi32>
      %gather3A_374 = arith.constant 0 : i32
      %gather3A_375 = arith.constant 0 : i32
      %gather3A_376 = tpu.memref_slice %arg13[%rem3A_290, %gather3A_374, %gather3A_375] : memref<4x48x144xf32, #tpu.memory_space<vmem>> -> memref<1x48x144xf32, #tpu.memory_space<vmem>>
      %gather3A_377 = tpu.memref_squeeze %gather3A_376 : memref<1x48x144xf32, #tpu.memory_space<vmem>> -> memref<48x144xf32, #tpu.memory_space<vmem>>
      %gather3A_378 = tpu.vector_load_idx %gather3A_377[%add3A_373, %broadcast_in_dim3A_3] : memref<48x144xf32, #tpu.memory_space<vmem>>[vector<16xi32>, vector<16xi32>], vector<16xf32>,
      %gather3A_379 = tpu.vector_load_idx %arg7[%get3A_370] : memref<10000xf32, #tpu.memory_space<vmem>>[vector<16xi32>], vector<16xf32>,
      %add3A_380 = arith.addf %gather3A_378, %gather3A_379 : vector<16xf32>
      %mul3A_381 = arith.constant 0.00999999977 : f32
      %mul3A_382 = vector.broadcast %mul3A_381 : f32 to vector<16xf32>
      %mul3A_383 = arith.mulf %add3A_380, %mul3A_382 : vector<16xf32>
      %max3A_384 = arith.maximumf %add3A_380, %mul3A_383 : vector<16xf32>
      %exp3A_385 = math.exp %max3A_384 : vector<16xf32>
      %add3A_386 = arith.constant 16 : i32
      %add3A_387 = vector.broadcast %add3A_386 : i32 to vector<16xi32>
      %add3A_388 = arith.addi %add3A_387, %iota3A : vector<16xi32>
      %scatter3A_389 = arith.constant 0 : i32
      %scatter3A_390 = arith.constant 0 : i32
      %scatter3A_391 = tpu.memref_slice %arg13[%rem3A_290, %scatter3A_389, %scatter3A_390] : memref<4x48x144xf32, #tpu.memory_space<vmem>> -> memref<1x48x144xf32, #tpu.memory_space<vmem>>
      %scatter3A_392 = tpu.memref_squeeze %scatter3A_391 : memref<1x48x144xf32, #tpu.memory_space<vmem>> -> memref<48x144xf32, #tpu.memory_space<vmem>>
      tpu.vector_store_idx %scatter3A_392[%add3A_388, %broadcast_in_dim3A_3], %exp3A_385 : memref<48x144xf32, #tpu.memory_space<vmem>>[vector<16xi32>, vector<16xi32>], vector<16xf32>,
      %get3A_393 = arith.constant 1 : i32
      %get3A_394 = arith.constant 0 : i32
      %get3A_395 = tpu.memref_slice %arg8[%rem3A_296, %get3A_393, %get3A_394] : memref<6x2x48xi32, #tpu.memory_space<vmem>> -> memref<1x1x48xi32, #tpu.memory_space<vmem>>
      %get3A_396 = tpu.memref_squeeze %get3A_395 : memref<1x1x48xi32, #tpu.memory_space<vmem>> -> memref<48xi32, #tpu.memory_space<vmem>>
      %get3A_397 = arith.constant 32 : index
      %get3A_398 = tpu.vector_load %get3A_396[%get3A_397] {strides = array<i32>} : memref<48xi32, #tpu.memory_space<vmem>>, vector<16xi32>,
      %add3A_399 = arith.constant 32 : i32
      %add3A_400 = vector.broadcast %add3A_399 : i32 to vector<16xi32>
      %add3A_401 = arith.addi %add3A_400, %iota3A : vector<16xi32>
      %gather3A_402 = arith.constant 0 : i32
      %gather3A_403 = arith.constant 0 : i32
      %gather3A_404 = tpu.memref_slice %arg13[%rem3A_290, %gather3A_402, %gather3A_403] : memref<4x48x144xf32, #tpu.memory_space<vmem>> -> memref<1x48x144xf32, #tpu.memory_space<vmem>>
      %gather3A_405 = tpu.memref_squeeze %gather3A_404 : memref<1x48x144xf32, #tpu.memory_space<vmem>> -> memref<48x144xf32, #tpu.memory_space<vmem>>
      %gather3A_406 = tpu.vector_load_idx %gather3A_405[%add3A_401, %broadcast_in_dim3A_3] : memref<48x144xf32, #tpu.memory_space<vmem>>[vector<16xi32>, vector<16xi32>], vector<16xf32>,
      %gather3A_407 = tpu.vector_load_idx %arg7[%get3A_398] : memref<10000xf32, #tpu.memory_space<vmem>>[vector<16xi32>], vector<16xf32>,
      %add3A_408 = arith.addf %gather3A_406, %gather3A_407 : vector<16xf32>
      %mul3A_409 = arith.constant 0.00999999977 : f32
      %mul3A_410 = vector.broadcast %mul3A_409 : f32 to vector<16xf32>
      %mul3A_411 = arith.mulf %add3A_408, %mul3A_410 : vector<16xf32>
      %max3A_412 = arith.maximumf %add3A_408, %mul3A_411 : vector<16xf32>
      %exp3A_413 = math.exp %max3A_412 : vector<16xf32>
      %add3A_414 = arith.constant 32 : i32
      %add3A_415 = vector.broadcast %add3A_414 : i32 to vector<16xi32>
      %add3A_416 = arith.addi %add3A_415, %iota3A : vector<16xi32>
      %scatter3A_417 = arith.constant 0 : i32
      %scatter3A_418 = arith.constant 0 : i32
      %scatter3A_419 = tpu.memref_slice %arg13[%rem3A_290, %scatter3A_417, %scatter3A_418] : memref<4x48x144xf32, #tpu.memory_space<vmem>> -> memref<1x48x144xf32, #tpu.memory_space<vmem>>
      %scatter3A_420 = tpu.memref_squeeze %scatter3A_419 : memref<1x48x144xf32, #tpu.memory_space<vmem>> -> memref<48x144xf32, #tpu.memory_space<vmem>>
      tpu.vector_store_idx %scatter3A_420[%add3A_416, %broadcast_in_dim3A_3], %exp3A_413 : memref<48x144xf32, #tpu.memory_space<vmem>>[vector<16xi32>, vector<16xi32>], vector<16xf32>,
      %scan3A_421 = arith.constant 0 : i32
      %scan3A_422 = arith.constant 0 : i32
      %scan3A_423 = arith.constant 48 : i32
      %scan3A_424 = arith.addi %scan3A_422, %scan3A_423 : i32
      %scan3A_425 = arith.constant 8 : i32
      scf.for %scan3A_438 = %scan3A_422 to %scan3A_424 step %scan3A_425  : i32 {
        %get3A_439 = arith.constant 0 : i32
        %get3A_440 = arith.constant 0 : i32
        %get3A_441 = tpu.memref_slice %arg13[%rem3A_290, %get3A_439, %get3A_440] : memref<4x48x144xf32, #tpu.memory_space<vmem>> -> memref<1x48x144xf32, #tpu.memory_space<vmem>>
        %get3A_442 = tpu.memref_squeeze %get3A_441 : memref<1x48x144xf32, #tpu.memory_space<vmem>> -> memref<48x144xf32, #tpu.memory_space<vmem>>
        %get3A_443 = arith.index_cast %scan3A_438 : i32 to index
        %get3A_444 = arith.constant 128 : index
        %get3A_445 = tpu.vector_load %get3A_442[%get3A_443, %get3A_444] {strides = array<i32>} : memref<48x144xf32, #tpu.memory_space<vmem>>, vector<16xf32>,
        %slice3A = vector.extract_strided_slice %get3A_445 {offsets = [0], sizes = [1], strides = [1]} : vector<16xf32> to vector<1xf32>
        %squeeze3A = vector.extract %slice3A[0] : f32 from vector<1xf32>
        %get3A_446 = arith.constant 0 : i32
        %get3A_447 = arith.constant 0 : i32
        %get3A_448 = tpu.memref_slice %arg13[%rem3A_290, %get3A_446, %get3A_447] : memref<4x48x144xf32, #tpu.memory_space<vmem>> -> memref<1x48x144xf32, #tpu.memory_space<vmem>>
        %get3A_449 = tpu.memref_squeeze %get3A_448 : memref<1x48x144xf32, #tpu.memory_space<vmem>> -> memref<48x144xf32, #tpu.memory_space<vmem>>
        %get3A_450 = arith.index_cast %scan3A_438 : i32 to index
        %get3A_451 = arith.constant 0 : index
        %get3A_452 = tpu.vector_load %get3A_449[%get3A_450, %get3A_451] {strides = array<i32>} : memref<48x144xf32, #tpu.memory_space<vmem>>, vector<16xf32>,
        %mul3A_453 = vector.broadcast %squeeze3A : f32 to vector<16xf32>
        %mul3A_454 = arith.mulf %get3A_452, %mul3A_453 : vector<16xf32>
        %swap3A = arith.constant 0 : i32
        %swap3A_455 = arith.constant 0 : i32
        %swap3A_456 = tpu.memref_slice %arg13[%rem3A_290, %swap3A, %swap3A_455] : memref<4x48x144xf32, #tpu.memory_space<vmem>> -> memref<1x48x144xf32, #tpu.memory_space<vmem>>
        %swap3A_457 = tpu.memref_squeeze %swap3A_456 : memref<1x48x144xf32, #tpu.memory_space<vmem>> -> memref<48x144xf32, #tpu.memory_space<vmem>>
        %swap3A_458 = arith.index_cast %scan3A_438 : i32 to index
        %swap3A_459 = arith.constant 0 : index
        %swap3A_460 = tpu.vector_load %swap3A_457[%swap3A_458, %swap3A_459] {strides = array<i32>} : memref<48x144xf32, #tpu.memory_space<vmem>>, vector<16xf32>,
        tpu.vector_store %swap3A_457[%swap3A_458, %swap3A_459], %mul3A_454 {strides = array<i32>} : memref<48x144xf32, #tpu.memory_space<vmem>>, vector<16xf32>,
        %get3A_461 = arith.constant 0 : i32
        %get3A_462 = arith.constant 0 : i32
        %get3A_463 = tpu.memref_slice %arg13[%rem3A_290, %get3A_461, %get3A_462] : memref<4x48x144xf32, #tpu.memory_space<vmem>> -> memref<1x48x144xf32, #tpu.memory_space<vmem>>
        %get3A_464 = tpu.memref_squeeze %get3A_463 : memref<1x48x144xf32, #tpu.memory_space<vmem>> -> memref<48x144xf32, #tpu.memory_space<vmem>>
        %get3A_465 = arith.index_cast %scan3A_438 : i32 to index
        %get3A_466 = arith.constant 16 : index
        %get3A_467 = tpu.vector_load %get3A_464[%get3A_465, %get3A_466] {strides = array<i32>} : memref<48x144xf32, #tpu.memory_space<vmem>>, vector<16xf32>,
        %mul3A_468 = vector.broadcast %squeeze3A : f32 to vector<16xf32>
        %mul3A_469 = arith.mulf %get3A_467, %mul3A_468 : vector<16xf32>
        %swap3A_470 = arith.constant 0 : i32
        %swap3A_471 = arith.constant 0 : i32
        %swap3A_472 = tpu.memref_slice %arg13[%rem3A_290, %swap3A_470, %swap3A_471] : memref<4x48x144xf32, #tpu.memory_space<vmem>> -> memref<1x48x144xf32, #tpu.memory_space<vmem>>
        %swap3A_473 = tpu.memref_squeeze %swap3A_472 : memref<1x48x144xf32, #tpu.memory_space<vmem>> -> memref<48x144xf32, #tpu.memory_space<vmem>>
        %swap3A_474 = arith.index_cast %scan3A_438 : i32 to index
        %swap3A_475 = arith.constant 16 : index
        %swap3A_476 = tpu.vector_load %swap3A_473[%swap3A_474, %swap3A_475] {strides = array<i32>} : memref<48x144xf32, #tpu.memory_space<vmem>>, vector<16xf32>,
        tpu.vector_store %swap3A_473[%swap3A_474, %swap3A_475], %mul3A_469 {strides = array<i32>} : memref<48x144xf32, #tpu.memory_space<vmem>>, vector<16xf32>,
        %get3A_477 = arith.constant 0 : i32
        %get3A_478 = arith.constant 0 : i32
        %get3A_479 = tpu.memref_slice %arg13[%rem3A_290, %get3A_477, %get3A_478] : memref<4x48x144xf32, #tpu.memory_space<vmem>> -> memref<1x48x144xf32, #tpu.memory_space<vmem>>
        %get3A_480 = tpu.memref_squeeze %get3A_479 : memref<1x48x144xf32, #tpu.memory_space<vmem>> -> memref<48x144xf32, #tpu.memory_space<vmem>>
        %get3A_481 = arith.index_cast %scan3A_438 : i32 to index
        %get3A_482 = arith.constant 32 : index
        %get3A_483 = tpu.vector_load %get3A_480[%get3A_481, %get3A_482] {strides = array<i32>} : memref<48x144xf32, #tpu.memory_space<vmem>>, vector<16xf32>,
        %mul3A_484 = vector.broadcast %squeeze3A : f32 to vector<16xf32>
        %mul3A_485 = arith.mulf %get3A_483, %mul3A_484 : vector<16xf32>
        %swap3A_486 = arith.constant 0 : i32
        %swap3A_487 = arith.constant 0 : i32
        %swap3A_488 = tpu.memref_slice %arg13[%rem3A_290, %swap3A_486, %swap3A_487] : memref<4x48x144xf32, #tpu.memory_space<vmem>> -> memref<1x48x144xf32, #tpu.memory_space<vmem>>
        %swap3A_489 = tpu.memref_squeeze %swap3A_488 : memref<1x48x144xf32, #tpu.memory_space<vmem>> -> memref<48x144xf32, #tpu.memory_space<vmem>>
        %swap3A_490 = arith.index_cast %scan3A_438 : i32 to index
        %swap3A_491 = arith.constant 32 : index
        %swap3A_492 = tpu.vector_load %swap3A_489[%swap3A_490, %swap3A_491] {strides = array<i32>} : memref<48x144xf32, #tpu.memory_space<vmem>>, vector<16xf32>,
        tpu.vector_store %swap3A_489[%swap3A_490, %swap3A_491], %mul3A_485 {strides = array<i32>} : memref<48x144xf32, #tpu.memory_space<vmem>>, vector<16xf32>,
        %get3A_493 = arith.constant 0 : i32
        %get3A_494 = arith.constant 0 : i32
        %get3A_495 = tpu.memref_slice %arg13[%rem3A_290, %get3A_493, %get3A_494] : memref<4x48x144xf32, #tpu.memory_space<vmem>> -> memref<1x48x144xf32, #tpu.memory_space<vmem>>
        %get3A_496 = tpu.memref_squeeze %get3A_495 : memref<1x48x144xf32, #tpu.memory_space<vmem>> -> memref<48x144xf32, #tpu.memory_space<vmem>>
        %get3A_497 = arith.index_cast %scan3A_438 : i32 to index
        %get3A_498 = arith.constant 48 : index
        %get3A_499 = tpu.vector_load %get3A_496[%get3A_497, %get3A_498] {strides = array<i32>} : memref<48x144xf32, #tpu.memory_space<vmem>>, vector<16xf32>,
        %mul3A_500 = vector.broadcast %squeeze3A : f32 to vector<16xf32>
        %mul3A_501 = arith.mulf %get3A_499, %mul3A_500 : vector<16xf32>
        %swap3A_502 = arith.constant 0 : i32
        %swap3A_503 = arith.constant 0 : i32
        %swap3A_504 = tpu.memref_slice %arg13[%rem3A_290, %swap3A_502, %swap3A_503] : memref<4x48x144xf32, #tpu.memory_space<vmem>> -> memref<1x48x144xf32, #tpu.memory_space<vmem>>
        %swap3A_505 = tpu.memref_squeeze %swap3A_504 : memref<1x48x144xf32, #tpu.memory_space<vmem>> -> memref<48x144xf32, #tpu.memory_space<vmem>>
        %swap3A_506 = arith.index_cast %scan3A_438 : i32 to index
        %swap3A_507 = arith.constant 48 : index
        %swap3A_508 = tpu.vector_load %swap3A_505[%swap3A_506, %swap3A_507] {strides = array<i32>} : memref<48x144xf32, #tpu.memory_space<vmem>>, vector<16xf32>,
        tpu.vector_store %swap3A_505[%swap3A_506, %swap3A_507], %mul3A_501 {strides = array<i32>} : memref<48x144xf32, #tpu.memory_space<vmem>>, vector<16xf32>,
        %get3A_509 = arith.constant 0 : i32
        %get3A_510 = arith.constant 0 : i32
        %get3A_511 = tpu.memref_slice %arg13[%rem3A_290, %get3A_509, %get3A_510] : memref<4x48x144xf32, #tpu.memory_space<vmem>> -> memref<1x48x144xf32, #tpu.memory_space<vmem>>
        %get3A_512 = tpu.memref_squeeze %get3A_511 : memref<1x48x144xf32, #tpu.memory_space<vmem>> -> memref<48x144xf32, #tpu.memory_space<vmem>>
        %get3A_513 = arith.index_cast %scan3A_438 : i32 to index
        %get3A_514 = arith.constant 64 : index
        %get3A_515 = tpu.vector_load %get3A_512[%get3A_513, %get3A_514] {strides = array<i32>} : memref<48x144xf32, #tpu.memory_space<vmem>>, vector<16xf32>,
        %mul3A_516 = vector.broadcast %squeeze3A : f32 to vector<16xf32>
        %mul3A_517 = arith.mulf %get3A_515, %mul3A_516 : vector<16xf32>
        %swap3A_518 = arith.constant 0 : i32
        %swap3A_519 = arith.constant 0 : i32
        %swap3A_520 = tpu.memref_slice %arg13[%rem3A_290, %swap3A_518, %swap3A_519] : memref<4x48x144xf32, #tpu.memory_space<vmem>> -> memref<1x48x144xf32, #tpu.memory_space<vmem>>
        %swap3A_521 = tpu.memref_squeeze %swap3A_520 : memref<1x48x144xf32, #tpu.memory_space<vmem>> -> memref<48x144xf32, #tpu.memory_space<vmem>>
        %swap3A_522 = arith.index_cast %scan3A_438 : i32 to index
        %swap3A_523 = arith.constant 64 : index
        %swap3A_524 = tpu.vector_load %swap3A_521[%swap3A_522, %swap3A_523] {strides = array<i32>} : memref<48x144xf32, #tpu.memory_space<vmem>>, vector<16xf32>,
        tpu.vector_store %swap3A_521[%swap3A_522, %swap3A_523], %mul3A_517 {strides = array<i32>} : memref<48x144xf32, #tpu.memory_space<vmem>>, vector<16xf32>,
        %get3A_525 = arith.constant 0 : i32
        %get3A_526 = arith.constant 0 : i32
        %get3A_527 = tpu.memref_slice %arg13[%rem3A_290, %get3A_525, %get3A_526] : memref<4x48x144xf32, #tpu.memory_space<vmem>> -> memref<1x48x144xf32, #tpu.memory_space<vmem>>
        %get3A_528 = tpu.memref_squeeze %get3A_527 : memref<1x48x144xf32, #tpu.memory_space<vmem>> -> memref<48x144xf32, #tpu.memory_space<vmem>>
        %get3A_529 = arith.index_cast %scan3A_438 : i32 to index
        %get3A_530 = arith.constant 80 : index
        %get3A_531 = tpu.vector_load %get3A_528[%get3A_529, %get3A_530] {strides = array<i32>} : memref<48x144xf32, #tpu.memory_space<vmem>>, vector<16xf32>,
        %mul3A_532 = vector.broadcast %squeeze3A : f32 to vector<16xf32>
        %mul3A_533 = arith.mulf %get3A_531, %mul3A_532 : vector<16xf32>
        %swap3A_534 = arith.constant 0 : i32
        %swap3A_535 = arith.constant 0 : i32
        %swap3A_536 = tpu.memref_slice %arg13[%rem3A_290, %swap3A_534, %swap3A_535] : memref<4x48x144xf32, #tpu.memory_space<vmem>> -> memref<1x48x144xf32, #tpu.memory_space<vmem>>
        %swap3A_537 = tpu.memref_squeeze %swap3A_536 : memref<1x48x144xf32, #tpu.memory_space<vmem>> -> memref<48x144xf32, #tpu.memory_space<vmem>>
        %swap3A_538 = arith.index_cast %scan3A_438 : i32 to index
        %swap3A_539 = arith.constant 80 : index
        %swap3A_540 = tpu.vector_load %swap3A_537[%swap3A_538, %swap3A_539] {strides = array<i32>} : memref<48x144xf32, #tpu.memory_space<vmem>>, vector<16xf32>,
        tpu.vector_store %swap3A_537[%swap3A_538, %swap3A_539], %mul3A_533 {strides = array<i32>} : memref<48x144xf32, #tpu.memory_space<vmem>>, vector<16xf32>,
        %get3A_541 = arith.constant 0 : i32
        %get3A_542 = arith.constant 0 : i32
        %get3A_543 = tpu.memref_slice %arg13[%rem3A_290, %get3A_541, %get3A_542] : memref<4x48x144xf32, #tpu.memory_space<vmem>> -> memref<1x48x144xf32, #tpu.memory_space<vmem>>
        %get3A_544 = tpu.memref_squeeze %get3A_543 : memref<1x48x144xf32, #tpu.memory_space<vmem>> -> memref<48x144xf32, #tpu.memory_space<vmem>>
        %get3A_545 = arith.index_cast %scan3A_438 : i32 to index
        %get3A_546 = arith.constant 96 : index
        %get3A_547 = tpu.vector_load %get3A_544[%get3A_545, %get3A_546] {strides = array<i32>} : memref<48x144xf32, #tpu.memory_space<vmem>>, vector<16xf32>,
        %mul3A_548 = vector.broadcast %squeeze3A : f32 to vector<16xf32>
        %mul3A_549 = arith.mulf %get3A_547, %mul3A_548 : vector<16xf32>
        %swap3A_550 = arith.constant 0 : i32
        %swap3A_551 = arith.constant 0 : i32
        %swap3A_552 = tpu.memref_slice %arg13[%rem3A_290, %swap3A_550, %swap3A_551] : memref<4x48x144xf32, #tpu.memory_space<vmem>> -> memref<1x48x144xf32, #tpu.memory_space<vmem>>
        %swap3A_553 = tpu.memref_squeeze %swap3A_552 : memref<1x48x144xf32, #tpu.memory_space<vmem>> -> memref<48x144xf32, #tpu.memory_space<vmem>>
        %swap3A_554 = arith.index_cast %scan3A_438 : i32 to index
        %swap3A_555 = arith.constant 96 : index
        %swap3A_556 = tpu.vector_load %swap3A_553[%swap3A_554, %swap3A_555] {strides = array<i32>} : memref<48x144xf32, #tpu.memory_space<vmem>>, vector<16xf32>,
        tpu.vector_store %swap3A_553[%swap3A_554, %swap3A_555], %mul3A_549 {strides = array<i32>} : memref<48x144xf32, #tpu.memory_space<vmem>>, vector<16xf32>,
        %get3A_557 = arith.constant 0 : i32
        %get3A_558 = arith.constant 0 : i32
        %get3A_559 = tpu.memref_slice %arg13[%rem3A_290, %get3A_557, %get3A_558] : memref<4x48x144xf32, #tpu.memory_space<vmem>> -> memref<1x48x144xf32, #tpu.memory_space<vmem>>
        %get3A_560 = tpu.memref_squeeze %get3A_559 : memref<1x48x144xf32, #tpu.memory_space<vmem>> -> memref<48x144xf32, #tpu.memory_space<vmem>>
        %get3A_561 = arith.index_cast %scan3A_438 : i32 to index
        %get3A_562 = arith.constant 112 : index
        %get3A_563 = tpu.vector_load %get3A_560[%get3A_561, %get3A_562] {strides = array<i32>} : memref<48x144xf32, #tpu.memory_space<vmem>>, vector<16xf32>,
        %mul3A_564 = vector.broadcast %squeeze3A : f32 to vector<16xf32>
        %mul3A_565 = arith.mulf %get3A_563, %mul3A_564 : vector<16xf32>
        %swap3A_566 = arith.constant 0 : i32
        %swap3A_567 = arith.constant 0 : i32
        %swap3A_568 = tpu.memref_slice %arg13[%rem3A_290, %swap3A_566, %swap3A_567] : memref<4x48x144xf32, #tpu.memory_space<vmem>> -> memref<1x48x144xf32, #tpu.memory_space<vmem>>
        %swap3A_569 = tpu.memref_squeeze %swap3A_568 : memref<1x48x144xf32, #tpu.memory_space<vmem>> -> memref<48x144xf32, #tpu.memory_space<vmem>>
        %swap3A_570 = arith.index_cast %scan3A_438 : i32 to index
        %swap3A_571 = arith.constant 112 : index
        %swap3A_572 = tpu.vector_load %swap3A_569[%swap3A_570, %swap3A_571] {strides = array<i32>} : memref<48x144xf32, #tpu.memory_space<vmem>>, vector<16xf32>,
        tpu.vector_store %swap3A_569[%swap3A_570, %swap3A_571], %mul3A_565 {strides = array<i32>} : memref<48x144xf32, #tpu.memory_space<vmem>>, vector<16xf32>,
        %scan3A_573 = arith.constant 1 : i32
        %scan3A_574 = arith.addi %scan3A_438, %scan3A_573 : i32
        %get3A_575 = arith.constant 0 : i32
        %get3A_576 = arith.constant 0 : i32
        %get3A_577 = tpu.memref_slice %arg13[%rem3A_290, %get3A_575, %get3A_576] : memref<4x48x144xf32, #tpu.memory_space<vmem>> -> memref<1x48x144xf32, #tpu.memory_space<vmem>>
        %get3A_578 = tpu.memref_squeeze %get3A_577 : memref<1x48x144xf32, #tpu.memory_space<vmem>> -> memref<48x144xf32, #tpu.memory_space<vmem>>
        %get3A_579 = arith.index_cast %scan3A_574 : i32 to index
        %get3A_580 = arith.constant 128 : index
        %get3A_581 = tpu.vector_load %get3A_578[%get3A_579, %get3A_580] {strides = array<i32>} : memref<48x144xf32, #tpu.memory_space<vmem>>, vector<16xf32>,
        %slice3A_582 = vector.extract_strided_slice %get3A_581 {offsets = [0], sizes = [1], strides = [1]} : vector<16xf32> to vector<1xf32>
        %squeeze3A_583 = vector.extract %slice3A_582[0] : f32 from vector<1xf32>
        %get3A_584 = arith.constant 0 : i32
        %get3A_585 = arith.constant 0 : i32
        %get3A_586 = tpu.memref_slice %arg13[%rem3A_290, %get3A_584, %get3A_585] : memref<4x48x144xf32, #tpu.memory_space<vmem>> -> memref<1x48x144xf32, #tpu.memory_space<vmem>>
        %get3A_587 = tpu.memref_squeeze %get3A_586 : memref<1x48x144xf32, #tpu.memory_space<vmem>> -> memref<48x144xf32, #tpu.memory_space<vmem>>
        %get3A_588 = arith.index_cast %scan3A_574 : i32 to index
        %get3A_589 = arith.constant 0 : index
        %get3A_590 = tpu.vector_load %get3A_587[%get3A_588, %get3A_589] {strides = array<i32>} : memref<48x144xf32, #tpu.memory_space<vmem>>, vector<16xf32>,
        %mul3A_591 = vector.broadcast %squeeze3A_583 : f32 to vector<16xf32>
        %mul3A_592 = arith.mulf %get3A_590, %mul3A_591 : vector<16xf32>
        %swap3A_593 = arith.constant 0 : i32
        %swap3A_594 = arith.constant 0 : i32
        %swap3A_595 = tpu.memref_slice %arg13[%rem3A_290, %swap3A_593, %swap3A_594] : memref<4x48x144xf32, #tpu.memory_space<vmem>> -> memref<1x48x144xf32, #tpu.memory_space<vmem>>
        %swap3A_596 = tpu.memref_squeeze %swap3A_595 : memref<1x48x144xf32, #tpu.memory_space<vmem>> -> memref<48x144xf32, #tpu.memory_space<vmem>>
        %swap3A_597 = arith.index_cast %scan3A_574 : i32 to index
        %swap3A_598 = arith.constant 0 : index
        %swap3A_599 = tpu.vector_load %swap3A_596[%swap3A_597, %swap3A_598] {strides = array<i32>} : memref<48x144xf32, #tpu.memory_space<vmem>>, vector<16xf32>,
        tpu.vector_store %swap3A_596[%swap3A_597, %swap3A_598], %mul3A_592 {strides = array<i32>} : memref<48x144xf32, #tpu.memory_space<vmem>>, vector<16xf32>,
        %get3A_600 = arith.constant 0 : i32
        %get3A_601 = arith.constant 0 : i32
        %get3A_602 = tpu.memref_slice %arg13[%rem3A_290, %get3A_600, %get3A_601] : memref<4x48x144xf32, #tpu.memory_space<vmem>> -> memref<1x48x144xf32, #tpu.memory_space<vmem>>
        %get3A_603 = tpu.memref_squeeze %get3A_602 : memref<1x48x144xf32, #tpu.memory_space<vmem>> -> memref<48x144xf32, #tpu.memory_space<vmem>>
        %get3A_604 = arith.index_cast %scan3A_574 : i32 to index
        %get3A_605 = arith.constant 16 : index
        %get3A_606 = tpu.vector_load %get3A_603[%get3A_604, %get3A_605] {strides = array<i32>} : memref<48x144xf32, #tpu.memory_space<vmem>>, vector<16xf32>,
        %mul3A_607 = vector.broadcast %squeeze3A_583 : f32 to vector<16xf32>
        %mul3A_608 = arith.mulf %get3A_606, %mul3A_607 : vector<16xf32>
        %swap3A_609 = arith.constant 0 : i32
        %swap3A_610 = arith.constant 0 : i32
        %swap3A_611 = tpu.memref_slice %arg13[%rem3A_290, %swap3A_609, %swap3A_610] : memref<4x48x144xf32, #tpu.memory_space<vmem>> -> memref<1x48x144xf32, #tpu.memory_space<vmem>>
        %swap3A_612 = tpu.memref_squeeze %swap3A_611 : memref<1x48x144xf32, #tpu.memory_space<vmem>> -> memref<48x144xf32, #tpu.memory_space<vmem>>
        %swap3A_613 = arith.index_cast %scan3A_574 : i32 to index
        %swap3A_614 = arith.constant 16 : index
        %swap3A_615 = tpu.vector_load %swap3A_612[%swap3A_613, %swap3A_614] {strides = array<i32>} : memref<48x144xf32, #tpu.memory_space<vmem>>, vector<16xf32>,
        tpu.vector_store %swap3A_612[%swap3A_613, %swap3A_614], %mul3A_608 {strides = array<i32>} : memref<48x144xf32, #tpu.memory_space<vmem>>, vector<16xf32>,
        %get3A_616 = arith.constant 0 : i32
        %get3A_617 = arith.constant 0 : i32
        %get3A_618 = tpu.memref_slice %arg13[%rem3A_290, %get3A_616, %get3A_617] : memref<4x48x144xf32, #tpu.memory_space<vmem>> -> memref<1x48x144xf32, #tpu.memory_space<vmem>>
        %get3A_619 = tpu.memref_squeeze %get3A_618 : memref<1x48x144xf32, #tpu.memory_space<vmem>> -> memref<48x144xf32, #tpu.memory_space<vmem>>
        %get3A_620 = arith.index_cast %scan3A_574 : i32 to index
        %get3A_621 = arith.constant 32 : index
        %get3A_622 = tpu.vector_load %get3A_619[%get3A_620, %get3A_621] {strides = array<i32>} : memref<48x144xf32, #tpu.memory_space<vmem>>, vector<16xf32>,
        %mul3A_623 = vector.broadcast %squeeze3A_583 : f32 to vector<16xf32>
        %mul3A_624 = arith.mulf %get3A_622, %mul3A_623 : vector<16xf32>
        %swap3A_625 = arith.constant 0 : i32
        %swap3A_626 = arith.constant 0 : i32
        %swap3A_627 = tpu.memref_slice %arg13[%rem3A_290, %swap3A_625, %swap3A_626] : memref<4x48x144xf32, #tpu.memory_space<vmem>> -> memref<1x48x144xf32, #tpu.memory_space<vmem>>
        %swap3A_628 = tpu.memref_squeeze %swap3A_627 : memref<1x48x144xf32, #tpu.memory_space<vmem>> -> memref<48x144xf32, #tpu.memory_space<vmem>>
        %swap3A_629 = arith.index_cast %scan3A_574 : i32 to index
        %swap3A_630 = arith.constant 32 : index
        %swap3A_631 = tpu.vector_load %swap3A_628[%swap3A_629, %swap3A_630] {strides = array<i32>} : memref<48x144xf32, #tpu.memory_space<vmem>>, vector<16xf32>,
        tpu.vector_store %swap3A_628[%swap3A_629, %swap3A_630], %mul3A_624 {strides = array<i32>} : memref<48x144xf32, #tpu.memory_space<vmem>>, vector<16xf32>,
        %get3A_632 = arith.constant 0 : i32
        %get3A_633 = arith.constant 0 : i32
        %get3A_634 = tpu.memref_slice %arg13[%rem3A_290, %get3A_632, %get3A_633] : memref<4x48x144xf32, #tpu.memory_space<vmem>> -> memref<1x48x144xf32, #tpu.memory_space<vmem>>
        %get3A_635 = tpu.memref_squeeze %get3A_634 : memref<1x48x144xf32, #tpu.memory_space<vmem>> -> memref<48x144xf32, #tpu.memory_space<vmem>>
        %get3A_636 = arith.index_cast %scan3A_574 : i32 to index
        %get3A_637 = arith.constant 48 : index
        %get3A_638 = tpu.vector_load %get3A_635[%get3A_636, %get3A_637] {strides = array<i32>} : memref<48x144xf32, #tpu.memory_space<vmem>>, vector<16xf32>,
        %mul3A_639 = vector.broadcast %squeeze3A_583 : f32 to vector<16xf32>
        %mul3A_640 = arith.mulf %get3A_638, %mul3A_639 : vector<16xf32>
        %swap3A_641 = arith.constant 0 : i32
        %swap3A_642 = arith.constant 0 : i32
        %swap3A_643 = tpu.memref_slice %arg13[%rem3A_290, %swap3A_641, %swap3A_642] : memref<4x48x144xf32, #tpu.memory_space<vmem>> -> memref<1x48x144xf32, #tpu.memory_space<vmem>>
        %swap3A_644 = tpu.memref_squeeze %swap3A_643 : memref<1x48x144xf32, #tpu.memory_space<vmem>> -> memref<48x144xf32, #tpu.memory_space<vmem>>
        %swap3A_645 = arith.index_cast %scan3A_574 : i32 to index
        %swap3A_646 = arith.constant 48 : index
        %swap3A_647 = tpu.vector_load %swap3A_644[%swap3A_645, %swap3A_646] {strides = array<i32>} : memref<48x144xf32, #tpu.memory_space<vmem>>, vector<16xf32>,
        tpu.vector_store %swap3A_644[%swap3A_645, %swap3A_646], %mul3A_640 {strides = array<i32>} : memref<48x144xf32, #tpu.memory_space<vmem>>, vector<16xf32>,
        %get3A_648 = arith.constant 0 : i32
        %get3A_649 = arith.constant 0 : i32
        %get3A_650 = tpu.memref_slice %arg13[%rem3A_290, %get3A_648, %get3A_649] : memref<4x48x144xf32, #tpu.memory_space<vmem>> -> memref<1x48x144xf32, #tpu.memory_space<vmem>>
        %get3A_651 = tpu.memref_squeeze %get3A_650 : memref<1x48x144xf32, #tpu.memory_space<vmem>> -> memref<48x144xf32, #tpu.memory_space<vmem>>
        %get3A_652 = arith.index_cast %scan3A_574 : i32 to index
        %get3A_653 = arith.constant 64 : index
        %get3A_654 = tpu.vector_load %get3A_651[%get3A_652, %get3A_653] {strides = array<i32>} : memref<48x144xf32, #tpu.memory_space<vmem>>, vector<16xf32>,
        %mul3A_655 = vector.broadcast %squeeze3A_583 : f32 to vector<16xf32>
        %mul3A_656 = arith.mulf %get3A_654, %mul3A_655 : vector<16xf32>
        %swap3A_657 = arith.constant 0 : i32
        %swap3A_658 = arith.constant 0 : i32
        %swap3A_659 = tpu.memref_slice %arg13[%rem3A_290, %swap3A_657, %swap3A_658] : memref<4x48x144xf32, #tpu.memory_space<vmem>> -> memref<1x48x144xf32, #tpu.memory_space<vmem>>
        %swap3A_660 = tpu.memref_squeeze %swap3A_659 : memref<1x48x144xf32, #tpu.memory_space<vmem>> -> memref<48x144xf32, #tpu.memory_space<vmem>>
        %swap3A_661 = arith.index_cast %scan3A_574 : i32 to index
        %swap3A_662 = arith.constant 64 : index
        %swap3A_663 = tpu.vector_load %swap3A_660[%swap3A_661, %swap3A_662] {strides = array<i32>} : memref<48x144xf32, #tpu.memory_space<vmem>>, vector<16xf32>,
        tpu.vector_store %swap3A_660[%swap3A_661, %swap3A_662], %mul3A_656 {strides = array<i32>} : memref<48x144xf32, #tpu.memory_space<vmem>>, vector<16xf32>,
        %get3A_664 = arith.constant 0 : i32
        %get3A_665 = arith.constant 0 : i32
        %get3A_666 = tpu.memref_slice %arg13[%rem3A_290, %get3A_664, %get3A_665] : memref<4x48x144xf32, #tpu.memory_space<vmem>> -> memref<1x48x144xf32, #tpu.memory_space<vmem>>
        %get3A_667 = tpu.memref_squeeze %get3A_666 : memref<1x48x144xf32, #tpu.memory_space<vmem>> -> memref<48x144xf32, #tpu.memory_space<vmem>>
        %get3A_668 = arith.index_cast %scan3A_574 : i32 to index
        %get3A_669 = arith.constant 80 : index
        %get3A_670 = tpu.vector_load %get3A_667[%get3A_668, %get3A_669] {strides = array<i32>} : memref<48x144xf32, #tpu.memory_space<vmem>>, vector<16xf32>,
        %mul3A_671 = vector.broadcast %squeeze3A_583 : f32 to vector<16xf32>
        %mul3A_672 = arith.mulf %get3A_670, %mul3A_671 : vector<16xf32>
        %swap3A_673 = arith.constant 0 : i32
        %swap3A_674 = arith.constant 0 : i32
        %swap3A_675 = tpu.memref_slice %arg13[%rem3A_290, %swap3A_673, %swap3A_674] : memref<4x48x144xf32, #tpu.memory_space<vmem>> -> memref<1x48x144xf32, #tpu.memory_space<vmem>>
        %swap3A_676 = tpu.memref_squeeze %swap3A_675 : memref<1x48x144xf32, #tpu.memory_space<vmem>> -> memref<48x144xf32, #tpu.memory_space<vmem>>
        %swap3A_677 = arith.index_cast %scan3A_574 : i32 to index
        %swap3A_678 = arith.constant 80 : index
        %swap3A_679 = tpu.vector_load %swap3A_676[%swap3A_677, %swap3A_678] {strides = array<i32>} : memref<48x144xf32, #tpu.memory_space<vmem>>, vector<16xf32>,
        tpu.vector_store %swap3A_676[%swap3A_677, %swap3A_678], %mul3A_672 {strides = array<i32>} : memref<48x144xf32, #tpu.memory_space<vmem>>, vector<16xf32>,
        %get3A_680 = arith.constant 0 : i32
        %get3A_681 = arith.constant 0 : i32
        %get3A_682 = tpu.memref_slice %arg13[%rem3A_290, %get3A_680, %get3A_681] : memref<4x48x144xf32, #tpu.memory_space<vmem>> -> memref<1x48x144xf32, #tpu.memory_space<vmem>>
        %get3A_683 = tpu.memref_squeeze %get3A_682 : memref<1x48x144xf32, #tpu.memory_space<vmem>> -> memref<48x144xf32, #tpu.memory_space<vmem>>
        %get3A_684 = arith.index_cast %scan3A_574 : i32 to index
        %get3A_685 = arith.constant 96 : index
        %get3A_686 = tpu.vector_load %get3A_683[%get3A_684, %get3A_685] {strides = array<i32>} : memref<48x144xf32, #tpu.memory_space<vmem>>, vector<16xf32>,
        %mul3A_687 = vector.broadcast %squeeze3A_583 : f32 to vector<16xf32>
        %mul3A_688 = arith.mulf %get3A_686, %mul3A_687 : vector<16xf32>
        %swap3A_689 = arith.constant 0 : i32
        %swap3A_690 = arith.constant 0 : i32
        %swap3A_691 = tpu.memref_slice %arg13[%rem3A_290, %swap3A_689, %swap3A_690] : memref<4x48x144xf32, #tpu.memory_space<vmem>> -> memref<1x48x144xf32, #tpu.memory_space<vmem>>
        %swap3A_692 = tpu.memref_squeeze %swap3A_691 : memref<1x48x144xf32, #tpu.memory_space<vmem>> -> memref<48x144xf32, #tpu.memory_space<vmem>>
        %swap3A_693 = arith.index_cast %scan3A_574 : i32 to index
        %swap3A_694 = arith.constant 96 : index
        %swap3A_695 = tpu.vector_load %swap3A_692[%swap3A_693, %swap3A_694] {strides = array<i32>} : memref<48x144xf32, #tpu.memory_space<vmem>>, vector<16xf32>,
        tpu.vector_store %swap3A_692[%swap3A_693, %swap3A_694], %mul3A_688 {strides = array<i32>} : memref<48x144xf32, #tpu.memory_space<vmem>>, vector<16xf32>,
        %get3A_696 = arith.constant 0 : i32
        %get3A_697 = arith.constant 0 : i32
        %get3A_698 = tpu.memref_slice %arg13[%rem3A_290, %get3A_696, %get3A_697] : memref<4x48x144xf32, #tpu.memory_space<vmem>> -> memref<1x48x144xf32, #tpu.memory_space<vmem>>
        %get3A_699 = tpu.memref_squeeze %get3A_698 : memref<1x48x144xf32, #tpu.memory_space<vmem>> -> memref<48x144xf32, #tpu.memory_space<vmem>>
        %get3A_700 = arith.index_cast %scan3A_574 : i32 to index
        %get3A_701 = arith.constant 112 : index
        %get3A_702 = tpu.vector_load %get3A_699[%get3A_700, %get3A_701] {strides = array<i32>} : memref<48x144xf32, #tpu.memory_space<vmem>>, vector<16xf32>,
        %mul3A_703 = vector.broadcast %squeeze3A_583 : f32 to vector<16xf32>
        %mul3A_704 = arith.mulf %get3A_702, %mul3A_703 : vector<16xf32>
        %swap3A_705 = arith.constant 0 : i32
        %swap3A_706 = arith.constant 0 : i32
        %swap3A_707 = tpu.memref_slice %arg13[%rem3A_290, %swap3A_705, %swap3A_706] : memref<4x48x144xf32, #tpu.memory_space<vmem>> -> memref<1x48x144xf32, #tpu.memory_space<vmem>>
        %swap3A_708 = tpu.memref_squeeze %swap3A_707 : memref<1x48x144xf32, #tpu.memory_space<vmem>> -> memref<48x144xf32, #tpu.memory_space<vmem>>
        %swap3A_709 = arith.index_cast %scan3A_574 : i32 to index
        %swap3A_710 = arith.constant 112 : index
        %swap3A_711 = tpu.vector_load %swap3A_708[%swap3A_709, %swap3A_710] {strides = array<i32>} : memref<48x144xf32, #tpu.memory_space<vmem>>, vector<16xf32>,
        tpu.vector_store %swap3A_708[%swap3A_709, %swap3A_710], %mul3A_704 {strides = array<i32>} : memref<48x144xf32, #tpu.memory_space<vmem>>, vector<16xf32>,
        %scan3A_712 = arith.constant 2 : i32
        %scan3A_713 = arith.addi %scan3A_438, %scan3A_712 : i32
        %get3A_714 = arith.constant 0 : i32
        %get3A_715 = arith.constant 0 : i32
        %get3A_716 = tpu.memref_slice %arg13[%rem3A_290, %get3A_714, %get3A_715] : memref<4x48x144xf32, #tpu.memory_space<vmem>> -> memref<1x48x144xf32, #tpu.memory_space<vmem>>
        %get3A_717 = tpu.memref_squeeze %get3A_716 : memref<1x48x144xf32, #tpu.memory_space<vmem>> -> memref<48x144xf32, #tpu.memory_space<vmem>>
        %get3A_718 = arith.index_cast %scan3A_713 : i32 to index
        %get3A_719 = arith.constant 128 : index
        %get3A_720 = tpu.vector_load %get3A_717[%get3A_718, %get3A_719] {strides = array<i32>} : memref<48x144xf32, #tpu.memory_space<vmem>>, vector<16xf32>,
        %slice3A_721 = vector.extract_strided_slice %get3A_720 {offsets = [0], sizes = [1], strides = [1]} : vector<16xf32> to vector<1xf32>
        %squeeze3A_722 = vector.extract %slice3A_721[0] : f32 from vector<1xf32>
        %get3A_723 = arith.constant 0 : i32
        %get3A_724 = arith.constant 0 : i32
        %get3A_725 = tpu.memref_slice %arg13[%rem3A_290, %get3A_723, %get3A_724] : memref<4x48x144xf32, #tpu.memory_space<vmem>> -> memref<1x48x144xf32, #tpu.memory_space<vmem>>
        %get3A_726 = tpu.memref_squeeze %get3A_725 : memref<1x48x144xf32, #tpu.memory_space<vmem>> -> memref<48x144xf32, #tpu.memory_space<vmem>>
        %get3A_727 = arith.index_cast %scan3A_713 : i32 to index
        %get3A_728 = arith.constant 0 : index
        %get3A_729 = tpu.vector_load %get3A_726[%get3A_727, %get3A_728] {strides = array<i32>} : memref<48x144xf32, #tpu.memory_space<vmem>>, vector<16xf32>,
        %mul3A_730 = vector.broadcast %squeeze3A_722 : f32 to vector<16xf32>
        %mul3A_731 = arith.mulf %get3A_729, %mul3A_730 : vector<16xf32>
        %swap3A_732 = arith.constant 0 : i32
        %swap3A_733 = arith.constant 0 : i32
        %swap3A_734 = tpu.memref_slice %arg13[%rem3A_290, %swap3A_732, %swap3A_733] : memref<4x48x144xf32, #tpu.memory_space<vmem>> -> memref<1x48x144xf32, #tpu.memory_space<vmem>>
        %swap3A_735 = tpu.memref_squeeze %swap3A_734 : memref<1x48x144xf32, #tpu.memory_space<vmem>> -> memref<48x144xf32, #tpu.memory_space<vmem>>
        %swap3A_736 = arith.index_cast %scan3A_713 : i32 to index
        %swap3A_737 = arith.constant 0 : index
        %swap3A_738 = tpu.vector_load %swap3A_735[%swap3A_736, %swap3A_737] {strides = array<i32>} : memref<48x144xf32, #tpu.memory_space<vmem>>, vector<16xf32>,
        tpu.vector_store %swap3A_735[%swap3A_736, %swap3A_737], %mul3A_731 {strides = array<i32>} : memref<48x144xf32, #tpu.memory_space<vmem>>, vector<16xf32>,
        %get3A_739 = arith.constant 0 : i32
        %get3A_740 = arith.constant 0 : i32
        %get3A_741 = tpu.memref_slice %arg13[%rem3A_290, %get3A_739, %get3A_740] : memref<4x48x144xf32, #tpu.memory_space<vmem>> -> memref<1x48x144xf32, #tpu.memory_space<vmem>>
        %get3A_742 = tpu.memref_squeeze %get3A_741 : memref<1x48x144xf32, #tpu.memory_space<vmem>> -> memref<48x144xf32, #tpu.memory_space<vmem>>
        %get3A_743 = arith.index_cast %scan3A_713 : i32 to index
        %get3A_744 = arith.constant 16 : index
        %get3A_745 = tpu.vector_load %get3A_742[%get3A_743, %get3A_744] {strides = array<i32>} : memref<48x144xf32, #tpu.memory_space<vmem>>, vector<16xf32>,
        %mul3A_746 = vector.broadcast %squeeze3A_722 : f32 to vector<16xf32>
        %mul3A_747 = arith.mulf %get3A_745, %mul3A_746 : vector<16xf32>
        %swap3A_748 = arith.constant 0 : i32
        %swap3A_749 = arith.constant 0 : i32
        %swap3A_750 = tpu.memref_slice %arg13[%rem3A_290, %swap3A_748, %swap3A_749] : memref<4x48x144xf32, #tpu.memory_space<vmem>> -> memref<1x48x144xf32, #tpu.memory_space<vmem>>
        %swap3A_751 = tpu.memref_squeeze %swap3A_750 : memref<1x48x144xf32, #tpu.memory_space<vmem>> -> memref<48x144xf32, #tpu.memory_space<vmem>>
        %swap3A_752 = arith.index_cast %scan3A_713 : i32 to index
        %swap3A_753 = arith.constant 16 : index
        %swap3A_754 = tpu.vector_load %swap3A_751[%swap3A_752, %swap3A_753] {strides = array<i32>} : memref<48x144xf32, #tpu.memory_space<vmem>>, vector<16xf32>,
        tpu.vector_store %swap3A_751[%swap3A_752, %swap3A_753], %mul3A_747 {strides = array<i32>} : memref<48x144xf32, #tpu.memory_space<vmem>>, vector<16xf32>,
        %get3A_755 = arith.constant 0 : i32
        %get3A_756 = arith.constant 0 : i32
        %get3A_757 = tpu.memref_slice %arg13[%rem3A_290, %get3A_755, %get3A_756] : memref<4x48x144xf32, #tpu.memory_space<vmem>> -> memref<1x48x144xf32, #tpu.memory_space<vmem>>
        %get3A_758 = tpu.memref_squeeze %get3A_757 : memref<1x48x144xf32, #tpu.memory_space<vmem>> -> memref<48x144xf32, #tpu.memory_space<vmem>>
        %get3A_759 = arith.index_cast %scan3A_713 : i32 to index
        %get3A_760 = arith.constant 32 : index
        %get3A_761 = tpu.vector_load %get3A_758[%get3A_759, %get3A_760] {strides = array<i32>} : memref<48x144xf32, #tpu.memory_space<vmem>>, vector<16xf32>,
        %mul3A_762 = vector.broadcast %squeeze3A_722 : f32 to vector<16xf32>
        %mul3A_763 = arith.mulf %get3A_761, %mul3A_762 : vector<16xf32>
        %swap3A_764 = arith.constant 0 : i32
        %swap3A_765 = arith.constant 0 : i32
        %swap3A_766 = tpu.memref_slice %arg13[%rem3A_290, %swap3A_764, %swap3A_765] : memref<4x48x144xf32, #tpu.memory_space<vmem>> -> memref<1x48x144xf32, #tpu.memory_space<vmem>>
        %swap3A_767 = tpu.memref_squeeze %swap3A_766 : memref<1x48x144xf32, #tpu.memory_space<vmem>> -> memref<48x144xf32, #tpu.memory_space<vmem>>
        %swap3A_768 = arith.index_cast %scan3A_713 : i32 to index
        %swap3A_769 = arith.constant 32 : index
        %swap3A_770 = tpu.vector_load %swap3A_767[%swap3A_768, %swap3A_769] {strides = array<i32>} : memref<48x144xf32, #tpu.memory_space<vmem>>, vector<16xf32>,
        tpu.vector_store %swap3A_767[%swap3A_768, %swap3A_769], %mul3A_763 {strides = array<i32>} : memref<48x144xf32, #tpu.memory_space<vmem>>, vector<16xf32>,
        %get3A_771 = arith.constant 0 : i32
        %get3A_772 = arith.constant 0 : i32
        %get3A_773 = tpu.memref_slice %arg13[%rem3A_290, %get3A_771, %get3A_772] : memref<4x48x144xf32, #tpu.memory_space<vmem>> -> memref<1x48x144xf32, #tpu.memory_space<vmem>>
        %get3A_774 = tpu.memref_squeeze %get3A_773 : memref<1x48x144xf32, #tpu.memory_space<vmem>> -> memref<48x144xf32, #tpu.memory_space<vmem>>
        %get3A_775 = arith.index_cast %scan3A_713 : i32 to index
        %get3A_776 = arith.constant 48 : index
        %get3A_777 = tpu.vector_load %get3A_774[%get3A_775, %get3A_776] {strides = array<i32>} : memref<48x144xf32, #tpu.memory_space<vmem>>, vector<16xf32>,
        %mul3A_778 = vector.broadcast %squeeze3A_722 : f32 to vector<16xf32>
        %mul3A_779 = arith.mulf %get3A_777, %mul3A_778 : vector<16xf32>
        %swap3A_780 = arith.constant 0 : i32
        %swap3A_781 = arith.constant 0 : i32
        %swap3A_782 = tpu.memref_slice %arg13[%rem3A_290, %swap3A_780, %swap3A_781] : memref<4x48x144xf32, #tpu.memory_space<vmem>> -> memref<1x48x144xf32, #tpu.memory_space<vmem>>
        %swap3A_783 = tpu.memref_squeeze %swap3A_782 : memref<1x48x144xf32, #tpu.memory_space<vmem>> -> memref<48x144xf32, #tpu.memory_space<vmem>>
        %swap3A_784 = arith.index_cast %scan3A_713 : i32 to index
        %swap3A_785 = arith.constant 48 : index
        %swap3A_786 = tpu.vector_load %swap3A_783[%swap3A_784, %swap3A_785] {strides = array<i32>} : memref<48x144xf32, #tpu.memory_space<vmem>>, vector<16xf32>,
        tpu.vector_store %swap3A_783[%swap3A_784, %swap3A_785], %mul3A_779 {strides = array<i32>} : memref<48x144xf32, #tpu.memory_space<vmem>>, vector<16xf32>,
        %get3A_787 = arith.constant 0 : i32
        %get3A_788 = arith.constant 0 : i32
        %get3A_789 = tpu.memref_slice %arg13[%rem3A_290, %get3A_787, %get3A_788] : memref<4x48x144xf32, #tpu.memory_space<vmem>> -> memref<1x48x144xf32, #tpu.memory_space<vmem>>
        %get3A_790 = tpu.memref_squeeze %get3A_789 : memref<1x48x144xf32, #tpu.memory_space<vmem>> -> memref<48x144xf32, #tpu.memory_space<vmem>>
        %get3A_791 = arith.index_cast %scan3A_713 : i32 to index
        %get3A_792 = arith.constant 64 : index
        %get3A_793 = tpu.vector_load %get3A_790[%get3A_791, %get3A_792] {strides = array<i32>} : memref<48x144xf32, #tpu.memory_space<vmem>>, vector<16xf32>,
        %mul3A_794 = vector.broadcast %squeeze3A_722 : f32 to vector<16xf32>
        %mul3A_795 = arith.mulf %get3A_793, %mul3A_794 : vector<16xf32>
        %swap3A_796 = arith.constant 0 : i32
        %swap3A_797 = arith.constant 0 : i32
        %swap3A_798 = tpu.memref_slice %arg13[%rem3A_290, %swap3A_796, %swap3A_797] : memref<4x48x144xf32, #tpu.memory_space<vmem>> -> memref<1x48x144xf32, #tpu.memory_space<vmem>>
        %swap3A_799 = tpu.memref_squeeze %swap3A_798 : memref<1x48x144xf32, #tpu.memory_space<vmem>> -> memref<48x144xf32, #tpu.memory_space<vmem>>
        %swap3A_800 = arith.index_cast %scan3A_713 : i32 to index
        %swap3A_801 = arith.constant 64 : index
        %swap3A_802 = tpu.vector_load %swap3A_799[%swap3A_800, %swap3A_801] {strides = array<i32>} : memref<48x144xf32, #tpu.memory_space<vmem>>, vector<16xf32>,
        tpu.vector_store %swap3A_799[%swap3A_800, %swap3A_801], %mul3A_795 {strides = array<i32>} : memref<48x144xf32, #tpu.memory_space<vmem>>, vector<16xf32>,
        %get3A_803 = arith.constant 0 : i32
        %get3A_804 = arith.constant 0 : i32
        %get3A_805 = tpu.memref_slice %arg13[%rem3A_290, %get3A_803, %get3A_804] : memref<4x48x144xf32, #tpu.memory_space<vmem>> -> memref<1x48x144xf32, #tpu.memory_space<vmem>>
        %get3A_806 = tpu.memref_squeeze %get3A_805 : memref<1x48x144xf32, #tpu.memory_space<vmem>> -> memref<48x144xf32, #tpu.memory_space<vmem>>
        %get3A_807 = arith.index_cast %scan3A_713 : i32 to index
        %get3A_808 = arith.constant 80 : index
        %get3A_809 = tpu.vector_load %get3A_806[%get3A_807, %get3A_808] {strides = array<i32>} : memref<48x144xf32, #tpu.memory_space<vmem>>, vector<16xf32>,
        %mul3A_810 = vector.broadcast %squeeze3A_722 : f32 to vector<16xf32>
        %mul3A_811 = arith.mulf %get3A_809, %mul3A_810 : vector<16xf32>
        %swap3A_812 = arith.constant 0 : i32
        %swap3A_813 = arith.constant 0 : i32
        %swap3A_814 = tpu.memref_slice %arg13[%rem3A_290, %swap3A_812, %swap3A_813] : memref<4x48x144xf32, #tpu.memory_space<vmem>> -> memref<1x48x144xf32, #tpu.memory_space<vmem>>
        %swap3A_815 = tpu.memref_squeeze %swap3A_814 : memref<1x48x144xf32, #tpu.memory_space<vmem>> -> memref<48x144xf32, #tpu.memory_space<vmem>>
        %swap3A_816 = arith.index_cast %scan3A_713 : i32 to index
        %swap3A_817 = arith.constant 80 : index
        %swap3A_818 = tpu.vector_load %swap3A_815[%swap3A_816, %swap3A_817] {strides = array<i32>} : memref<48x144xf32, #tpu.memory_space<vmem>>, vector<16xf32>,
        tpu.vector_store %swap3A_815[%swap3A_816, %swap3A_817], %mul3A_811 {strides = array<i32>} : memref<48x144xf32, #tpu.memory_space<vmem>>, vector<16xf32>,
        %get3A_819 = arith.constant 0 : i32
        %get3A_820 = arith.constant 0 : i32
        %get3A_821 = tpu.memref_slice %arg13[%rem3A_290, %get3A_819, %get3A_820] : memref<4x48x144xf32, #tpu.memory_space<vmem>> -> memref<1x48x144xf32, #tpu.memory_space<vmem>>
        %get3A_822 = tpu.memref_squeeze %get3A_821 : memref<1x48x144xf32, #tpu.memory_space<vmem>> -> memref<48x144xf32, #tpu.memory_space<vmem>>
        %get3A_823 = arith.index_cast %scan3A_713 : i32 to index
        %get3A_824 = arith.constant 96 : index
        %get3A_825 = tpu.vector_load %get3A_822[%get3A_823, %get3A_824] {strides = array<i32>} : memref<48x144xf32, #tpu.memory_space<vmem>>, vector<16xf32>,
        %mul3A_826 = vector.broadcast %squeeze3A_722 : f32 to vector<16xf32>
        %mul3A_827 = arith.mulf %get3A_825, %mul3A_826 : vector<16xf32>
        %swap3A_828 = arith.constant 0 : i32
        %swap3A_829 = arith.constant 0 : i32
        %swap3A_830 = tpu.memref_slice %arg13[%rem3A_290, %swap3A_828, %swap3A_829] : memref<4x48x144xf32, #tpu.memory_space<vmem>> -> memref<1x48x144xf32, #tpu.memory_space<vmem>>
        %swap3A_831 = tpu.memref_squeeze %swap3A_830 : memref<1x48x144xf32, #tpu.memory_space<vmem>> -> memref<48x144xf32, #tpu.memory_space<vmem>>
        %swap3A_832 = arith.index_cast %scan3A_713 : i32 to index
        %swap3A_833 = arith.constant 96 : index
        %swap3A_834 = tpu.vector_load %swap3A_831[%swap3A_832, %swap3A_833] {strides = array<i32>} : memref<48x144xf32, #tpu.memory_space<vmem>>, vector<16xf32>,
        tpu.vector_store %swap3A_831[%swap3A_832, %swap3A_833], %mul3A_827 {strides = array<i32>} : memref<48x144xf32, #tpu.memory_space<vmem>>, vector<16xf32>,
        %get3A_835 = arith.constant 0 : i32
        %get3A_836 = arith.constant 0 : i32
        %get3A_837 = tpu.memref_slice %arg13[%rem3A_290, %get3A_835, %get3A_836] : memref<4x48x144xf32, #tpu.memory_space<vmem>> -> memref<1x48x144xf32, #tpu.memory_space<vmem>>
        %get3A_838 = tpu.memref_squeeze %get3A_837 : memref<1x48x144xf32, #tpu.memory_space<vmem>> -> memref<48x144xf32, #tpu.memory_space<vmem>>
        %get3A_839 = arith.index_cast %scan3A_713 : i32 to index
        %get3A_840 = arith.constant 112 : index
        %get3A_841 = tpu.vector_load %get3A_838[%get3A_839, %get3A_840] {strides = array<i32>} : memref<48x144xf32, #tpu.memory_space<vmem>>, vector<16xf32>,
        %mul3A_842 = vector.broadcast %squeeze3A_722 : f32 to vector<16xf32>
        %mul3A_843 = arith.mulf %get3A_841, %mul3A_842 : vector<16xf32>
        %swap3A_844 = arith.constant 0 : i32
        %swap3A_845 = arith.constant 0 : i32
        %swap3A_846 = tpu.memref_slice %arg13[%rem3A_290, %swap3A_844, %swap3A_845] : memref<4x48x144xf32, #tpu.memory_space<vmem>> -> memref<1x48x144xf32, #tpu.memory_space<vmem>>
        %swap3A_847 = tpu.memref_squeeze %swap3A_846 : memref<1x48x144xf32, #tpu.memory_space<vmem>> -> memref<48x144xf32, #tpu.memory_space<vmem>>
        %swap3A_848 = arith.index_cast %scan3A_713 : i32 to index
        %swap3A_849 = arith.constant 112 : index
        %swap3A_850 = tpu.vector_load %swap3A_847[%swap3A_848, %swap3A_849] {strides = array<i32>} : memref<48x144xf32, #tpu.memory_space<vmem>>, vector<16xf32>,
        tpu.vector_store %swap3A_847[%swap3A_848, %swap3A_849], %mul3A_843 {strides = array<i32>} : memref<48x144xf32, #tpu.memory_space<vmem>>, vector<16xf32>,
        %scan3A_851 = arith.constant 3 : i32
        %scan3A_852 = arith.addi %scan3A_438, %scan3A_851 : i32
        %get3A_853 = arith.constant 0 : i32
        %get3A_854 = arith.constant 0 : i32
        %get3A_855 = tpu.memref_slice %arg13[%rem3A_290, %get3A_853, %get3A_854] : memref<4x48x144xf32, #tpu.memory_space<vmem>> -> memref<1x48x144xf32, #tpu.memory_space<vmem>>
        %get3A_856 = tpu.memref_squeeze %get3A_855 : memref<1x48x144xf32, #tpu.memory_space<vmem>> -> memref<48x144xf32, #tpu.memory_space<vmem>>
        %get3A_857 = arith.index_cast %scan3A_852 : i32 to index
        %get3A_858 = arith.constant 128 : index
        %get3A_859 = tpu.vector_load %get3A_856[%get3A_857, %get3A_858] {strides = array<i32>} : memref<48x144xf32, #tpu.memory_space<vmem>>, vector<16xf32>,
        %slice3A_860 = vector.extract_strided_slice %get3A_859 {offsets = [0], sizes = [1], strides = [1]} : vector<16xf32> to vector<1xf32>
        %squeeze3A_861 = vector.extract %slice3A_860[0] : f32 from vector<1xf32>
        %get3A_862 = arith.constant 0 : i32
        %get3A_863 = arith.constant 0 : i32
        %get3A_864 = tpu.memref_slice %arg13[%rem3A_290, %get3A_862, %get3A_863] : memref<4x48x144xf32, #tpu.memory_space<vmem>> -> memref<1x48x144xf32, #tpu.memory_space<vmem>>
        %get3A_865 = tpu.memref_squeeze %get3A_864 : memref<1x48x144xf32, #tpu.memory_space<vmem>> -> memref<48x144xf32, #tpu.memory_space<vmem>>
        %get3A_866 = arith.index_cast %scan3A_852 : i32 to index
        %get3A_867 = arith.constant 0 : index
        %get3A_868 = tpu.vector_load %get3A_865[%get3A_866, %get3A_867] {strides = array<i32>} : memref<48x144xf32, #tpu.memory_space<vmem>>, vector<16xf32>,
        %mul3A_869 = vector.broadcast %squeeze3A_861 : f32 to vector<16xf32>
        %mul3A_870 = arith.mulf %get3A_868, %mul3A_869 : vector<16xf32>
        %swap3A_871 = arith.constant 0 : i32
        %swap3A_872 = arith.constant 0 : i32
        %swap3A_873 = tpu.memref_slice %arg13[%rem3A_290, %swap3A_871, %swap3A_872] : memref<4x48x144xf32, #tpu.memory_space<vmem>> -> memref<1x48x144xf32, #tpu.memory_space<vmem>>
        %swap3A_874 = tpu.memref_squeeze %swap3A_873 : memref<1x48x144xf32, #tpu.memory_space<vmem>> -> memref<48x144xf32, #tpu.memory_space<vmem>>
        %swap3A_875 = arith.index_cast %scan3A_852 : i32 to index
        %swap3A_876 = arith.constant 0 : index
        %swap3A_877 = tpu.vector_load %swap3A_874[%swap3A_875, %swap3A_876] {strides = array<i32>} : memref<48x144xf32, #tpu.memory_space<vmem>>, vector<16xf32>,
        tpu.vector_store %swap3A_874[%swap3A_875, %swap3A_876], %mul3A_870 {strides = array<i32>} : memref<48x144xf32, #tpu.memory_space<vmem>>, vector<16xf32>,
        %get3A_878 = arith.constant 0 : i32
        %get3A_879 = arith.constant 0 : i32
        %get3A_880 = tpu.memref_slice %arg13[%rem3A_290, %get3A_878, %get3A_879] : memref<4x48x144xf32, #tpu.memory_space<vmem>> -> memref<1x48x144xf32, #tpu.memory_space<vmem>>
        %get3A_881 = tpu.memref_squeeze %get3A_880 : memref<1x48x144xf32, #tpu.memory_space<vmem>> -> memref<48x144xf32, #tpu.memory_space<vmem>>
        %get3A_882 = arith.index_cast %scan3A_852 : i32 to index
        %get3A_883 = arith.constant 16 : index
        %get3A_884 = tpu.vector_load %get3A_881[%get3A_882, %get3A_883] {strides = array<i32>} : memref<48x144xf32, #tpu.memory_space<vmem>>, vector<16xf32>,
        %mul3A_885 = vector.broadcast %squeeze3A_861 : f32 to vector<16xf32>
        %mul3A_886 = arith.mulf %get3A_884, %mul3A_885 : vector<16xf32>
        %swap3A_887 = arith.constant 0 : i32
        %swap3A_888 = arith.constant 0 : i32
        %swap3A_889 = tpu.memref_slice %arg13[%rem3A_290, %swap3A_887, %swap3A_888] : memref<4x48x144xf32, #tpu.memory_space<vmem>> -> memref<1x48x144xf32, #tpu.memory_space<vmem>>
        %swap3A_890 = tpu.memref_squeeze %swap3A_889 : memref<1x48x144xf32, #tpu.memory_space<vmem>> -> memref<48x144xf32, #tpu.memory_space<vmem>>
        %swap3A_891 = arith.index_cast %scan3A_852 : i32 to index
        %swap3A_892 = arith.constant 16 : index
        %swap3A_893 = tpu.vector_load %swap3A_890[%swap3A_891, %swap3A_892] {strides = array<i32>} : memref<48x144xf32, #tpu.memory_space<vmem>>, vector<16xf32>,
        tpu.vector_store %swap3A_890[%swap3A_891, %swap3A_892], %mul3A_886 {strides = array<i32>} : memref<48x144xf32, #tpu.memory_space<vmem>>, vector<16xf32>,
        %get3A_894 = arith.constant 0 : i32
        %get3A_895 = arith.constant 0 : i32
        %get3A_896 = tpu.memref_slice %arg13[%rem3A_290, %get3A_894, %get3A_895] : memref<4x48x144xf32, #tpu.memory_space<vmem>> -> memref<1x48x144xf32, #tpu.memory_space<vmem>>
        %get3A_897 = tpu.memref_squeeze %get3A_896 : memref<1x48x144xf32, #tpu.memory_space<vmem>> -> memref<48x144xf32, #tpu.memory_space<vmem>>
        %get3A_898 = arith.index_cast %scan3A_852 : i32 to index
        %get3A_899 = arith.constant 32 : index
        %get3A_900 = tpu.vector_load %get3A_897[%get3A_898, %get3A_899] {strides = array<i32>} : memref<48x144xf32, #tpu.memory_space<vmem>>, vector<16xf32>,
        %mul3A_901 = vector.broadcast %squeeze3A_861 : f32 to vector<16xf32>
        %mul3A_902 = arith.mulf %get3A_900, %mul3A_901 : vector<16xf32>
        %swap3A_903 = arith.constant 0 : i32
        %swap3A_904 = arith.constant 0 : i32
        %swap3A_905 = tpu.memref_slice %arg13[%rem3A_290, %swap3A_903, %swap3A_904] : memref<4x48x144xf32, #tpu.memory_space<vmem>> -> memref<1x48x144xf32, #tpu.memory_space<vmem>>
        %swap3A_906 = tpu.memref_squeeze %swap3A_905 : memref<1x48x144xf32, #tpu.memory_space<vmem>> -> memref<48x144xf32, #tpu.memory_space<vmem>>
        %swap3A_907 = arith.index_cast %scan3A_852 : i32 to index
        %swap3A_908 = arith.constant 32 : index
        %swap3A_909 = tpu.vector_load %swap3A_906[%swap3A_907, %swap3A_908] {strides = array<i32>} : memref<48x144xf32, #tpu.memory_space<vmem>>, vector<16xf32>,
        tpu.vector_store %swap3A_906[%swap3A_907, %swap3A_908], %mul3A_902 {strides = array<i32>} : memref<48x144xf32, #tpu.memory_space<vmem>>, vector<16xf32>,
        %get3A_910 = arith.constant 0 : i32
        %get3A_911 = arith.constant 0 : i32
        %get3A_912 = tpu.memref_slice %arg13[%rem3A_290, %get3A_910, %get3A_911] : memref<4x48x144xf32, #tpu.memory_space<vmem>> -> memref<1x48x144xf32, #tpu.memory_space<vmem>>
        %get3A_913 = tpu.memref_squeeze %get3A_912 : memref<1x48x144xf32, #tpu.memory_space<vmem>> -> memref<48x144xf32, #tpu.memory_space<vmem>>
        %get3A_914 = arith.index_cast %scan3A_852 : i32 to index
        %get3A_915 = arith.constant 48 : index
        %get3A_916 = tpu.vector_load %get3A_913[%get3A_914, %get3A_915] {strides = array<i32>} : memref<48x144xf32, #tpu.memory_space<vmem>>, vector<16xf32>,
        %mul3A_917 = vector.broadcast %squeeze3A_861 : f32 to vector<16xf32>
        %mul3A_918 = arith.mulf %get3A_916, %mul3A_917 : vector<16xf32>
        %swap3A_919 = arith.constant 0 : i32
        %swap3A_920 = arith.constant 0 : i32
        %swap3A_921 = tpu.memref_slice %arg13[%rem3A_290, %swap3A_919, %swap3A_920] : memref<4x48x144xf32, #tpu.memory_space<vmem>> -> memref<1x48x144xf32, #tpu.memory_space<vmem>>
        %swap3A_922 = tpu.memref_squeeze %swap3A_921 : memref<1x48x144xf32, #tpu.memory_space<vmem>> -> memref<48x144xf32, #tpu.memory_space<vmem>>
        %swap3A_923 = arith.index_cast %scan3A_852 : i32 to index
        %swap3A_924 = arith.constant 48 : index
        %swap3A_925 = tpu.vector_load %swap3A_922[%swap3A_923, %swap3A_924] {strides = array<i32>} : memref<48x144xf32, #tpu.memory_space<vmem>>, vector<16xf32>,
        tpu.vector_store %swap3A_922[%swap3A_923, %swap3A_924], %mul3A_918 {strides = array<i32>} : memref<48x144xf32, #tpu.memory_space<vmem>>, vector<16xf32>,
        %get3A_926 = arith.constant 0 : i32
        %get3A_927 = arith.constant 0 : i32
        %get3A_928 = tpu.memref_slice %arg13[%rem3A_290, %get3A_926, %get3A_927] : memref<4x48x144xf32, #tpu.memory_space<vmem>> -> memref<1x48x144xf32, #tpu.memory_space<vmem>>
        %get3A_929 = tpu.memref_squeeze %get3A_928 : memref<1x48x144xf32, #tpu.memory_space<vmem>> -> memref<48x144xf32, #tpu.memory_space<vmem>>
        %get3A_930 = arith.index_cast %scan3A_852 : i32 to index
        %get3A_931 = arith.constant 64 : index
        %get3A_932 = tpu.vector_load %get3A_929[%get3A_930, %get3A_931] {strides = array<i32>} : memref<48x144xf32, #tpu.memory_space<vmem>>, vector<16xf32>,
        %mul3A_933 = vector.broadcast %squeeze3A_861 : f32 to vector<16xf32>
        %mul3A_934 = arith.mulf %get3A_932, %mul3A_933 : vector<16xf32>
        %swap3A_935 = arith.constant 0 : i32
        %swap3A_936 = arith.constant 0 : i32
        %swap3A_937 = tpu.memref_slice %arg13[%rem3A_290, %swap3A_935, %swap3A_936] : memref<4x48x144xf32, #tpu.memory_space<vmem>> -> memref<1x48x144xf32, #tpu.memory_space<vmem>>
        %swap3A_938 = tpu.memref_squeeze %swap3A_937 : memref<1x48x144xf32, #tpu.memory_space<vmem>> -> memref<48x144xf32, #tpu.memory_space<vmem>>
        %swap3A_939 = arith.index_cast %scan3A_852 : i32 to index
        %swap3A_940 = arith.constant 64 : index
        %swap3A_941 = tpu.vector_load %swap3A_938[%swap3A_939, %swap3A_940] {strides = array<i32>} : memref<48x144xf32, #tpu.memory_space<vmem>>, vector<16xf32>,
        tpu.vector_store %swap3A_938[%swap3A_939, %swap3A_940], %mul3A_934 {strides = array<i32>} : memref<48x144xf32, #tpu.memory_space<vmem>>, vector<16xf32>,
        %get3A_942 = arith.constant 0 : i32
        %get3A_943 = arith.constant 0 : i32
        %get3A_944 = tpu.memref_slice %arg13[%rem3A_290, %get3A_942, %get3A_943] : memref<4x48x144xf32, #tpu.memory_space<vmem>> -> memref<1x48x144xf32, #tpu.memory_space<vmem>>
        %get3A_945 = tpu.memref_squeeze %get3A_944 : memref<1x48x144xf32, #tpu.memory_space<vmem>> -> memref<48x144xf32, #tpu.memory_space<vmem>>
        %get3A_946 = arith.index_cast %scan3A_852 : i32 to index
        %get3A_947 = arith.constant 80 : index
        %get3A_948 = tpu.vector_load %get3A_945[%get3A_946, %get3A_947] {strides = array<i32>} : memref<48x144xf32, #tpu.memory_space<vmem>>, vector<16xf32>,
        %mul3A_949 = vector.broadcast %squeeze3A_861 : f32 to vector<16xf32>
        %mul3A_950 = arith.mulf %get3A_948, %mul3A_949 : vector<16xf32>
        %swap3A_951 = arith.constant 0 : i32
        %swap3A_952 = arith.constant 0 : i32
        %swap3A_953 = tpu.memref_slice %arg13[%rem3A_290, %swap3A_951, %swap3A_952] : memref<4x48x144xf32, #tpu.memory_space<vmem>> -> memref<1x48x144xf32, #tpu.memory_space<vmem>>
        %swap3A_954 = tpu.memref_squeeze %swap3A_953 : memref<1x48x144xf32, #tpu.memory_space<vmem>> -> memref<48x144xf32, #tpu.memory_space<vmem>>
        %swap3A_955 = arith.index_cast %scan3A_852 : i32 to index
        %swap3A_956 = arith.constant 80 : index
        %swap3A_957 = tpu.vector_load %swap3A_954[%swap3A_955, %swap3A_956] {strides = array<i32>} : memref<48x144xf32, #tpu.memory_space<vmem>>, vector<16xf32>,
        tpu.vector_store %swap3A_954[%swap3A_955, %swap3A_956], %mul3A_950 {strides = array<i32>} : memref<48x144xf32, #tpu.memory_space<vmem>>, vector<16xf32>,
        %get3A_958 = arith.constant 0 : i32
        %get3A_959 = arith.constant 0 : i32
        %get3A_960 = tpu.memref_slice %arg13[%rem3A_290, %get3A_958, %get3A_959] : memref<4x48x144xf32, #tpu.memory_space<vmem>> -> memref<1x48x144xf32, #tpu.memory_space<vmem>>
        %get3A_961 = tpu.memref_squeeze %get3A_960 : memref<1x48x144xf32, #tpu.memory_space<vmem>> -> memref<48x144xf32, #tpu.memory_space<vmem>>
        %get3A_962 = arith.index_cast %scan3A_852 : i32 to index
        %get3A_963 = arith.constant 96 : index
        %get3A_964 = tpu.vector_load %get3A_961[%get3A_962, %get3A_963] {strides = array<i32>} : memref<48x144xf32, #tpu.memory_space<vmem>>, vector<16xf32>,
        %mul3A_965 = vector.broadcast %squeeze3A_861 : f32 to vector<16xf32>
        %mul3A_966 = arith.mulf %get3A_964, %mul3A_965 : vector<16xf32>
        %swap3A_967 = arith.constant 0 : i32
        %swap3A_968 = arith.constant 0 : i32
        %swap3A_969 = tpu.memref_slice %arg13[%rem3A_290, %swap3A_967, %swap3A_968] : memref<4x48x144xf32, #tpu.memory_space<vmem>> -> memref<1x48x144xf32, #tpu.memory_space<vmem>>
        %swap3A_970 = tpu.memref_squeeze %swap3A_969 : memref<1x48x144xf32, #tpu.memory_space<vmem>> -> memref<48x144xf32, #tpu.memory_space<vmem>>
        %swap3A_971 = arith.index_cast %scan3A_852 : i32 to index
        %swap3A_972 = arith.constant 96 : index
        %swap3A_973 = tpu.vector_load %swap3A_970[%swap3A_971, %swap3A_972] {strides = array<i32>} : memref<48x144xf32, #tpu.memory_space<vmem>>, vector<16xf32>,
        tpu.vector_store %swap3A_970[%swap3A_971, %swap3A_972], %mul3A_966 {strides = array<i32>} : memref<48x144xf32, #tpu.memory_space<vmem>>, vector<16xf32>,
        %get3A_974 = arith.constant 0 : i32
        %get3A_975 = arith.constant 0 : i32
        %get3A_976 = tpu.memref_slice %arg13[%rem3A_290, %get3A_974, %get3A_975] : memref<4x48x144xf32, #tpu.memory_space<vmem>> -> memref<1x48x144xf32, #tpu.memory_space<vmem>>
        %get3A_977 = tpu.memref_squeeze %get3A_976 : memref<1x48x144xf32, #tpu.memory_space<vmem>> -> memref<48x144xf32, #tpu.memory_space<vmem>>
        %get3A_978 = arith.index_cast %scan3A_852 : i32 to index
        %get3A_979 = arith.constant 112 : index
        %get3A_980 = tpu.vector_load %get3A_977[%get3A_978, %get3A_979] {strides = array<i32>} : memref<48x144xf32, #tpu.memory_space<vmem>>, vector<16xf32>,
        %mul3A_981 = vector.broadcast %squeeze3A_861 : f32 to vector<16xf32>
        %mul3A_982 = arith.mulf %get3A_980, %mul3A_981 : vector<16xf32>
        %swap3A_983 = arith.constant 0 : i32
        %swap3A_984 = arith.constant 0 : i32
        %swap3A_985 = tpu.memref_slice %arg13[%rem3A_290, %swap3A_983, %swap3A_984] : memref<4x48x144xf32, #tpu.memory_space<vmem>> -> memref<1x48x144xf32, #tpu.memory_space<vmem>>
        %swap3A_986 = tpu.memref_squeeze %swap3A_985 : memref<1x48x144xf32, #tpu.memory_space<vmem>> -> memref<48x144xf32, #tpu.memory_space<vmem>>
        %swap3A_987 = arith.index_cast %scan3A_852 : i32 to index
        %swap3A_988 = arith.constant 112 : index
        %swap3A_989 = tpu.vector_load %swap3A_986[%swap3A_987, %swap3A_988] {strides = array<i32>} : memref<48x144xf32, #tpu.memory_space<vmem>>, vector<16xf32>,
        tpu.vector_store %swap3A_986[%swap3A_987, %swap3A_988], %mul3A_982 {strides = array<i32>} : memref<48x144xf32, #tpu.memory_space<vmem>>, vector<16xf32>,
        %scan3A_990 = arith.constant 4 : i32
        %scan3A_991 = arith.addi %scan3A_438, %scan3A_990 : i32
        %get3A_992 = arith.constant 0 : i32
        %get3A_993 = arith.constant 0 : i32
        %get3A_994 = tpu.memref_slice %arg13[%rem3A_290, %get3A_992, %get3A_993] : memref<4x48x144xf32, #tpu.memory_space<vmem>> -> memref<1x48x144xf32, #tpu.memory_space<vmem>>
        %get3A_995 = tpu.memref_squeeze %get3A_994 : memref<1x48x144xf32, #tpu.memory_space<vmem>> -> memref<48x144xf32, #tpu.memory_space<vmem>>
        %get3A_996 = arith.index_cast %scan3A_991 : i32 to index
        %get3A_997 = arith.constant 128 : index
        %get3A_998 = tpu.vector_load %get3A_995[%get3A_996, %get3A_997] {strides = array<i32>} : memref<48x144xf32, #tpu.memory_space<vmem>>, vector<16xf32>,
        %slice3A_999 = vector.extract_strided_slice %get3A_998 {offsets = [0], sizes = [1], strides = [1]} : vector<16xf32> to vector<1xf32>
        %squeeze3A_1000 = vector.extract %slice3A_999[0] : f32 from vector<1xf32>
        %get3A_1001 = arith.constant 0 : i32
        %get3A_1002 = arith.constant 0 : i32
        %get3A_1003 = tpu.memref_slice %arg13[%rem3A_290, %get3A_1001, %get3A_1002] : memref<4x48x144xf32, #tpu.memory_space<vmem>> -> memref<1x48x144xf32, #tpu.memory_space<vmem>>
        %get3A_1004 = tpu.memref_squeeze %get3A_1003 : memref<1x48x144xf32, #tpu.memory_space<vmem>> -> memref<48x144xf32, #tpu.memory_space<vmem>>
        %get3A_1005 = arith.index_cast %scan3A_991 : i32 to index
        %get3A_1006 = arith.constant 0 : index
        %get3A_1007 = tpu.vector_load %get3A_1004[%get3A_1005, %get3A_1006] {strides = array<i32>} : memref<48x144xf32, #tpu.memory_space<vmem>>, vector<16xf32>,
        %mul3A_1008 = vector.broadcast %squeeze3A_1000 : f32 to vector<16xf32>
        %mul3A_1009 = arith.mulf %get3A_1007, %mul3A_1008 : vector<16xf32>
        %swap3A_1010 = arith.constant 0 : i32
        %swap3A_1011 = arith.constant 0 : i32
        %swap3A_1012 = tpu.memref_slice %arg13[%rem3A_290, %swap3A_1010, %swap3A_1011] : memref<4x48x144xf32, #tpu.memory_space<vmem>> -> memref<1x48x144xf32, #tpu.memory_space<vmem>>
        %swap3A_1013 = tpu.memref_squeeze %swap3A_1012 : memref<1x48x144xf32, #tpu.memory_space<vmem>> -> memref<48x144xf32, #tpu.memory_space<vmem>>
        %swap3A_1014 = arith.index_cast %scan3A_991 : i32 to index
        %swap3A_1015 = arith.constant 0 : index
        %swap3A_1016 = tpu.vector_load %swap3A_1013[%swap3A_1014, %swap3A_1015] {strides = array<i32>} : memref<48x144xf32, #tpu.memory_space<vmem>>, vector<16xf32>,
        tpu.vector_store %swap3A_1013[%swap3A_1014, %swap3A_1015], %mul3A_1009 {strides = array<i32>} : memref<48x144xf32, #tpu.memory_space<vmem>>, vector<16xf32>,
        %get3A_1017 = arith.constant 0 : i32
        %get3A_1018 = arith.constant 0 : i32
        %get3A_1019 = tpu.memref_slice %arg13[%rem3A_290, %get3A_1017, %get3A_1018] : memref<4x48x144xf32, #tpu.memory_space<vmem>> -> memref<1x48x144xf32, #tpu.memory_space<vmem>>
        %get3A_1020 = tpu.memref_squeeze %get3A_1019 : memref<1x48x144xf32, #tpu.memory_space<vmem>> -> memref<48x144xf32, #tpu.memory_space<vmem>>
        %get3A_1021 = arith.index_cast %scan3A_991 : i32 to index
        %get3A_1022 = arith.constant 16 : index
        %get3A_1023 = tpu.vector_load %get3A_1020[%get3A_1021, %get3A_1022] {strides = array<i32>} : memref<48x144xf32, #tpu.memory_space<vmem>>, vector<16xf32>,
        %mul3A_1024 = vector.broadcast %squeeze3A_1000 : f32 to vector<16xf32>
        %mul3A_1025 = arith.mulf %get3A_1023, %mul3A_1024 : vector<16xf32>
        %swap3A_1026 = arith.constant 0 : i32
        %swap3A_1027 = arith.constant 0 : i32
        %swap3A_1028 = tpu.memref_slice %arg13[%rem3A_290, %swap3A_1026, %swap3A_1027] : memref<4x48x144xf32, #tpu.memory_space<vmem>> -> memref<1x48x144xf32, #tpu.memory_space<vmem>>
        %swap3A_1029 = tpu.memref_squeeze %swap3A_1028 : memref<1x48x144xf32, #tpu.memory_space<vmem>> -> memref<48x144xf32, #tpu.memory_space<vmem>>
        %swap3A_1030 = arith.index_cast %scan3A_991 : i32 to index
        %swap3A_1031 = arith.constant 16 : index
        %swap3A_1032 = tpu.vector_load %swap3A_1029[%swap3A_1030, %swap3A_1031] {strides = array<i32>} : memref<48x144xf32, #tpu.memory_space<vmem>>, vector<16xf32>,
        tpu.vector_store %swap3A_1029[%swap3A_1030, %swap3A_1031], %mul3A_1025 {strides = array<i32>} : memref<48x144xf32, #tpu.memory_space<vmem>>, vector<16xf32>,
        %get3A_1033 = arith.constant 0 : i32
        %get3A_1034 = arith.constant 0 : i32
        %get3A_1035 = tpu.memref_slice %arg13[%rem3A_290, %get3A_1033, %get3A_1034] : memref<4x48x144xf32, #tpu.memory_space<vmem>> -> memref<1x48x144xf32, #tpu.memory_space<vmem>>
        %get3A_1036 = tpu.memref_squeeze %get3A_1035 : memref<1x48x144xf32, #tpu.memory_space<vmem>> -> memref<48x144xf32, #tpu.memory_space<vmem>>
        %get3A_1037 = arith.index_cast %scan3A_991 : i32 to index
        %get3A_1038 = arith.constant 32 : index
        %get3A_1039 = tpu.vector_load %get3A_1036[%get3A_1037, %get3A_1038] {strides = array<i32>} : memref<48x144xf32, #tpu.memory_space<vmem>>, vector<16xf32>,
        %mul3A_1040 = vector.broadcast %squeeze3A_1000 : f32 to vector<16xf32>
        %mul3A_1041 = arith.mulf %get3A_1039, %mul3A_1040 : vector<16xf32>
        %swap3A_1042 = arith.constant 0 : i32
        %swap3A_1043 = arith.constant 0 : i32
        %swap3A_1044 = tpu.memref_slice %arg13[%rem3A_290, %swap3A_1042, %swap3A_1043] : memref<4x48x144xf32, #tpu.memory_space<vmem>> -> memref<1x48x144xf32, #tpu.memory_space<vmem>>
        %swap3A_1045 = tpu.memref_squeeze %swap3A_1044 : memref<1x48x144xf32, #tpu.memory_space<vmem>> -> memref<48x144xf32, #tpu.memory_space<vmem>>
        %swap3A_1046 = arith.index_cast %scan3A_991 : i32 to index
        %swap3A_1047 = arith.constant 32 : index
        %swap3A_1048 = tpu.vector_load %swap3A_1045[%swap3A_1046, %swap3A_1047] {strides = array<i32>} : memref<48x144xf32, #tpu.memory_space<vmem>>, vector<16xf32>,
        tpu.vector_store %swap3A_1045[%swap3A_1046, %swap3A_1047], %mul3A_1041 {strides = array<i32>} : memref<48x144xf32, #tpu.memory_space<vmem>>, vector<16xf32>,
        %get3A_1049 = arith.constant 0 : i32
        %get3A_1050 = arith.constant 0 : i32
        %get3A_1051 = tpu.memref_slice %arg13[%rem3A_290, %get3A_1049, %get3A_1050] : memref<4x48x144xf32, #tpu.memory_space<vmem>> -> memref<1x48x144xf32, #tpu.memory_space<vmem>>
        %get3A_1052 = tpu.memref_squeeze %get3A_1051 : memref<1x48x144xf32, #tpu.memory_space<vmem>> -> memref<48x144xf32, #tpu.memory_space<vmem>>
        %get3A_1053 = arith.index_cast %scan3A_991 : i32 to index
        %get3A_1054 = arith.constant 48 : index
        %get3A_1055 = tpu.vector_load %get3A_1052[%get3A_1053, %get3A_1054] {strides = array<i32>} : memref<48x144xf32, #tpu.memory_space<vmem>>, vector<16xf32>,
        %mul3A_1056 = vector.broadcast %squeeze3A_1000 : f32 to vector<16xf32>
        %mul3A_1057 = arith.mulf %get3A_1055, %mul3A_1056 : vector<16xf32>
        %swap3A_1058 = arith.constant 0 : i32
        %swap3A_1059 = arith.constant 0 : i32
        %swap3A_1060 = tpu.memref_slice %arg13[%rem3A_290, %swap3A_1058, %swap3A_1059] : memref<4x48x144xf32, #tpu.memory_space<vmem>> -> memref<1x48x144xf32, #tpu.memory_space<vmem>>
        %swap3A_1061 = tpu.memref_squeeze %swap3A_1060 : memref<1x48x144xf32, #tpu.memory_space<vmem>> -> memref<48x144xf32, #tpu.memory_space<vmem>>
        %swap3A_1062 = arith.index_cast %scan3A_991 : i32 to index
        %swap3A_1063 = arith.constant 48 : index
        %swap3A_1064 = tpu.vector_load %swap3A_1061[%swap3A_1062, %swap3A_1063] {strides = array<i32>} : memref<48x144xf32, #tpu.memory_space<vmem>>, vector<16xf32>,
        tpu.vector_store %swap3A_1061[%swap3A_1062, %swap3A_1063], %mul3A_1057 {strides = array<i32>} : memref<48x144xf32, #tpu.memory_space<vmem>>, vector<16xf32>,
        %get3A_1065 = arith.constant 0 : i32
        %get3A_1066 = arith.constant 0 : i32
        %get3A_1067 = tpu.memref_slice %arg13[%rem3A_290, %get3A_1065, %get3A_1066] : memref<4x48x144xf32, #tpu.memory_space<vmem>> -> memref<1x48x144xf32, #tpu.memory_space<vmem>>
        %get3A_1068 = tpu.memref_squeeze %get3A_1067 : memref<1x48x144xf32, #tpu.memory_space<vmem>> -> memref<48x144xf32, #tpu.memory_space<vmem>>
        %get3A_1069 = arith.index_cast %scan3A_991 : i32 to index
        %get3A_1070 = arith.constant 64 : index
        %get3A_1071 = tpu.vector_load %get3A_1068[%get3A_1069, %get3A_1070] {strides = array<i32>} : memref<48x144xf32, #tpu.memory_space<vmem>>, vector<16xf32>,
        %mul3A_1072 = vector.broadcast %squeeze3A_1000 : f32 to vector<16xf32>
        %mul3A_1073 = arith.mulf %get3A_1071, %mul3A_1072 : vector<16xf32>
        %swap3A_1074 = arith.constant 0 : i32
        %swap3A_1075 = arith.constant 0 : i32
        %swap3A_1076 = tpu.memref_slice %arg13[%rem3A_290, %swap3A_1074, %swap3A_1075] : memref<4x48x144xf32, #tpu.memory_space<vmem>> -> memref<1x48x144xf32, #tpu.memory_space<vmem>>
        %swap3A_1077 = tpu.memref_squeeze %swap3A_1076 : memref<1x48x144xf32, #tpu.memory_space<vmem>> -> memref<48x144xf32, #tpu.memory_space<vmem>>
        %swap3A_1078 = arith.index_cast %scan3A_991 : i32 to index
        %swap3A_1079 = arith.constant 64 : index
        %swap3A_1080 = tpu.vector_load %swap3A_1077[%swap3A_1078, %swap3A_1079] {strides = array<i32>} : memref<48x144xf32, #tpu.memory_space<vmem>>, vector<16xf32>,
        tpu.vector_store %swap3A_1077[%swap3A_1078, %swap3A_1079], %mul3A_1073 {strides = array<i32>} : memref<48x144xf32, #tpu.memory_space<vmem>>, vector<16xf32>,
        %get3A_1081 = arith.constant 0 : i32
        %get3A_1082 = arith.constant 0 : i32
        %get3A_1083 = tpu.memref_slice %arg13[%rem3A_290, %get3A_1081, %get3A_1082] : memref<4x48x144xf32, #tpu.memory_space<vmem>> -> memref<1x48x144xf32, #tpu.memory_space<vmem>>
        %get3A_1084 = tpu.memref_squeeze %get3A_1083 : memref<1x48x144xf32, #tpu.memory_space<vmem>> -> memref<48x144xf32, #tpu.memory_space<vmem>>
        %get3A_1085 = arith.index_cast %scan3A_991 : i32 to index
        %get3A_1086 = arith.constant 80 : index
        %get3A_1087 = tpu.vector_load %get3A_1084[%get3A_1085, %get3A_1086] {strides = array<i32>} : memref<48x144xf32, #tpu.memory_space<vmem>>, vector<16xf32>,
        %mul3A_1088 = vector.broadcast %squeeze3A_1000 : f32 to vector<16xf32>
        %mul3A_1089 = arith.mulf %get3A_1087, %mul3A_1088 : vector<16xf32>
        %swap3A_1090 = arith.constant 0 : i32
        %swap3A_1091 = arith.constant 0 : i32
        %swap3A_1092 = tpu.memref_slice %arg13[%rem3A_290, %swap3A_1090, %swap3A_1091] : memref<4x48x144xf32, #tpu.memory_space<vmem>> -> memref<1x48x144xf32, #tpu.memory_space<vmem>>
        %swap3A_1093 = tpu.memref_squeeze %swap3A_1092 : memref<1x48x144xf32, #tpu.memory_space<vmem>> -> memref<48x144xf32, #tpu.memory_space<vmem>>
        %swap3A_1094 = arith.index_cast %scan3A_991 : i32 to index
        %swap3A_1095 = arith.constant 80 : index
        %swap3A_1096 = tpu.vector_load %swap3A_1093[%swap3A_1094, %swap3A_1095] {strides = array<i32>} : memref<48x144xf32, #tpu.memory_space<vmem>>, vector<16xf32>,
        tpu.vector_store %swap3A_1093[%swap3A_1094, %swap3A_1095], %mul3A_1089 {strides = array<i32>} : memref<48x144xf32, #tpu.memory_space<vmem>>, vector<16xf32>,
        %get3A_1097 = arith.constant 0 : i32
        %get3A_1098 = arith.constant 0 : i32
        %get3A_1099 = tpu.memref_slice %arg13[%rem3A_290, %get3A_1097, %get3A_1098] : memref<4x48x144xf32, #tpu.memory_space<vmem>> -> memref<1x48x144xf32, #tpu.memory_space<vmem>>
        %get3A_1100 = tpu.memref_squeeze %get3A_1099 : memref<1x48x144xf32, #tpu.memory_space<vmem>> -> memref<48x144xf32, #tpu.memory_space<vmem>>
        %get3A_1101 = arith.index_cast %scan3A_991 : i32 to index
        %get3A_1102 = arith.constant 96 : index
        %get3A_1103 = tpu.vector_load %get3A_1100[%get3A_1101, %get3A_1102] {strides = array<i32>} : memref<48x144xf32, #tpu.memory_space<vmem>>, vector<16xf32>,
        %mul3A_1104 = vector.broadcast %squeeze3A_1000 : f32 to vector<16xf32>
        %mul3A_1105 = arith.mulf %get3A_1103, %mul3A_1104 : vector<16xf32>
        %swap3A_1106 = arith.constant 0 : i32
        %swap3A_1107 = arith.constant 0 : i32
        %swap3A_1108 = tpu.memref_slice %arg13[%rem3A_290, %swap3A_1106, %swap3A_1107] : memref<4x48x144xf32, #tpu.memory_space<vmem>> -> memref<1x48x144xf32, #tpu.memory_space<vmem>>
        %swap3A_1109 = tpu.memref_squeeze %swap3A_1108 : memref<1x48x144xf32, #tpu.memory_space<vmem>> -> memref<48x144xf32, #tpu.memory_space<vmem>>
        %swap3A_1110 = arith.index_cast %scan3A_991 : i32 to index
        %swap3A_1111 = arith.constant 96 : index
        %swap3A_1112 = tpu.vector_load %swap3A_1109[%swap3A_1110, %swap3A_1111] {strides = array<i32>} : memref<48x144xf32, #tpu.memory_space<vmem>>, vector<16xf32>,
        tpu.vector_store %swap3A_1109[%swap3A_1110, %swap3A_1111], %mul3A_1105 {strides = array<i32>} : memref<48x144xf32, #tpu.memory_space<vmem>>, vector<16xf32>,
        %get3A_1113 = arith.constant 0 : i32
        %get3A_1114 = arith.constant 0 : i32
        %get3A_1115 = tpu.memref_slice %arg13[%rem3A_290, %get3A_1113, %get3A_1114] : memref<4x48x144xf32, #tpu.memory_space<vmem>> -> memref<1x48x144xf32, #tpu.memory_space<vmem>>
        %get3A_1116 = tpu.memref_squeeze %get3A_1115 : memref<1x48x144xf32, #tpu.memory_space<vmem>> -> memref<48x144xf32, #tpu.memory_space<vmem>>
        %get3A_1117 = arith.index_cast %scan3A_991 : i32 to index
        %get3A_1118 = arith.constant 112 : index
        %get3A_1119 = tpu.vector_load %get3A_1116[%get3A_1117, %get3A_1118] {strides = array<i32>} : memref<48x144xf32, #tpu.memory_space<vmem>>, vector<16xf32>,
        %mul3A_1120 = vector.broadcast %squeeze3A_1000 : f32 to vector<16xf32>
        %mul3A_1121 = arith.mulf %get3A_1119, %mul3A_1120 : vector<16xf32>
        %swap3A_1122 = arith.constant 0 : i32
        %swap3A_1123 = arith.constant 0 : i32
        %swap3A_1124 = tpu.memref_slice %arg13[%rem3A_290, %swap3A_1122, %swap3A_1123] : memref<4x48x144xf32, #tpu.memory_space<vmem>> -> memref<1x48x144xf32, #tpu.memory_space<vmem>>
        %swap3A_1125 = tpu.memref_squeeze %swap3A_1124 : memref<1x48x144xf32, #tpu.memory_space<vmem>> -> memref<48x144xf32, #tpu.memory_space<vmem>>
        %swap3A_1126 = arith.index_cast %scan3A_991 : i32 to index
        %swap3A_1127 = arith.constant 112 : index
        %swap3A_1128 = tpu.vector_load %swap3A_1125[%swap3A_1126, %swap3A_1127] {strides = array<i32>} : memref<48x144xf32, #tpu.memory_space<vmem>>, vector<16xf32>,
        tpu.vector_store %swap3A_1125[%swap3A_1126, %swap3A_1127], %mul3A_1121 {strides = array<i32>} : memref<48x144xf32, #tpu.memory_space<vmem>>, vector<16xf32>,
        %scan3A_1129 = arith.constant 5 : i32
        %scan3A_1130 = arith.addi %scan3A_438, %scan3A_1129 : i32
        %get3A_1131 = arith.constant 0 : i32
        %get3A_1132 = arith.constant 0 : i32
        %get3A_1133 = tpu.memref_slice %arg13[%rem3A_290, %get3A_1131, %get3A_1132] : memref<4x48x144xf32, #tpu.memory_space<vmem>> -> memref<1x48x144xf32, #tpu.memory_space<vmem>>
        %get3A_1134 = tpu.memref_squeeze %get3A_1133 : memref<1x48x144xf32, #tpu.memory_space<vmem>> -> memref<48x144xf32, #tpu.memory_space<vmem>>
        %get3A_1135 = arith.index_cast %scan3A_1130 : i32 to index
        %get3A_1136 = arith.constant 128 : index
        %get3A_1137 = tpu.vector_load %get3A_1134[%get3A_1135, %get3A_1136] {strides = array<i32>} : memref<48x144xf32, #tpu.memory_space<vmem>>, vector<16xf32>,
        %slice3A_1138 = vector.extract_strided_slice %get3A_1137 {offsets = [0], sizes = [1], strides = [1]} : vector<16xf32> to vector<1xf32>
        %squeeze3A_1139 = vector.extract %slice3A_1138[0] : f32 from vector<1xf32>
        %get3A_1140 = arith.constant 0 : i32
        %get3A_1141 = arith.constant 0 : i32
        %get3A_1142 = tpu.memref_slice %arg13[%rem3A_290, %get3A_1140, %get3A_1141] : memref<4x48x144xf32, #tpu.memory_space<vmem>> -> memref<1x48x144xf32, #tpu.memory_space<vmem>>
        %get3A_1143 = tpu.memref_squeeze %get3A_1142 : memref<1x48x144xf32, #tpu.memory_space<vmem>> -> memref<48x144xf32, #tpu.memory_space<vmem>>
        %get3A_1144 = arith.index_cast %scan3A_1130 : i32 to index
        %get3A_1145 = arith.constant 0 : index
        %get3A_1146 = tpu.vector_load %get3A_1143[%get3A_1144, %get3A_1145] {strides = array<i32>} : memref<48x144xf32, #tpu.memory_space<vmem>>, vector<16xf32>,
        %mul3A_1147 = vector.broadcast %squeeze3A_1139 : f32 to vector<16xf32>
        %mul3A_1148 = arith.mulf %get3A_1146, %mul3A_1147 : vector<16xf32>
        %swap3A_1149 = arith.constant 0 : i32
        %swap3A_1150 = arith.constant 0 : i32
        %swap3A_1151 = tpu.memref_slice %arg13[%rem3A_290, %swap3A_1149, %swap3A_1150] : memref<4x48x144xf32, #tpu.memory_space<vmem>> -> memref<1x48x144xf32, #tpu.memory_space<vmem>>
        %swap3A_1152 = tpu.memref_squeeze %swap3A_1151 : memref<1x48x144xf32, #tpu.memory_space<vmem>> -> memref<48x144xf32, #tpu.memory_space<vmem>>
        %swap3A_1153 = arith.index_cast %scan3A_1130 : i32 to index
        %swap3A_1154 = arith.constant 0 : index
        %swap3A_1155 = tpu.vector_load %swap3A_1152[%swap3A_1153, %swap3A_1154] {strides = array<i32>} : memref<48x144xf32, #tpu.memory_space<vmem>>, vector<16xf32>,
        tpu.vector_store %swap3A_1152[%swap3A_1153, %swap3A_1154], %mul3A_1148 {strides = array<i32>} : memref<48x144xf32, #tpu.memory_space<vmem>>, vector<16xf32>,
        %get3A_1156 = arith.constant 0 : i32
        %get3A_1157 = arith.constant 0 : i32
        %get3A_1158 = tpu.memref_slice %arg13[%rem3A_290, %get3A_1156, %get3A_1157] : memref<4x48x144xf32, #tpu.memory_space<vmem>> -> memref<1x48x144xf32, #tpu.memory_space<vmem>>
        %get3A_1159 = tpu.memref_squeeze %get3A_1158 : memref<1x48x144xf32, #tpu.memory_space<vmem>> -> memref<48x144xf32, #tpu.memory_space<vmem>>
        %get3A_1160 = arith.index_cast %scan3A_1130 : i32 to index
        %get3A_1161 = arith.constant 16 : index
        %get3A_1162 = tpu.vector_load %get3A_1159[%get3A_1160, %get3A_1161] {strides = array<i32>} : memref<48x144xf32, #tpu.memory_space<vmem>>, vector<16xf32>,
        %mul3A_1163 = vector.broadcast %squeeze3A_1139 : f32 to vector<16xf32>
        %mul3A_1164 = arith.mulf %get3A_1162, %mul3A_1163 : vector<16xf32>
        %swap3A_1165 = arith.constant 0 : i32
        %swap3A_1166 = arith.constant 0 : i32
        %swap3A_1167 = tpu.memref_slice %arg13[%rem3A_290, %swap3A_1165, %swap3A_1166] : memref<4x48x144xf32, #tpu.memory_space<vmem>> -> memref<1x48x144xf32, #tpu.memory_space<vmem>>
        %swap3A_1168 = tpu.memref_squeeze %swap3A_1167 : memref<1x48x144xf32, #tpu.memory_space<vmem>> -> memref<48x144xf32, #tpu.memory_space<vmem>>
        %swap3A_1169 = arith.index_cast %scan3A_1130 : i32 to index
        %swap3A_1170 = arith.constant 16 : index
        %swap3A_1171 = tpu.vector_load %swap3A_1168[%swap3A_1169, %swap3A_1170] {strides = array<i32>} : memref<48x144xf32, #tpu.memory_space<vmem>>, vector<16xf32>,
        tpu.vector_store %swap3A_1168[%swap3A_1169, %swap3A_1170], %mul3A_1164 {strides = array<i32>} : memref<48x144xf32, #tpu.memory_space<vmem>>, vector<16xf32>,
        %get3A_1172 = arith.constant 0 : i32
        %get3A_1173 = arith.constant 0 : i32
        %get3A_1174 = tpu.memref_slice %arg13[%rem3A_290, %get3A_1172, %get3A_1173] : memref<4x48x144xf32, #tpu.memory_space<vmem>> -> memref<1x48x144xf32, #tpu.memory_space<vmem>>
        %get3A_1175 = tpu.memref_squeeze %get3A_1174 : memref<1x48x144xf32, #tpu.memory_space<vmem>> -> memref<48x144xf32, #tpu.memory_space<vmem>>
        %get3A_1176 = arith.index_cast %scan3A_1130 : i32 to index
        %get3A_1177 = arith.constant 32 : index
        %get3A_1178 = tpu.vector_load %get3A_1175[%get3A_1176, %get3A_1177] {strides = array<i32>} : memref<48x144xf32, #tpu.memory_space<vmem>>, vector<16xf32>,
        %mul3A_1179 = vector.broadcast %squeeze3A_1139 : f32 to vector<16xf32>
        %mul3A_1180 = arith.mulf %get3A_1178, %mul3A_1179 : vector<16xf32>
        %swap3A_1181 = arith.constant 0 : i32
        %swap3A_1182 = arith.constant 0 : i32
        %swap3A_1183 = tpu.memref_slice %arg13[%rem3A_290, %swap3A_1181, %swap3A_1182] : memref<4x48x144xf32, #tpu.memory_space<vmem>> -> memref<1x48x144xf32, #tpu.memory_space<vmem>>
        %swap3A_1184 = tpu.memref_squeeze %swap3A_1183 : memref<1x48x144xf32, #tpu.memory_space<vmem>> -> memref<48x144xf32, #tpu.memory_space<vmem>>
        %swap3A_1185 = arith.index_cast %scan3A_1130 : i32 to index
        %swap3A_1186 = arith.constant 32 : index
        %swap3A_1187 = tpu.vector_load %swap3A_1184[%swap3A_1185, %swap3A_1186] {strides = array<i32>} : memref<48x144xf32, #tpu.memory_space<vmem>>, vector<16xf32>,
        tpu.vector_store %swap3A_1184[%swap3A_1185, %swap3A_1186], %mul3A_1180 {strides = array<i32>} : memref<48x144xf32, #tpu.memory_space<vmem>>, vector<16xf32>,
        %get3A_1188 = arith.constant 0 : i32
        %get3A_1189 = arith.constant 0 : i32
        %get3A_1190 = tpu.memref_slice %arg13[%rem3A_290, %get3A_1188, %get3A_1189] : memref<4x48x144xf32, #tpu.memory_space<vmem>> -> memref<1x48x144xf32, #tpu.memory_space<vmem>>
        %get3A_1191 = tpu.memref_squeeze %get3A_1190 : memref<1x48x144xf32, #tpu.memory_space<vmem>> -> memref<48x144xf32, #tpu.memory_space<vmem>>
        %get3A_1192 = arith.index_cast %scan3A_1130 : i32 to index
        %get3A_1193 = arith.constant 48 : index
        %get3A_1194 = tpu.vector_load %get3A_1191[%get3A_1192, %get3A_1193] {strides = array<i32>} : memref<48x144xf32, #tpu.memory_space<vmem>>, vector<16xf32>,
        %mul3A_1195 = vector.broadcast %squeeze3A_1139 : f32 to vector<16xf32>
        %mul3A_1196 = arith.mulf %get3A_1194, %mul3A_1195 : vector<16xf32>
        %swap3A_1197 = arith.constant 0 : i32
        %swap3A_1198 = arith.constant 0 : i32
        %swap3A_1199 = tpu.memref_slice %arg13[%rem3A_290, %swap3A_1197, %swap3A_1198] : memref<4x48x144xf32, #tpu.memory_space<vmem>> -> memref<1x48x144xf32, #tpu.memory_space<vmem>>
        %swap3A_1200 = tpu.memref_squeeze %swap3A_1199 : memref<1x48x144xf32, #tpu.memory_space<vmem>> -> memref<48x144xf32, #tpu.memory_space<vmem>>
        %swap3A_1201 = arith.index_cast %scan3A_1130 : i32 to index
        %swap3A_1202 = arith.constant 48 : index
        %swap3A_1203 = tpu.vector_load %swap3A_1200[%swap3A_1201, %swap3A_1202] {strides = array<i32>} : memref<48x144xf32, #tpu.memory_space<vmem>>, vector<16xf32>,
        tpu.vector_store %swap3A_1200[%swap3A_1201, %swap3A_1202], %mul3A_1196 {strides = array<i32>} : memref<48x144xf32, #tpu.memory_space<vmem>>, vector<16xf32>,
        %get3A_1204 = arith.constant 0 : i32
        %get3A_1205 = arith.constant 0 : i32
        %get3A_1206 = tpu.memref_slice %arg13[%rem3A_290, %get3A_1204, %get3A_1205] : memref<4x48x144xf32, #tpu.memory_space<vmem>> -> memref<1x48x144xf32, #tpu.memory_space<vmem>>
        %get3A_1207 = tpu.memref_squeeze %get3A_1206 : memref<1x48x144xf32, #tpu.memory_space<vmem>> -> memref<48x144xf32, #tpu.memory_space<vmem>>
        %get3A_1208 = arith.index_cast %scan3A_1130 : i32 to index
        %get3A_1209 = arith.constant 64 : index
        %get3A_1210 = tpu.vector_load %get3A_1207[%get3A_1208, %get3A_1209] {strides = array<i32>} : memref<48x144xf32, #tpu.memory_space<vmem>>, vector<16xf32>,
        %mul3A_1211 = vector.broadcast %squeeze3A_1139 : f32 to vector<16xf32>
        %mul3A_1212 = arith.mulf %get3A_1210, %mul3A_1211 : vector<16xf32>
        %swap3A_1213 = arith.constant 0 : i32
        %swap3A_1214 = arith.constant 0 : i32
        %swap3A_1215 = tpu.memref_slice %arg13[%rem3A_290, %swap3A_1213, %swap3A_1214] : memref<4x48x144xf32, #tpu.memory_space<vmem>> -> memref<1x48x144xf32, #tpu.memory_space<vmem>>
        %swap3A_1216 = tpu.memref_squeeze %swap3A_1215 : memref<1x48x144xf32, #tpu.memory_space<vmem>> -> memref<48x144xf32, #tpu.memory_space<vmem>>
        %swap3A_1217 = arith.index_cast %scan3A_1130 : i32 to index
        %swap3A_1218 = arith.constant 64 : index
        %swap3A_1219 = tpu.vector_load %swap3A_1216[%swap3A_1217, %swap3A_1218] {strides = array<i32>} : memref<48x144xf32, #tpu.memory_space<vmem>>, vector<16xf32>,
        tpu.vector_store %swap3A_1216[%swap3A_1217, %swap3A_1218], %mul3A_1212 {strides = array<i32>} : memref<48x144xf32, #tpu.memory_space<vmem>>, vector<16xf32>,
        %get3A_1220 = arith.constant 0 : i32
        %get3A_1221 = arith.constant 0 : i32
        %get3A_1222 = tpu.memref_slice %arg13[%rem3A_290, %get3A_1220, %get3A_1221] : memref<4x48x144xf32, #tpu.memory_space<vmem>> -> memref<1x48x144xf32, #tpu.memory_space<vmem>>
        %get3A_1223 = tpu.memref_squeeze %get3A_1222 : memref<1x48x144xf32, #tpu.memory_space<vmem>> -> memref<48x144xf32, #tpu.memory_space<vmem>>
        %get3A_1224 = arith.index_cast %scan3A_1130 : i32 to index
        %get3A_1225 = arith.constant 80 : index
        %get3A_1226 = tpu.vector_load %get3A_1223[%get3A_1224, %get3A_1225] {strides = array<i32>} : memref<48x144xf32, #tpu.memory_space<vmem>>, vector<16xf32>,
        %mul3A_1227 = vector.broadcast %squeeze3A_1139 : f32 to vector<16xf32>
        %mul3A_1228 = arith.mulf %get3A_1226, %mul3A_1227 : vector<16xf32>
        %swap3A_1229 = arith.constant 0 : i32
        %swap3A_1230 = arith.constant 0 : i32
        %swap3A_1231 = tpu.memref_slice %arg13[%rem3A_290, %swap3A_1229, %swap3A_1230] : memref<4x48x144xf32, #tpu.memory_space<vmem>> -> memref<1x48x144xf32, #tpu.memory_space<vmem>>
        %swap3A_1232 = tpu.memref_squeeze %swap3A_1231 : memref<1x48x144xf32, #tpu.memory_space<vmem>> -> memref<48x144xf32, #tpu.memory_space<vmem>>
        %swap3A_1233 = arith.index_cast %scan3A_1130 : i32 to index
        %swap3A_1234 = arith.constant 80 : index
        %swap3A_1235 = tpu.vector_load %swap3A_1232[%swap3A_1233, %swap3A_1234] {strides = array<i32>} : memref<48x144xf32, #tpu.memory_space<vmem>>, vector<16xf32>,
        tpu.vector_store %swap3A_1232[%swap3A_1233, %swap3A_1234], %mul3A_1228 {strides = array<i32>} : memref<48x144xf32, #tpu.memory_space<vmem>>, vector<16xf32>,
        %get3A_1236 = arith.constant 0 : i32
        %get3A_1237 = arith.constant 0 : i32
        %get3A_1238 = tpu.memref_slice %arg13[%rem3A_290, %get3A_1236, %get3A_1237] : memref<4x48x144xf32, #tpu.memory_space<vmem>> -> memref<1x48x144xf32, #tpu.memory_space<vmem>>
        %get3A_1239 = tpu.memref_squeeze %get3A_1238 : memref<1x48x144xf32, #tpu.memory_space<vmem>> -> memref<48x144xf32, #tpu.memory_space<vmem>>
        %get3A_1240 = arith.index_cast %scan3A_1130 : i32 to index
        %get3A_1241 = arith.constant 96 : index
        %get3A_1242 = tpu.vector_load %get3A_1239[%get3A_1240, %get3A_1241] {strides = array<i32>} : memref<48x144xf32, #tpu.memory_space<vmem>>, vector<16xf32>,
        %mul3A_1243 = vector.broadcast %squeeze3A_1139 : f32 to vector<16xf32>
        %mul3A_1244 = arith.mulf %get3A_1242, %mul3A_1243 : vector<16xf32>
        %swap3A_1245 = arith.constant 0 : i32
        %swap3A_1246 = arith.constant 0 : i32
        %swap3A_1247 = tpu.memref_slice %arg13[%rem3A_290, %swap3A_1245, %swap3A_1246] : memref<4x48x144xf32, #tpu.memory_space<vmem>> -> memref<1x48x144xf32, #tpu.memory_space<vmem>>
        %swap3A_1248 = tpu.memref_squeeze %swap3A_1247 : memref<1x48x144xf32, #tpu.memory_space<vmem>> -> memref<48x144xf32, #tpu.memory_space<vmem>>
        %swap3A_1249 = arith.index_cast %scan3A_1130 : i32 to index
        %swap3A_1250 = arith.constant 96 : index
        %swap3A_1251 = tpu.vector_load %swap3A_1248[%swap3A_1249, %swap3A_1250] {strides = array<i32>} : memref<48x144xf32, #tpu.memory_space<vmem>>, vector<16xf32>,
        tpu.vector_store %swap3A_1248[%swap3A_1249, %swap3A_1250], %mul3A_1244 {strides = array<i32>} : memref<48x144xf32, #tpu.memory_space<vmem>>, vector<16xf32>,
        %get3A_1252 = arith.constant 0 : i32
        %get3A_1253 = arith.constant 0 : i32
        %get3A_1254 = tpu.memref_slice %arg13[%rem3A_290, %get3A_1252, %get3A_1253] : memref<4x48x144xf32, #tpu.memory_space<vmem>> -> memref<1x48x144xf32, #tpu.memory_space<vmem>>
        %get3A_1255 = tpu.memref_squeeze %get3A_1254 : memref<1x48x144xf32, #tpu.memory_space<vmem>> -> memref<48x144xf32, #tpu.memory_space<vmem>>
        %get3A_1256 = arith.index_cast %scan3A_1130 : i32 to index
        %get3A_1257 = arith.constant 112 : index
        %get3A_1258 = tpu.vector_load %get3A_1255[%get3A_1256, %get3A_1257] {strides = array<i32>} : memref<48x144xf32, #tpu.memory_space<vmem>>, vector<16xf32>,
        %mul3A_1259 = vector.broadcast %squeeze3A_1139 : f32 to vector<16xf32>
        %mul3A_1260 = arith.mulf %get3A_1258, %mul3A_1259 : vector<16xf32>
        %swap3A_1261 = arith.constant 0 : i32
        %swap3A_1262 = arith.constant 0 : i32
        %swap3A_1263 = tpu.memref_slice %arg13[%rem3A_290, %swap3A_1261, %swap3A_1262] : memref<4x48x144xf32, #tpu.memory_space<vmem>> -> memref<1x48x144xf32, #tpu.memory_space<vmem>>
        %swap3A_1264 = tpu.memref_squeeze %swap3A_1263 : memref<1x48x144xf32, #tpu.memory_space<vmem>> -> memref<48x144xf32, #tpu.memory_space<vmem>>
        %swap3A_1265 = arith.index_cast %scan3A_1130 : i32 to index
        %swap3A_1266 = arith.constant 112 : index
        %swap3A_1267 = tpu.vector_load %swap3A_1264[%swap3A_1265, %swap3A_1266] {strides = array<i32>} : memref<48x144xf32, #tpu.memory_space<vmem>>, vector<16xf32>,
        tpu.vector_store %swap3A_1264[%swap3A_1265, %swap3A_1266], %mul3A_1260 {strides = array<i32>} : memref<48x144xf32, #tpu.memory_space<vmem>>, vector<16xf32>,
        %scan3A_1268 = arith.constant 6 : i32
        %scan3A_1269 = arith.addi %scan3A_438, %scan3A_1268 : i32
        %get3A_1270 = arith.constant 0 : i32
        %get3A_1271 = arith.constant 0 : i32
        %get3A_1272 = tpu.memref_slice %arg13[%rem3A_290, %get3A_1270, %get3A_1271] : memref<4x48x144xf32, #tpu.memory_space<vmem>> -> memref<1x48x144xf32, #tpu.memory_space<vmem>>
        %get3A_1273 = tpu.memref_squeeze %get3A_1272 : memref<1x48x144xf32, #tpu.memory_space<vmem>> -> memref<48x144xf32, #tpu.memory_space<vmem>>
        %get3A_1274 = arith.index_cast %scan3A_1269 : i32 to index
        %get3A_1275 = arith.constant 128 : index
        %get3A_1276 = tpu.vector_load %get3A_1273[%get3A_1274, %get3A_1275] {strides = array<i32>} : memref<48x144xf32, #tpu.memory_space<vmem>>, vector<16xf32>,
        %slice3A_1277 = vector.extract_strided_slice %get3A_1276 {offsets = [0], sizes = [1], strides = [1]} : vector<16xf32> to vector<1xf32>
        %squeeze3A_1278 = vector.extract %slice3A_1277[0] : f32 from vector<1xf32>
        %get3A_1279 = arith.constant 0 : i32
        %get3A_1280 = arith.constant 0 : i32
        %get3A_1281 = tpu.memref_slice %arg13[%rem3A_290, %get3A_1279, %get3A_1280] : memref<4x48x144xf32, #tpu.memory_space<vmem>> -> memref<1x48x144xf32, #tpu.memory_space<vmem>>
        %get3A_1282 = tpu.memref_squeeze %get3A_1281 : memref<1x48x144xf32, #tpu.memory_space<vmem>> -> memref<48x144xf32, #tpu.memory_space<vmem>>
        %get3A_1283 = arith.index_cast %scan3A_1269 : i32 to index
        %get3A_1284 = arith.constant 0 : index
        %get3A_1285 = tpu.vector_load %get3A_1282[%get3A_1283, %get3A_1284] {strides = array<i32>} : memref<48x144xf32, #tpu.memory_space<vmem>>, vector<16xf32>,
        %mul3A_1286 = vector.broadcast %squeeze3A_1278 : f32 to vector<16xf32>
        %mul3A_1287 = arith.mulf %get3A_1285, %mul3A_1286 : vector<16xf32>
        %swap3A_1288 = arith.constant 0 : i32
        %swap3A_1289 = arith.constant 0 : i32
        %swap3A_1290 = tpu.memref_slice %arg13[%rem3A_290, %swap3A_1288, %swap3A_1289] : memref<4x48x144xf32, #tpu.memory_space<vmem>> -> memref<1x48x144xf32, #tpu.memory_space<vmem>>
        %swap3A_1291 = tpu.memref_squeeze %swap3A_1290 : memref<1x48x144xf32, #tpu.memory_space<vmem>> -> memref<48x144xf32, #tpu.memory_space<vmem>>
        %swap3A_1292 = arith.index_cast %scan3A_1269 : i32 to index
        %swap3A_1293 = arith.constant 0 : index
        %swap3A_1294 = tpu.vector_load %swap3A_1291[%swap3A_1292, %swap3A_1293] {strides = array<i32>} : memref<48x144xf32, #tpu.memory_space<vmem>>, vector<16xf32>,
        tpu.vector_store %swap3A_1291[%swap3A_1292, %swap3A_1293], %mul3A_1287 {strides = array<i32>} : memref<48x144xf32, #tpu.memory_space<vmem>>, vector<16xf32>,
        %get3A_1295 = arith.constant 0 : i32
        %get3A_1296 = arith.constant 0 : i32
        %get3A_1297 = tpu.memref_slice %arg13[%rem3A_290, %get3A_1295, %get3A_1296] : memref<4x48x144xf32, #tpu.memory_space<vmem>> -> memref<1x48x144xf32, #tpu.memory_space<vmem>>
        %get3A_1298 = tpu.memref_squeeze %get3A_1297 : memref<1x48x144xf32, #tpu.memory_space<vmem>> -> memref<48x144xf32, #tpu.memory_space<vmem>>
        %get3A_1299 = arith.index_cast %scan3A_1269 : i32 to index
        %get3A_1300 = arith.constant 16 : index
        %get3A_1301 = tpu.vector_load %get3A_1298[%get3A_1299, %get3A_1300] {strides = array<i32>} : memref<48x144xf32, #tpu.memory_space<vmem>>, vector<16xf32>,
        %mul3A_1302 = vector.broadcast %squeeze3A_1278 : f32 to vector<16xf32>
        %mul3A_1303 = arith.mulf %get3A_1301, %mul3A_1302 : vector<16xf32>
        %swap3A_1304 = arith.constant 0 : i32
        %swap3A_1305 = arith.constant 0 : i32
        %swap3A_1306 = tpu.memref_slice %arg13[%rem3A_290, %swap3A_1304, %swap3A_1305] : memref<4x48x144xf32, #tpu.memory_space<vmem>> -> memref<1x48x144xf32, #tpu.memory_space<vmem>>
        %swap3A_1307 = tpu.memref_squeeze %swap3A_1306 : memref<1x48x144xf32, #tpu.memory_space<vmem>> -> memref<48x144xf32, #tpu.memory_space<vmem>>
        %swap3A_1308 = arith.index_cast %scan3A_1269 : i32 to index
        %swap3A_1309 = arith.constant 16 : index
        %swap3A_1310 = tpu.vector_load %swap3A_1307[%swap3A_1308, %swap3A_1309] {strides = array<i32>} : memref<48x144xf32, #tpu.memory_space<vmem>>, vector<16xf32>,
        tpu.vector_store %swap3A_1307[%swap3A_1308, %swap3A_1309], %mul3A_1303 {strides = array<i32>} : memref<48x144xf32, #tpu.memory_space<vmem>>, vector<16xf32>,
        %get3A_1311 = arith.constant 0 : i32
        %get3A_1312 = arith.constant 0 : i32
        %get3A_1313 = tpu.memref_slice %arg13[%rem3A_290, %get3A_1311, %get3A_1312] : memref<4x48x144xf32, #tpu.memory_space<vmem>> -> memref<1x48x144xf32, #tpu.memory_space<vmem>>
        %get3A_1314 = tpu.memref_squeeze %get3A_1313 : memref<1x48x144xf32, #tpu.memory_space<vmem>> -> memref<48x144xf32, #tpu.memory_space<vmem>>
        %get3A_1315 = arith.index_cast %scan3A_1269 : i32 to index
        %get3A_1316 = arith.constant 32 : index
        %get3A_1317 = tpu.vector_load %get3A_1314[%get3A_1315, %get3A_1316] {strides = array<i32>} : memref<48x144xf32, #tpu.memory_space<vmem>>, vector<16xf32>,
        %mul3A_1318 = vector.broadcast %squeeze3A_1278 : f32 to vector<16xf32>
        %mul3A_1319 = arith.mulf %get3A_1317, %mul3A_1318 : vector<16xf32>
        %swap3A_1320 = arith.constant 0 : i32
        %swap3A_1321 = arith.constant 0 : i32
        %swap3A_1322 = tpu.memref_slice %arg13[%rem3A_290, %swap3A_1320, %swap3A_1321] : memref<4x48x144xf32, #tpu.memory_space<vmem>> -> memref<1x48x144xf32, #tpu.memory_space<vmem>>
        %swap3A_1323 = tpu.memref_squeeze %swap3A_1322 : memref<1x48x144xf32, #tpu.memory_space<vmem>> -> memref<48x144xf32, #tpu.memory_space<vmem>>
        %swap3A_1324 = arith.index_cast %scan3A_1269 : i32 to index
        %swap3A_1325 = arith.constant 32 : index
        %swap3A_1326 = tpu.vector_load %swap3A_1323[%swap3A_1324, %swap3A_1325] {strides = array<i32>} : memref<48x144xf32, #tpu.memory_space<vmem>>, vector<16xf32>,
        tpu.vector_store %swap3A_1323[%swap3A_1324, %swap3A_1325], %mul3A_1319 {strides = array<i32>} : memref<48x144xf32, #tpu.memory_space<vmem>>, vector<16xf32>,
        %get3A_1327 = arith.constant 0 : i32
        %get3A_1328 = arith.constant 0 : i32
        %get3A_1329 = tpu.memref_slice %arg13[%rem3A_290, %get3A_1327, %get3A_1328] : memref<4x48x144xf32, #tpu.memory_space<vmem>> -> memref<1x48x144xf32, #tpu.memory_space<vmem>>
        %get3A_1330 = tpu.memref_squeeze %get3A_1329 : memref<1x48x144xf32, #tpu.memory_space<vmem>> -> memref<48x144xf32, #tpu.memory_space<vmem>>
        %get3A_1331 = arith.index_cast %scan3A_1269 : i32 to index
        %get3A_1332 = arith.constant 48 : index
        %get3A_1333 = tpu.vector_load %get3A_1330[%get3A_1331, %get3A_1332] {strides = array<i32>} : memref<48x144xf32, #tpu.memory_space<vmem>>, vector<16xf32>,
        %mul3A_1334 = vector.broadcast %squeeze3A_1278 : f32 to vector<16xf32>
        %mul3A_1335 = arith.mulf %get3A_1333, %mul3A_1334 : vector<16xf32>
        %swap3A_1336 = arith.constant 0 : i32
        %swap3A_1337 = arith.constant 0 : i32
        %swap3A_1338 = tpu.memref_slice %arg13[%rem3A_290, %swap3A_1336, %swap3A_1337] : memref<4x48x144xf32, #tpu.memory_space<vmem>> -> memref<1x48x144xf32, #tpu.memory_space<vmem>>
        %swap3A_1339 = tpu.memref_squeeze %swap3A_1338 : memref<1x48x144xf32, #tpu.memory_space<vmem>> -> memref<48x144xf32, #tpu.memory_space<vmem>>
        %swap3A_1340 = arith.index_cast %scan3A_1269 : i32 to index
        %swap3A_1341 = arith.constant 48 : index
        %swap3A_1342 = tpu.vector_load %swap3A_1339[%swap3A_1340, %swap3A_1341] {strides = array<i32>} : memref<48x144xf32, #tpu.memory_space<vmem>>, vector<16xf32>,
        tpu.vector_store %swap3A_1339[%swap3A_1340, %swap3A_1341], %mul3A_1335 {strides = array<i32>} : memref<48x144xf32, #tpu.memory_space<vmem>>, vector<16xf32>,
        %get3A_1343 = arith.constant 0 : i32
        %get3A_1344 = arith.constant 0 : i32
        %get3A_1345 = tpu.memref_slice %arg13[%rem3A_290, %get3A_1343, %get3A_1344] : memref<4x48x144xf32, #tpu.memory_space<vmem>> -> memref<1x48x144xf32, #tpu.memory_space<vmem>>
        %get3A_1346 = tpu.memref_squeeze %get3A_1345 : memref<1x48x144xf32, #tpu.memory_space<vmem>> -> memref<48x144xf32, #tpu.memory_space<vmem>>
        %get3A_1347 = arith.index_cast %scan3A_1269 : i32 to index
        %get3A_1348 = arith.constant 64 : index
        %get3A_1349 = tpu.vector_load %get3A_1346[%get3A_1347, %get3A_1348] {strides = array<i32>} : memref<48x144xf32, #tpu.memory_space<vmem>>, vector<16xf32>,
        %mul3A_1350 = vector.broadcast %squeeze3A_1278 : f32 to vector<16xf32>
        %mul3A_1351 = arith.mulf %get3A_1349, %mul3A_1350 : vector<16xf32>
        %swap3A_1352 = arith.constant 0 : i32
        %swap3A_1353 = arith.constant 0 : i32
        %swap3A_1354 = tpu.memref_slice %arg13[%rem3A_290, %swap3A_1352, %swap3A_1353] : memref<4x48x144xf32, #tpu.memory_space<vmem>> -> memref<1x48x144xf32, #tpu.memory_space<vmem>>
        %swap3A_1355 = tpu.memref_squeeze %swap3A_1354 : memref<1x48x144xf32, #tpu.memory_space<vmem>> -> memref<48x144xf32, #tpu.memory_space<vmem>>
        %swap3A_1356 = arith.index_cast %scan3A_1269 : i32 to index
        %swap3A_1357 = arith.constant 64 : index
        %swap3A_1358 = tpu.vector_load %swap3A_1355[%swap3A_1356, %swap3A_1357] {strides = array<i32>} : memref<48x144xf32, #tpu.memory_space<vmem>>, vector<16xf32>,
        tpu.vector_store %swap3A_1355[%swap3A_1356, %swap3A_1357], %mul3A_1351 {strides = array<i32>} : memref<48x144xf32, #tpu.memory_space<vmem>>, vector<16xf32>,
        %get3A_1359 = arith.constant 0 : i32
        %get3A_1360 = arith.constant 0 : i32
        %get3A_1361 = tpu.memref_slice %arg13[%rem3A_290, %get3A_1359, %get3A_1360] : memref<4x48x144xf32, #tpu.memory_space<vmem>> -> memref<1x48x144xf32, #tpu.memory_space<vmem>>
        %get3A_1362 = tpu.memref_squeeze %get3A_1361 : memref<1x48x144xf32, #tpu.memory_space<vmem>> -> memref<48x144xf32, #tpu.memory_space<vmem>>
        %get3A_1363 = arith.index_cast %scan3A_1269 : i32 to index
        %get3A_1364 = arith.constant 80 : index
        %get3A_1365 = tpu.vector_load %get3A_1362[%get3A_1363, %get3A_1364] {strides = array<i32>} : memref<48x144xf32, #tpu.memory_space<vmem>>, vector<16xf32>,
        %mul3A_1366 = vector.broadcast %squeeze3A_1278 : f32 to vector<16xf32>
        %mul3A_1367 = arith.mulf %get3A_1365, %mul3A_1366 : vector<16xf32>
        %swap3A_1368 = arith.constant 0 : i32
        %swap3A_1369 = arith.constant 0 : i32
        %swap3A_1370 = tpu.memref_slice %arg13[%rem3A_290, %swap3A_1368, %swap3A_1369] : memref<4x48x144xf32, #tpu.memory_space<vmem>> -> memref<1x48x144xf32, #tpu.memory_space<vmem>>
        %swap3A_1371 = tpu.memref_squeeze %swap3A_1370 : memref<1x48x144xf32, #tpu.memory_space<vmem>> -> memref<48x144xf32, #tpu.memory_space<vmem>>
        %swap3A_1372 = arith.index_cast %scan3A_1269 : i32 to index
        %swap3A_1373 = arith.constant 80 : index
        %swap3A_1374 = tpu.vector_load %swap3A_1371[%swap3A_1372, %swap3A_1373] {strides = array<i32>} : memref<48x144xf32, #tpu.memory_space<vmem>>, vector<16xf32>,
        tpu.vector_store %swap3A_1371[%swap3A_1372, %swap3A_1373], %mul3A_1367 {strides = array<i32>} : memref<48x144xf32, #tpu.memory_space<vmem>>, vector<16xf32>,
        %get3A_1375 = arith.constant 0 : i32
        %get3A_1376 = arith.constant 0 : i32
        %get3A_1377 = tpu.memref_slice %arg13[%rem3A_290, %get3A_1375, %get3A_1376] : memref<4x48x144xf32, #tpu.memory_space<vmem>> -> memref<1x48x144xf32, #tpu.memory_space<vmem>>
        %get3A_1378 = tpu.memref_squeeze %get3A_1377 : memref<1x48x144xf32, #tpu.memory_space<vmem>> -> memref<48x144xf32, #tpu.memory_space<vmem>>
        %get3A_1379 = arith.index_cast %scan3A_1269 : i32 to index
        %get3A_1380 = arith.constant 96 : index
        %get3A_1381 = tpu.vector_load %get3A_1378[%get3A_1379, %get3A_1380] {strides = array<i32>} : memref<48x144xf32, #tpu.memory_space<vmem>>, vector<16xf32>,
        %mul3A_1382 = vector.broadcast %squeeze3A_1278 : f32 to vector<16xf32>
        %mul3A_1383 = arith.mulf %get3A_1381, %mul3A_1382 : vector<16xf32>
        %swap3A_1384 = arith.constant 0 : i32
        %swap3A_1385 = arith.constant 0 : i32
        %swap3A_1386 = tpu.memref_slice %arg13[%rem3A_290, %swap3A_1384, %swap3A_1385] : memref<4x48x144xf32, #tpu.memory_space<vmem>> -> memref<1x48x144xf32, #tpu.memory_space<vmem>>
        %swap3A_1387 = tpu.memref_squeeze %swap3A_1386 : memref<1x48x144xf32, #tpu.memory_space<vmem>> -> memref<48x144xf32, #tpu.memory_space<vmem>>
        %swap3A_1388 = arith.index_cast %scan3A_1269 : i32 to index
        %swap3A_1389 = arith.constant 96 : index
        %swap3A_1390 = tpu.vector_load %swap3A_1387[%swap3A_1388, %swap3A_1389] {strides = array<i32>} : memref<48x144xf32, #tpu.memory_space<vmem>>, vector<16xf32>,
        tpu.vector_store %swap3A_1387[%swap3A_1388, %swap3A_1389], %mul3A_1383 {strides = array<i32>} : memref<48x144xf32, #tpu.memory_space<vmem>>, vector<16xf32>,
        %get3A_1391 = arith.constant 0 : i32
        %get3A_1392 = arith.constant 0 : i32
        %get3A_1393 = tpu.memref_slice %arg13[%rem3A_290, %get3A_1391, %get3A_1392] : memref<4x48x144xf32, #tpu.memory_space<vmem>> -> memref<1x48x144xf32, #tpu.memory_space<vmem>>
        %get3A_1394 = tpu.memref_squeeze %get3A_1393 : memref<1x48x144xf32, #tpu.memory_space<vmem>> -> memref<48x144xf32, #tpu.memory_space<vmem>>
        %get3A_1395 = arith.index_cast %scan3A_1269 : i32 to index
        %get3A_1396 = arith.constant 112 : index
        %get3A_1397 = tpu.vector_load %get3A_1394[%get3A_1395, %get3A_1396] {strides = array<i32>} : memref<48x144xf32, #tpu.memory_space<vmem>>, vector<16xf32>,
        %mul3A_1398 = vector.broadcast %squeeze3A_1278 : f32 to vector<16xf32>
        %mul3A_1399 = arith.mulf %get3A_1397, %mul3A_1398 : vector<16xf32>
        %swap3A_1400 = arith.constant 0 : i32
        %swap3A_1401 = arith.constant 0 : i32
        %swap3A_1402 = tpu.memref_slice %arg13[%rem3A_290, %swap3A_1400, %swap3A_1401] : memref<4x48x144xf32, #tpu.memory_space<vmem>> -> memref<1x48x144xf32, #tpu.memory_space<vmem>>
        %swap3A_1403 = tpu.memref_squeeze %swap3A_1402 : memref<1x48x144xf32, #tpu.memory_space<vmem>> -> memref<48x144xf32, #tpu.memory_space<vmem>>
        %swap3A_1404 = arith.index_cast %scan3A_1269 : i32 to index
        %swap3A_1405 = arith.constant 112 : index
        %swap3A_1406 = tpu.vector_load %swap3A_1403[%swap3A_1404, %swap3A_1405] {strides = array<i32>} : memref<48x144xf32, #tpu.memory_space<vmem>>, vector<16xf32>,
        tpu.vector_store %swap3A_1403[%swap3A_1404, %swap3A_1405], %mul3A_1399 {strides = array<i32>} : memref<48x144xf32, #tpu.memory_space<vmem>>, vector<16xf32>,
        %scan3A_1407 = arith.constant 7 : i32
        %scan3A_1408 = arith.addi %scan3A_438, %scan3A_1407 : i32
        %get3A_1409 = arith.constant 0 : i32
        %get3A_1410 = arith.constant 0 : i32
        %get3A_1411 = tpu.memref_slice %arg13[%rem3A_290, %get3A_1409, %get3A_1410] : memref<4x48x144xf32, #tpu.memory_space<vmem>> -> memref<1x48x144xf32, #tpu.memory_space<vmem>>
        %get3A_1412 = tpu.memref_squeeze %get3A_1411 : memref<1x48x144xf32, #tpu.memory_space<vmem>> -> memref<48x144xf32, #tpu.memory_space<vmem>>
        %get3A_1413 = arith.index_cast %scan3A_1408 : i32 to index
        %get3A_1414 = arith.constant 128 : index
        %get3A_1415 = tpu.vector_load %get3A_1412[%get3A_1413, %get3A_1414] {strides = array<i32>} : memref<48x144xf32, #tpu.memory_space<vmem>>, vector<16xf32>,
        %slice3A_1416 = vector.extract_strided_slice %get3A_1415 {offsets = [0], sizes = [1], strides = [1]} : vector<16xf32> to vector<1xf32>
        %squeeze3A_1417 = vector.extract %slice3A_1416[0] : f32 from vector<1xf32>
        %get3A_1418 = arith.constant 0 : i32
        %get3A_1419 = arith.constant 0 : i32
        %get3A_1420 = tpu.memref_slice %arg13[%rem3A_290, %get3A_1418, %get3A_1419] : memref<4x48x144xf32, #tpu.memory_space<vmem>> -> memref<1x48x144xf32, #tpu.memory_space<vmem>>
        %get3A_1421 = tpu.memref_squeeze %get3A_1420 : memref<1x48x144xf32, #tpu.memory_space<vmem>> -> memref<48x144xf32, #tpu.memory_space<vmem>>
        %get3A_1422 = arith.index_cast %scan3A_1408 : i32 to index
        %get3A_1423 = arith.constant 0 : index
        %get3A_1424 = tpu.vector_load %get3A_1421[%get3A_1422, %get3A_1423] {strides = array<i32>} : memref<48x144xf32, #tpu.memory_space<vmem>>, vector<16xf32>,
        %mul3A_1425 = vector.broadcast %squeeze3A_1417 : f32 to vector<16xf32>
        %mul3A_1426 = arith.mulf %get3A_1424, %mul3A_1425 : vector<16xf32>
        %swap3A_1427 = arith.constant 0 : i32
        %swap3A_1428 = arith.constant 0 : i32
        %swap3A_1429 = tpu.memref_slice %arg13[%rem3A_290, %swap3A_1427, %swap3A_1428] : memref<4x48x144xf32, #tpu.memory_space<vmem>> -> memref<1x48x144xf32, #tpu.memory_space<vmem>>
        %swap3A_1430 = tpu.memref_squeeze %swap3A_1429 : memref<1x48x144xf32, #tpu.memory_space<vmem>> -> memref<48x144xf32, #tpu.memory_space<vmem>>
        %swap3A_1431 = arith.index_cast %scan3A_1408 : i32 to index
        %swap3A_1432 = arith.constant 0 : index
        %swap3A_1433 = tpu.vector_load %swap3A_1430[%swap3A_1431, %swap3A_1432] {strides = array<i32>} : memref<48x144xf32, #tpu.memory_space<vmem>>, vector<16xf32>,
        tpu.vector_store %swap3A_1430[%swap3A_1431, %swap3A_1432], %mul3A_1426 {strides = array<i32>} : memref<48x144xf32, #tpu.memory_space<vmem>>, vector<16xf32>,
        %get3A_1434 = arith.constant 0 : i32
        %get3A_1435 = arith.constant 0 : i32
        %get3A_1436 = tpu.memref_slice %arg13[%rem3A_290, %get3A_1434, %get3A_1435] : memref<4x48x144xf32, #tpu.memory_space<vmem>> -> memref<1x48x144xf32, #tpu.memory_space<vmem>>
        %get3A_1437 = tpu.memref_squeeze %get3A_1436 : memref<1x48x144xf32, #tpu.memory_space<vmem>> -> memref<48x144xf32, #tpu.memory_space<vmem>>
        %get3A_1438 = arith.index_cast %scan3A_1408 : i32 to index
        %get3A_1439 = arith.constant 16 : index
        %get3A_1440 = tpu.vector_load %get3A_1437[%get3A_1438, %get3A_1439] {strides = array<i32>} : memref<48x144xf32, #tpu.memory_space<vmem>>, vector<16xf32>,
        %mul3A_1441 = vector.broadcast %squeeze3A_1417 : f32 to vector<16xf32>
        %mul3A_1442 = arith.mulf %get3A_1440, %mul3A_1441 : vector<16xf32>
        %swap3A_1443 = arith.constant 0 : i32
        %swap3A_1444 = arith.constant 0 : i32
        %swap3A_1445 = tpu.memref_slice %arg13[%rem3A_290, %swap3A_1443, %swap3A_1444] : memref<4x48x144xf32, #tpu.memory_space<vmem>> -> memref<1x48x144xf32, #tpu.memory_space<vmem>>
        %swap3A_1446 = tpu.memref_squeeze %swap3A_1445 : memref<1x48x144xf32, #tpu.memory_space<vmem>> -> memref<48x144xf32, #tpu.memory_space<vmem>>
        %swap3A_1447 = arith.index_cast %scan3A_1408 : i32 to index
        %swap3A_1448 = arith.constant 16 : index
        %swap3A_1449 = tpu.vector_load %swap3A_1446[%swap3A_1447, %swap3A_1448] {strides = array<i32>} : memref<48x144xf32, #tpu.memory_space<vmem>>, vector<16xf32>,
        tpu.vector_store %swap3A_1446[%swap3A_1447, %swap3A_1448], %mul3A_1442 {strides = array<i32>} : memref<48x144xf32, #tpu.memory_space<vmem>>, vector<16xf32>,
        %get3A_1450 = arith.constant 0 : i32
        %get3A_1451 = arith.constant 0 : i32
        %get3A_1452 = tpu.memref_slice %arg13[%rem3A_290, %get3A_1450, %get3A_1451] : memref<4x48x144xf32, #tpu.memory_space<vmem>> -> memref<1x48x144xf32, #tpu.memory_space<vmem>>
        %get3A_1453 = tpu.memref_squeeze %get3A_1452 : memref<1x48x144xf32, #tpu.memory_space<vmem>> -> memref<48x144xf32, #tpu.memory_space<vmem>>
        %get3A_1454 = arith.index_cast %scan3A_1408 : i32 to index
        %get3A_1455 = arith.constant 32 : index
        %get3A_1456 = tpu.vector_load %get3A_1453[%get3A_1454, %get3A_1455] {strides = array<i32>} : memref<48x144xf32, #tpu.memory_space<vmem>>, vector<16xf32>,
        %mul3A_1457 = vector.broadcast %squeeze3A_1417 : f32 to vector<16xf32>
        %mul3A_1458 = arith.mulf %get3A_1456, %mul3A_1457 : vector<16xf32>
        %swap3A_1459 = arith.constant 0 : i32
        %swap3A_1460 = arith.constant 0 : i32
        %swap3A_1461 = tpu.memref_slice %arg13[%rem3A_290, %swap3A_1459, %swap3A_1460] : memref<4x48x144xf32, #tpu.memory_space<vmem>> -> memref<1x48x144xf32, #tpu.memory_space<vmem>>
        %swap3A_1462 = tpu.memref_squeeze %swap3A_1461 : memref<1x48x144xf32, #tpu.memory_space<vmem>> -> memref<48x144xf32, #tpu.memory_space<vmem>>
        %swap3A_1463 = arith.index_cast %scan3A_1408 : i32 to index
        %swap3A_1464 = arith.constant 32 : index
        %swap3A_1465 = tpu.vector_load %swap3A_1462[%swap3A_1463, %swap3A_1464] {strides = array<i32>} : memref<48x144xf32, #tpu.memory_space<vmem>>, vector<16xf32>,
        tpu.vector_store %swap3A_1462[%swap3A_1463, %swap3A_1464], %mul3A_1458 {strides = array<i32>} : memref<48x144xf32, #tpu.memory_space<vmem>>, vector<16xf32>,
        %get3A_1466 = arith.constant 0 : i32
        %get3A_1467 = arith.constant 0 : i32
        %get3A_1468 = tpu.memref_slice %arg13[%rem3A_290, %get3A_1466, %get3A_1467] : memref<4x48x144xf32, #tpu.memory_space<vmem>> -> memref<1x48x144xf32, #tpu.memory_space<vmem>>
        %get3A_1469 = tpu.memref_squeeze %get3A_1468 : memref<1x48x144xf32, #tpu.memory_space<vmem>> -> memref<48x144xf32, #tpu.memory_space<vmem>>
        %get3A_1470 = arith.index_cast %scan3A_1408 : i32 to index
        %get3A_1471 = arith.constant 48 : index
        %get3A_1472 = tpu.vector_load %get3A_1469[%get3A_1470, %get3A_1471] {strides = array<i32>} : memref<48x144xf32, #tpu.memory_space<vmem>>, vector<16xf32>,
        %mul3A_1473 = vector.broadcast %squeeze3A_1417 : f32 to vector<16xf32>
        %mul3A_1474 = arith.mulf %get3A_1472, %mul3A_1473 : vector<16xf32>
        %swap3A_1475 = arith.constant 0 : i32
        %swap3A_1476 = arith.constant 0 : i32
        %swap3A_1477 = tpu.memref_slice %arg13[%rem3A_290, %swap3A_1475, %swap3A_1476] : memref<4x48x144xf32, #tpu.memory_space<vmem>> -> memref<1x48x144xf32, #tpu.memory_space<vmem>>
        %swap3A_1478 = tpu.memref_squeeze %swap3A_1477 : memref<1x48x144xf32, #tpu.memory_space<vmem>> -> memref<48x144xf32, #tpu.memory_space<vmem>>
        %swap3A_1479 = arith.index_cast %scan3A_1408 : i32 to index
        %swap3A_1480 = arith.constant 48 : index
        %swap3A_1481 = tpu.vector_load %swap3A_1478[%swap3A_1479, %swap3A_1480] {strides = array<i32>} : memref<48x144xf32, #tpu.memory_space<vmem>>, vector<16xf32>,
        tpu.vector_store %swap3A_1478[%swap3A_1479, %swap3A_1480], %mul3A_1474 {strides = array<i32>} : memref<48x144xf32, #tpu.memory_space<vmem>>, vector<16xf32>,
        %get3A_1482 = arith.constant 0 : i32
        %get3A_1483 = arith.constant 0 : i32
        %get3A_1484 = tpu.memref_slice %arg13[%rem3A_290, %get3A_1482, %get3A_1483] : memref<4x48x144xf32, #tpu.memory_space<vmem>> -> memref<1x48x144xf32, #tpu.memory_space<vmem>>
        %get3A_1485 = tpu.memref_squeeze %get3A_1484 : memref<1x48x144xf32, #tpu.memory_space<vmem>> -> memref<48x144xf32, #tpu.memory_space<vmem>>
        %get3A_1486 = arith.index_cast %scan3A_1408 : i32 to index
        %get3A_1487 = arith.constant 64 : index
        %get3A_1488 = tpu.vector_load %get3A_1485[%get3A_1486, %get3A_1487] {strides = array<i32>} : memref<48x144xf32, #tpu.memory_space<vmem>>, vector<16xf32>,
        %mul3A_1489 = vector.broadcast %squeeze3A_1417 : f32 to vector<16xf32>
        %mul3A_1490 = arith.mulf %get3A_1488, %mul3A_1489 : vector<16xf32>
        %swap3A_1491 = arith.constant 0 : i32
        %swap3A_1492 = arith.constant 0 : i32
        %swap3A_1493 = tpu.memref_slice %arg13[%rem3A_290, %swap3A_1491, %swap3A_1492] : memref<4x48x144xf32, #tpu.memory_space<vmem>> -> memref<1x48x144xf32, #tpu.memory_space<vmem>>
        %swap3A_1494 = tpu.memref_squeeze %swap3A_1493 : memref<1x48x144xf32, #tpu.memory_space<vmem>> -> memref<48x144xf32, #tpu.memory_space<vmem>>
        %swap3A_1495 = arith.index_cast %scan3A_1408 : i32 to index
        %swap3A_1496 = arith.constant 64 : index
        %swap3A_1497 = tpu.vector_load %swap3A_1494[%swap3A_1495, %swap3A_1496] {strides = array<i32>} : memref<48x144xf32, #tpu.memory_space<vmem>>, vector<16xf32>,
        tpu.vector_store %swap3A_1494[%swap3A_1495, %swap3A_1496], %mul3A_1490 {strides = array<i32>} : memref<48x144xf32, #tpu.memory_space<vmem>>, vector<16xf32>,
        %get3A_1498 = arith.constant 0 : i32
        %get3A_1499 = arith.constant 0 : i32
        %get3A_1500 = tpu.memref_slice %arg13[%rem3A_290, %get3A_1498, %get3A_1499] : memref<4x48x144xf32, #tpu.memory_space<vmem>> -> memref<1x48x144xf32, #tpu.memory_space<vmem>>
        %get3A_1501 = tpu.memref_squeeze %get3A_1500 : memref<1x48x144xf32, #tpu.memory_space<vmem>> -> memref<48x144xf32, #tpu.memory_space<vmem>>
        %get3A_1502 = arith.index_cast %scan3A_1408 : i32 to index
        %get3A_1503 = arith.constant 80 : index
        %get3A_1504 = tpu.vector_load %get3A_1501[%get3A_1502, %get3A_1503] {strides = array<i32>} : memref<48x144xf32, #tpu.memory_space<vmem>>, vector<16xf32>,
        %mul3A_1505 = vector.broadcast %squeeze3A_1417 : f32 to vector<16xf32>
        %mul3A_1506 = arith.mulf %get3A_1504, %mul3A_1505 : vector<16xf32>
        %swap3A_1507 = arith.constant 0 : i32
        %swap3A_1508 = arith.constant 0 : i32
        %swap3A_1509 = tpu.memref_slice %arg13[%rem3A_290, %swap3A_1507, %swap3A_1508] : memref<4x48x144xf32, #tpu.memory_space<vmem>> -> memref<1x48x144xf32, #tpu.memory_space<vmem>>
        %swap3A_1510 = tpu.memref_squeeze %swap3A_1509 : memref<1x48x144xf32, #tpu.memory_space<vmem>> -> memref<48x144xf32, #tpu.memory_space<vmem>>
        %swap3A_1511 = arith.index_cast %scan3A_1408 : i32 to index
        %swap3A_1512 = arith.constant 80 : index
        %swap3A_1513 = tpu.vector_load %swap3A_1510[%swap3A_1511, %swap3A_1512] {strides = array<i32>} : memref<48x144xf32, #tpu.memory_space<vmem>>, vector<16xf32>,
        tpu.vector_store %swap3A_1510[%swap3A_1511, %swap3A_1512], %mul3A_1506 {strides = array<i32>} : memref<48x144xf32, #tpu.memory_space<vmem>>, vector<16xf32>,
        %get3A_1514 = arith.constant 0 : i32
        %get3A_1515 = arith.constant 0 : i32
        %get3A_1516 = tpu.memref_slice %arg13[%rem3A_290, %get3A_1514, %get3A_1515] : memref<4x48x144xf32, #tpu.memory_space<vmem>> -> memref<1x48x144xf32, #tpu.memory_space<vmem>>
        %get3A_1517 = tpu.memref_squeeze %get3A_1516 : memref<1x48x144xf32, #tpu.memory_space<vmem>> -> memref<48x144xf32, #tpu.memory_space<vmem>>
        %get3A_1518 = arith.index_cast %scan3A_1408 : i32 to index
        %get3A_1519 = arith.constant 96 : index
        %get3A_1520 = tpu.vector_load %get3A_1517[%get3A_1518, %get3A_1519] {strides = array<i32>} : memref<48x144xf32, #tpu.memory_space<vmem>>, vector<16xf32>,
        %mul3A_1521 = vector.broadcast %squeeze3A_1417 : f32 to vector<16xf32>
        %mul3A_1522 = arith.mulf %get3A_1520, %mul3A_1521 : vector<16xf32>
        %swap3A_1523 = arith.constant 0 : i32
        %swap3A_1524 = arith.constant 0 : i32
        %swap3A_1525 = tpu.memref_slice %arg13[%rem3A_290, %swap3A_1523, %swap3A_1524] : memref<4x48x144xf32, #tpu.memory_space<vmem>> -> memref<1x48x144xf32, #tpu.memory_space<vmem>>
        %swap3A_1526 = tpu.memref_squeeze %swap3A_1525 : memref<1x48x144xf32, #tpu.memory_space<vmem>> -> memref<48x144xf32, #tpu.memory_space<vmem>>
        %swap3A_1527 = arith.index_cast %scan3A_1408 : i32 to index
        %swap3A_1528 = arith.constant 96 : index
        %swap3A_1529 = tpu.vector_load %swap3A_1526[%swap3A_1527, %swap3A_1528] {strides = array<i32>} : memref<48x144xf32, #tpu.memory_space<vmem>>, vector<16xf32>,
        tpu.vector_store %swap3A_1526[%swap3A_1527, %swap3A_1528], %mul3A_1522 {strides = array<i32>} : memref<48x144xf32, #tpu.memory_space<vmem>>, vector<16xf32>,
        %get3A_1530 = arith.constant 0 : i32
        %get3A_1531 = arith.constant 0 : i32
        %get3A_1532 = tpu.memref_slice %arg13[%rem3A_290, %get3A_1530, %get3A_1531] : memref<4x48x144xf32, #tpu.memory_space<vmem>> -> memref<1x48x144xf32, #tpu.memory_space<vmem>>
        %get3A_1533 = tpu.memref_squeeze %get3A_1532 : memref<1x48x144xf32, #tpu.memory_space<vmem>> -> memref<48x144xf32, #tpu.memory_space<vmem>>
        %get3A_1534 = arith.index_cast %scan3A_1408 : i32 to index
        %get3A_1535 = arith.constant 112 : index
        %get3A_1536 = tpu.vector_load %get3A_1533[%get3A_1534, %get3A_1535] {strides = array<i32>} : memref<48x144xf32, #tpu.memory_space<vmem>>, vector<16xf32>,
        %mul3A_1537 = vector.broadcast %squeeze3A_1417 : f32 to vector<16xf32>
        %mul3A_1538 = arith.mulf %get3A_1536, %mul3A_1537 : vector<16xf32>
        %swap3A_1539 = arith.constant 0 : i32
        %swap3A_1540 = arith.constant 0 : i32
        %swap3A_1541 = tpu.memref_slice %arg13[%rem3A_290, %swap3A_1539, %swap3A_1540] : memref<4x48x144xf32, #tpu.memory_space<vmem>> -> memref<1x48x144xf32, #tpu.memory_space<vmem>>
        %swap3A_1542 = tpu.memref_squeeze %swap3A_1541 : memref<1x48x144xf32, #tpu.memory_space<vmem>> -> memref<48x144xf32, #tpu.memory_space<vmem>>
        %swap3A_1543 = arith.index_cast %scan3A_1408 : i32 to index
        %swap3A_1544 = arith.constant 112 : index
        %swap3A_1545 = tpu.vector_load %swap3A_1542[%swap3A_1543, %swap3A_1544] {strides = array<i32>} : memref<48x144xf32, #tpu.memory_space<vmem>>, vector<16xf32>,
        tpu.vector_store %swap3A_1542[%swap3A_1543, %swap3A_1544], %mul3A_1538 {strides = array<i32>} : memref<48x144xf32, #tpu.memory_space<vmem>>, vector<16xf32>,
      }
      %scan3A_426 = arith.constant 48 : i32
      %dma_start3A_427 = arith.constant 1 : i32
      %dma_start3A_428 = arith.constant 0 : i32
      %dma_start3A_429 = arith.constant 0 : i32
      %dma_start3A_430 = tpu.memref_slice %arg13[%rem3A_290, %dma_start3A_428, %dma_start3A_429] : memref<4x48x144xf32, #tpu.memory_space<vmem>> -> memref<1x48x144xf32, #tpu.memory_space<vmem>>
      %dma_start3A_431 = tpu.memref_squeeze %dma_start3A_430 : memref<1x48x144xf32, #tpu.memory_space<vmem>> -> memref<48x144xf32, #tpu.memory_space<vmem>>
      %dma_start3A_432 = arith.constant 0 : i32
      %dma_start3A_433 = tpu.memref_slice %arg8[%rem3A_296, %dma_start3A_427, %dma_start3A_432] : memref<6x2x48xi32, #tpu.memory_space<vmem>> -> memref<1x1x48xi32, #tpu.memory_space<vmem>>
      %dma_start3A_434 = tpu.memref_squeeze %dma_start3A_433 : memref<1x1x48xi32, #tpu.memory_space<vmem>> -> memref<48xi32, #tpu.memory_space<vmem>>
      %dma_start3A_435 = arith.constant 0 : i32
      %dma_start3A_436 = arith.constant 0 : i32
      %dma_start3A_437 = tpu.memref_slice %arg6[%dma_start3A_435, %dma_start3A_436] : memref<10240x144xf32, #tpu.memory_space<vmem_shared>> -> memref<10240x144xf32, #tpu.memory_space<vmem_shared>>
      tpu.enqueue_indirect_dma source(%dma_start3A_431 : memref<48x144xf32, #tpu.memory_space<vmem>>) target(%dma_start3A_437 : memref<10240x144xf32, #tpu.memory_space<vmem_shared>>) offsets(%dma_start3A_434 : memref<48xi32, #tpu.memory_space<vmem>>) semaphore(%arg12 : memref<!tpu.dma_semaphore, #tpu.memory_space<semaphore_mem>>) {add = true}
    }
    %scan3A_165 = arith.constant 208 : i32
    %dma_wait3A_166 = arith.constant 0 : i32
    %dma_wait3A_167 = arith.constant 0 : i32
    %dma_wait3A_168 = arith.constant 0 : i32
    %dma_wait3A_169 = arith.constant 0 : i32
    %dma_wait3A_170 = tpu.memref_slice %arg13[%dma_wait3A_167, %dma_wait3A_168, %dma_wait3A_169] : memref<4x48x144xf32, #tpu.memory_space<vmem>> -> memref<1x48x144xf32, #tpu.memory_space<vmem>>
    %dma_wait3A_171 = tpu.memref_squeeze %dma_wait3A_170 : memref<1x48x144xf32, #tpu.memory_space<vmem>> -> memref<48x144xf32, #tpu.memory_space<vmem>>
    %dma_wait3A_172 = arith.constant 0 : i32
    %dma_wait3A_173 = arith.constant 0 : i32
    %dma_wait3A_174 = tpu.memref_slice %arg5[%dma_wait3A_166, %dma_wait3A_172, %dma_wait3A_173] : memref<2x10240x144xf32, #tpu.memory_space<hbm>> -> memref<1x48x144xf32, #tpu.memory_space<hbm>>
    %dma_wait3A_175 = tpu.memref_squeeze %dma_wait3A_174 : memref<1x48x144xf32, #tpu.memory_space<hbm>> -> memref<48x144xf32, #tpu.memory_space<hbm>>
    %dma_wait3A_176 = arith.constant 0 : i32
    %dma_wait3A_177 = arith.constant 0 : i32
    %dma_wait3A_178 = tpu.memref_slice %arg13[%dma_wait3A_167, %dma_wait3A_176, %dma_wait3A_177] : memref<4x48x144xf32, #tpu.memory_space<vmem>> -> memref<1x48x144xf32, #tpu.memory_space<vmem>>
    %dma_wait3A_179 = tpu.memref_squeeze %dma_wait3A_178 : memref<1x48x144xf32, #tpu.memory_space<vmem>> -> memref<48x144xf32, #tpu.memory_space<vmem>>
    %dma_wait3A_180 = arith.constant 0 : i32
    %dma_wait3A_181 = arith.constant 0 : i32
    %dma_wait3A_182 = tpu.memref_slice %arg5[%dma_wait3A_166, %dma_wait3A_180, %dma_wait3A_181] : memref<2x10240x144xf32, #tpu.memory_space<hbm>> -> memref<1x48x144xf32, #tpu.memory_space<hbm>>
    %dma_wait3A_183 = tpu.memref_squeeze %dma_wait3A_182 : memref<1x48x144xf32, #tpu.memory_space<hbm>> -> memref<48x144xf32, #tpu.memory_space<hbm>>
    tpu.wait_dma2 semaphore(%arg12 : memref<!tpu.dma_semaphore, #tpu.memory_space<semaphore_mem>>) src(%dma_wait3A_183 : memref<48x144xf32, #tpu.memory_space<hbm>>) dst(%dma_wait3A_179 : memref<48x144xf32, #tpu.memory_space<vmem>>)
    %dma_wait3A_184 = arith.constant 0 : i32
    %dma_wait3A_185 = arith.constant 1 : i32
    %dma_wait3A_186 = arith.constant 0 : i32
    %dma_wait3A_187 = arith.constant 0 : i32
    %dma_wait3A_188 = tpu.memref_slice %arg13[%dma_wait3A_185, %dma_wait3A_186, %dma_wait3A_187] : memref<4x48x144xf32, #tpu.memory_space<vmem>> -> memref<1x48x144xf32, #tpu.memory_space<vmem>>
    %dma_wait3A_189 = tpu.memref_squeeze %dma_wait3A_188 : memref<1x48x144xf32, #tpu.memory_space<vmem>> -> memref<48x144xf32, #tpu.memory_space<vmem>>
    %dma_wait3A_190 = arith.constant 0 : i32
    %dma_wait3A_191 = arith.constant 0 : i32
    %dma_wait3A_192 = tpu.memref_slice %arg5[%dma_wait3A_184, %dma_wait3A_190, %dma_wait3A_191] : memref<2x10240x144xf32, #tpu.memory_space<hbm>> -> memref<1x48x144xf32, #tpu.memory_space<hbm>>
    %dma_wait3A_193 = tpu.memref_squeeze %dma_wait3A_192 : memref<1x48x144xf32, #tpu.memory_space<hbm>> -> memref<48x144xf32, #tpu.memory_space<hbm>>
    %dma_wait3A_194 = arith.constant 0 : i32
    %dma_wait3A_195 = arith.constant 0 : i32
    %dma_wait3A_196 = tpu.memref_slice %arg13[%dma_wait3A_185, %dma_wait3A_194, %dma_wait3A_195] : memref<4x48x144xf32, #tpu.memory_space<vmem>> -> memref<1x48x144xf32, #tpu.memory_space<vmem>>
    %dma_wait3A_197 = tpu.memref_squeeze %dma_wait3A_196 : memref<1x48x144xf32, #tpu.memory_space<vmem>> -> memref<48x144xf32, #tpu.memory_space<vmem>>
    %dma_wait3A_198 = arith.constant 0 : i32
    %dma_wait3A_199 = arith.constant 0 : i32
    %dma_wait3A_200 = tpu.memref_slice %arg5[%dma_wait3A_184, %dma_wait3A_198, %dma_wait3A_199] : memref<2x10240x144xf32, #tpu.memory_space<hbm>> -> memref<1x48x144xf32, #tpu.memory_space<hbm>>
    %dma_wait3A_201 = tpu.memref_squeeze %dma_wait3A_200 : memref<1x48x144xf32, #tpu.memory_space<hbm>> -> memref<48x144xf32, #tpu.memory_space<hbm>>
    tpu.wait_dma2 semaphore(%arg12 : memref<!tpu.dma_semaphore, #tpu.memory_space<semaphore_mem>>) src(%dma_wait3A_201 : memref<48x144xf32, #tpu.memory_space<hbm>>) dst(%dma_wait3A_197 : memref<48x144xf32, #tpu.memory_space<vmem>>)
    %add3A_202 = arith.constant 9984 : i32
    %add3A_203 = arith.addi %mul3A_89, %add3A_202 : i32
    "tpu.region"() ({
      %run_scoped3A_289 = tpu.sem_alloc : memref<!tpu.dma_semaphore, #tpu.memory_space<semaphore_mem>>
      %dma_start3A_290 = arith.constant 0 : i32
      %dma_start3A_291 = tpu.memref_slice %arg4[%dma_start3A_290, %add3A_203] : memref<2x320000xi32, #tpu.memory_space<hbm>> -> memref<2x16xi32, #tpu.memory_space<hbm>>
      %dma_start3A_292 = arith.constant 0 : i32
      %dma_start3A_293 = tpu.memref_slice %arg4[%dma_start3A_292, %add3A_203] : memref<2x320000xi32, #tpu.memory_space<hbm>> -> memref<2x16xi32, #tpu.memory_space<hbm>>
      tpu.enqueue_dma source(%dma_start3A_293 : memref<2x16xi32, #tpu.memory_space<hbm>>) target(%arg9 : memref<2x16xi32, #tpu.memory_space<vmem>>) target_semaphore(%run_scoped3A_289 : memref<!tpu.dma_semaphore, #tpu.memory_space<semaphore_mem>>)
      %dma_wait3A_294 = arith.constant 0 : i32
      %dma_wait3A_295 = tpu.memref_slice %arg4[%dma_wait3A_294, %add3A_203] : memref<2x320000xi32, #tpu.memory_space<hbm>> -> memref<2x16xi32, #tpu.memory_space<hbm>>
      %dma_wait3A_296 = arith.constant 0 : i32
      %dma_wait3A_297 = tpu.memref_slice %arg4[%dma_wait3A_296, %add3A_203] : memref<2x320000xi32, #tpu.memory_space<hbm>> -> memref<2x16xi32, #tpu.memory_space<hbm>>
      tpu.wait_dma2 semaphore(%run_scoped3A_289 : memref<!tpu.dma_semaphore, #tpu.memory_space<semaphore_mem>>) src(%dma_wait3A_297 : memref<2x16xi32, #tpu.memory_space<hbm>>) dst(%arg9 : memref<2x16xi32, #tpu.memory_space<vmem>>)
      tpu.yield
    }) : () -> ()
    %dma_start3A_204 = arith.constant 0 : i32
    %dma_start3A_205 = arith.constant 0 : i32
    %dma_start3A_206 = arith.constant 0 : i32
    %dma_start3A_207 = arith.constant 0 : i32
    %dma_start3A_208 = tpu.memref_slice %arg13[%dma_start3A_205, %dma_start3A_206, %dma_start3A_207] : memref<4x48x144xf32, #tpu.memory_space<vmem>> -> memref<1x16x144xf32, #tpu.memory_space<vmem>>
    %dma_start3A_209 = tpu.memref_squeeze %dma_start3A_208 : memref<1x16x144xf32, #tpu.memory_space<vmem>> -> memref<16x144xf32, #tpu.memory_space<vmem>>
    %dma_start3A_210 = arith.constant 0 : i32
    %dma_start3A_211 = tpu.memref_slice %arg9[%dma_start3A_204, %dma_start3A_210] : memref<2x16xi32, #tpu.memory_space<vmem>> -> memref<1x16xi32, #tpu.memory_space<vmem>>
    %dma_start3A_212 = tpu.memref_squeeze %dma_start3A_211 : memref<1x16xi32, #tpu.memory_space<vmem>> -> memref<16xi32, #tpu.memory_space<vmem>>
    %dma_start3A_213 = arith.constant 0 : i32
    %dma_start3A_214 = arith.constant 0 : i32
    %dma_start3A_215 = tpu.memref_slice %arg2[%dma_start3A_213, %dma_start3A_214] : memref<10000x144xf32, #tpu.memory_space<hbm>> -> memref<10000x144xf32, #tpu.memory_space<hbm>>
    tpu.enqueue_indirect_dma source(%dma_start3A_215 : memref<10000x144xf32, #tpu.memory_space<hbm>>) target(%dma_start3A_209 : memref<16x144xf32, #tpu.memory_space<vmem>>) offsets(%dma_start3A_212 : memref<16xi32, #tpu.memory_space<vmem>>) semaphore(%arg11 : memref<!tpu.dma_semaphore, #tpu.memory_space<semaphore_mem>>)
    %dma_wait3A_216 = arith.constant 0 : i32
    %dma_wait3A_217 = arith.constant 0 : i32
    %dma_wait3A_218 = arith.constant 0 : i32
    %dma_wait3A_219 = arith.constant 0 : i32
    %dma_wait3A_220 = tpu.memref_slice %arg13[%dma_wait3A_217, %dma_wait3A_218, %dma_wait3A_219] : memref<4x48x144xf32, #tpu.memory_space<vmem>> -> memref<1x16x144xf32, #tpu.memory_space<vmem>>
    %dma_wait3A_221 = tpu.memref_squeeze %dma_wait3A_220 : memref<1x16x144xf32, #tpu.memory_space<vmem>> -> memref<16x144xf32, #tpu.memory_space<vmem>>
    %dma_wait3A_222 = arith.constant 0 : i32
    %dma_wait3A_223 = arith.constant 0 : i32
    %dma_wait3A_224 = tpu.memref_slice %arg5[%dma_wait3A_216, %dma_wait3A_222, %dma_wait3A_223] : memref<2x10240x144xf32, #tpu.memory_space<hbm>> -> memref<1x16x144xf32, #tpu.memory_space<hbm>>
    %dma_wait3A_225 = tpu.memref_squeeze %dma_wait3A_224 : memref<1x16x144xf32, #tpu.memory_space<hbm>> -> memref<16x144xf32, #tpu.memory_space<hbm>>
    %dma_wait3A_226 = arith.constant 0 : i32
    %dma_wait3A_227 = arith.constant 0 : i32
    %dma_wait3A_228 = tpu.memref_slice %arg13[%dma_wait3A_217, %dma_wait3A_226, %dma_wait3A_227] : memref<4x48x144xf32, #tpu.memory_space<vmem>> -> memref<1x16x144xf32, #tpu.memory_space<vmem>>
    %dma_wait3A_229 = tpu.memref_squeeze %dma_wait3A_228 : memref<1x16x144xf32, #tpu.memory_space<vmem>> -> memref<16x144xf32, #tpu.memory_space<vmem>>
    %dma_wait3A_230 = arith.constant 0 : i32
    %dma_wait3A_231 = arith.constant 0 : i32
    %dma_wait3A_232 = tpu.memref_slice %arg5[%dma_wait3A_216, %dma_wait3A_230, %dma_wait3A_231] : memref<2x10240x144xf32, #tpu.memory_space<hbm>> -> memref<1x16x144xf32, #tpu.memory_space<hbm>>
    %dma_wait3A_233 = tpu.memref_squeeze %dma_wait3A_232 : memref<1x16x144xf32, #tpu.memory_space<hbm>> -> memref<16x144xf32, #tpu.memory_space<hbm>>
    tpu.wait_dma2 semaphore(%arg11 : memref<!tpu.dma_semaphore, #tpu.memory_space<semaphore_mem>>) src(%dma_wait3A_233 : memref<16x144xf32, #tpu.memory_space<hbm>>) dst(%dma_wait3A_229 : memref<16x144xf32, #tpu.memory_space<vmem>>)
    %get3A = arith.constant 1 : i32
    %get3A_234 = arith.constant 0 : i32
    %get3A_235 = tpu.memref_slice %arg9[%get3A, %get3A_234] : memref<2x16xi32, #tpu.memory_space<vmem>> -> memref<1x16xi32, #tpu.memory_space<vmem>>
    %get3A_236 = tpu.memref_squeeze %get3A_235 : memref<1x16xi32, #tpu.memory_space<vmem>> -> memref<16xi32, #tpu.memory_space<vmem>>
    %get3A_237 = arith.constant 0 : index
    %get3A_238 = tpu.vector_load %get3A_236[%get3A_237] {strides = array<i32>} : memref<16xi32, #tpu.memory_space<vmem>>, vector<16xi32>,
    %add3A_239 = arith.constant 0 : i32
    %add3A_240 = vector.broadcast %add3A_239 : i32 to vector<16xi32>
    %add3A_241 = arith.addi %add3A_240, %iota3A : vector<16xi32>
    %gather3A = arith.constant 0 : i32
    %gather3A_242 = arith.constant 0 : i32
    %gather3A_243 = arith.constant 0 : i32
    %gather3A_244 = tpu.memref_slice %arg13[%gather3A, %gather3A_242, %gather3A_243] : memref<4x48x144xf32, #tpu.memory_space<vmem>> -> memref<1x16x144xf32, #tpu.memory_space<vmem>>
    %gather3A_245 = tpu.memref_squeeze %gather3A_244 : memref<1x16x144xf32, #tpu.memory_space<vmem>> -> memref<16x144xf32, #tpu.memory_space<vmem>>
    %gather3A_246 = tpu.vector_load_idx %gather3A_245[%add3A_241, %broadcast_in_dim3A_3] : memref<16x144xf32, #tpu.memory_space<vmem>>[vector<16xi32>, vector<16xi32>], vector<16xf32>,
    %gather3A_247 = tpu.vector_load_idx %arg7[%get3A_238] : memref<10000xf32, #tpu.memory_space<vmem>>[vector<16xi32>], vector<16xf32>,
    %add3A_248 = arith.addf %gather3A_246, %gather3A_247 : vector<16xf32>
    %mul3A_249 = arith.constant 0.00999999977 : f32
    %mul3A_250 = vector.broadcast %mul3A_249 : f32 to vector<16xf32>
    %mul3A_251 = arith.mulf %add3A_248, %mul3A_250 : vector<16xf32>
    %max3A = arith.maximumf %add3A_248, %mul3A_251 : vector<16xf32>
    %exp3A = math.exp %max3A : vector<16xf32>
    %add3A_252 = arith.constant 0 : i32
    %add3A_253 = vector.broadcast %add3A_252 : i32 to vector<16xi32>
    %add3A_254 = arith.addi %add3A_253, %iota3A : vector<16xi32>
    %scatter3A = arith.constant 0 : i32
    %scatter3A_255 = arith.constant 0 : i32
    %scatter3A_256 = arith.constant 0 : i32
    %scatter3A_257 = tpu.memref_slice %arg13[%scatter3A, %scatter3A_255, %scatter3A_256] : memref<4x48x144xf32, #tpu.memory_space<vmem>> -> memref<1x16x144xf32, #tpu.memory_space<vmem>>
    %scatter3A_258 = tpu.memref_squeeze %scatter3A_257 : memref<1x16x144xf32, #tpu.memory_space<vmem>> -> memref<16x144xf32, #tpu.memory_space<vmem>>
    tpu.vector_store_idx %scatter3A_258[%add3A_254, %broadcast_in_dim3A_3], %exp3A : memref<16x144xf32, #tpu.memory_space<vmem>>[vector<16xi32>, vector<16xi32>], vector<16xf32>,
    %scan3A_259 = arith.constant 0 : i32
    %scan3A_260 = arith.constant 0 : i32
    %scan3A_261 = arith.constant 0 : i32
    %scan3A_262 = arith.constant 16 : i32
    %scan3A_263 = arith.addi %scan3A_261, %scan3A_262 : i32
    %scan3A_264 = arith.constant 8 : i32
    scf.for %scan3A_289 = %scan3A_261 to %scan3A_263 step %scan3A_264  : i32 {
      %get3A_290 = arith.constant 0 : i32
      %get3A_291 = arith.constant 0 : i32
      %get3A_292 = tpu.memref_slice %arg13[%scan3A_260, %get3A_290, %get3A_291] : memref<4x48x144xf32, #tpu.memory_space<vmem>> -> memref<1x16x144xf32, #tpu.memory_space<vmem>>
      %get3A_293 = tpu.memref_squeeze %get3A_292 : memref<1x16x144xf32, #tpu.memory_space<vmem>> -> memref<16x144xf32, #tpu.memory_space<vmem>>
      %get3A_294 = arith.index_cast %scan3A_289 : i32 to index
      %get3A_295 = arith.constant 128 : index
      %get3A_296 = tpu.vector_load %get3A_293[%get3A_294, %get3A_295] {strides = array<i32>} : memref<16x144xf32, #tpu.memory_space<vmem>>, vector<16xf32>,
      %slice3A = vector.extract_strided_slice %get3A_296 {offsets = [0], sizes = [1], strides = [1]} : vector<16xf32> to vector<1xf32>
      %squeeze3A = vector.extract %slice3A[0] : f32 from vector<1xf32>
      %get3A_297 = arith.constant 0 : i32
      %get3A_298 = arith.constant 0 : i32
      %get3A_299 = tpu.memref_slice %arg13[%scan3A_260, %get3A_297, %get3A_298] : memref<4x48x144xf32, #tpu.memory_space<vmem>> -> memref<1x16x144xf32, #tpu.memory_space<vmem>>
      %get3A_300 = tpu.memref_squeeze %get3A_299 : memref<1x16x144xf32, #tpu.memory_space<vmem>> -> memref<16x144xf32, #tpu.memory_space<vmem>>
      %get3A_301 = arith.index_cast %scan3A_289 : i32 to index
      %get3A_302 = arith.constant 0 : index
      %get3A_303 = tpu.vector_load %get3A_300[%get3A_301, %get3A_302] {strides = array<i32>} : memref<16x144xf32, #tpu.memory_space<vmem>>, vector<16xf32>,
      %mul3A_304 = vector.broadcast %squeeze3A : f32 to vector<16xf32>
      %mul3A_305 = arith.mulf %get3A_303, %mul3A_304 : vector<16xf32>
      %swap3A = arith.constant 0 : i32
      %swap3A_306 = arith.constant 0 : i32
      %swap3A_307 = tpu.memref_slice %arg13[%scan3A_260, %swap3A, %swap3A_306] : memref<4x48x144xf32, #tpu.memory_space<vmem>> -> memref<1x16x144xf32, #tpu.memory_space<vmem>>
      %swap3A_308 = tpu.memref_squeeze %swap3A_307 : memref<1x16x144xf32, #tpu.memory_space<vmem>> -> memref<16x144xf32, #tpu.memory_space<vmem>>
      %swap3A_309 = arith.index_cast %scan3A_289 : i32 to index
      %swap3A_310 = arith.constant 0 : index
      %swap3A_311 = tpu.vector_load %swap3A_308[%swap3A_309, %swap3A_310] {strides = array<i32>} : memref<16x144xf32, #tpu.memory_space<vmem>>, vector<16xf32>,
      tpu.vector_store %swap3A_308[%swap3A_309, %swap3A_310], %mul3A_305 {strides = array<i32>} : memref<16x144xf32, #tpu.memory_space<vmem>>, vector<16xf32>,
      %get3A_312 = arith.constant 0 : i32
      %get3A_313 = arith.constant 0 : i32
      %get3A_314 = tpu.memref_slice %arg13[%scan3A_260, %get3A_312, %get3A_313] : memref<4x48x144xf32, #tpu.memory_space<vmem>> -> memref<1x16x144xf32, #tpu.memory_space<vmem>>
      %get3A_315 = tpu.memref_squeeze %get3A_314 : memref<1x16x144xf32, #tpu.memory_space<vmem>> -> memref<16x144xf32, #tpu.memory_space<vmem>>
      %get3A_316 = arith.index_cast %scan3A_289 : i32 to index
      %get3A_317 = arith.constant 16 : index
      %get3A_318 = tpu.vector_load %get3A_315[%get3A_316, %get3A_317] {strides = array<i32>} : memref<16x144xf32, #tpu.memory_space<vmem>>, vector<16xf32>,
      %mul3A_319 = vector.broadcast %squeeze3A : f32 to vector<16xf32>
      %mul3A_320 = arith.mulf %get3A_318, %mul3A_319 : vector<16xf32>
      %swap3A_321 = arith.constant 0 : i32
      %swap3A_322 = arith.constant 0 : i32
      %swap3A_323 = tpu.memref_slice %arg13[%scan3A_260, %swap3A_321, %swap3A_322] : memref<4x48x144xf32, #tpu.memory_space<vmem>> -> memref<1x16x144xf32, #tpu.memory_space<vmem>>
      %swap3A_324 = tpu.memref_squeeze %swap3A_323 : memref<1x16x144xf32, #tpu.memory_space<vmem>> -> memref<16x144xf32, #tpu.memory_space<vmem>>
      %swap3A_325 = arith.index_cast %scan3A_289 : i32 to index
      %swap3A_326 = arith.constant 16 : index
      %swap3A_327 = tpu.vector_load %swap3A_324[%swap3A_325, %swap3A_326] {strides = array<i32>} : memref<16x144xf32, #tpu.memory_space<vmem>>, vector<16xf32>,
      tpu.vector_store %swap3A_324[%swap3A_325, %swap3A_326], %mul3A_320 {strides = array<i32>} : memref<16x144xf32, #tpu.memory_space<vmem>>, vector<16xf32>,
      %get3A_328 = arith.constant 0 : i32
      %get3A_329 = arith.constant 0 : i32
      %get3A_330 = tpu.memref_slice %arg13[%scan3A_260, %get3A_328, %get3A_329] : memref<4x48x144xf32, #tpu.memory_space<vmem>> -> memref<1x16x144xf32, #tpu.memory_space<vmem>>
      %get3A_331 = tpu.memref_squeeze %get3A_330 : memref<1x16x144xf32, #tpu.memory_space<vmem>> -> memref<16x144xf32, #tpu.memory_space<vmem>>
      %get3A_332 = arith.index_cast %scan3A_289 : i32 to index
      %get3A_333 = arith.constant 32 : index
      %get3A_334 = tpu.vector_load %get3A_331[%get3A_332, %get3A_333] {strides = array<i32>} : memref<16x144xf32, #tpu.memory_space<vmem>>, vector<16xf32>,
      %mul3A_335 = vector.broadcast %squeeze3A : f32 to vector<16xf32>
      %mul3A_336 = arith.mulf %get3A_334, %mul3A_335 : vector<16xf32>
      %swap3A_337 = arith.constant 0 : i32
      %swap3A_338 = arith.constant 0 : i32
      %swap3A_339 = tpu.memref_slice %arg13[%scan3A_260, %swap3A_337, %swap3A_338] : memref<4x48x144xf32, #tpu.memory_space<vmem>> -> memref<1x16x144xf32, #tpu.memory_space<vmem>>
      %swap3A_340 = tpu.memref_squeeze %swap3A_339 : memref<1x16x144xf32, #tpu.memory_space<vmem>> -> memref<16x144xf32, #tpu.memory_space<vmem>>
      %swap3A_341 = arith.index_cast %scan3A_289 : i32 to index
      %swap3A_342 = arith.constant 32 : index
      %swap3A_343 = tpu.vector_load %swap3A_340[%swap3A_341, %swap3A_342] {strides = array<i32>} : memref<16x144xf32, #tpu.memory_space<vmem>>, vector<16xf32>,
      tpu.vector_store %swap3A_340[%swap3A_341, %swap3A_342], %mul3A_336 {strides = array<i32>} : memref<16x144xf32, #tpu.memory_space<vmem>>, vector<16xf32>,
      %get3A_344 = arith.constant 0 : i32
      %get3A_345 = arith.constant 0 : i32
      %get3A_346 = tpu.memref_slice %arg13[%scan3A_260, %get3A_344, %get3A_345] : memref<4x48x144xf32, #tpu.memory_space<vmem>> -> memref<1x16x144xf32, #tpu.memory_space<vmem>>
      %get3A_347 = tpu.memref_squeeze %get3A_346 : memref<1x16x144xf32, #tpu.memory_space<vmem>> -> memref<16x144xf32, #tpu.memory_space<vmem>>
      %get3A_348 = arith.index_cast %scan3A_289 : i32 to index
      %get3A_349 = arith.constant 48 : index
      %get3A_350 = tpu.vector_load %get3A_347[%get3A_348, %get3A_349] {strides = array<i32>} : memref<16x144xf32, #tpu.memory_space<vmem>>, vector<16xf32>,
      %mul3A_351 = vector.broadcast %squeeze3A : f32 to vector<16xf32>
      %mul3A_352 = arith.mulf %get3A_350, %mul3A_351 : vector<16xf32>
      %swap3A_353 = arith.constant 0 : i32
      %swap3A_354 = arith.constant 0 : i32
      %swap3A_355 = tpu.memref_slice %arg13[%scan3A_260, %swap3A_353, %swap3A_354] : memref<4x48x144xf32, #tpu.memory_space<vmem>> -> memref<1x16x144xf32, #tpu.memory_space<vmem>>
      %swap3A_356 = tpu.memref_squeeze %swap3A_355 : memref<1x16x144xf32, #tpu.memory_space<vmem>> -> memref<16x144xf32, #tpu.memory_space<vmem>>
      %swap3A_357 = arith.index_cast %scan3A_289 : i32 to index
      %swap3A_358 = arith.constant 48 : index
      %swap3A_359 = tpu.vector_load %swap3A_356[%swap3A_357, %swap3A_358] {strides = array<i32>} : memref<16x144xf32, #tpu.memory_space<vmem>>, vector<16xf32>,
      tpu.vector_store %swap3A_356[%swap3A_357, %swap3A_358], %mul3A_352 {strides = array<i32>} : memref<16x144xf32, #tpu.memory_space<vmem>>, vector<16xf32>,
      %get3A_360 = arith.constant 0 : i32
      %get3A_361 = arith.constant 0 : i32
      %get3A_362 = tpu.memref_slice %arg13[%scan3A_260, %get3A_360, %get3A_361] : memref<4x48x144xf32, #tpu.memory_space<vmem>> -> memref<1x16x144xf32, #tpu.memory_space<vmem>>
      %get3A_363 = tpu.memref_squeeze %get3A_362 : memref<1x16x144xf32, #tpu.memory_space<vmem>> -> memref<16x144xf32, #tpu.memory_space<vmem>>
      %get3A_364 = arith.index_cast %scan3A_289 : i32 to index
      %get3A_365 = arith.constant 64 : index
      %get3A_366 = tpu.vector_load %get3A_363[%get3A_364, %get3A_365] {strides = array<i32>} : memref<16x144xf32, #tpu.memory_space<vmem>>, vector<16xf32>,
      %mul3A_367 = vector.broadcast %squeeze3A : f32 to vector<16xf32>
      %mul3A_368 = arith.mulf %get3A_366, %mul3A_367 : vector<16xf32>
      %swap3A_369 = arith.constant 0 : i32
      %swap3A_370 = arith.constant 0 : i32
      %swap3A_371 = tpu.memref_slice %arg13[%scan3A_260, %swap3A_369, %swap3A_370] : memref<4x48x144xf32, #tpu.memory_space<vmem>> -> memref<1x16x144xf32, #tpu.memory_space<vmem>>
      %swap3A_372 = tpu.memref_squeeze %swap3A_371 : memref<1x16x144xf32, #tpu.memory_space<vmem>> -> memref<16x144xf32, #tpu.memory_space<vmem>>
      %swap3A_373 = arith.index_cast %scan3A_289 : i32 to index
      %swap3A_374 = arith.constant 64 : index
      %swap3A_375 = tpu.vector_load %swap3A_372[%swap3A_373, %swap3A_374] {strides = array<i32>} : memref<16x144xf32, #tpu.memory_space<vmem>>, vector<16xf32>,
      tpu.vector_store %swap3A_372[%swap3A_373, %swap3A_374], %mul3A_368 {strides = array<i32>} : memref<16x144xf32, #tpu.memory_space<vmem>>, vector<16xf32>,
      %get3A_376 = arith.constant 0 : i32
      %get3A_377 = arith.constant 0 : i32
      %get3A_378 = tpu.memref_slice %arg13[%scan3A_260, %get3A_376, %get3A_377] : memref<4x48x144xf32, #tpu.memory_space<vmem>> -> memref<1x16x144xf32, #tpu.memory_space<vmem>>
      %get3A_379 = tpu.memref_squeeze %get3A_378 : memref<1x16x144xf32, #tpu.memory_space<vmem>> -> memref<16x144xf32, #tpu.memory_space<vmem>>
      %get3A_380 = arith.index_cast %scan3A_289 : i32 to index
      %get3A_381 = arith.constant 80 : index
      %get3A_382 = tpu.vector_load %get3A_379[%get3A_380, %get3A_381] {strides = array<i32>} : memref<16x144xf32, #tpu.memory_space<vmem>>, vector<16xf32>,
      %mul3A_383 = vector.broadcast %squeeze3A : f32 to vector<16xf32>
      %mul3A_384 = arith.mulf %get3A_382, %mul3A_383 : vector<16xf32>
      %swap3A_385 = arith.constant 0 : i32
      %swap3A_386 = arith.constant 0 : i32
      %swap3A_387 = tpu.memref_slice %arg13[%scan3A_260, %swap3A_385, %swap3A_386] : memref<4x48x144xf32, #tpu.memory_space<vmem>> -> memref<1x16x144xf32, #tpu.memory_space<vmem>>
      %swap3A_388 = tpu.memref_squeeze %swap3A_387 : memref<1x16x144xf32, #tpu.memory_space<vmem>> -> memref<16x144xf32, #tpu.memory_space<vmem>>
      %swap3A_389 = arith.index_cast %scan3A_289 : i32 to index
      %swap3A_390 = arith.constant 80 : index
      %swap3A_391 = tpu.vector_load %swap3A_388[%swap3A_389, %swap3A_390] {strides = array<i32>} : memref<16x144xf32, #tpu.memory_space<vmem>>, vector<16xf32>,
      tpu.vector_store %swap3A_388[%swap3A_389, %swap3A_390], %mul3A_384 {strides = array<i32>} : memref<16x144xf32, #tpu.memory_space<vmem>>, vector<16xf32>,
      %get3A_392 = arith.constant 0 : i32
      %get3A_393 = arith.constant 0 : i32
      %get3A_394 = tpu.memref_slice %arg13[%scan3A_260, %get3A_392, %get3A_393] : memref<4x48x144xf32, #tpu.memory_space<vmem>> -> memref<1x16x144xf32, #tpu.memory_space<vmem>>
      %get3A_395 = tpu.memref_squeeze %get3A_394 : memref<1x16x144xf32, #tpu.memory_space<vmem>> -> memref<16x144xf32, #tpu.memory_space<vmem>>
      %get3A_396 = arith.index_cast %scan3A_289 : i32 to index
      %get3A_397 = arith.constant 96 : index
      %get3A_398 = tpu.vector_load %get3A_395[%get3A_396, %get3A_397] {strides = array<i32>} : memref<16x144xf32, #tpu.memory_space<vmem>>, vector<16xf32>,
      %mul3A_399 = vector.broadcast %squeeze3A : f32 to vector<16xf32>
      %mul3A_400 = arith.mulf %get3A_398, %mul3A_399 : vector<16xf32>
      %swap3A_401 = arith.constant 0 : i32
      %swap3A_402 = arith.constant 0 : i32
      %swap3A_403 = tpu.memref_slice %arg13[%scan3A_260, %swap3A_401, %swap3A_402] : memref<4x48x144xf32, #tpu.memory_space<vmem>> -> memref<1x16x144xf32, #tpu.memory_space<vmem>>
      %swap3A_404 = tpu.memref_squeeze %swap3A_403 : memref<1x16x144xf32, #tpu.memory_space<vmem>> -> memref<16x144xf32, #tpu.memory_space<vmem>>
      %swap3A_405 = arith.index_cast %scan3A_289 : i32 to index
      %swap3A_406 = arith.constant 96 : index
      %swap3A_407 = tpu.vector_load %swap3A_404[%swap3A_405, %swap3A_406] {strides = array<i32>} : memref<16x144xf32, #tpu.memory_space<vmem>>, vector<16xf32>,
      tpu.vector_store %swap3A_404[%swap3A_405, %swap3A_406], %mul3A_400 {strides = array<i32>} : memref<16x144xf32, #tpu.memory_space<vmem>>, vector<16xf32>,
      %get3A_408 = arith.constant 0 : i32
      %get3A_409 = arith.constant 0 : i32
      %get3A_410 = tpu.memref_slice %arg13[%scan3A_260, %get3A_408, %get3A_409] : memref<4x48x144xf32, #tpu.memory_space<vmem>> -> memref<1x16x144xf32, #tpu.memory_space<vmem>>
      %get3A_411 = tpu.memref_squeeze %get3A_410 : memref<1x16x144xf32, #tpu.memory_space<vmem>> -> memref<16x144xf32, #tpu.memory_space<vmem>>
      %get3A_412 = arith.index_cast %scan3A_289 : i32 to index
      %get3A_413 = arith.constant 112 : index
      %get3A_414 = tpu.vector_load %get3A_411[%get3A_412, %get3A_413] {strides = array<i32>} : memref<16x144xf32, #tpu.memory_space<vmem>>, vector<16xf32>,
      %mul3A_415 = vector.broadcast %squeeze3A : f32 to vector<16xf32>
      %mul3A_416 = arith.mulf %get3A_414, %mul3A_415 : vector<16xf32>
      %swap3A_417 = arith.constant 0 : i32
      %swap3A_418 = arith.constant 0 : i32
      %swap3A_419 = tpu.memref_slice %arg13[%scan3A_260, %swap3A_417, %swap3A_418] : memref<4x48x144xf32, #tpu.memory_space<vmem>> -> memref<1x16x144xf32, #tpu.memory_space<vmem>>
      %swap3A_420 = tpu.memref_squeeze %swap3A_419 : memref<1x16x144xf32, #tpu.memory_space<vmem>> -> memref<16x144xf32, #tpu.memory_space<vmem>>
      %swap3A_421 = arith.index_cast %scan3A_289 : i32 to index
      %swap3A_422 = arith.constant 112 : index
      %swap3A_423 = tpu.vector_load %swap3A_420[%swap3A_421, %swap3A_422] {strides = array<i32>} : memref<16x144xf32, #tpu.memory_space<vmem>>, vector<16xf32>,
      tpu.vector_store %swap3A_420[%swap3A_421, %swap3A_422], %mul3A_416 {strides = array<i32>} : memref<16x144xf32, #tpu.memory_space<vmem>>, vector<16xf32>,
      %scan3A_424 = arith.constant 1 : i32
      %scan3A_425 = arith.addi %scan3A_289, %scan3A_424 : i32
      %get3A_426 = arith.constant 0 : i32
      %get3A_427 = arith.constant 0 : i32
      %get3A_428 = tpu.memref_slice %arg13[%scan3A_260, %get3A_426, %get3A_427] : memref<4x48x144xf32, #tpu.memory_space<vmem>> -> memref<1x16x144xf32, #tpu.memory_space<vmem>>
      %get3A_429 = tpu.memref_squeeze %get3A_428 : memref<1x16x144xf32, #tpu.memory_space<vmem>> -> memref<16x144xf32, #tpu.memory_space<vmem>>
      %get3A_430 = arith.index_cast %scan3A_425 : i32 to index
      %get3A_431 = arith.constant 128 : index
      %get3A_432 = tpu.vector_load %get3A_429[%get3A_430, %get3A_431] {strides = array<i32>} : memref<16x144xf32, #tpu.memory_space<vmem>>, vector<16xf32>,
      %slice3A_433 = vector.extract_strided_slice %get3A_432 {offsets = [0], sizes = [1], strides = [1]} : vector<16xf32> to vector<1xf32>
      %squeeze3A_434 = vector.extract %slice3A_433[0] : f32 from vector<1xf32>
      %get3A_435 = arith.constant 0 : i32
      %get3A_436 = arith.constant 0 : i32
      %get3A_437 = tpu.memref_slice %arg13[%scan3A_260, %get3A_435, %get3A_436] : memref<4x48x144xf32, #tpu.memory_space<vmem>> -> memref<1x16x144xf32, #tpu.memory_space<vmem>>
      %get3A_438 = tpu.memref_squeeze %get3A_437 : memref<1x16x144xf32, #tpu.memory_space<vmem>> -> memref<16x144xf32, #tpu.memory_space<vmem>>
      %get3A_439 = arith.index_cast %scan3A_425 : i32 to index
      %get3A_440 = arith.constant 0 : index
      %get3A_441 = tpu.vector_load %get3A_438[%get3A_439, %get3A_440] {strides = array<i32>} : memref<16x144xf32, #tpu.memory_space<vmem>>, vector<16xf32>,
      %mul3A_442 = vector.broadcast %squeeze3A_434 : f32 to vector<16xf32>
      %mul3A_443 = arith.mulf %get3A_441, %mul3A_442 : vector<16xf32>
      %swap3A_444 = arith.constant 0 : i32
      %swap3A_445 = arith.constant 0 : i32
      %swap3A_446 = tpu.memref_slice %arg13[%scan3A_260, %swap3A_444, %swap3A_445] : memref<4x48x144xf32, #tpu.memory_space<vmem>> -> memref<1x16x144xf32, #tpu.memory_space<vmem>>
      %swap3A_447 = tpu.memref_squeeze %swap3A_446 : memref<1x16x144xf32, #tpu.memory_space<vmem>> -> memref<16x144xf32, #tpu.memory_space<vmem>>
      %swap3A_448 = arith.index_cast %scan3A_425 : i32 to index
      %swap3A_449 = arith.constant 0 : index
      %swap3A_450 = tpu.vector_load %swap3A_447[%swap3A_448, %swap3A_449] {strides = array<i32>} : memref<16x144xf32, #tpu.memory_space<vmem>>, vector<16xf32>,
      tpu.vector_store %swap3A_447[%swap3A_448, %swap3A_449], %mul3A_443 {strides = array<i32>} : memref<16x144xf32, #tpu.memory_space<vmem>>, vector<16xf32>,
      %get3A_451 = arith.constant 0 : i32
      %get3A_452 = arith.constant 0 : i32
      %get3A_453 = tpu.memref_slice %arg13[%scan3A_260, %get3A_451, %get3A_452] : memref<4x48x144xf32, #tpu.memory_space<vmem>> -> memref<1x16x144xf32, #tpu.memory_space<vmem>>
      %get3A_454 = tpu.memref_squeeze %get3A_453 : memref<1x16x144xf32, #tpu.memory_space<vmem>> -> memref<16x144xf32, #tpu.memory_space<vmem>>
      %get3A_455 = arith.index_cast %scan3A_425 : i32 to index
      %get3A_456 = arith.constant 16 : index
      %get3A_457 = tpu.vector_load %get3A_454[%get3A_455, %get3A_456] {strides = array<i32>} : memref<16x144xf32, #tpu.memory_space<vmem>>, vector<16xf32>,
      %mul3A_458 = vector.broadcast %squeeze3A_434 : f32 to vector<16xf32>
      %mul3A_459 = arith.mulf %get3A_457, %mul3A_458 : vector<16xf32>
      %swap3A_460 = arith.constant 0 : i32
      %swap3A_461 = arith.constant 0 : i32
      %swap3A_462 = tpu.memref_slice %arg13[%scan3A_260, %swap3A_460, %swap3A_461] : memref<4x48x144xf32, #tpu.memory_space<vmem>> -> memref<1x16x144xf32, #tpu.memory_space<vmem>>
      %swap3A_463 = tpu.memref_squeeze %swap3A_462 : memref<1x16x144xf32, #tpu.memory_space<vmem>> -> memref<16x144xf32, #tpu.memory_space<vmem>>
      %swap3A_464 = arith.index_cast %scan3A_425 : i32 to index
      %swap3A_465 = arith.constant 16 : index
      %swap3A_466 = tpu.vector_load %swap3A_463[%swap3A_464, %swap3A_465] {strides = array<i32>} : memref<16x144xf32, #tpu.memory_space<vmem>>, vector<16xf32>,
      tpu.vector_store %swap3A_463[%swap3A_464, %swap3A_465], %mul3A_459 {strides = array<i32>} : memref<16x144xf32, #tpu.memory_space<vmem>>, vector<16xf32>,
      %get3A_467 = arith.constant 0 : i32
      %get3A_468 = arith.constant 0 : i32
      %get3A_469 = tpu.memref_slice %arg13[%scan3A_260, %get3A_467, %get3A_468] : memref<4x48x144xf32, #tpu.memory_space<vmem>> -> memref<1x16x144xf32, #tpu.memory_space<vmem>>
      %get3A_470 = tpu.memref_squeeze %get3A_469 : memref<1x16x144xf32, #tpu.memory_space<vmem>> -> memref<16x144xf32, #tpu.memory_space<vmem>>
      %get3A_471 = arith.index_cast %scan3A_425 : i32 to index
      %get3A_472 = arith.constant 32 : index
      %get3A_473 = tpu.vector_load %get3A_470[%get3A_471, %get3A_472] {strides = array<i32>} : memref<16x144xf32, #tpu.memory_space<vmem>>, vector<16xf32>,
      %mul3A_474 = vector.broadcast %squeeze3A_434 : f32 to vector<16xf32>
      %mul3A_475 = arith.mulf %get3A_473, %mul3A_474 : vector<16xf32>
      %swap3A_476 = arith.constant 0 : i32
      %swap3A_477 = arith.constant 0 : i32
      %swap3A_478 = tpu.memref_slice %arg13[%scan3A_260, %swap3A_476, %swap3A_477] : memref<4x48x144xf32, #tpu.memory_space<vmem>> -> memref<1x16x144xf32, #tpu.memory_space<vmem>>
      %swap3A_479 = tpu.memref_squeeze %swap3A_478 : memref<1x16x144xf32, #tpu.memory_space<vmem>> -> memref<16x144xf32, #tpu.memory_space<vmem>>
      %swap3A_480 = arith.index_cast %scan3A_425 : i32 to index
      %swap3A_481 = arith.constant 32 : index
      %swap3A_482 = tpu.vector_load %swap3A_479[%swap3A_480, %swap3A_481] {strides = array<i32>} : memref<16x144xf32, #tpu.memory_space<vmem>>, vector<16xf32>,
      tpu.vector_store %swap3A_479[%swap3A_480, %swap3A_481], %mul3A_475 {strides = array<i32>} : memref<16x144xf32, #tpu.memory_space<vmem>>, vector<16xf32>,
      %get3A_483 = arith.constant 0 : i32
      %get3A_484 = arith.constant 0 : i32
      %get3A_485 = tpu.memref_slice %arg13[%scan3A_260, %get3A_483, %get3A_484] : memref<4x48x144xf32, #tpu.memory_space<vmem>> -> memref<1x16x144xf32, #tpu.memory_space<vmem>>
      %get3A_486 = tpu.memref_squeeze %get3A_485 : memref<1x16x144xf32, #tpu.memory_space<vmem>> -> memref<16x144xf32, #tpu.memory_space<vmem>>
      %get3A_487 = arith.index_cast %scan3A_425 : i32 to index
      %get3A_488 = arith.constant 48 : index
      %get3A_489 = tpu.vector_load %get3A_486[%get3A_487, %get3A_488] {strides = array<i32>} : memref<16x144xf32, #tpu.memory_space<vmem>>, vector<16xf32>,
      %mul3A_490 = vector.broadcast %squeeze3A_434 : f32 to vector<16xf32>
      %mul3A_491 = arith.mulf %get3A_489, %mul3A_490 : vector<16xf32>
      %swap3A_492 = arith.constant 0 : i32
      %swap3A_493 = arith.constant 0 : i32
      %swap3A_494 = tpu.memref_slice %arg13[%scan3A_260, %swap3A_492, %swap3A_493] : memref<4x48x144xf32, #tpu.memory_space<vmem>> -> memref<1x16x144xf32, #tpu.memory_space<vmem>>
      %swap3A_495 = tpu.memref_squeeze %swap3A_494 : memref<1x16x144xf32, #tpu.memory_space<vmem>> -> memref<16x144xf32, #tpu.memory_space<vmem>>
      %swap3A_496 = arith.index_cast %scan3A_425 : i32 to index
      %swap3A_497 = arith.constant 48 : index
      %swap3A_498 = tpu.vector_load %swap3A_495[%swap3A_496, %swap3A_497] {strides = array<i32>} : memref<16x144xf32, #tpu.memory_space<vmem>>, vector<16xf32>,
      tpu.vector_store %swap3A_495[%swap3A_496, %swap3A_497], %mul3A_491 {strides = array<i32>} : memref<16x144xf32, #tpu.memory_space<vmem>>, vector<16xf32>,
      %get3A_499 = arith.constant 0 : i32
      %get3A_500 = arith.constant 0 : i32
      %get3A_501 = tpu.memref_slice %arg13[%scan3A_260, %get3A_499, %get3A_500] : memref<4x48x144xf32, #tpu.memory_space<vmem>> -> memref<1x16x144xf32, #tpu.memory_space<vmem>>
      %get3A_502 = tpu.memref_squeeze %get3A_501 : memref<1x16x144xf32, #tpu.memory_space<vmem>> -> memref<16x144xf32, #tpu.memory_space<vmem>>
      %get3A_503 = arith.index_cast %scan3A_425 : i32 to index
      %get3A_504 = arith.constant 64 : index
      %get3A_505 = tpu.vector_load %get3A_502[%get3A_503, %get3A_504] {strides = array<i32>} : memref<16x144xf32, #tpu.memory_space<vmem>>, vector<16xf32>,
      %mul3A_506 = vector.broadcast %squeeze3A_434 : f32 to vector<16xf32>
      %mul3A_507 = arith.mulf %get3A_505, %mul3A_506 : vector<16xf32>
      %swap3A_508 = arith.constant 0 : i32
      %swap3A_509 = arith.constant 0 : i32
      %swap3A_510 = tpu.memref_slice %arg13[%scan3A_260, %swap3A_508, %swap3A_509] : memref<4x48x144xf32, #tpu.memory_space<vmem>> -> memref<1x16x144xf32, #tpu.memory_space<vmem>>
      %swap3A_511 = tpu.memref_squeeze %swap3A_510 : memref<1x16x144xf32, #tpu.memory_space<vmem>> -> memref<16x144xf32, #tpu.memory_space<vmem>>
      %swap3A_512 = arith.index_cast %scan3A_425 : i32 to index
      %swap3A_513 = arith.constant 64 : index
      %swap3A_514 = tpu.vector_load %swap3A_511[%swap3A_512, %swap3A_513] {strides = array<i32>} : memref<16x144xf32, #tpu.memory_space<vmem>>, vector<16xf32>,
      tpu.vector_store %swap3A_511[%swap3A_512, %swap3A_513], %mul3A_507 {strides = array<i32>} : memref<16x144xf32, #tpu.memory_space<vmem>>, vector<16xf32>,
      %get3A_515 = arith.constant 0 : i32
      %get3A_516 = arith.constant 0 : i32
      %get3A_517 = tpu.memref_slice %arg13[%scan3A_260, %get3A_515, %get3A_516] : memref<4x48x144xf32, #tpu.memory_space<vmem>> -> memref<1x16x144xf32, #tpu.memory_space<vmem>>
      %get3A_518 = tpu.memref_squeeze %get3A_517 : memref<1x16x144xf32, #tpu.memory_space<vmem>> -> memref<16x144xf32, #tpu.memory_space<vmem>>
      %get3A_519 = arith.index_cast %scan3A_425 : i32 to index
      %get3A_520 = arith.constant 80 : index
      %get3A_521 = tpu.vector_load %get3A_518[%get3A_519, %get3A_520] {strides = array<i32>} : memref<16x144xf32, #tpu.memory_space<vmem>>, vector<16xf32>,
      %mul3A_522 = vector.broadcast %squeeze3A_434 : f32 to vector<16xf32>
      %mul3A_523 = arith.mulf %get3A_521, %mul3A_522 : vector<16xf32>
      %swap3A_524 = arith.constant 0 : i32
      %swap3A_525 = arith.constant 0 : i32
      %swap3A_526 = tpu.memref_slice %arg13[%scan3A_260, %swap3A_524, %swap3A_525] : memref<4x48x144xf32, #tpu.memory_space<vmem>> -> memref<1x16x144xf32, #tpu.memory_space<vmem>>
      %swap3A_527 = tpu.memref_squeeze %swap3A_526 : memref<1x16x144xf32, #tpu.memory_space<vmem>> -> memref<16x144xf32, #tpu.memory_space<vmem>>
      %swap3A_528 = arith.index_cast %scan3A_425 : i32 to index
      %swap3A_529 = arith.constant 80 : index
      %swap3A_530 = tpu.vector_load %swap3A_527[%swap3A_528, %swap3A_529] {strides = array<i32>} : memref<16x144xf32, #tpu.memory_space<vmem>>, vector<16xf32>,
      tpu.vector_store %swap3A_527[%swap3A_528, %swap3A_529], %mul3A_523 {strides = array<i32>} : memref<16x144xf32, #tpu.memory_space<vmem>>, vector<16xf32>,
      %get3A_531 = arith.constant 0 : i32
      %get3A_532 = arith.constant 0 : i32
      %get3A_533 = tpu.memref_slice %arg13[%scan3A_260, %get3A_531, %get3A_532] : memref<4x48x144xf32, #tpu.memory_space<vmem>> -> memref<1x16x144xf32, #tpu.memory_space<vmem>>
      %get3A_534 = tpu.memref_squeeze %get3A_533 : memref<1x16x144xf32, #tpu.memory_space<vmem>> -> memref<16x144xf32, #tpu.memory_space<vmem>>
      %get3A_535 = arith.index_cast %scan3A_425 : i32 to index
      %get3A_536 = arith.constant 96 : index
      %get3A_537 = tpu.vector_load %get3A_534[%get3A_535, %get3A_536] {strides = array<i32>} : memref<16x144xf32, #tpu.memory_space<vmem>>, vector<16xf32>,
      %mul3A_538 = vector.broadcast %squeeze3A_434 : f32 to vector<16xf32>
      %mul3A_539 = arith.mulf %get3A_537, %mul3A_538 : vector<16xf32>
      %swap3A_540 = arith.constant 0 : i32
      %swap3A_541 = arith.constant 0 : i32
      %swap3A_542 = tpu.memref_slice %arg13[%scan3A_260, %swap3A_540, %swap3A_541] : memref<4x48x144xf32, #tpu.memory_space<vmem>> -> memref<1x16x144xf32, #tpu.memory_space<vmem>>
      %swap3A_543 = tpu.memref_squeeze %swap3A_542 : memref<1x16x144xf32, #tpu.memory_space<vmem>> -> memref<16x144xf32, #tpu.memory_space<vmem>>
      %swap3A_544 = arith.index_cast %scan3A_425 : i32 to index
      %swap3A_545 = arith.constant 96 : index
      %swap3A_546 = tpu.vector_load %swap3A_543[%swap3A_544, %swap3A_545] {strides = array<i32>} : memref<16x144xf32, #tpu.memory_space<vmem>>, vector<16xf32>,
      tpu.vector_store %swap3A_543[%swap3A_544, %swap3A_545], %mul3A_539 {strides = array<i32>} : memref<16x144xf32, #tpu.memory_space<vmem>>, vector<16xf32>,
      %get3A_547 = arith.constant 0 : i32
      %get3A_548 = arith.constant 0 : i32
      %get3A_549 = tpu.memref_slice %arg13[%scan3A_260, %get3A_547, %get3A_548] : memref<4x48x144xf32, #tpu.memory_space<vmem>> -> memref<1x16x144xf32, #tpu.memory_space<vmem>>
      %get3A_550 = tpu.memref_squeeze %get3A_549 : memref<1x16x144xf32, #tpu.memory_space<vmem>> -> memref<16x144xf32, #tpu.memory_space<vmem>>
      %get3A_551 = arith.index_cast %scan3A_425 : i32 to index
      %get3A_552 = arith.constant 112 : index
      %get3A_553 = tpu.vector_load %get3A_550[%get3A_551, %get3A_552] {strides = array<i32>} : memref<16x144xf32, #tpu.memory_space<vmem>>, vector<16xf32>,
      %mul3A_554 = vector.broadcast %squeeze3A_434 : f32 to vector<16xf32>
      %mul3A_555 = arith.mulf %get3A_553, %mul3A_554 : vector<16xf32>
      %swap3A_556 = arith.constant 0 : i32
      %swap3A_557 = arith.constant 0 : i32
      %swap3A_558 = tpu.memref_slice %arg13[%scan3A_260, %swap3A_556, %swap3A_557] : memref<4x48x144xf32, #tpu.memory_space<vmem>> -> memref<1x16x144xf32, #tpu.memory_space<vmem>>
      %swap3A_559 = tpu.memref_squeeze %swap3A_558 : memref<1x16x144xf32, #tpu.memory_space<vmem>> -> memref<16x144xf32, #tpu.memory_space<vmem>>
      %swap3A_560 = arith.index_cast %scan3A_425 : i32 to index
      %swap3A_561 = arith.constant 112 : index
      %swap3A_562 = tpu.vector_load %swap3A_559[%swap3A_560, %swap3A_561] {strides = array<i32>} : memref<16x144xf32, #tpu.memory_space<vmem>>, vector<16xf32>,
      tpu.vector_store %swap3A_559[%swap3A_560, %swap3A_561], %mul3A_555 {strides = array<i32>} : memref<16x144xf32, #tpu.memory_space<vmem>>, vector<16xf32>,
      %scan3A_563 = arith.constant 2 : i32
      %scan3A_564 = arith.addi %scan3A_289, %scan3A_563 : i32
      %get3A_565 = arith.constant 0 : i32
      %get3A_566 = arith.constant 0 : i32
      %get3A_567 = tpu.memref_slice %arg13[%scan3A_260, %get3A_565, %get3A_566] : memref<4x48x144xf32, #tpu.memory_space<vmem>> -> memref<1x16x144xf32, #tpu.memory_space<vmem>>
      %get3A_568 = tpu.memref_squeeze %get3A_567 : memref<1x16x144xf32, #tpu.memory_space<vmem>> -> memref<16x144xf32, #tpu.memory_space<vmem>>
      %get3A_569 = arith.index_cast %scan3A_564 : i32 to index
      %get3A_570 = arith.constant 128 : index
      %get3A_571 = tpu.vector_load %get3A_568[%get3A_569, %get3A_570] {strides = array<i32>} : memref<16x144xf32, #tpu.memory_space<vmem>>, vector<16xf32>,
      %slice3A_572 = vector.extract_strided_slice %get3A_571 {offsets = [0], sizes = [1], strides = [1]} : vector<16xf32> to vector<1xf32>
      %squeeze3A_573 = vector.extract %slice3A_572[0] : f32 from vector<1xf32>
      %get3A_574 = arith.constant 0 : i32
      %get3A_575 = arith.constant 0 : i32
      %get3A_576 = tpu.memref_slice %arg13[%scan3A_260, %get3A_574, %get3A_575] : memref<4x48x144xf32, #tpu.memory_space<vmem>> -> memref<1x16x144xf32, #tpu.memory_space<vmem>>
      %get3A_577 = tpu.memref_squeeze %get3A_576 : memref<1x16x144xf32, #tpu.memory_space<vmem>> -> memref<16x144xf32, #tpu.memory_space<vmem>>
      %get3A_578 = arith.index_cast %scan3A_564 : i32 to index
      %get3A_579 = arith.constant 0 : index
      %get3A_580 = tpu.vector_load %get3A_577[%get3A_578, %get3A_579] {strides = array<i32>} : memref<16x144xf32, #tpu.memory_space<vmem>>, vector<16xf32>,
      %mul3A_581 = vector.broadcast %squeeze3A_573 : f32 to vector<16xf32>
      %mul3A_582 = arith.mulf %get3A_580, %mul3A_581 : vector<16xf32>
      %swap3A_583 = arith.constant 0 : i32
      %swap3A_584 = arith.constant 0 : i32
      %swap3A_585 = tpu.memref_slice %arg13[%scan3A_260, %swap3A_583, %swap3A_584] : memref<4x48x144xf32, #tpu.memory_space<vmem>> -> memref<1x16x144xf32, #tpu.memory_space<vmem>>
      %swap3A_586 = tpu.memref_squeeze %swap3A_585 : memref<1x16x144xf32, #tpu.memory_space<vmem>> -> memref<16x144xf32, #tpu.memory_space<vmem>>
      %swap3A_587 = arith.index_cast %scan3A_564 : i32 to index
      %swap3A_588 = arith.constant 0 : index
      %swap3A_589 = tpu.vector_load %swap3A_586[%swap3A_587, %swap3A_588] {strides = array<i32>} : memref<16x144xf32, #tpu.memory_space<vmem>>, vector<16xf32>,
      tpu.vector_store %swap3A_586[%swap3A_587, %swap3A_588], %mul3A_582 {strides = array<i32>} : memref<16x144xf32, #tpu.memory_space<vmem>>, vector<16xf32>,
      %get3A_590 = arith.constant 0 : i32
      %get3A_591 = arith.constant 0 : i32
      %get3A_592 = tpu.memref_slice %arg13[%scan3A_260, %get3A_590, %get3A_591] : memref<4x48x144xf32, #tpu.memory_space<vmem>> -> memref<1x16x144xf32, #tpu.memory_space<vmem>>
      %get3A_593 = tpu.memref_squeeze %get3A_592 : memref<1x16x144xf32, #tpu.memory_space<vmem>> -> memref<16x144xf32, #tpu.memory_space<vmem>>
      %get3A_594 = arith.index_cast %scan3A_564 : i32 to index
      %get3A_595 = arith.constant 16 : index
      %get3A_596 = tpu.vector_load %get3A_593[%get3A_594, %get3A_595] {strides = array<i32>} : memref<16x144xf32, #tpu.memory_space<vmem>>, vector<16xf32>,
      %mul3A_597 = vector.broadcast %squeeze3A_573 : f32 to vector<16xf32>
      %mul3A_598 = arith.mulf %get3A_596, %mul3A_597 : vector<16xf32>
      %swap3A_599 = arith.constant 0 : i32
      %swap3A_600 = arith.constant 0 : i32
      %swap3A_601 = tpu.memref_slice %arg13[%scan3A_260, %swap3A_599, %swap3A_600] : memref<4x48x144xf32, #tpu.memory_space<vmem>> -> memref<1x16x144xf32, #tpu.memory_space<vmem>>
      %swap3A_602 = tpu.memref_squeeze %swap3A_601 : memref<1x16x144xf32, #tpu.memory_space<vmem>> -> memref<16x144xf32, #tpu.memory_space<vmem>>
      %swap3A_603 = arith.index_cast %scan3A_564 : i32 to index
      %swap3A_604 = arith.constant 16 : index
      %swap3A_605 = tpu.vector_load %swap3A_602[%swap3A_603, %swap3A_604] {strides = array<i32>} : memref<16x144xf32, #tpu.memory_space<vmem>>, vector<16xf32>,
      tpu.vector_store %swap3A_602[%swap3A_603, %swap3A_604], %mul3A_598 {strides = array<i32>} : memref<16x144xf32, #tpu.memory_space<vmem>>, vector<16xf32>,
      %get3A_606 = arith.constant 0 : i32
      %get3A_607 = arith.constant 0 : i32
      %get3A_608 = tpu.memref_slice %arg13[%scan3A_260, %get3A_606, %get3A_607] : memref<4x48x144xf32, #tpu.memory_space<vmem>> -> memref<1x16x144xf32, #tpu.memory_space<vmem>>
      %get3A_609 = tpu.memref_squeeze %get3A_608 : memref<1x16x144xf32, #tpu.memory_space<vmem>> -> memref<16x144xf32, #tpu.memory_space<vmem>>
      %get3A_610 = arith.index_cast %scan3A_564 : i32 to index
      %get3A_611 = arith.constant 32 : index
      %get3A_612 = tpu.vector_load %get3A_609[%get3A_610, %get3A_611] {strides = array<i32>} : memref<16x144xf32, #tpu.memory_space<vmem>>, vector<16xf32>,
      %mul3A_613 = vector.broadcast %squeeze3A_573 : f32 to vector<16xf32>
      %mul3A_614 = arith.mulf %get3A_612, %mul3A_613 : vector<16xf32>
      %swap3A_615 = arith.constant 0 : i32
      %swap3A_616 = arith.constant 0 : i32
      %swap3A_617 = tpu.memref_slice %arg13[%scan3A_260, %swap3A_615, %swap3A_616] : memref<4x48x144xf32, #tpu.memory_space<vmem>> -> memref<1x16x144xf32, #tpu.memory_space<vmem>>
      %swap3A_618 = tpu.memref_squeeze %swap3A_617 : memref<1x16x144xf32, #tpu.memory_space<vmem>> -> memref<16x144xf32, #tpu.memory_space<vmem>>
      %swap3A_619 = arith.index_cast %scan3A_564 : i32 to index
      %swap3A_620 = arith.constant 32 : index
      %swap3A_621 = tpu.vector_load %swap3A_618[%swap3A_619, %swap3A_620] {strides = array<i32>} : memref<16x144xf32, #tpu.memory_space<vmem>>, vector<16xf32>,
      tpu.vector_store %swap3A_618[%swap3A_619, %swap3A_620], %mul3A_614 {strides = array<i32>} : memref<16x144xf32, #tpu.memory_space<vmem>>, vector<16xf32>,
      %get3A_622 = arith.constant 0 : i32
      %get3A_623 = arith.constant 0 : i32
      %get3A_624 = tpu.memref_slice %arg13[%scan3A_260, %get3A_622, %get3A_623] : memref<4x48x144xf32, #tpu.memory_space<vmem>> -> memref<1x16x144xf32, #tpu.memory_space<vmem>>
      %get3A_625 = tpu.memref_squeeze %get3A_624 : memref<1x16x144xf32, #tpu.memory_space<vmem>> -> memref<16x144xf32, #tpu.memory_space<vmem>>
      %get3A_626 = arith.index_cast %scan3A_564 : i32 to index
      %get3A_627 = arith.constant 48 : index
      %get3A_628 = tpu.vector_load %get3A_625[%get3A_626, %get3A_627] {strides = array<i32>} : memref<16x144xf32, #tpu.memory_space<vmem>>, vector<16xf32>,
      %mul3A_629 = vector.broadcast %squeeze3A_573 : f32 to vector<16xf32>
      %mul3A_630 = arith.mulf %get3A_628, %mul3A_629 : vector<16xf32>
      %swap3A_631 = arith.constant 0 : i32
      %swap3A_632 = arith.constant 0 : i32
      %swap3A_633 = tpu.memref_slice %arg13[%scan3A_260, %swap3A_631, %swap3A_632] : memref<4x48x144xf32, #tpu.memory_space<vmem>> -> memref<1x16x144xf32, #tpu.memory_space<vmem>>
      %swap3A_634 = tpu.memref_squeeze %swap3A_633 : memref<1x16x144xf32, #tpu.memory_space<vmem>> -> memref<16x144xf32, #tpu.memory_space<vmem>>
      %swap3A_635 = arith.index_cast %scan3A_564 : i32 to index
      %swap3A_636 = arith.constant 48 : index
      %swap3A_637 = tpu.vector_load %swap3A_634[%swap3A_635, %swap3A_636] {strides = array<i32>} : memref<16x144xf32, #tpu.memory_space<vmem>>, vector<16xf32>,
      tpu.vector_store %swap3A_634[%swap3A_635, %swap3A_636], %mul3A_630 {strides = array<i32>} : memref<16x144xf32, #tpu.memory_space<vmem>>, vector<16xf32>,
      %get3A_638 = arith.constant 0 : i32
      %get3A_639 = arith.constant 0 : i32
      %get3A_640 = tpu.memref_slice %arg13[%scan3A_260, %get3A_638, %get3A_639] : memref<4x48x144xf32, #tpu.memory_space<vmem>> -> memref<1x16x144xf32, #tpu.memory_space<vmem>>
      %get3A_641 = tpu.memref_squeeze %get3A_640 : memref<1x16x144xf32, #tpu.memory_space<vmem>> -> memref<16x144xf32, #tpu.memory_space<vmem>>
      %get3A_642 = arith.index_cast %scan3A_564 : i32 to index
      %get3A_643 = arith.constant 64 : index
      %get3A_644 = tpu.vector_load %get3A_641[%get3A_642, %get3A_643] {strides = array<i32>} : memref<16x144xf32, #tpu.memory_space<vmem>>, vector<16xf32>,
      %mul3A_645 = vector.broadcast %squeeze3A_573 : f32 to vector<16xf32>
      %mul3A_646 = arith.mulf %get3A_644, %mul3A_645 : vector<16xf32>
      %swap3A_647 = arith.constant 0 : i32
      %swap3A_648 = arith.constant 0 : i32
      %swap3A_649 = tpu.memref_slice %arg13[%scan3A_260, %swap3A_647, %swap3A_648] : memref<4x48x144xf32, #tpu.memory_space<vmem>> -> memref<1x16x144xf32, #tpu.memory_space<vmem>>
      %swap3A_650 = tpu.memref_squeeze %swap3A_649 : memref<1x16x144xf32, #tpu.memory_space<vmem>> -> memref<16x144xf32, #tpu.memory_space<vmem>>
      %swap3A_651 = arith.index_cast %scan3A_564 : i32 to index
      %swap3A_652 = arith.constant 64 : index
      %swap3A_653 = tpu.vector_load %swap3A_650[%swap3A_651, %swap3A_652] {strides = array<i32>} : memref<16x144xf32, #tpu.memory_space<vmem>>, vector<16xf32>,
      tpu.vector_store %swap3A_650[%swap3A_651, %swap3A_652], %mul3A_646 {strides = array<i32>} : memref<16x144xf32, #tpu.memory_space<vmem>>, vector<16xf32>,
      %get3A_654 = arith.constant 0 : i32
      %get3A_655 = arith.constant 0 : i32
      %get3A_656 = tpu.memref_slice %arg13[%scan3A_260, %get3A_654, %get3A_655] : memref<4x48x144xf32, #tpu.memory_space<vmem>> -> memref<1x16x144xf32, #tpu.memory_space<vmem>>
      %get3A_657 = tpu.memref_squeeze %get3A_656 : memref<1x16x144xf32, #tpu.memory_space<vmem>> -> memref<16x144xf32, #tpu.memory_space<vmem>>
      %get3A_658 = arith.index_cast %scan3A_564 : i32 to index
      %get3A_659 = arith.constant 80 : index
      %get3A_660 = tpu.vector_load %get3A_657[%get3A_658, %get3A_659] {strides = array<i32>} : memref<16x144xf32, #tpu.memory_space<vmem>>, vector<16xf32>,
      %mul3A_661 = vector.broadcast %squeeze3A_573 : f32 to vector<16xf32>
      %mul3A_662 = arith.mulf %get3A_660, %mul3A_661 : vector<16xf32>
      %swap3A_663 = arith.constant 0 : i32
      %swap3A_664 = arith.constant 0 : i32
      %swap3A_665 = tpu.memref_slice %arg13[%scan3A_260, %swap3A_663, %swap3A_664] : memref<4x48x144xf32, #tpu.memory_space<vmem>> -> memref<1x16x144xf32, #tpu.memory_space<vmem>>
      %swap3A_666 = tpu.memref_squeeze %swap3A_665 : memref<1x16x144xf32, #tpu.memory_space<vmem>> -> memref<16x144xf32, #tpu.memory_space<vmem>>
      %swap3A_667 = arith.index_cast %scan3A_564 : i32 to index
      %swap3A_668 = arith.constant 80 : index
      %swap3A_669 = tpu.vector_load %swap3A_666[%swap3A_667, %swap3A_668] {strides = array<i32>} : memref<16x144xf32, #tpu.memory_space<vmem>>, vector<16xf32>,
      tpu.vector_store %swap3A_666[%swap3A_667, %swap3A_668], %mul3A_662 {strides = array<i32>} : memref<16x144xf32, #tpu.memory_space<vmem>>, vector<16xf32>,
      %get3A_670 = arith.constant 0 : i32
      %get3A_671 = arith.constant 0 : i32
      %get3A_672 = tpu.memref_slice %arg13[%scan3A_260, %get3A_670, %get3A_671] : memref<4x48x144xf32, #tpu.memory_space<vmem>> -> memref<1x16x144xf32, #tpu.memory_space<vmem>>
      %get3A_673 = tpu.memref_squeeze %get3A_672 : memref<1x16x144xf32, #tpu.memory_space<vmem>> -> memref<16x144xf32, #tpu.memory_space<vmem>>
      %get3A_674 = arith.index_cast %scan3A_564 : i32 to index
      %get3A_675 = arith.constant 96 : index
      %get3A_676 = tpu.vector_load %get3A_673[%get3A_674, %get3A_675] {strides = array<i32>} : memref<16x144xf32, #tpu.memory_space<vmem>>, vector<16xf32>,
      %mul3A_677 = vector.broadcast %squeeze3A_573 : f32 to vector<16xf32>
      %mul3A_678 = arith.mulf %get3A_676, %mul3A_677 : vector<16xf32>
      %swap3A_679 = arith.constant 0 : i32
      %swap3A_680 = arith.constant 0 : i32
      %swap3A_681 = tpu.memref_slice %arg13[%scan3A_260, %swap3A_679, %swap3A_680] : memref<4x48x144xf32, #tpu.memory_space<vmem>> -> memref<1x16x144xf32, #tpu.memory_space<vmem>>
      %swap3A_682 = tpu.memref_squeeze %swap3A_681 : memref<1x16x144xf32, #tpu.memory_space<vmem>> -> memref<16x144xf32, #tpu.memory_space<vmem>>
      %swap3A_683 = arith.index_cast %scan3A_564 : i32 to index
      %swap3A_684 = arith.constant 96 : index
      %swap3A_685 = tpu.vector_load %swap3A_682[%swap3A_683, %swap3A_684] {strides = array<i32>} : memref<16x144xf32, #tpu.memory_space<vmem>>, vector<16xf32>,
      tpu.vector_store %swap3A_682[%swap3A_683, %swap3A_684], %mul3A_678 {strides = array<i32>} : memref<16x144xf32, #tpu.memory_space<vmem>>, vector<16xf32>,
      %get3A_686 = arith.constant 0 : i32
      %get3A_687 = arith.constant 0 : i32
      %get3A_688 = tpu.memref_slice %arg13[%scan3A_260, %get3A_686, %get3A_687] : memref<4x48x144xf32, #tpu.memory_space<vmem>> -> memref<1x16x144xf32, #tpu.memory_space<vmem>>
      %get3A_689 = tpu.memref_squeeze %get3A_688 : memref<1x16x144xf32, #tpu.memory_space<vmem>> -> memref<16x144xf32, #tpu.memory_space<vmem>>
      %get3A_690 = arith.index_cast %scan3A_564 : i32 to index
      %get3A_691 = arith.constant 112 : index
      %get3A_692 = tpu.vector_load %get3A_689[%get3A_690, %get3A_691] {strides = array<i32>} : memref<16x144xf32, #tpu.memory_space<vmem>>, vector<16xf32>,
      %mul3A_693 = vector.broadcast %squeeze3A_573 : f32 to vector<16xf32>
      %mul3A_694 = arith.mulf %get3A_692, %mul3A_693 : vector<16xf32>
      %swap3A_695 = arith.constant 0 : i32
      %swap3A_696 = arith.constant 0 : i32
      %swap3A_697 = tpu.memref_slice %arg13[%scan3A_260, %swap3A_695, %swap3A_696] : memref<4x48x144xf32, #tpu.memory_space<vmem>> -> memref<1x16x144xf32, #tpu.memory_space<vmem>>
      %swap3A_698 = tpu.memref_squeeze %swap3A_697 : memref<1x16x144xf32, #tpu.memory_space<vmem>> -> memref<16x144xf32, #tpu.memory_space<vmem>>
      %swap3A_699 = arith.index_cast %scan3A_564 : i32 to index
      %swap3A_700 = arith.constant 112 : index
      %swap3A_701 = tpu.vector_load %swap3A_698[%swap3A_699, %swap3A_700] {strides = array<i32>} : memref<16x144xf32, #tpu.memory_space<vmem>>, vector<16xf32>,
      tpu.vector_store %swap3A_698[%swap3A_699, %swap3A_700], %mul3A_694 {strides = array<i32>} : memref<16x144xf32, #tpu.memory_space<vmem>>, vector<16xf32>,
      %scan3A_702 = arith.constant 3 : i32
      %scan3A_703 = arith.addi %scan3A_289, %scan3A_702 : i32
      %get3A_704 = arith.constant 0 : i32
      %get3A_705 = arith.constant 0 : i32
      %get3A_706 = tpu.memref_slice %arg13[%scan3A_260, %get3A_704, %get3A_705] : memref<4x48x144xf32, #tpu.memory_space<vmem>> -> memref<1x16x144xf32, #tpu.memory_space<vmem>>
      %get3A_707 = tpu.memref_squeeze %get3A_706 : memref<1x16x144xf32, #tpu.memory_space<vmem>> -> memref<16x144xf32, #tpu.memory_space<vmem>>
      %get3A_708 = arith.index_cast %scan3A_703 : i32 to index
      %get3A_709 = arith.constant 128 : index
      %get3A_710 = tpu.vector_load %get3A_707[%get3A_708, %get3A_709] {strides = array<i32>} : memref<16x144xf32, #tpu.memory_space<vmem>>, vector<16xf32>,
      %slice3A_711 = vector.extract_strided_slice %get3A_710 {offsets = [0], sizes = [1], strides = [1]} : vector<16xf32> to vector<1xf32>
      %squeeze3A_712 = vector.extract %slice3A_711[0] : f32 from vector<1xf32>
      %get3A_713 = arith.constant 0 : i32
      %get3A_714 = arith.constant 0 : i32
      %get3A_715 = tpu.memref_slice %arg13[%scan3A_260, %get3A_713, %get3A_714] : memref<4x48x144xf32, #tpu.memory_space<vmem>> -> memref<1x16x144xf32, #tpu.memory_space<vmem>>
      %get3A_716 = tpu.memref_squeeze %get3A_715 : memref<1x16x144xf32, #tpu.memory_space<vmem>> -> memref<16x144xf32, #tpu.memory_space<vmem>>
      %get3A_717 = arith.index_cast %scan3A_703 : i32 to index
      %get3A_718 = arith.constant 0 : index
      %get3A_719 = tpu.vector_load %get3A_716[%get3A_717, %get3A_718] {strides = array<i32>} : memref<16x144xf32, #tpu.memory_space<vmem>>, vector<16xf32>,
      %mul3A_720 = vector.broadcast %squeeze3A_712 : f32 to vector<16xf32>
      %mul3A_721 = arith.mulf %get3A_719, %mul3A_720 : vector<16xf32>
      %swap3A_722 = arith.constant 0 : i32
      %swap3A_723 = arith.constant 0 : i32
      %swap3A_724 = tpu.memref_slice %arg13[%scan3A_260, %swap3A_722, %swap3A_723] : memref<4x48x144xf32, #tpu.memory_space<vmem>> -> memref<1x16x144xf32, #tpu.memory_space<vmem>>
      %swap3A_725 = tpu.memref_squeeze %swap3A_724 : memref<1x16x144xf32, #tpu.memory_space<vmem>> -> memref<16x144xf32, #tpu.memory_space<vmem>>
      %swap3A_726 = arith.index_cast %scan3A_703 : i32 to index
      %swap3A_727 = arith.constant 0 : index
      %swap3A_728 = tpu.vector_load %swap3A_725[%swap3A_726, %swap3A_727] {strides = array<i32>} : memref<16x144xf32, #tpu.memory_space<vmem>>, vector<16xf32>,
      tpu.vector_store %swap3A_725[%swap3A_726, %swap3A_727], %mul3A_721 {strides = array<i32>} : memref<16x144xf32, #tpu.memory_space<vmem>>, vector<16xf32>,
      %get3A_729 = arith.constant 0 : i32
      %get3A_730 = arith.constant 0 : i32
      %get3A_731 = tpu.memref_slice %arg13[%scan3A_260, %get3A_729, %get3A_730] : memref<4x48x144xf32, #tpu.memory_space<vmem>> -> memref<1x16x144xf32, #tpu.memory_space<vmem>>
      %get3A_732 = tpu.memref_squeeze %get3A_731 : memref<1x16x144xf32, #tpu.memory_space<vmem>> -> memref<16x144xf32, #tpu.memory_space<vmem>>
      %get3A_733 = arith.index_cast %scan3A_703 : i32 to index
      %get3A_734 = arith.constant 16 : index
      %get3A_735 = tpu.vector_load %get3A_732[%get3A_733, %get3A_734] {strides = array<i32>} : memref<16x144xf32, #tpu.memory_space<vmem>>, vector<16xf32>,
      %mul3A_736 = vector.broadcast %squeeze3A_712 : f32 to vector<16xf32>
      %mul3A_737 = arith.mulf %get3A_735, %mul3A_736 : vector<16xf32>
      %swap3A_738 = arith.constant 0 : i32
      %swap3A_739 = arith.constant 0 : i32
      %swap3A_740 = tpu.memref_slice %arg13[%scan3A_260, %swap3A_738, %swap3A_739] : memref<4x48x144xf32, #tpu.memory_space<vmem>> -> memref<1x16x144xf32, #tpu.memory_space<vmem>>
      %swap3A_741 = tpu.memref_squeeze %swap3A_740 : memref<1x16x144xf32, #tpu.memory_space<vmem>> -> memref<16x144xf32, #tpu.memory_space<vmem>>
      %swap3A_742 = arith.index_cast %scan3A_703 : i32 to index
      %swap3A_743 = arith.constant 16 : index
      %swap3A_744 = tpu.vector_load %swap3A_741[%swap3A_742, %swap3A_743] {strides = array<i32>} : memref<16x144xf32, #tpu.memory_space<vmem>>, vector<16xf32>,
      tpu.vector_store %swap3A_741[%swap3A_742, %swap3A_743], %mul3A_737 {strides = array<i32>} : memref<16x144xf32, #tpu.memory_space<vmem>>, vector<16xf32>,
      %get3A_745 = arith.constant 0 : i32
      %get3A_746 = arith.constant 0 : i32
      %get3A_747 = tpu.memref_slice %arg13[%scan3A_260, %get3A_745, %get3A_746] : memref<4x48x144xf32, #tpu.memory_space<vmem>> -> memref<1x16x144xf32, #tpu.memory_space<vmem>>
      %get3A_748 = tpu.memref_squeeze %get3A_747 : memref<1x16x144xf32, #tpu.memory_space<vmem>> -> memref<16x144xf32, #tpu.memory_space<vmem>>
      %get3A_749 = arith.index_cast %scan3A_703 : i32 to index
      %get3A_750 = arith.constant 32 : index
      %get3A_751 = tpu.vector_load %get3A_748[%get3A_749, %get3A_750] {strides = array<i32>} : memref<16x144xf32, #tpu.memory_space<vmem>>, vector<16xf32>,
      %mul3A_752 = vector.broadcast %squeeze3A_712 : f32 to vector<16xf32>
      %mul3A_753 = arith.mulf %get3A_751, %mul3A_752 : vector<16xf32>
      %swap3A_754 = arith.constant 0 : i32
      %swap3A_755 = arith.constant 0 : i32
      %swap3A_756 = tpu.memref_slice %arg13[%scan3A_260, %swap3A_754, %swap3A_755] : memref<4x48x144xf32, #tpu.memory_space<vmem>> -> memref<1x16x144xf32, #tpu.memory_space<vmem>>
      %swap3A_757 = tpu.memref_squeeze %swap3A_756 : memref<1x16x144xf32, #tpu.memory_space<vmem>> -> memref<16x144xf32, #tpu.memory_space<vmem>>
      %swap3A_758 = arith.index_cast %scan3A_703 : i32 to index
      %swap3A_759 = arith.constant 32 : index
      %swap3A_760 = tpu.vector_load %swap3A_757[%swap3A_758, %swap3A_759] {strides = array<i32>} : memref<16x144xf32, #tpu.memory_space<vmem>>, vector<16xf32>,
      tpu.vector_store %swap3A_757[%swap3A_758, %swap3A_759], %mul3A_753 {strides = array<i32>} : memref<16x144xf32, #tpu.memory_space<vmem>>, vector<16xf32>,
      %get3A_761 = arith.constant 0 : i32
      %get3A_762 = arith.constant 0 : i32
      %get3A_763 = tpu.memref_slice %arg13[%scan3A_260, %get3A_761, %get3A_762] : memref<4x48x144xf32, #tpu.memory_space<vmem>> -> memref<1x16x144xf32, #tpu.memory_space<vmem>>
      %get3A_764 = tpu.memref_squeeze %get3A_763 : memref<1x16x144xf32, #tpu.memory_space<vmem>> -> memref<16x144xf32, #tpu.memory_space<vmem>>
      %get3A_765 = arith.index_cast %scan3A_703 : i32 to index
      %get3A_766 = arith.constant 48 : index
      %get3A_767 = tpu.vector_load %get3A_764[%get3A_765, %get3A_766] {strides = array<i32>} : memref<16x144xf32, #tpu.memory_space<vmem>>, vector<16xf32>,
      %mul3A_768 = vector.broadcast %squeeze3A_712 : f32 to vector<16xf32>
      %mul3A_769 = arith.mulf %get3A_767, %mul3A_768 : vector<16xf32>
      %swap3A_770 = arith.constant 0 : i32
      %swap3A_771 = arith.constant 0 : i32
      %swap3A_772 = tpu.memref_slice %arg13[%scan3A_260, %swap3A_770, %swap3A_771] : memref<4x48x144xf32, #tpu.memory_space<vmem>> -> memref<1x16x144xf32, #tpu.memory_space<vmem>>
      %swap3A_773 = tpu.memref_squeeze %swap3A_772 : memref<1x16x144xf32, #tpu.memory_space<vmem>> -> memref<16x144xf32, #tpu.memory_space<vmem>>
      %swap3A_774 = arith.index_cast %scan3A_703 : i32 to index
      %swap3A_775 = arith.constant 48 : index
      %swap3A_776 = tpu.vector_load %swap3A_773[%swap3A_774, %swap3A_775] {strides = array<i32>} : memref<16x144xf32, #tpu.memory_space<vmem>>, vector<16xf32>,
      tpu.vector_store %swap3A_773[%swap3A_774, %swap3A_775], %mul3A_769 {strides = array<i32>} : memref<16x144xf32, #tpu.memory_space<vmem>>, vector<16xf32>,
      %get3A_777 = arith.constant 0 : i32
      %get3A_778 = arith.constant 0 : i32
      %get3A_779 = tpu.memref_slice %arg13[%scan3A_260, %get3A_777, %get3A_778] : memref<4x48x144xf32, #tpu.memory_space<vmem>> -> memref<1x16x144xf32, #tpu.memory_space<vmem>>
      %get3A_780 = tpu.memref_squeeze %get3A_779 : memref<1x16x144xf32, #tpu.memory_space<vmem>> -> memref<16x144xf32, #tpu.memory_space<vmem>>
      %get3A_781 = arith.index_cast %scan3A_703 : i32 to index
      %get3A_782 = arith.constant 64 : index
      %get3A_783 = tpu.vector_load %get3A_780[%get3A_781, %get3A_782] {strides = array<i32>} : memref<16x144xf32, #tpu.memory_space<vmem>>, vector<16xf32>,
      %mul3A_784 = vector.broadcast %squeeze3A_712 : f32 to vector<16xf32>
      %mul3A_785 = arith.mulf %get3A_783, %mul3A_784 : vector<16xf32>
      %swap3A_786 = arith.constant 0 : i32
      %swap3A_787 = arith.constant 0 : i32
      %swap3A_788 = tpu.memref_slice %arg13[%scan3A_260, %swap3A_786, %swap3A_787] : memref<4x48x144xf32, #tpu.memory_space<vmem>> -> memref<1x16x144xf32, #tpu.memory_space<vmem>>
      %swap3A_789 = tpu.memref_squeeze %swap3A_788 : memref<1x16x144xf32, #tpu.memory_space<vmem>> -> memref<16x144xf32, #tpu.memory_space<vmem>>
      %swap3A_790 = arith.index_cast %scan3A_703 : i32 to index
      %swap3A_791 = arith.constant 64 : index
      %swap3A_792 = tpu.vector_load %swap3A_789[%swap3A_790, %swap3A_791] {strides = array<i32>} : memref<16x144xf32, #tpu.memory_space<vmem>>, vector<16xf32>,
      tpu.vector_store %swap3A_789[%swap3A_790, %swap3A_791], %mul3A_785 {strides = array<i32>} : memref<16x144xf32, #tpu.memory_space<vmem>>, vector<16xf32>,
      %get3A_793 = arith.constant 0 : i32
      %get3A_794 = arith.constant 0 : i32
      %get3A_795 = tpu.memref_slice %arg13[%scan3A_260, %get3A_793, %get3A_794] : memref<4x48x144xf32, #tpu.memory_space<vmem>> -> memref<1x16x144xf32, #tpu.memory_space<vmem>>
      %get3A_796 = tpu.memref_squeeze %get3A_795 : memref<1x16x144xf32, #tpu.memory_space<vmem>> -> memref<16x144xf32, #tpu.memory_space<vmem>>
      %get3A_797 = arith.index_cast %scan3A_703 : i32 to index
      %get3A_798 = arith.constant 80 : index
      %get3A_799 = tpu.vector_load %get3A_796[%get3A_797, %get3A_798] {strides = array<i32>} : memref<16x144xf32, #tpu.memory_space<vmem>>, vector<16xf32>,
      %mul3A_800 = vector.broadcast %squeeze3A_712 : f32 to vector<16xf32>
      %mul3A_801 = arith.mulf %get3A_799, %mul3A_800 : vector<16xf32>
      %swap3A_802 = arith.constant 0 : i32
      %swap3A_803 = arith.constant 0 : i32
      %swap3A_804 = tpu.memref_slice %arg13[%scan3A_260, %swap3A_802, %swap3A_803] : memref<4x48x144xf32, #tpu.memory_space<vmem>> -> memref<1x16x144xf32, #tpu.memory_space<vmem>>
      %swap3A_805 = tpu.memref_squeeze %swap3A_804 : memref<1x16x144xf32, #tpu.memory_space<vmem>> -> memref<16x144xf32, #tpu.memory_space<vmem>>
      %swap3A_806 = arith.index_cast %scan3A_703 : i32 to index
      %swap3A_807 = arith.constant 80 : index
      %swap3A_808 = tpu.vector_load %swap3A_805[%swap3A_806, %swap3A_807] {strides = array<i32>} : memref<16x144xf32, #tpu.memory_space<vmem>>, vector<16xf32>,
      tpu.vector_store %swap3A_805[%swap3A_806, %swap3A_807], %mul3A_801 {strides = array<i32>} : memref<16x144xf32, #tpu.memory_space<vmem>>, vector<16xf32>,
      %get3A_809 = arith.constant 0 : i32
      %get3A_810 = arith.constant 0 : i32
      %get3A_811 = tpu.memref_slice %arg13[%scan3A_260, %get3A_809, %get3A_810] : memref<4x48x144xf32, #tpu.memory_space<vmem>> -> memref<1x16x144xf32, #tpu.memory_space<vmem>>
      %get3A_812 = tpu.memref_squeeze %get3A_811 : memref<1x16x144xf32, #tpu.memory_space<vmem>> -> memref<16x144xf32, #tpu.memory_space<vmem>>
      %get3A_813 = arith.index_cast %scan3A_703 : i32 to index
      %get3A_814 = arith.constant 96 : index
      %get3A_815 = tpu.vector_load %get3A_812[%get3A_813, %get3A_814] {strides = array<i32>} : memref<16x144xf32, #tpu.memory_space<vmem>>, vector<16xf32>,
      %mul3A_816 = vector.broadcast %squeeze3A_712 : f32 to vector<16xf32>
      %mul3A_817 = arith.mulf %get3A_815, %mul3A_816 : vector<16xf32>
      %swap3A_818 = arith.constant 0 : i32
      %swap3A_819 = arith.constant 0 : i32
      %swap3A_820 = tpu.memref_slice %arg13[%scan3A_260, %swap3A_818, %swap3A_819] : memref<4x48x144xf32, #tpu.memory_space<vmem>> -> memref<1x16x144xf32, #tpu.memory_space<vmem>>
      %swap3A_821 = tpu.memref_squeeze %swap3A_820 : memref<1x16x144xf32, #tpu.memory_space<vmem>> -> memref<16x144xf32, #tpu.memory_space<vmem>>
      %swap3A_822 = arith.index_cast %scan3A_703 : i32 to index
      %swap3A_823 = arith.constant 96 : index
      %swap3A_824 = tpu.vector_load %swap3A_821[%swap3A_822, %swap3A_823] {strides = array<i32>} : memref<16x144xf32, #tpu.memory_space<vmem>>, vector<16xf32>,
      tpu.vector_store %swap3A_821[%swap3A_822, %swap3A_823], %mul3A_817 {strides = array<i32>} : memref<16x144xf32, #tpu.memory_space<vmem>>, vector<16xf32>,
      %get3A_825 = arith.constant 0 : i32
      %get3A_826 = arith.constant 0 : i32
      %get3A_827 = tpu.memref_slice %arg13[%scan3A_260, %get3A_825, %get3A_826] : memref<4x48x144xf32, #tpu.memory_space<vmem>> -> memref<1x16x144xf32, #tpu.memory_space<vmem>>
      %get3A_828 = tpu.memref_squeeze %get3A_827 : memref<1x16x144xf32, #tpu.memory_space<vmem>> -> memref<16x144xf32, #tpu.memory_space<vmem>>
      %get3A_829 = arith.index_cast %scan3A_703 : i32 to index
      %get3A_830 = arith.constant 112 : index
      %get3A_831 = tpu.vector_load %get3A_828[%get3A_829, %get3A_830] {strides = array<i32>} : memref<16x144xf32, #tpu.memory_space<vmem>>, vector<16xf32>,
      %mul3A_832 = vector.broadcast %squeeze3A_712 : f32 to vector<16xf32>
      %mul3A_833 = arith.mulf %get3A_831, %mul3A_832 : vector<16xf32>
      %swap3A_834 = arith.constant 0 : i32
      %swap3A_835 = arith.constant 0 : i32
      %swap3A_836 = tpu.memref_slice %arg13[%scan3A_260, %swap3A_834, %swap3A_835] : memref<4x48x144xf32, #tpu.memory_space<vmem>> -> memref<1x16x144xf32, #tpu.memory_space<vmem>>
      %swap3A_837 = tpu.memref_squeeze %swap3A_836 : memref<1x16x144xf32, #tpu.memory_space<vmem>> -> memref<16x144xf32, #tpu.memory_space<vmem>>
      %swap3A_838 = arith.index_cast %scan3A_703 : i32 to index
      %swap3A_839 = arith.constant 112 : index
      %swap3A_840 = tpu.vector_load %swap3A_837[%swap3A_838, %swap3A_839] {strides = array<i32>} : memref<16x144xf32, #tpu.memory_space<vmem>>, vector<16xf32>,
      tpu.vector_store %swap3A_837[%swap3A_838, %swap3A_839], %mul3A_833 {strides = array<i32>} : memref<16x144xf32, #tpu.memory_space<vmem>>, vector<16xf32>,
      %scan3A_841 = arith.constant 4 : i32
      %scan3A_842 = arith.addi %scan3A_289, %scan3A_841 : i32
      %get3A_843 = arith.constant 0 : i32
      %get3A_844 = arith.constant 0 : i32
      %get3A_845 = tpu.memref_slice %arg13[%scan3A_260, %get3A_843, %get3A_844] : memref<4x48x144xf32, #tpu.memory_space<vmem>> -> memref<1x16x144xf32, #tpu.memory_space<vmem>>
      %get3A_846 = tpu.memref_squeeze %get3A_845 : memref<1x16x144xf32, #tpu.memory_space<vmem>> -> memref<16x144xf32, #tpu.memory_space<vmem>>
      %get3A_847 = arith.index_cast %scan3A_842 : i32 to index
      %get3A_848 = arith.constant 128 : index
      %get3A_849 = tpu.vector_load %get3A_846[%get3A_847, %get3A_848] {strides = array<i32>} : memref<16x144xf32, #tpu.memory_space<vmem>>, vector<16xf32>,
      %slice3A_850 = vector.extract_strided_slice %get3A_849 {offsets = [0], sizes = [1], strides = [1]} : vector<16xf32> to vector<1xf32>
      %squeeze3A_851 = vector.extract %slice3A_850[0] : f32 from vector<1xf32>
      %get3A_852 = arith.constant 0 : i32
      %get3A_853 = arith.constant 0 : i32
      %get3A_854 = tpu.memref_slice %arg13[%scan3A_260, %get3A_852, %get3A_853] : memref<4x48x144xf32, #tpu.memory_space<vmem>> -> memref<1x16x144xf32, #tpu.memory_space<vmem>>
      %get3A_855 = tpu.memref_squeeze %get3A_854 : memref<1x16x144xf32, #tpu.memory_space<vmem>> -> memref<16x144xf32, #tpu.memory_space<vmem>>
      %get3A_856 = arith.index_cast %scan3A_842 : i32 to index
      %get3A_857 = arith.constant 0 : index
      %get3A_858 = tpu.vector_load %get3A_855[%get3A_856, %get3A_857] {strides = array<i32>} : memref<16x144xf32, #tpu.memory_space<vmem>>, vector<16xf32>,
      %mul3A_859 = vector.broadcast %squeeze3A_851 : f32 to vector<16xf32>
      %mul3A_860 = arith.mulf %get3A_858, %mul3A_859 : vector<16xf32>
      %swap3A_861 = arith.constant 0 : i32
      %swap3A_862 = arith.constant 0 : i32
      %swap3A_863 = tpu.memref_slice %arg13[%scan3A_260, %swap3A_861, %swap3A_862] : memref<4x48x144xf32, #tpu.memory_space<vmem>> -> memref<1x16x144xf32, #tpu.memory_space<vmem>>
      %swap3A_864 = tpu.memref_squeeze %swap3A_863 : memref<1x16x144xf32, #tpu.memory_space<vmem>> -> memref<16x144xf32, #tpu.memory_space<vmem>>
      %swap3A_865 = arith.index_cast %scan3A_842 : i32 to index
      %swap3A_866 = arith.constant 0 : index
      %swap3A_867 = tpu.vector_load %swap3A_864[%swap3A_865, %swap3A_866] {strides = array<i32>} : memref<16x144xf32, #tpu.memory_space<vmem>>, vector<16xf32>,
      tpu.vector_store %swap3A_864[%swap3A_865, %swap3A_866], %mul3A_860 {strides = array<i32>} : memref<16x144xf32, #tpu.memory_space<vmem>>, vector<16xf32>,
      %get3A_868 = arith.constant 0 : i32
      %get3A_869 = arith.constant 0 : i32
      %get3A_870 = tpu.memref_slice %arg13[%scan3A_260, %get3A_868, %get3A_869] : memref<4x48x144xf32, #tpu.memory_space<vmem>> -> memref<1x16x144xf32, #tpu.memory_space<vmem>>
      %get3A_871 = tpu.memref_squeeze %get3A_870 : memref<1x16x144xf32, #tpu.memory_space<vmem>> -> memref<16x144xf32, #tpu.memory_space<vmem>>
      %get3A_872 = arith.index_cast %scan3A_842 : i32 to index
      %get3A_873 = arith.constant 16 : index
      %get3A_874 = tpu.vector_load %get3A_871[%get3A_872, %get3A_873] {strides = array<i32>} : memref<16x144xf32, #tpu.memory_space<vmem>>, vector<16xf32>,
      %mul3A_875 = vector.broadcast %squeeze3A_851 : f32 to vector<16xf32>
      %mul3A_876 = arith.mulf %get3A_874, %mul3A_875 : vector<16xf32>
      %swap3A_877 = arith.constant 0 : i32
      %swap3A_878 = arith.constant 0 : i32
      %swap3A_879 = tpu.memref_slice %arg13[%scan3A_260, %swap3A_877, %swap3A_878] : memref<4x48x144xf32, #tpu.memory_space<vmem>> -> memref<1x16x144xf32, #tpu.memory_space<vmem>>
      %swap3A_880 = tpu.memref_squeeze %swap3A_879 : memref<1x16x144xf32, #tpu.memory_space<vmem>> -> memref<16x144xf32, #tpu.memory_space<vmem>>
      %swap3A_881 = arith.index_cast %scan3A_842 : i32 to index
      %swap3A_882 = arith.constant 16 : index
      %swap3A_883 = tpu.vector_load %swap3A_880[%swap3A_881, %swap3A_882] {strides = array<i32>} : memref<16x144xf32, #tpu.memory_space<vmem>>, vector<16xf32>,
      tpu.vector_store %swap3A_880[%swap3A_881, %swap3A_882], %mul3A_876 {strides = array<i32>} : memref<16x144xf32, #tpu.memory_space<vmem>>, vector<16xf32>,
      %get3A_884 = arith.constant 0 : i32
      %get3A_885 = arith.constant 0 : i32
      %get3A_886 = tpu.memref_slice %arg13[%scan3A_260, %get3A_884, %get3A_885] : memref<4x48x144xf32, #tpu.memory_space<vmem>> -> memref<1x16x144xf32, #tpu.memory_space<vmem>>
      %get3A_887 = tpu.memref_squeeze %get3A_886 : memref<1x16x144xf32, #tpu.memory_space<vmem>> -> memref<16x144xf32, #tpu.memory_space<vmem>>
      %get3A_888 = arith.index_cast %scan3A_842 : i32 to index
      %get3A_889 = arith.constant 32 : index
      %get3A_890 = tpu.vector_load %get3A_887[%get3A_888, %get3A_889] {strides = array<i32>} : memref<16x144xf32, #tpu.memory_space<vmem>>, vector<16xf32>,
      %mul3A_891 = vector.broadcast %squeeze3A_851 : f32 to vector<16xf32>
      %mul3A_892 = arith.mulf %get3A_890, %mul3A_891 : vector<16xf32>
      %swap3A_893 = arith.constant 0 : i32
      %swap3A_894 = arith.constant 0 : i32
      %swap3A_895 = tpu.memref_slice %arg13[%scan3A_260, %swap3A_893, %swap3A_894] : memref<4x48x144xf32, #tpu.memory_space<vmem>> -> memref<1x16x144xf32, #tpu.memory_space<vmem>>
      %swap3A_896 = tpu.memref_squeeze %swap3A_895 : memref<1x16x144xf32, #tpu.memory_space<vmem>> -> memref<16x144xf32, #tpu.memory_space<vmem>>
      %swap3A_897 = arith.index_cast %scan3A_842 : i32 to index
      %swap3A_898 = arith.constant 32 : index
      %swap3A_899 = tpu.vector_load %swap3A_896[%swap3A_897, %swap3A_898] {strides = array<i32>} : memref<16x144xf32, #tpu.memory_space<vmem>>, vector<16xf32>,
      tpu.vector_store %swap3A_896[%swap3A_897, %swap3A_898], %mul3A_892 {strides = array<i32>} : memref<16x144xf32, #tpu.memory_space<vmem>>, vector<16xf32>,
      %get3A_900 = arith.constant 0 : i32
      %get3A_901 = arith.constant 0 : i32
      %get3A_902 = tpu.memref_slice %arg13[%scan3A_260, %get3A_900, %get3A_901] : memref<4x48x144xf32, #tpu.memory_space<vmem>> -> memref<1x16x144xf32, #tpu.memory_space<vmem>>
      %get3A_903 = tpu.memref_squeeze %get3A_902 : memref<1x16x144xf32, #tpu.memory_space<vmem>> -> memref<16x144xf32, #tpu.memory_space<vmem>>
      %get3A_904 = arith.index_cast %scan3A_842 : i32 to index
      %get3A_905 = arith.constant 48 : index
      %get3A_906 = tpu.vector_load %get3A_903[%get3A_904, %get3A_905] {strides = array<i32>} : memref<16x144xf32, #tpu.memory_space<vmem>>, vector<16xf32>,
      %mul3A_907 = vector.broadcast %squeeze3A_851 : f32 to vector<16xf32>
      %mul3A_908 = arith.mulf %get3A_906, %mul3A_907 : vector<16xf32>
      %swap3A_909 = arith.constant 0 : i32
      %swap3A_910 = arith.constant 0 : i32
      %swap3A_911 = tpu.memref_slice %arg13[%scan3A_260, %swap3A_909, %swap3A_910] : memref<4x48x144xf32, #tpu.memory_space<vmem>> -> memref<1x16x144xf32, #tpu.memory_space<vmem>>
      %swap3A_912 = tpu.memref_squeeze %swap3A_911 : memref<1x16x144xf32, #tpu.memory_space<vmem>> -> memref<16x144xf32, #tpu.memory_space<vmem>>
      %swap3A_913 = arith.index_cast %scan3A_842 : i32 to index
      %swap3A_914 = arith.constant 48 : index
      %swap3A_915 = tpu.vector_load %swap3A_912[%swap3A_913, %swap3A_914] {strides = array<i32>} : memref<16x144xf32, #tpu.memory_space<vmem>>, vector<16xf32>,
      tpu.vector_store %swap3A_912[%swap3A_913, %swap3A_914], %mul3A_908 {strides = array<i32>} : memref<16x144xf32, #tpu.memory_space<vmem>>, vector<16xf32>,
      %get3A_916 = arith.constant 0 : i32
      %get3A_917 = arith.constant 0 : i32
      %get3A_918 = tpu.memref_slice %arg13[%scan3A_260, %get3A_916, %get3A_917] : memref<4x48x144xf32, #tpu.memory_space<vmem>> -> memref<1x16x144xf32, #tpu.memory_space<vmem>>
      %get3A_919 = tpu.memref_squeeze %get3A_918 : memref<1x16x144xf32, #tpu.memory_space<vmem>> -> memref<16x144xf32, #tpu.memory_space<vmem>>
      %get3A_920 = arith.index_cast %scan3A_842 : i32 to index
      %get3A_921 = arith.constant 64 : index
      %get3A_922 = tpu.vector_load %get3A_919[%get3A_920, %get3A_921] {strides = array<i32>} : memref<16x144xf32, #tpu.memory_space<vmem>>, vector<16xf32>,
      %mul3A_923 = vector.broadcast %squeeze3A_851 : f32 to vector<16xf32>
      %mul3A_924 = arith.mulf %get3A_922, %mul3A_923 : vector<16xf32>
      %swap3A_925 = arith.constant 0 : i32
      %swap3A_926 = arith.constant 0 : i32
      %swap3A_927 = tpu.memref_slice %arg13[%scan3A_260, %swap3A_925, %swap3A_926] : memref<4x48x144xf32, #tpu.memory_space<vmem>> -> memref<1x16x144xf32, #tpu.memory_space<vmem>>
      %swap3A_928 = tpu.memref_squeeze %swap3A_927 : memref<1x16x144xf32, #tpu.memory_space<vmem>> -> memref<16x144xf32, #tpu.memory_space<vmem>>
      %swap3A_929 = arith.index_cast %scan3A_842 : i32 to index
      %swap3A_930 = arith.constant 64 : index
      %swap3A_931 = tpu.vector_load %swap3A_928[%swap3A_929, %swap3A_930] {strides = array<i32>} : memref<16x144xf32, #tpu.memory_space<vmem>>, vector<16xf32>,
      tpu.vector_store %swap3A_928[%swap3A_929, %swap3A_930], %mul3A_924 {strides = array<i32>} : memref<16x144xf32, #tpu.memory_space<vmem>>, vector<16xf32>,
      %get3A_932 = arith.constant 0 : i32
      %get3A_933 = arith.constant 0 : i32
      %get3A_934 = tpu.memref_slice %arg13[%scan3A_260, %get3A_932, %get3A_933] : memref<4x48x144xf32, #tpu.memory_space<vmem>> -> memref<1x16x144xf32, #tpu.memory_space<vmem>>
      %get3A_935 = tpu.memref_squeeze %get3A_934 : memref<1x16x144xf32, #tpu.memory_space<vmem>> -> memref<16x144xf32, #tpu.memory_space<vmem>>
      %get3A_936 = arith.index_cast %scan3A_842 : i32 to index
      %get3A_937 = arith.constant 80 : index
      %get3A_938 = tpu.vector_load %get3A_935[%get3A_936, %get3A_937] {strides = array<i32>} : memref<16x144xf32, #tpu.memory_space<vmem>>, vector<16xf32>,
      %mul3A_939 = vector.broadcast %squeeze3A_851 : f32 to vector<16xf32>
      %mul3A_940 = arith.mulf %get3A_938, %mul3A_939 : vector<16xf32>
      %swap3A_941 = arith.constant 0 : i32
      %swap3A_942 = arith.constant 0 : i32
      %swap3A_943 = tpu.memref_slice %arg13[%scan3A_260, %swap3A_941, %swap3A_942] : memref<4x48x144xf32, #tpu.memory_space<vmem>> -> memref<1x16x144xf32, #tpu.memory_space<vmem>>
      %swap3A_944 = tpu.memref_squeeze %swap3A_943 : memref<1x16x144xf32, #tpu.memory_space<vmem>> -> memref<16x144xf32, #tpu.memory_space<vmem>>
      %swap3A_945 = arith.index_cast %scan3A_842 : i32 to index
      %swap3A_946 = arith.constant 80 : index
      %swap3A_947 = tpu.vector_load %swap3A_944[%swap3A_945, %swap3A_946] {strides = array<i32>} : memref<16x144xf32, #tpu.memory_space<vmem>>, vector<16xf32>,
      tpu.vector_store %swap3A_944[%swap3A_945, %swap3A_946], %mul3A_940 {strides = array<i32>} : memref<16x144xf32, #tpu.memory_space<vmem>>, vector<16xf32>,
      %get3A_948 = arith.constant 0 : i32
      %get3A_949 = arith.constant 0 : i32
      %get3A_950 = tpu.memref_slice %arg13[%scan3A_260, %get3A_948, %get3A_949] : memref<4x48x144xf32, #tpu.memory_space<vmem>> -> memref<1x16x144xf32, #tpu.memory_space<vmem>>
      %get3A_951 = tpu.memref_squeeze %get3A_950 : memref<1x16x144xf32, #tpu.memory_space<vmem>> -> memref<16x144xf32, #tpu.memory_space<vmem>>
      %get3A_952 = arith.index_cast %scan3A_842 : i32 to index
      %get3A_953 = arith.constant 96 : index
      %get3A_954 = tpu.vector_load %get3A_951[%get3A_952, %get3A_953] {strides = array<i32>} : memref<16x144xf32, #tpu.memory_space<vmem>>, vector<16xf32>,
      %mul3A_955 = vector.broadcast %squeeze3A_851 : f32 to vector<16xf32>
      %mul3A_956 = arith.mulf %get3A_954, %mul3A_955 : vector<16xf32>
      %swap3A_957 = arith.constant 0 : i32
      %swap3A_958 = arith.constant 0 : i32
      %swap3A_959 = tpu.memref_slice %arg13[%scan3A_260, %swap3A_957, %swap3A_958] : memref<4x48x144xf32, #tpu.memory_space<vmem>> -> memref<1x16x144xf32, #tpu.memory_space<vmem>>
      %swap3A_960 = tpu.memref_squeeze %swap3A_959 : memref<1x16x144xf32, #tpu.memory_space<vmem>> -> memref<16x144xf32, #tpu.memory_space<vmem>>
      %swap3A_961 = arith.index_cast %scan3A_842 : i32 to index
      %swap3A_962 = arith.constant 96 : index
      %swap3A_963 = tpu.vector_load %swap3A_960[%swap3A_961, %swap3A_962] {strides = array<i32>} : memref<16x144xf32, #tpu.memory_space<vmem>>, vector<16xf32>,
      tpu.vector_store %swap3A_960[%swap3A_961, %swap3A_962], %mul3A_956 {strides = array<i32>} : memref<16x144xf32, #tpu.memory_space<vmem>>, vector<16xf32>,
      %get3A_964 = arith.constant 0 : i32
      %get3A_965 = arith.constant 0 : i32
      %get3A_966 = tpu.memref_slice %arg13[%scan3A_260, %get3A_964, %get3A_965] : memref<4x48x144xf32, #tpu.memory_space<vmem>> -> memref<1x16x144xf32, #tpu.memory_space<vmem>>
      %get3A_967 = tpu.memref_squeeze %get3A_966 : memref<1x16x144xf32, #tpu.memory_space<vmem>> -> memref<16x144xf32, #tpu.memory_space<vmem>>
      %get3A_968 = arith.index_cast %scan3A_842 : i32 to index
      %get3A_969 = arith.constant 112 : index
      %get3A_970 = tpu.vector_load %get3A_967[%get3A_968, %get3A_969] {strides = array<i32>} : memref<16x144xf32, #tpu.memory_space<vmem>>, vector<16xf32>,
      %mul3A_971 = vector.broadcast %squeeze3A_851 : f32 to vector<16xf32>
      %mul3A_972 = arith.mulf %get3A_970, %mul3A_971 : vector<16xf32>
      %swap3A_973 = arith.constant 0 : i32
      %swap3A_974 = arith.constant 0 : i32
      %swap3A_975 = tpu.memref_slice %arg13[%scan3A_260, %swap3A_973, %swap3A_974] : memref<4x48x144xf32, #tpu.memory_space<vmem>> -> memref<1x16x144xf32, #tpu.memory_space<vmem>>
      %swap3A_976 = tpu.memref_squeeze %swap3A_975 : memref<1x16x144xf32, #tpu.memory_space<vmem>> -> memref<16x144xf32, #tpu.memory_space<vmem>>
      %swap3A_977 = arith.index_cast %scan3A_842 : i32 to index
      %swap3A_978 = arith.constant 112 : index
      %swap3A_979 = tpu.vector_load %swap3A_976[%swap3A_977, %swap3A_978] {strides = array<i32>} : memref<16x144xf32, #tpu.memory_space<vmem>>, vector<16xf32>,
      tpu.vector_store %swap3A_976[%swap3A_977, %swap3A_978], %mul3A_972 {strides = array<i32>} : memref<16x144xf32, #tpu.memory_space<vmem>>, vector<16xf32>,
      %scan3A_980 = arith.constant 5 : i32
      %scan3A_981 = arith.addi %scan3A_289, %scan3A_980 : i32
      %get3A_982 = arith.constant 0 : i32
      %get3A_983 = arith.constant 0 : i32
      %get3A_984 = tpu.memref_slice %arg13[%scan3A_260, %get3A_982, %get3A_983] : memref<4x48x144xf32, #tpu.memory_space<vmem>> -> memref<1x16x144xf32, #tpu.memory_space<vmem>>
      %get3A_985 = tpu.memref_squeeze %get3A_984 : memref<1x16x144xf32, #tpu.memory_space<vmem>> -> memref<16x144xf32, #tpu.memory_space<vmem>>
      %get3A_986 = arith.index_cast %scan3A_981 : i32 to index
      %get3A_987 = arith.constant 128 : index
      %get3A_988 = tpu.vector_load %get3A_985[%get3A_986, %get3A_987] {strides = array<i32>} : memref<16x144xf32, #tpu.memory_space<vmem>>, vector<16xf32>,
      %slice3A_989 = vector.extract_strided_slice %get3A_988 {offsets = [0], sizes = [1], strides = [1]} : vector<16xf32> to vector<1xf32>
      %squeeze3A_990 = vector.extract %slice3A_989[0] : f32 from vector<1xf32>
      %get3A_991 = arith.constant 0 : i32
      %get3A_992 = arith.constant 0 : i32
      %get3A_993 = tpu.memref_slice %arg13[%scan3A_260, %get3A_991, %get3A_992] : memref<4x48x144xf32, #tpu.memory_space<vmem>> -> memref<1x16x144xf32, #tpu.memory_space<vmem>>
      %get3A_994 = tpu.memref_squeeze %get3A_993 : memref<1x16x144xf32, #tpu.memory_space<vmem>> -> memref<16x144xf32, #tpu.memory_space<vmem>>
      %get3A_995 = arith.index_cast %scan3A_981 : i32 to index
      %get3A_996 = arith.constant 0 : index
      %get3A_997 = tpu.vector_load %get3A_994[%get3A_995, %get3A_996] {strides = array<i32>} : memref<16x144xf32, #tpu.memory_space<vmem>>, vector<16xf32>,
      %mul3A_998 = vector.broadcast %squeeze3A_990 : f32 to vector<16xf32>
      %mul3A_999 = arith.mulf %get3A_997, %mul3A_998 : vector<16xf32>
      %swap3A_1000 = arith.constant 0 : i32
      %swap3A_1001 = arith.constant 0 : i32
      %swap3A_1002 = tpu.memref_slice %arg13[%scan3A_260, %swap3A_1000, %swap3A_1001] : memref<4x48x144xf32, #tpu.memory_space<vmem>> -> memref<1x16x144xf32, #tpu.memory_space<vmem>>
      %swap3A_1003 = tpu.memref_squeeze %swap3A_1002 : memref<1x16x144xf32, #tpu.memory_space<vmem>> -> memref<16x144xf32, #tpu.memory_space<vmem>>
      %swap3A_1004 = arith.index_cast %scan3A_981 : i32 to index
      %swap3A_1005 = arith.constant 0 : index
      %swap3A_1006 = tpu.vector_load %swap3A_1003[%swap3A_1004, %swap3A_1005] {strides = array<i32>} : memref<16x144xf32, #tpu.memory_space<vmem>>, vector<16xf32>,
      tpu.vector_store %swap3A_1003[%swap3A_1004, %swap3A_1005], %mul3A_999 {strides = array<i32>} : memref<16x144xf32, #tpu.memory_space<vmem>>, vector<16xf32>,
      %get3A_1007 = arith.constant 0 : i32
      %get3A_1008 = arith.constant 0 : i32
      %get3A_1009 = tpu.memref_slice %arg13[%scan3A_260, %get3A_1007, %get3A_1008] : memref<4x48x144xf32, #tpu.memory_space<vmem>> -> memref<1x16x144xf32, #tpu.memory_space<vmem>>
      %get3A_1010 = tpu.memref_squeeze %get3A_1009 : memref<1x16x144xf32, #tpu.memory_space<vmem>> -> memref<16x144xf32, #tpu.memory_space<vmem>>
      %get3A_1011 = arith.index_cast %scan3A_981 : i32 to index
      %get3A_1012 = arith.constant 16 : index
      %get3A_1013 = tpu.vector_load %get3A_1010[%get3A_1011, %get3A_1012] {strides = array<i32>} : memref<16x144xf32, #tpu.memory_space<vmem>>, vector<16xf32>,
      %mul3A_1014 = vector.broadcast %squeeze3A_990 : f32 to vector<16xf32>
      %mul3A_1015 = arith.mulf %get3A_1013, %mul3A_1014 : vector<16xf32>
      %swap3A_1016 = arith.constant 0 : i32
      %swap3A_1017 = arith.constant 0 : i32
      %swap3A_1018 = tpu.memref_slice %arg13[%scan3A_260, %swap3A_1016, %swap3A_1017] : memref<4x48x144xf32, #tpu.memory_space<vmem>> -> memref<1x16x144xf32, #tpu.memory_space<vmem>>
      %swap3A_1019 = tpu.memref_squeeze %swap3A_1018 : memref<1x16x144xf32, #tpu.memory_space<vmem>> -> memref<16x144xf32, #tpu.memory_space<vmem>>
      %swap3A_1020 = arith.index_cast %scan3A_981 : i32 to index
      %swap3A_1021 = arith.constant 16 : index
      %swap3A_1022 = tpu.vector_load %swap3A_1019[%swap3A_1020, %swap3A_1021] {strides = array<i32>} : memref<16x144xf32, #tpu.memory_space<vmem>>, vector<16xf32>,
      tpu.vector_store %swap3A_1019[%swap3A_1020, %swap3A_1021], %mul3A_1015 {strides = array<i32>} : memref<16x144xf32, #tpu.memory_space<vmem>>, vector<16xf32>,
      %get3A_1023 = arith.constant 0 : i32
      %get3A_1024 = arith.constant 0 : i32
      %get3A_1025 = tpu.memref_slice %arg13[%scan3A_260, %get3A_1023, %get3A_1024] : memref<4x48x144xf32, #tpu.memory_space<vmem>> -> memref<1x16x144xf32, #tpu.memory_space<vmem>>
      %get3A_1026 = tpu.memref_squeeze %get3A_1025 : memref<1x16x144xf32, #tpu.memory_space<vmem>> -> memref<16x144xf32, #tpu.memory_space<vmem>>
      %get3A_1027 = arith.index_cast %scan3A_981 : i32 to index
      %get3A_1028 = arith.constant 32 : index
      %get3A_1029 = tpu.vector_load %get3A_1026[%get3A_1027, %get3A_1028] {strides = array<i32>} : memref<16x144xf32, #tpu.memory_space<vmem>>, vector<16xf32>,
      %mul3A_1030 = vector.broadcast %squeeze3A_990 : f32 to vector<16xf32>
      %mul3A_1031 = arith.mulf %get3A_1029, %mul3A_1030 : vector<16xf32>
      %swap3A_1032 = arith.constant 0 : i32
      %swap3A_1033 = arith.constant 0 : i32
      %swap3A_1034 = tpu.memref_slice %arg13[%scan3A_260, %swap3A_1032, %swap3A_1033] : memref<4x48x144xf32, #tpu.memory_space<vmem>> -> memref<1x16x144xf32, #tpu.memory_space<vmem>>
      %swap3A_1035 = tpu.memref_squeeze %swap3A_1034 : memref<1x16x144xf32, #tpu.memory_space<vmem>> -> memref<16x144xf32, #tpu.memory_space<vmem>>
      %swap3A_1036 = arith.index_cast %scan3A_981 : i32 to index
      %swap3A_1037 = arith.constant 32 : index
      %swap3A_1038 = tpu.vector_load %swap3A_1035[%swap3A_1036, %swap3A_1037] {strides = array<i32>} : memref<16x144xf32, #tpu.memory_space<vmem>>, vector<16xf32>,
      tpu.vector_store %swap3A_1035[%swap3A_1036, %swap3A_1037], %mul3A_1031 {strides = array<i32>} : memref<16x144xf32, #tpu.memory_space<vmem>>, vector<16xf32>,
      %get3A_1039 = arith.constant 0 : i32
      %get3A_1040 = arith.constant 0 : i32
      %get3A_1041 = tpu.memref_slice %arg13[%scan3A_260, %get3A_1039, %get3A_1040] : memref<4x48x144xf32, #tpu.memory_space<vmem>> -> memref<1x16x144xf32, #tpu.memory_space<vmem>>
      %get3A_1042 = tpu.memref_squeeze %get3A_1041 : memref<1x16x144xf32, #tpu.memory_space<vmem>> -> memref<16x144xf32, #tpu.memory_space<vmem>>
      %get3A_1043 = arith.index_cast %scan3A_981 : i32 to index
      %get3A_1044 = arith.constant 48 : index
      %get3A_1045 = tpu.vector_load %get3A_1042[%get3A_1043, %get3A_1044] {strides = array<i32>} : memref<16x144xf32, #tpu.memory_space<vmem>>, vector<16xf32>,
      %mul3A_1046 = vector.broadcast %squeeze3A_990 : f32 to vector<16xf32>
      %mul3A_1047 = arith.mulf %get3A_1045, %mul3A_1046 : vector<16xf32>
      %swap3A_1048 = arith.constant 0 : i32
      %swap3A_1049 = arith.constant 0 : i32
      %swap3A_1050 = tpu.memref_slice %arg13[%scan3A_260, %swap3A_1048, %swap3A_1049] : memref<4x48x144xf32, #tpu.memory_space<vmem>> -> memref<1x16x144xf32, #tpu.memory_space<vmem>>
      %swap3A_1051 = tpu.memref_squeeze %swap3A_1050 : memref<1x16x144xf32, #tpu.memory_space<vmem>> -> memref<16x144xf32, #tpu.memory_space<vmem>>
      %swap3A_1052 = arith.index_cast %scan3A_981 : i32 to index
      %swap3A_1053 = arith.constant 48 : index
      %swap3A_1054 = tpu.vector_load %swap3A_1051[%swap3A_1052, %swap3A_1053] {strides = array<i32>} : memref<16x144xf32, #tpu.memory_space<vmem>>, vector<16xf32>,
      tpu.vector_store %swap3A_1051[%swap3A_1052, %swap3A_1053], %mul3A_1047 {strides = array<i32>} : memref<16x144xf32, #tpu.memory_space<vmem>>, vector<16xf32>,
      %get3A_1055 = arith.constant 0 : i32
      %get3A_1056 = arith.constant 0 : i32
      %get3A_1057 = tpu.memref_slice %arg13[%scan3A_260, %get3A_1055, %get3A_1056] : memref<4x48x144xf32, #tpu.memory_space<vmem>> -> memref<1x16x144xf32, #tpu.memory_space<vmem>>
      %get3A_1058 = tpu.memref_squeeze %get3A_1057 : memref<1x16x144xf32, #tpu.memory_space<vmem>> -> memref<16x144xf32, #tpu.memory_space<vmem>>
      %get3A_1059 = arith.index_cast %scan3A_981 : i32 to index
      %get3A_1060 = arith.constant 64 : index
      %get3A_1061 = tpu.vector_load %get3A_1058[%get3A_1059, %get3A_1060] {strides = array<i32>} : memref<16x144xf32, #tpu.memory_space<vmem>>, vector<16xf32>,
      %mul3A_1062 = vector.broadcast %squeeze3A_990 : f32 to vector<16xf32>
      %mul3A_1063 = arith.mulf %get3A_1061, %mul3A_1062 : vector<16xf32>
      %swap3A_1064 = arith.constant 0 : i32
      %swap3A_1065 = arith.constant 0 : i32
      %swap3A_1066 = tpu.memref_slice %arg13[%scan3A_260, %swap3A_1064, %swap3A_1065] : memref<4x48x144xf32, #tpu.memory_space<vmem>> -> memref<1x16x144xf32, #tpu.memory_space<vmem>>
      %swap3A_1067 = tpu.memref_squeeze %swap3A_1066 : memref<1x16x144xf32, #tpu.memory_space<vmem>> -> memref<16x144xf32, #tpu.memory_space<vmem>>
      %swap3A_1068 = arith.index_cast %scan3A_981 : i32 to index
      %swap3A_1069 = arith.constant 64 : index
      %swap3A_1070 = tpu.vector_load %swap3A_1067[%swap3A_1068, %swap3A_1069] {strides = array<i32>} : memref<16x144xf32, #tpu.memory_space<vmem>>, vector<16xf32>,
      tpu.vector_store %swap3A_1067[%swap3A_1068, %swap3A_1069], %mul3A_1063 {strides = array<i32>} : memref<16x144xf32, #tpu.memory_space<vmem>>, vector<16xf32>,
      %get3A_1071 = arith.constant 0 : i32
      %get3A_1072 = arith.constant 0 : i32
      %get3A_1073 = tpu.memref_slice %arg13[%scan3A_260, %get3A_1071, %get3A_1072] : memref<4x48x144xf32, #tpu.memory_space<vmem>> -> memref<1x16x144xf32, #tpu.memory_space<vmem>>
      %get3A_1074 = tpu.memref_squeeze %get3A_1073 : memref<1x16x144xf32, #tpu.memory_space<vmem>> -> memref<16x144xf32, #tpu.memory_space<vmem>>
      %get3A_1075 = arith.index_cast %scan3A_981 : i32 to index
      %get3A_1076 = arith.constant 80 : index
      %get3A_1077 = tpu.vector_load %get3A_1074[%get3A_1075, %get3A_1076] {strides = array<i32>} : memref<16x144xf32, #tpu.memory_space<vmem>>, vector<16xf32>,
      %mul3A_1078 = vector.broadcast %squeeze3A_990 : f32 to vector<16xf32>
      %mul3A_1079 = arith.mulf %get3A_1077, %mul3A_1078 : vector<16xf32>
      %swap3A_1080 = arith.constant 0 : i32
      %swap3A_1081 = arith.constant 0 : i32
      %swap3A_1082 = tpu.memref_slice %arg13[%scan3A_260, %swap3A_1080, %swap3A_1081] : memref<4x48x144xf32, #tpu.memory_space<vmem>> -> memref<1x16x144xf32, #tpu.memory_space<vmem>>
      %swap3A_1083 = tpu.memref_squeeze %swap3A_1082 : memref<1x16x144xf32, #tpu.memory_space<vmem>> -> memref<16x144xf32, #tpu.memory_space<vmem>>
      %swap3A_1084 = arith.index_cast %scan3A_981 : i32 to index
      %swap3A_1085 = arith.constant 80 : index
      %swap3A_1086 = tpu.vector_load %swap3A_1083[%swap3A_1084, %swap3A_1085] {strides = array<i32>} : memref<16x144xf32, #tpu.memory_space<vmem>>, vector<16xf32>,
      tpu.vector_store %swap3A_1083[%swap3A_1084, %swap3A_1085], %mul3A_1079 {strides = array<i32>} : memref<16x144xf32, #tpu.memory_space<vmem>>, vector<16xf32>,
      %get3A_1087 = arith.constant 0 : i32
      %get3A_1088 = arith.constant 0 : i32
      %get3A_1089 = tpu.memref_slice %arg13[%scan3A_260, %get3A_1087, %get3A_1088] : memref<4x48x144xf32, #tpu.memory_space<vmem>> -> memref<1x16x144xf32, #tpu.memory_space<vmem>>
      %get3A_1090 = tpu.memref_squeeze %get3A_1089 : memref<1x16x144xf32, #tpu.memory_space<vmem>> -> memref<16x144xf32, #tpu.memory_space<vmem>>
      %get3A_1091 = arith.index_cast %scan3A_981 : i32 to index
      %get3A_1092 = arith.constant 96 : index
      %get3A_1093 = tpu.vector_load %get3A_1090[%get3A_1091, %get3A_1092] {strides = array<i32>} : memref<16x144xf32, #tpu.memory_space<vmem>>, vector<16xf32>,
      %mul3A_1094 = vector.broadcast %squeeze3A_990 : f32 to vector<16xf32>
      %mul3A_1095 = arith.mulf %get3A_1093, %mul3A_1094 : vector<16xf32>
      %swap3A_1096 = arith.constant 0 : i32
      %swap3A_1097 = arith.constant 0 : i32
      %swap3A_1098 = tpu.memref_slice %arg13[%scan3A_260, %swap3A_1096, %swap3A_1097] : memref<4x48x144xf32, #tpu.memory_space<vmem>> -> memref<1x16x144xf32, #tpu.memory_space<vmem>>
      %swap3A_1099 = tpu.memref_squeeze %swap3A_1098 : memref<1x16x144xf32, #tpu.memory_space<vmem>> -> memref<16x144xf32, #tpu.memory_space<vmem>>
      %swap3A_1100 = arith.index_cast %scan3A_981 : i32 to index
      %swap3A_1101 = arith.constant 96 : index
      %swap3A_1102 = tpu.vector_load %swap3A_1099[%swap3A_1100, %swap3A_1101] {strides = array<i32>} : memref<16x144xf32, #tpu.memory_space<vmem>>, vector<16xf32>,
      tpu.vector_store %swap3A_1099[%swap3A_1100, %swap3A_1101], %mul3A_1095 {strides = array<i32>} : memref<16x144xf32, #tpu.memory_space<vmem>>, vector<16xf32>,
      %get3A_1103 = arith.constant 0 : i32
      %get3A_1104 = arith.constant 0 : i32
      %get3A_1105 = tpu.memref_slice %arg13[%scan3A_260, %get3A_1103, %get3A_1104] : memref<4x48x144xf32, #tpu.memory_space<vmem>> -> memref<1x16x144xf32, #tpu.memory_space<vmem>>
      %get3A_1106 = tpu.memref_squeeze %get3A_1105 : memref<1x16x144xf32, #tpu.memory_space<vmem>> -> memref<16x144xf32, #tpu.memory_space<vmem>>
      %get3A_1107 = arith.index_cast %scan3A_981 : i32 to index
      %get3A_1108 = arith.constant 112 : index
      %get3A_1109 = tpu.vector_load %get3A_1106[%get3A_1107, %get3A_1108] {strides = array<i32>} : memref<16x144xf32, #tpu.memory_space<vmem>>, vector<16xf32>,
      %mul3A_1110 = vector.broadcast %squeeze3A_990 : f32 to vector<16xf32>
      %mul3A_1111 = arith.mulf %get3A_1109, %mul3A_1110 : vector<16xf32>
      %swap3A_1112 = arith.constant 0 : i32
      %swap3A_1113 = arith.constant 0 : i32
      %swap3A_1114 = tpu.memref_slice %arg13[%scan3A_260, %swap3A_1112, %swap3A_1113] : memref<4x48x144xf32, #tpu.memory_space<vmem>> -> memref<1x16x144xf32, #tpu.memory_space<vmem>>
      %swap3A_1115 = tpu.memref_squeeze %swap3A_1114 : memref<1x16x144xf32, #tpu.memory_space<vmem>> -> memref<16x144xf32, #tpu.memory_space<vmem>>
      %swap3A_1116 = arith.index_cast %scan3A_981 : i32 to index
      %swap3A_1117 = arith.constant 112 : index
      %swap3A_1118 = tpu.vector_load %swap3A_1115[%swap3A_1116, %swap3A_1117] {strides = array<i32>} : memref<16x144xf32, #tpu.memory_space<vmem>>, vector<16xf32>,
      tpu.vector_store %swap3A_1115[%swap3A_1116, %swap3A_1117], %mul3A_1111 {strides = array<i32>} : memref<16x144xf32, #tpu.memory_space<vmem>>, vector<16xf32>,
      %scan3A_1119 = arith.constant 6 : i32
      %scan3A_1120 = arith.addi %scan3A_289, %scan3A_1119 : i32
      %get3A_1121 = arith.constant 0 : i32
      %get3A_1122 = arith.constant 0 : i32
      %get3A_1123 = tpu.memref_slice %arg13[%scan3A_260, %get3A_1121, %get3A_1122] : memref<4x48x144xf32, #tpu.memory_space<vmem>> -> memref<1x16x144xf32, #tpu.memory_space<vmem>>
      %get3A_1124 = tpu.memref_squeeze %get3A_1123 : memref<1x16x144xf32, #tpu.memory_space<vmem>> -> memref<16x144xf32, #tpu.memory_space<vmem>>
      %get3A_1125 = arith.index_cast %scan3A_1120 : i32 to index
      %get3A_1126 = arith.constant 128 : index
      %get3A_1127 = tpu.vector_load %get3A_1124[%get3A_1125, %get3A_1126] {strides = array<i32>} : memref<16x144xf32, #tpu.memory_space<vmem>>, vector<16xf32>,
      %slice3A_1128 = vector.extract_strided_slice %get3A_1127 {offsets = [0], sizes = [1], strides = [1]} : vector<16xf32> to vector<1xf32>
      %squeeze3A_1129 = vector.extract %slice3A_1128[0] : f32 from vector<1xf32>
      %get3A_1130 = arith.constant 0 : i32
      %get3A_1131 = arith.constant 0 : i32
      %get3A_1132 = tpu.memref_slice %arg13[%scan3A_260, %get3A_1130, %get3A_1131] : memref<4x48x144xf32, #tpu.memory_space<vmem>> -> memref<1x16x144xf32, #tpu.memory_space<vmem>>
      %get3A_1133 = tpu.memref_squeeze %get3A_1132 : memref<1x16x144xf32, #tpu.memory_space<vmem>> -> memref<16x144xf32, #tpu.memory_space<vmem>>
      %get3A_1134 = arith.index_cast %scan3A_1120 : i32 to index
      %get3A_1135 = arith.constant 0 : index
      %get3A_1136 = tpu.vector_load %get3A_1133[%get3A_1134, %get3A_1135] {strides = array<i32>} : memref<16x144xf32, #tpu.memory_space<vmem>>, vector<16xf32>,
      %mul3A_1137 = vector.broadcast %squeeze3A_1129 : f32 to vector<16xf32>
      %mul3A_1138 = arith.mulf %get3A_1136, %mul3A_1137 : vector<16xf32>
      %swap3A_1139 = arith.constant 0 : i32
      %swap3A_1140 = arith.constant 0 : i32
      %swap3A_1141 = tpu.memref_slice %arg13[%scan3A_260, %swap3A_1139, %swap3A_1140] : memref<4x48x144xf32, #tpu.memory_space<vmem>> -> memref<1x16x144xf32, #tpu.memory_space<vmem>>
      %swap3A_1142 = tpu.memref_squeeze %swap3A_1141 : memref<1x16x144xf32, #tpu.memory_space<vmem>> -> memref<16x144xf32, #tpu.memory_space<vmem>>
      %swap3A_1143 = arith.index_cast %scan3A_1120 : i32 to index
      %swap3A_1144 = arith.constant 0 : index
      %swap3A_1145 = tpu.vector_load %swap3A_1142[%swap3A_1143, %swap3A_1144] {strides = array<i32>} : memref<16x144xf32, #tpu.memory_space<vmem>>, vector<16xf32>,
      tpu.vector_store %swap3A_1142[%swap3A_1143, %swap3A_1144], %mul3A_1138 {strides = array<i32>} : memref<16x144xf32, #tpu.memory_space<vmem>>, vector<16xf32>,
      %get3A_1146 = arith.constant 0 : i32
      %get3A_1147 = arith.constant 0 : i32
      %get3A_1148 = tpu.memref_slice %arg13[%scan3A_260, %get3A_1146, %get3A_1147] : memref<4x48x144xf32, #tpu.memory_space<vmem>> -> memref<1x16x144xf32, #tpu.memory_space<vmem>>
      %get3A_1149 = tpu.memref_squeeze %get3A_1148 : memref<1x16x144xf32, #tpu.memory_space<vmem>> -> memref<16x144xf32, #tpu.memory_space<vmem>>
      %get3A_1150 = arith.index_cast %scan3A_1120 : i32 to index
      %get3A_1151 = arith.constant 16 : index
      %get3A_1152 = tpu.vector_load %get3A_1149[%get3A_1150, %get3A_1151] {strides = array<i32>} : memref<16x144xf32, #tpu.memory_space<vmem>>, vector<16xf32>,
      %mul3A_1153 = vector.broadcast %squeeze3A_1129 : f32 to vector<16xf32>
      %mul3A_1154 = arith.mulf %get3A_1152, %mul3A_1153 : vector<16xf32>
      %swap3A_1155 = arith.constant 0 : i32
      %swap3A_1156 = arith.constant 0 : i32
      %swap3A_1157 = tpu.memref_slice %arg13[%scan3A_260, %swap3A_1155, %swap3A_1156] : memref<4x48x144xf32, #tpu.memory_space<vmem>> -> memref<1x16x144xf32, #tpu.memory_space<vmem>>
      %swap3A_1158 = tpu.memref_squeeze %swap3A_1157 : memref<1x16x144xf32, #tpu.memory_space<vmem>> -> memref<16x144xf32, #tpu.memory_space<vmem>>
      %swap3A_1159 = arith.index_cast %scan3A_1120 : i32 to index
      %swap3A_1160 = arith.constant 16 : index
      %swap3A_1161 = tpu.vector_load %swap3A_1158[%swap3A_1159, %swap3A_1160] {strides = array<i32>} : memref<16x144xf32, #tpu.memory_space<vmem>>, vector<16xf32>,
      tpu.vector_store %swap3A_1158[%swap3A_1159, %swap3A_1160], %mul3A_1154 {strides = array<i32>} : memref<16x144xf32, #tpu.memory_space<vmem>>, vector<16xf32>,
      %get3A_1162 = arith.constant 0 : i32
      %get3A_1163 = arith.constant 0 : i32
      %get3A_1164 = tpu.memref_slice %arg13[%scan3A_260, %get3A_1162, %get3A_1163] : memref<4x48x144xf32, #tpu.memory_space<vmem>> -> memref<1x16x144xf32, #tpu.memory_space<vmem>>
      %get3A_1165 = tpu.memref_squeeze %get3A_1164 : memref<1x16x144xf32, #tpu.memory_space<vmem>> -> memref<16x144xf32, #tpu.memory_space<vmem>>
      %get3A_1166 = arith.index_cast %scan3A_1120 : i32 to index
      %get3A_1167 = arith.constant 32 : index
      %get3A_1168 = tpu.vector_load %get3A_1165[%get3A_1166, %get3A_1167] {strides = array<i32>} : memref<16x144xf32, #tpu.memory_space<vmem>>, vector<16xf32>,
      %mul3A_1169 = vector.broadcast %squeeze3A_1129 : f32 to vector<16xf32>
      %mul3A_1170 = arith.mulf %get3A_1168, %mul3A_1169 : vector<16xf32>
      %swap3A_1171 = arith.constant 0 : i32
      %swap3A_1172 = arith.constant 0 : i32
      %swap3A_1173 = tpu.memref_slice %arg13[%scan3A_260, %swap3A_1171, %swap3A_1172] : memref<4x48x144xf32, #tpu.memory_space<vmem>> -> memref<1x16x144xf32, #tpu.memory_space<vmem>>
      %swap3A_1174 = tpu.memref_squeeze %swap3A_1173 : memref<1x16x144xf32, #tpu.memory_space<vmem>> -> memref<16x144xf32, #tpu.memory_space<vmem>>
      %swap3A_1175 = arith.index_cast %scan3A_1120 : i32 to index
      %swap3A_1176 = arith.constant 32 : index
      %swap3A_1177 = tpu.vector_load %swap3A_1174[%swap3A_1175, %swap3A_1176] {strides = array<i32>} : memref<16x144xf32, #tpu.memory_space<vmem>>, vector<16xf32>,
      tpu.vector_store %swap3A_1174[%swap3A_1175, %swap3A_1176], %mul3A_1170 {strides = array<i32>} : memref<16x144xf32, #tpu.memory_space<vmem>>, vector<16xf32>,
      %get3A_1178 = arith.constant 0 : i32
      %get3A_1179 = arith.constant 0 : i32
      %get3A_1180 = tpu.memref_slice %arg13[%scan3A_260, %get3A_1178, %get3A_1179] : memref<4x48x144xf32, #tpu.memory_space<vmem>> -> memref<1x16x144xf32, #tpu.memory_space<vmem>>
      %get3A_1181 = tpu.memref_squeeze %get3A_1180 : memref<1x16x144xf32, #tpu.memory_space<vmem>> -> memref<16x144xf32, #tpu.memory_space<vmem>>
      %get3A_1182 = arith.index_cast %scan3A_1120 : i32 to index
      %get3A_1183 = arith.constant 48 : index
      %get3A_1184 = tpu.vector_load %get3A_1181[%get3A_1182, %get3A_1183] {strides = array<i32>} : memref<16x144xf32, #tpu.memory_space<vmem>>, vector<16xf32>,
      %mul3A_1185 = vector.broadcast %squeeze3A_1129 : f32 to vector<16xf32>
      %mul3A_1186 = arith.mulf %get3A_1184, %mul3A_1185 : vector<16xf32>
      %swap3A_1187 = arith.constant 0 : i32
      %swap3A_1188 = arith.constant 0 : i32
      %swap3A_1189 = tpu.memref_slice %arg13[%scan3A_260, %swap3A_1187, %swap3A_1188] : memref<4x48x144xf32, #tpu.memory_space<vmem>> -> memref<1x16x144xf32, #tpu.memory_space<vmem>>
      %swap3A_1190 = tpu.memref_squeeze %swap3A_1189 : memref<1x16x144xf32, #tpu.memory_space<vmem>> -> memref<16x144xf32, #tpu.memory_space<vmem>>
      %swap3A_1191 = arith.index_cast %scan3A_1120 : i32 to index
      %swap3A_1192 = arith.constant 48 : index
      %swap3A_1193 = tpu.vector_load %swap3A_1190[%swap3A_1191, %swap3A_1192] {strides = array<i32>} : memref<16x144xf32, #tpu.memory_space<vmem>>, vector<16xf32>,
      tpu.vector_store %swap3A_1190[%swap3A_1191, %swap3A_1192], %mul3A_1186 {strides = array<i32>} : memref<16x144xf32, #tpu.memory_space<vmem>>, vector<16xf32>,
      %get3A_1194 = arith.constant 0 : i32
      %get3A_1195 = arith.constant 0 : i32
      %get3A_1196 = tpu.memref_slice %arg13[%scan3A_260, %get3A_1194, %get3A_1195] : memref<4x48x144xf32, #tpu.memory_space<vmem>> -> memref<1x16x144xf32, #tpu.memory_space<vmem>>
      %get3A_1197 = tpu.memref_squeeze %get3A_1196 : memref<1x16x144xf32, #tpu.memory_space<vmem>> -> memref<16x144xf32, #tpu.memory_space<vmem>>
      %get3A_1198 = arith.index_cast %scan3A_1120 : i32 to index
      %get3A_1199 = arith.constant 64 : index
      %get3A_1200 = tpu.vector_load %get3A_1197[%get3A_1198, %get3A_1199] {strides = array<i32>} : memref<16x144xf32, #tpu.memory_space<vmem>>, vector<16xf32>,
      %mul3A_1201 = vector.broadcast %squeeze3A_1129 : f32 to vector<16xf32>
      %mul3A_1202 = arith.mulf %get3A_1200, %mul3A_1201 : vector<16xf32>
      %swap3A_1203 = arith.constant 0 : i32
      %swap3A_1204 = arith.constant 0 : i32
      %swap3A_1205 = tpu.memref_slice %arg13[%scan3A_260, %swap3A_1203, %swap3A_1204] : memref<4x48x144xf32, #tpu.memory_space<vmem>> -> memref<1x16x144xf32, #tpu.memory_space<vmem>>
      %swap3A_1206 = tpu.memref_squeeze %swap3A_1205 : memref<1x16x144xf32, #tpu.memory_space<vmem>> -> memref<16x144xf32, #tpu.memory_space<vmem>>
      %swap3A_1207 = arith.index_cast %scan3A_1120 : i32 to index
      %swap3A_1208 = arith.constant 64 : index
      %swap3A_1209 = tpu.vector_load %swap3A_1206[%swap3A_1207, %swap3A_1208] {strides = array<i32>} : memref<16x144xf32, #tpu.memory_space<vmem>>, vector<16xf32>,
      tpu.vector_store %swap3A_1206[%swap3A_1207, %swap3A_1208], %mul3A_1202 {strides = array<i32>} : memref<16x144xf32, #tpu.memory_space<vmem>>, vector<16xf32>,
      %get3A_1210 = arith.constant 0 : i32
      %get3A_1211 = arith.constant 0 : i32
      %get3A_1212 = tpu.memref_slice %arg13[%scan3A_260, %get3A_1210, %get3A_1211] : memref<4x48x144xf32, #tpu.memory_space<vmem>> -> memref<1x16x144xf32, #tpu.memory_space<vmem>>
      %get3A_1213 = tpu.memref_squeeze %get3A_1212 : memref<1x16x144xf32, #tpu.memory_space<vmem>> -> memref<16x144xf32, #tpu.memory_space<vmem>>
      %get3A_1214 = arith.index_cast %scan3A_1120 : i32 to index
      %get3A_1215 = arith.constant 80 : index
      %get3A_1216 = tpu.vector_load %get3A_1213[%get3A_1214, %get3A_1215] {strides = array<i32>} : memref<16x144xf32, #tpu.memory_space<vmem>>, vector<16xf32>,
      %mul3A_1217 = vector.broadcast %squeeze3A_1129 : f32 to vector<16xf32>
      %mul3A_1218 = arith.mulf %get3A_1216, %mul3A_1217 : vector<16xf32>
      %swap3A_1219 = arith.constant 0 : i32
      %swap3A_1220 = arith.constant 0 : i32
      %swap3A_1221 = tpu.memref_slice %arg13[%scan3A_260, %swap3A_1219, %swap3A_1220] : memref<4x48x144xf32, #tpu.memory_space<vmem>> -> memref<1x16x144xf32, #tpu.memory_space<vmem>>
      %swap3A_1222 = tpu.memref_squeeze %swap3A_1221 : memref<1x16x144xf32, #tpu.memory_space<vmem>> -> memref<16x144xf32, #tpu.memory_space<vmem>>
      %swap3A_1223 = arith.index_cast %scan3A_1120 : i32 to index
      %swap3A_1224 = arith.constant 80 : index
      %swap3A_1225 = tpu.vector_load %swap3A_1222[%swap3A_1223, %swap3A_1224] {strides = array<i32>} : memref<16x144xf32, #tpu.memory_space<vmem>>, vector<16xf32>,
      tpu.vector_store %swap3A_1222[%swap3A_1223, %swap3A_1224], %mul3A_1218 {strides = array<i32>} : memref<16x144xf32, #tpu.memory_space<vmem>>, vector<16xf32>,
      %get3A_1226 = arith.constant 0 : i32
      %get3A_1227 = arith.constant 0 : i32
      %get3A_1228 = tpu.memref_slice %arg13[%scan3A_260, %get3A_1226, %get3A_1227] : memref<4x48x144xf32, #tpu.memory_space<vmem>> -> memref<1x16x144xf32, #tpu.memory_space<vmem>>
      %get3A_1229 = tpu.memref_squeeze %get3A_1228 : memref<1x16x144xf32, #tpu.memory_space<vmem>> -> memref<16x144xf32, #tpu.memory_space<vmem>>
      %get3A_1230 = arith.index_cast %scan3A_1120 : i32 to index
      %get3A_1231 = arith.constant 96 : index
      %get3A_1232 = tpu.vector_load %get3A_1229[%get3A_1230, %get3A_1231] {strides = array<i32>} : memref<16x144xf32, #tpu.memory_space<vmem>>, vector<16xf32>,
      %mul3A_1233 = vector.broadcast %squeeze3A_1129 : f32 to vector<16xf32>
      %mul3A_1234 = arith.mulf %get3A_1232, %mul3A_1233 : vector<16xf32>
      %swap3A_1235 = arith.constant 0 : i32
      %swap3A_1236 = arith.constant 0 : i32
      %swap3A_1237 = tpu.memref_slice %arg13[%scan3A_260, %swap3A_1235, %swap3A_1236] : memref<4x48x144xf32, #tpu.memory_space<vmem>> -> memref<1x16x144xf32, #tpu.memory_space<vmem>>
      %swap3A_1238 = tpu.memref_squeeze %swap3A_1237 : memref<1x16x144xf32, #tpu.memory_space<vmem>> -> memref<16x144xf32, #tpu.memory_space<vmem>>
      %swap3A_1239 = arith.index_cast %scan3A_1120 : i32 to index
      %swap3A_1240 = arith.constant 96 : index
      %swap3A_1241 = tpu.vector_load %swap3A_1238[%swap3A_1239, %swap3A_1240] {strides = array<i32>} : memref<16x144xf32, #tpu.memory_space<vmem>>, vector<16xf32>,
      tpu.vector_store %swap3A_1238[%swap3A_1239, %swap3A_1240], %mul3A_1234 {strides = array<i32>} : memref<16x144xf32, #tpu.memory_space<vmem>>, vector<16xf32>,
      %get3A_1242 = arith.constant 0 : i32
      %get3A_1243 = arith.constant 0 : i32
      %get3A_1244 = tpu.memref_slice %arg13[%scan3A_260, %get3A_1242, %get3A_1243] : memref<4x48x144xf32, #tpu.memory_space<vmem>> -> memref<1x16x144xf32, #tpu.memory_space<vmem>>
      %get3A_1245 = tpu.memref_squeeze %get3A_1244 : memref<1x16x144xf32, #tpu.memory_space<vmem>> -> memref<16x144xf32, #tpu.memory_space<vmem>>
      %get3A_1246 = arith.index_cast %scan3A_1120 : i32 to index
      %get3A_1247 = arith.constant 112 : index
      %get3A_1248 = tpu.vector_load %get3A_1245[%get3A_1246, %get3A_1247] {strides = array<i32>} : memref<16x144xf32, #tpu.memory_space<vmem>>, vector<16xf32>,
      %mul3A_1249 = vector.broadcast %squeeze3A_1129 : f32 to vector<16xf32>
      %mul3A_1250 = arith.mulf %get3A_1248, %mul3A_1249 : vector<16xf32>
      %swap3A_1251 = arith.constant 0 : i32
      %swap3A_1252 = arith.constant 0 : i32
      %swap3A_1253 = tpu.memref_slice %arg13[%scan3A_260, %swap3A_1251, %swap3A_1252] : memref<4x48x144xf32, #tpu.memory_space<vmem>> -> memref<1x16x144xf32, #tpu.memory_space<vmem>>
      %swap3A_1254 = tpu.memref_squeeze %swap3A_1253 : memref<1x16x144xf32, #tpu.memory_space<vmem>> -> memref<16x144xf32, #tpu.memory_space<vmem>>
      %swap3A_1255 = arith.index_cast %scan3A_1120 : i32 to index
      %swap3A_1256 = arith.constant 112 : index
      %swap3A_1257 = tpu.vector_load %swap3A_1254[%swap3A_1255, %swap3A_1256] {strides = array<i32>} : memref<16x144xf32, #tpu.memory_space<vmem>>, vector<16xf32>,
      tpu.vector_store %swap3A_1254[%swap3A_1255, %swap3A_1256], %mul3A_1250 {strides = array<i32>} : memref<16x144xf32, #tpu.memory_space<vmem>>, vector<16xf32>,
      %scan3A_1258 = arith.constant 7 : i32
      %scan3A_1259 = arith.addi %scan3A_289, %scan3A_1258 : i32
      %get3A_1260 = arith.constant 0 : i32
      %get3A_1261 = arith.constant 0 : i32
      %get3A_1262 = tpu.memref_slice %arg13[%scan3A_260, %get3A_1260, %get3A_1261] : memref<4x48x144xf32, #tpu.memory_space<vmem>> -> memref<1x16x144xf32, #tpu.memory_space<vmem>>
      %get3A_1263 = tpu.memref_squeeze %get3A_1262 : memref<1x16x144xf32, #tpu.memory_space<vmem>> -> memref<16x144xf32, #tpu.memory_space<vmem>>
      %get3A_1264 = arith.index_cast %scan3A_1259 : i32 to index
      %get3A_1265 = arith.constant 128 : index
      %get3A_1266 = tpu.vector_load %get3A_1263[%get3A_1264, %get3A_1265] {strides = array<i32>} : memref<16x144xf32, #tpu.memory_space<vmem>>, vector<16xf32>,
      %slice3A_1267 = vector.extract_strided_slice %get3A_1266 {offsets = [0], sizes = [1], strides = [1]} : vector<16xf32> to vector<1xf32>
      %squeeze3A_1268 = vector.extract %slice3A_1267[0] : f32 from vector<1xf32>
      %get3A_1269 = arith.constant 0 : i32
      %get3A_1270 = arith.constant 0 : i32
      %get3A_1271 = tpu.memref_slice %arg13[%scan3A_260, %get3A_1269, %get3A_1270] : memref<4x48x144xf32, #tpu.memory_space<vmem>> -> memref<1x16x144xf32, #tpu.memory_space<vmem>>
      %get3A_1272 = tpu.memref_squeeze %get3A_1271 : memref<1x16x144xf32, #tpu.memory_space<vmem>> -> memref<16x144xf32, #tpu.memory_space<vmem>>
      %get3A_1273 = arith.index_cast %scan3A_1259 : i32 to index
      %get3A_1274 = arith.constant 0 : index
      %get3A_1275 = tpu.vector_load %get3A_1272[%get3A_1273, %get3A_1274] {strides = array<i32>} : memref<16x144xf32, #tpu.memory_space<vmem>>, vector<16xf32>,
      %mul3A_1276 = vector.broadcast %squeeze3A_1268 : f32 to vector<16xf32>
      %mul3A_1277 = arith.mulf %get3A_1275, %mul3A_1276 : vector<16xf32>
      %swap3A_1278 = arith.constant 0 : i32
      %swap3A_1279 = arith.constant 0 : i32
      %swap3A_1280 = tpu.memref_slice %arg13[%scan3A_260, %swap3A_1278, %swap3A_1279] : memref<4x48x144xf32, #tpu.memory_space<vmem>> -> memref<1x16x144xf32, #tpu.memory_space<vmem>>
      %swap3A_1281 = tpu.memref_squeeze %swap3A_1280 : memref<1x16x144xf32, #tpu.memory_space<vmem>> -> memref<16x144xf32, #tpu.memory_space<vmem>>
      %swap3A_1282 = arith.index_cast %scan3A_1259 : i32 to index
      %swap3A_1283 = arith.constant 0 : index
      %swap3A_1284 = tpu.vector_load %swap3A_1281[%swap3A_1282, %swap3A_1283] {strides = array<i32>} : memref<16x144xf32, #tpu.memory_space<vmem>>, vector<16xf32>,
      tpu.vector_store %swap3A_1281[%swap3A_1282, %swap3A_1283], %mul3A_1277 {strides = array<i32>} : memref<16x144xf32, #tpu.memory_space<vmem>>, vector<16xf32>,
      %get3A_1285 = arith.constant 0 : i32
      %get3A_1286 = arith.constant 0 : i32
      %get3A_1287 = tpu.memref_slice %arg13[%scan3A_260, %get3A_1285, %get3A_1286] : memref<4x48x144xf32, #tpu.memory_space<vmem>> -> memref<1x16x144xf32, #tpu.memory_space<vmem>>
      %get3A_1288 = tpu.memref_squeeze %get3A_1287 : memref<1x16x144xf32, #tpu.memory_space<vmem>> -> memref<16x144xf32, #tpu.memory_space<vmem>>
      %get3A_1289 = arith.index_cast %scan3A_1259 : i32 to index
      %get3A_1290 = arith.constant 16 : index
      %get3A_1291 = tpu.vector_load %get3A_1288[%get3A_1289, %get3A_1290] {strides = array<i32>} : memref<16x144xf32, #tpu.memory_space<vmem>>, vector<16xf32>,
      %mul3A_1292 = vector.broadcast %squeeze3A_1268 : f32 to vector<16xf32>
      %mul3A_1293 = arith.mulf %get3A_1291, %mul3A_1292 : vector<16xf32>
      %swap3A_1294 = arith.constant 0 : i32
      %swap3A_1295 = arith.constant 0 : i32
      %swap3A_1296 = tpu.memref_slice %arg13[%scan3A_260, %swap3A_1294, %swap3A_1295] : memref<4x48x144xf32, #tpu.memory_space<vmem>> -> memref<1x16x144xf32, #tpu.memory_space<vmem>>
      %swap3A_1297 = tpu.memref_squeeze %swap3A_1296 : memref<1x16x144xf32, #tpu.memory_space<vmem>> -> memref<16x144xf32, #tpu.memory_space<vmem>>
      %swap3A_1298 = arith.index_cast %scan3A_1259 : i32 to index
      %swap3A_1299 = arith.constant 16 : index
      %swap3A_1300 = tpu.vector_load %swap3A_1297[%swap3A_1298, %swap3A_1299] {strides = array<i32>} : memref<16x144xf32, #tpu.memory_space<vmem>>, vector<16xf32>,
      tpu.vector_store %swap3A_1297[%swap3A_1298, %swap3A_1299], %mul3A_1293 {strides = array<i32>} : memref<16x144xf32, #tpu.memory_space<vmem>>, vector<16xf32>,
      %get3A_1301 = arith.constant 0 : i32
      %get3A_1302 = arith.constant 0 : i32
      %get3A_1303 = tpu.memref_slice %arg13[%scan3A_260, %get3A_1301, %get3A_1302] : memref<4x48x144xf32, #tpu.memory_space<vmem>> -> memref<1x16x144xf32, #tpu.memory_space<vmem>>
      %get3A_1304 = tpu.memref_squeeze %get3A_1303 : memref<1x16x144xf32, #tpu.memory_space<vmem>> -> memref<16x144xf32, #tpu.memory_space<vmem>>
      %get3A_1305 = arith.index_cast %scan3A_1259 : i32 to index
      %get3A_1306 = arith.constant 32 : index
      %get3A_1307 = tpu.vector_load %get3A_1304[%get3A_1305, %get3A_1306] {strides = array<i32>} : memref<16x144xf32, #tpu.memory_space<vmem>>, vector<16xf32>,
      %mul3A_1308 = vector.broadcast %squeeze3A_1268 : f32 to vector<16xf32>
      %mul3A_1309 = arith.mulf %get3A_1307, %mul3A_1308 : vector<16xf32>
      %swap3A_1310 = arith.constant 0 : i32
      %swap3A_1311 = arith.constant 0 : i32
      %swap3A_1312 = tpu.memref_slice %arg13[%scan3A_260, %swap3A_1310, %swap3A_1311] : memref<4x48x144xf32, #tpu.memory_space<vmem>> -> memref<1x16x144xf32, #tpu.memory_space<vmem>>
      %swap3A_1313 = tpu.memref_squeeze %swap3A_1312 : memref<1x16x144xf32, #tpu.memory_space<vmem>> -> memref<16x144xf32, #tpu.memory_space<vmem>>
      %swap3A_1314 = arith.index_cast %scan3A_1259 : i32 to index
      %swap3A_1315 = arith.constant 32 : index
      %swap3A_1316 = tpu.vector_load %swap3A_1313[%swap3A_1314, %swap3A_1315] {strides = array<i32>} : memref<16x144xf32, #tpu.memory_space<vmem>>, vector<16xf32>,
      tpu.vector_store %swap3A_1313[%swap3A_1314, %swap3A_1315], %mul3A_1309 {strides = array<i32>} : memref<16x144xf32, #tpu.memory_space<vmem>>, vector<16xf32>,
      %get3A_1317 = arith.constant 0 : i32
      %get3A_1318 = arith.constant 0 : i32
      %get3A_1319 = tpu.memref_slice %arg13[%scan3A_260, %get3A_1317, %get3A_1318] : memref<4x48x144xf32, #tpu.memory_space<vmem>> -> memref<1x16x144xf32, #tpu.memory_space<vmem>>
      %get3A_1320 = tpu.memref_squeeze %get3A_1319 : memref<1x16x144xf32, #tpu.memory_space<vmem>> -> memref<16x144xf32, #tpu.memory_space<vmem>>
      %get3A_1321 = arith.index_cast %scan3A_1259 : i32 to index
      %get3A_1322 = arith.constant 48 : index
      %get3A_1323 = tpu.vector_load %get3A_1320[%get3A_1321, %get3A_1322] {strides = array<i32>} : memref<16x144xf32, #tpu.memory_space<vmem>>, vector<16xf32>,
      %mul3A_1324 = vector.broadcast %squeeze3A_1268 : f32 to vector<16xf32>
      %mul3A_1325 = arith.mulf %get3A_1323, %mul3A_1324 : vector<16xf32>
      %swap3A_1326 = arith.constant 0 : i32
      %swap3A_1327 = arith.constant 0 : i32
      %swap3A_1328 = tpu.memref_slice %arg13[%scan3A_260, %swap3A_1326, %swap3A_1327] : memref<4x48x144xf32, #tpu.memory_space<vmem>> -> memref<1x16x144xf32, #tpu.memory_space<vmem>>
      %swap3A_1329 = tpu.memref_squeeze %swap3A_1328 : memref<1x16x144xf32, #tpu.memory_space<vmem>> -> memref<16x144xf32, #tpu.memory_space<vmem>>
      %swap3A_1330 = arith.index_cast %scan3A_1259 : i32 to index
      %swap3A_1331 = arith.constant 48 : index
      %swap3A_1332 = tpu.vector_load %swap3A_1329[%swap3A_1330, %swap3A_1331] {strides = array<i32>} : memref<16x144xf32, #tpu.memory_space<vmem>>, vector<16xf32>,
      tpu.vector_store %swap3A_1329[%swap3A_1330, %swap3A_1331], %mul3A_1325 {strides = array<i32>} : memref<16x144xf32, #tpu.memory_space<vmem>>, vector<16xf32>,
      %get3A_1333 = arith.constant 0 : i32
      %get3A_1334 = arith.constant 0 : i32
      %get3A_1335 = tpu.memref_slice %arg13[%scan3A_260, %get3A_1333, %get3A_1334] : memref<4x48x144xf32, #tpu.memory_space<vmem>> -> memref<1x16x144xf32, #tpu.memory_space<vmem>>
      %get3A_1336 = tpu.memref_squeeze %get3A_1335 : memref<1x16x144xf32, #tpu.memory_space<vmem>> -> memref<16x144xf32, #tpu.memory_space<vmem>>
      %get3A_1337 = arith.index_cast %scan3A_1259 : i32 to index
      %get3A_1338 = arith.constant 64 : index
      %get3A_1339 = tpu.vector_load %get3A_1336[%get3A_1337, %get3A_1338] {strides = array<i32>} : memref<16x144xf32, #tpu.memory_space<vmem>>, vector<16xf32>,
      %mul3A_1340 = vector.broadcast %squeeze3A_1268 : f32 to vector<16xf32>
      %mul3A_1341 = arith.mulf %get3A_1339, %mul3A_1340 : vector<16xf32>
      %swap3A_1342 = arith.constant 0 : i32
      %swap3A_1343 = arith.constant 0 : i32
      %swap3A_1344 = tpu.memref_slice %arg13[%scan3A_260, %swap3A_1342, %swap3A_1343] : memref<4x48x144xf32, #tpu.memory_space<vmem>> -> memref<1x16x144xf32, #tpu.memory_space<vmem>>
      %swap3A_1345 = tpu.memref_squeeze %swap3A_1344 : memref<1x16x144xf32, #tpu.memory_space<vmem>> -> memref<16x144xf32, #tpu.memory_space<vmem>>
      %swap3A_1346 = arith.index_cast %scan3A_1259 : i32 to index
      %swap3A_1347 = arith.constant 64 : index
      %swap3A_1348 = tpu.vector_load %swap3A_1345[%swap3A_1346, %swap3A_1347] {strides = array<i32>} : memref<16x144xf32, #tpu.memory_space<vmem>>, vector<16xf32>,
      tpu.vector_store %swap3A_1345[%swap3A_1346, %swap3A_1347], %mul3A_1341 {strides = array<i32>} : memref<16x144xf32, #tpu.memory_space<vmem>>, vector<16xf32>,
      %get3A_1349 = arith.constant 0 : i32
      %get3A_1350 = arith.constant 0 : i32
      %get3A_1351 = tpu.memref_slice %arg13[%scan3A_260, %get3A_1349, %get3A_1350] : memref<4x48x144xf32, #tpu.memory_space<vmem>> -> memref<1x16x144xf32, #tpu.memory_space<vmem>>
      %get3A_1352 = tpu.memref_squeeze %get3A_1351 : memref<1x16x144xf32, #tpu.memory_space<vmem>> -> memref<16x144xf32, #tpu.memory_space<vmem>>
      %get3A_1353 = arith.index_cast %scan3A_1259 : i32 to index
      %get3A_1354 = arith.constant 80 : index
      %get3A_1355 = tpu.vector_load %get3A_1352[%get3A_1353, %get3A_1354] {strides = array<i32>} : memref<16x144xf32, #tpu.memory_space<vmem>>, vector<16xf32>,
      %mul3A_1356 = vector.broadcast %squeeze3A_1268 : f32 to vector<16xf32>
      %mul3A_1357 = arith.mulf %get3A_1355, %mul3A_1356 : vector<16xf32>
      %swap3A_1358 = arith.constant 0 : i32
      %swap3A_1359 = arith.constant 0 : i32
      %swap3A_1360 = tpu.memref_slice %arg13[%scan3A_260, %swap3A_1358, %swap3A_1359] : memref<4x48x144xf32, #tpu.memory_space<vmem>> -> memref<1x16x144xf32, #tpu.memory_space<vmem>>
      %swap3A_1361 = tpu.memref_squeeze %swap3A_1360 : memref<1x16x144xf32, #tpu.memory_space<vmem>> -> memref<16x144xf32, #tpu.memory_space<vmem>>
      %swap3A_1362 = arith.index_cast %scan3A_1259 : i32 to index
      %swap3A_1363 = arith.constant 80 : index
      %swap3A_1364 = tpu.vector_load %swap3A_1361[%swap3A_1362, %swap3A_1363] {strides = array<i32>} : memref<16x144xf32, #tpu.memory_space<vmem>>, vector<16xf32>,
      tpu.vector_store %swap3A_1361[%swap3A_1362, %swap3A_1363], %mul3A_1357 {strides = array<i32>} : memref<16x144xf32, #tpu.memory_space<vmem>>, vector<16xf32>,
      %get3A_1365 = arith.constant 0 : i32
      %get3A_1366 = arith.constant 0 : i32
      %get3A_1367 = tpu.memref_slice %arg13[%scan3A_260, %get3A_1365, %get3A_1366] : memref<4x48x144xf32, #tpu.memory_space<vmem>> -> memref<1x16x144xf32, #tpu.memory_space<vmem>>
      %get3A_1368 = tpu.memref_squeeze %get3A_1367 : memref<1x16x144xf32, #tpu.memory_space<vmem>> -> memref<16x144xf32, #tpu.memory_space<vmem>>
      %get3A_1369 = arith.index_cast %scan3A_1259 : i32 to index
      %get3A_1370 = arith.constant 96 : index
      %get3A_1371 = tpu.vector_load %get3A_1368[%get3A_1369, %get3A_1370] {strides = array<i32>} : memref<16x144xf32, #tpu.memory_space<vmem>>, vector<16xf32>,
      %mul3A_1372 = vector.broadcast %squeeze3A_1268 : f32 to vector<16xf32>
      %mul3A_1373 = arith.mulf %get3A_1371, %mul3A_1372 : vector<16xf32>
      %swap3A_1374 = arith.constant 0 : i32
      %swap3A_1375 = arith.constant 0 : i32
      %swap3A_1376 = tpu.memref_slice %arg13[%scan3A_260, %swap3A_1374, %swap3A_1375] : memref<4x48x144xf32, #tpu.memory_space<vmem>> -> memref<1x16x144xf32, #tpu.memory_space<vmem>>
      %swap3A_1377 = tpu.memref_squeeze %swap3A_1376 : memref<1x16x144xf32, #tpu.memory_space<vmem>> -> memref<16x144xf32, #tpu.memory_space<vmem>>
      %swap3A_1378 = arith.index_cast %scan3A_1259 : i32 to index
      %swap3A_1379 = arith.constant 96 : index
      %swap3A_1380 = tpu.vector_load %swap3A_1377[%swap3A_1378, %swap3A_1379] {strides = array<i32>} : memref<16x144xf32, #tpu.memory_space<vmem>>, vector<16xf32>,
      tpu.vector_store %swap3A_1377[%swap3A_1378, %swap3A_1379], %mul3A_1373 {strides = array<i32>} : memref<16x144xf32, #tpu.memory_space<vmem>>, vector<16xf32>,
      %get3A_1381 = arith.constant 0 : i32
      %get3A_1382 = arith.constant 0 : i32
      %get3A_1383 = tpu.memref_slice %arg13[%scan3A_260, %get3A_1381, %get3A_1382] : memref<4x48x144xf32, #tpu.memory_space<vmem>> -> memref<1x16x144xf32, #tpu.memory_space<vmem>>
      %get3A_1384 = tpu.memref_squeeze %get3A_1383 : memref<1x16x144xf32, #tpu.memory_space<vmem>> -> memref<16x144xf32, #tpu.memory_space<vmem>>
      %get3A_1385 = arith.index_cast %scan3A_1259 : i32 to index
      %get3A_1386 = arith.constant 112 : index
      %get3A_1387 = tpu.vector_load %get3A_1384[%get3A_1385, %get3A_1386] {strides = array<i32>} : memref<16x144xf32, #tpu.memory_space<vmem>>, vector<16xf32>,
      %mul3A_1388 = vector.broadcast %squeeze3A_1268 : f32 to vector<16xf32>
      %mul3A_1389 = arith.mulf %get3A_1387, %mul3A_1388 : vector<16xf32>
      %swap3A_1390 = arith.constant 0 : i32
      %swap3A_1391 = arith.constant 0 : i32
      %swap3A_1392 = tpu.memref_slice %arg13[%scan3A_260, %swap3A_1390, %swap3A_1391] : memref<4x48x144xf32, #tpu.memory_space<vmem>> -> memref<1x16x144xf32, #tpu.memory_space<vmem>>
      %swap3A_1393 = tpu.memref_squeeze %swap3A_1392 : memref<1x16x144xf32, #tpu.memory_space<vmem>> -> memref<16x144xf32, #tpu.memory_space<vmem>>
      %swap3A_1394 = arith.index_cast %scan3A_1259 : i32 to index
      %swap3A_1395 = arith.constant 112 : index
      %swap3A_1396 = tpu.vector_load %swap3A_1393[%swap3A_1394, %swap3A_1395] {strides = array<i32>} : memref<16x144xf32, #tpu.memory_space<vmem>>, vector<16xf32>,
      tpu.vector_store %swap3A_1393[%swap3A_1394, %swap3A_1395], %mul3A_1389 {strides = array<i32>} : memref<16x144xf32, #tpu.memory_space<vmem>>, vector<16xf32>,
    }
    %scan3A_265 = arith.constant 16 : i32
    %run_scoped3A_266 = arith.constant 0 : i32
    %run_scoped3A_267 = arith.constant 1 : i32
    "tpu.region"() ({
      %run_scoped3A_289 = tpu.sem_alloc : memref<!tpu.dma_semaphore, #tpu.memory_space<semaphore_mem>>
      %dma_start3A_290 = arith.constant 0 : i32
      %dma_start3A_291 = arith.constant 0 : i32
      %dma_start3A_292 = tpu.memref_slice %arg13[%run_scoped3A_266, %dma_start3A_290, %dma_start3A_291] : memref<4x48x144xf32, #tpu.memory_space<vmem>> -> memref<1x16x144xf32, #tpu.memory_space<vmem>>
      %dma_start3A_293 = tpu.memref_squeeze %dma_start3A_292 : memref<1x16x144xf32, #tpu.memory_space<vmem>> -> memref<16x144xf32, #tpu.memory_space<vmem>>
      %dma_start3A_294 = arith.constant 0 : i32
      %dma_start3A_295 = tpu.memref_slice %arg9[%run_scoped3A_267, %dma_start3A_294] : memref<2x16xi32, #tpu.memory_space<vmem>> -> memref<1x16xi32, #tpu.memory_space<vmem>>
      %dma_start3A_296 = tpu.memref_squeeze %dma_start3A_295 : memref<1x16xi32, #tpu.memory_space<vmem>> -> memref<16xi32, #tpu.memory_space<vmem>>
      %dma_start3A_297 = arith.constant 0 : i32
      %dma_start3A_298 = arith.constant 0 : i32
      %dma_start3A_299 = tpu.memref_slice %arg6[%dma_start3A_297, %dma_start3A_298] : memref<10240x144xf32, #tpu.memory_space<vmem_shared>> -> memref<10240x144xf32, #tpu.memory_space<vmem_shared>>
      tpu.enqueue_indirect_dma source(%dma_start3A_293 : memref<16x144xf32, #tpu.memory_space<vmem>>) target(%dma_start3A_299 : memref<10240x144xf32, #tpu.memory_space<vmem_shared>>) offsets(%dma_start3A_296 : memref<16xi32, #tpu.memory_space<vmem>>) semaphore(%run_scoped3A_289 : memref<!tpu.dma_semaphore, #tpu.memory_space<semaphore_mem>>) {add = true}
      %dma_wait3A_300 = arith.constant 0 : i32
      %dma_wait3A_301 = arith.constant 0 : i32
      %dma_wait3A_302 = tpu.memref_slice %arg13[%run_scoped3A_266, %dma_wait3A_300, %dma_wait3A_301] : memref<4x48x144xf32, #tpu.memory_space<vmem>> -> memref<1x16x144xf32, #tpu.memory_space<vmem>>
      %dma_wait3A_303 = tpu.memref_squeeze %dma_wait3A_302 : memref<1x16x144xf32, #tpu.memory_space<vmem>> -> memref<16x144xf32, #tpu.memory_space<vmem>>
      %dma_wait3A_304 = arith.constant 0 : i32
      %dma_wait3A_305 = tpu.memref_slice %arg9[%run_scoped3A_267, %dma_wait3A_304] : memref<2x16xi32, #tpu.memory_space<vmem>> -> memref<1x16xi32, #tpu.memory_space<vmem>>
      %dma_wait3A_306 = tpu.memref_squeeze %dma_wait3A_305 : memref<1x16xi32, #tpu.memory_space<vmem>> -> memref<16xi32, #tpu.memory_space<vmem>>
      %dma_wait3A_307 = arith.constant 0 : i32
      %dma_wait3A_308 = arith.constant 0 : i32
      %dma_wait3A_309 = tpu.memref_slice %arg6[%dma_wait3A_307, %dma_wait3A_308] : memref<10240x144xf32, #tpu.memory_space<vmem_shared>> -> memref<10240x144xf32, #tpu.memory_space<vmem_shared>>
      tpu.wait_indirect_dma semaphore(%run_scoped3A_289 : memref<!tpu.dma_semaphore, #tpu.memory_space<semaphore_mem>>) src(%dma_wait3A_303 : memref<16x144xf32, #tpu.memory_space<vmem>>) dst(%dma_wait3A_309 : memref<10240x144xf32, #tpu.memory_space<vmem_shared>>)
      tpu.yield
    }) : () -> ()
    %barrier3A_268 = arith.constant 0 : index
    tpu.barrier barrier_id(%barrier3A_268)
    %mul3A_269 = arith.constant 640 : i32
    %mul3A_270 = arith.muli %mul3A_269, %arg1 : i32
    %add3A_271 = arith.constant 0 : i32
    %add3A_272 = arith.addi %mul3A_270, %add3A_271 : i32
    "tpu.region"() ({
      %run_scoped3A_289 = tpu.sem_alloc : memref<!tpu.dma_semaphore, #tpu.memory_space<semaphore_mem>>
      %dma_start3A_290 = arith.constant 0 : i32
      %dma_start3A_291 = tpu.memref_slice %arg5[%arg0, %add3A_272, %dma_start3A_290] : memref<2x10240x144xf32, #tpu.memory_space<hbm>> -> memref<1x128x144xf32, #tpu.memory_space<hbm>>
      %dma_start3A_292 = tpu.memref_squeeze %dma_start3A_291 : memref<1x128x144xf32, #tpu.memory_space<hbm>> -> memref<128x144xf32, #tpu.memory_space<hbm>>
      %dma_start3A_293 = arith.constant 0 : i32
      %dma_start3A_294 = tpu.memref_slice %arg6[%add3A_272, %dma_start3A_293] : memref<10240x144xf32, #tpu.memory_space<vmem_shared>> -> memref<128x144xf32, #tpu.memory_space<vmem_shared>>
      tpu.enqueue_dma source(%dma_start3A_294 : memref<128x144xf32, #tpu.memory_space<vmem_shared>>) target(%dma_start3A_292 : memref<128x144xf32, #tpu.memory_space<hbm>>) target_semaphore(%run_scoped3A_289 : memref<!tpu.dma_semaphore, #tpu.memory_space<semaphore_mem>>)
      %dma_wait3A_295 = arith.constant 0 : i32
      %dma_wait3A_296 = tpu.memref_slice %arg5[%arg0, %add3A_272, %dma_wait3A_295] : memref<2x10240x144xf32, #tpu.memory_space<hbm>> -> memref<1x128x144xf32, #tpu.memory_space<hbm>>
      %dma_wait3A_297 = tpu.memref_squeeze %dma_wait3A_296 : memref<1x128x144xf32, #tpu.memory_space<hbm>> -> memref<128x144xf32, #tpu.memory_space<hbm>>
      %dma_wait3A_298 = arith.constant 0 : i32
      %dma_wait3A_299 = tpu.memref_slice %arg6[%add3A_272, %dma_wait3A_298] : memref<10240x144xf32, #tpu.memory_space<vmem_shared>> -> memref<128x144xf32, #tpu.memory_space<vmem_shared>>
      tpu.wait_dma2 semaphore(%run_scoped3A_289 : memref<!tpu.dma_semaphore, #tpu.memory_space<semaphore_mem>>) src(%dma_wait3A_299 : memref<128x144xf32, #tpu.memory_space<vmem_shared>>) dst(%dma_wait3A_297 : memref<128x144xf32, #tpu.memory_space<hbm>>)
      tpu.yield
    }) : () -> ()
    %mul3A_273 = arith.constant 640 : i32
    %mul3A_274 = arith.muli %mul3A_273, %arg1 : i32
    %add3A_275 = arith.constant 128 : i32
    %add3A_276 = arith.addi %mul3A_274, %add3A_275 : i32
    "tpu.region"() ({
      %run_scoped3A_289 = tpu.sem_alloc : memref<!tpu.dma_semaphore, #tpu.memory_space<semaphore_mem>>
      %dma_start3A_290 = arith.constant 0 : i32
      %dma_start3A_291 = tpu.memref_slice %arg5[%arg0, %add3A_276, %dma_start3A_290] : memref<2x10240x144xf32, #tpu.memory_space<hbm>> -> memref<1x128x144xf32, #tpu.memory_space<hbm>>
      %dma_start3A_292 = tpu.memref_squeeze %dma_start3A_291 : memref<1x128x144xf32, #tpu.memory_space<hbm>> -> memref<128x144xf32, #tpu.memory_space<hbm>>
      %dma_start3A_293 = arith.constant 0 : i32
      %dma_start3A_294 = tpu.memref_slice %arg6[%add3A_276, %dma_start3A_293] : memref<10240x144xf32, #tpu.memory_space<vmem_shared>> -> memref<128x144xf32, #tpu.memory_space<vmem_shared>>
      tpu.enqueue_dma source(%dma_start3A_294 : memref<128x144xf32, #tpu.memory_space<vmem_shared>>) target(%dma_start3A_292 : memref<128x144xf32, #tpu.memory_space<hbm>>) target_semaphore(%run_scoped3A_289 : memref<!tpu.dma_semaphore, #tpu.memory_space<semaphore_mem>>)
      %dma_wait3A_295 = arith.constant 0 : i32
      %dma_wait3A_296 = tpu.memref_slice %arg5[%arg0, %add3A_276, %dma_wait3A_295] : memref<2x10240x144xf32, #tpu.memory_space<hbm>> -> memref<1x128x144xf32, #tpu.memory_space<hbm>>
      %dma_wait3A_297 = tpu.memref_squeeze %dma_wait3A_296 : memref<1x128x144xf32, #tpu.memory_space<hbm>> -> memref<128x144xf32, #tpu.memory_space<hbm>>
      %dma_wait3A_298 = arith.constant 0 : i32
      %dma_wait3A_299 = tpu.memref_slice %arg6[%add3A_276, %dma_wait3A_298] : memref<10240x144xf32, #tpu.memory_space<vmem_shared>> -> memref<128x144xf32, #tpu.memory_space<vmem_shared>>
      tpu.wait_dma2 semaphore(%run_scoped3A_289 : memref<!tpu.dma_semaphore, #tpu.memory_space<semaphore_mem>>) src(%dma_wait3A_299 : memref<128x144xf32, #tpu.memory_space<vmem_shared>>) dst(%dma_wait3A_297 : memref<128x144xf32, #tpu.memory_space<hbm>>)
      tpu.yield
    }) : () -> ()
    %mul3A_277 = arith.constant 640 : i32
    %mul3A_278 = arith.muli %mul3A_277, %arg1 : i32
    %add3A_279 = arith.constant 256 : i32
    %add3A_280 = arith.addi %mul3A_278, %add3A_279 : i32
    "tpu.region"() ({
      %run_scoped3A_289 = tpu.sem_alloc : memref<!tpu.dma_semaphore, #tpu.memory_space<semaphore_mem>>
      %dma_start3A_290 = arith.constant 0 : i32
      %dma_start3A_291 = tpu.memref_slice %arg5[%arg0, %add3A_280, %dma_start3A_290] : memref<2x10240x144xf32, #tpu.memory_space<hbm>> -> memref<1x128x144xf32, #tpu.memory_space<hbm>>
      %dma_start3A_292 = tpu.memref_squeeze %dma_start3A_291 : memref<1x128x144xf32, #tpu.memory_space<hbm>> -> memref<128x144xf32, #tpu.memory_space<hbm>>
      %dma_start3A_293 = arith.constant 0 : i32
      %dma_start3A_294 = tpu.memref_slice %arg6[%add3A_280, %dma_start3A_293] : memref<10240x144xf32, #tpu.memory_space<vmem_shared>> -> memref<128x144xf32, #tpu.memory_space<vmem_shared>>
      tpu.enqueue_dma source(%dma_start3A_294 : memref<128x144xf32, #tpu.memory_space<vmem_shared>>) target(%dma_start3A_292 : memref<128x144xf32, #tpu.memory_space<hbm>>) target_semaphore(%run_scoped3A_289 : memref<!tpu.dma_semaphore, #tpu.memory_space<semaphore_mem>>)
      %dma_wait3A_295 = arith.constant 0 : i32
      %dma_wait3A_296 = tpu.memref_slice %arg5[%arg0, %add3A_280, %dma_wait3A_295] : memref<2x10240x144xf32, #tpu.memory_space<hbm>> -> memref<1x128x144xf32, #tpu.memory_space<hbm>>
      %dma_wait3A_297 = tpu.memref_squeeze %dma_wait3A_296 : memref<1x128x144xf32, #tpu.memory_space<hbm>> -> memref<128x144xf32, #tpu.memory_space<hbm>>
      %dma_wait3A_298 = arith.constant 0 : i32
      %dma_wait3A_299 = tpu.memref_slice %arg6[%add3A_280, %dma_wait3A_298] : memref<10240x144xf32, #tpu.memory_space<vmem_shared>> -> memref<128x144xf32, #tpu.memory_space<vmem_shared>>
      tpu.wait_dma2 semaphore(%run_scoped3A_289 : memref<!tpu.dma_semaphore, #tpu.memory_space<semaphore_mem>>) src(%dma_wait3A_299 : memref<128x144xf32, #tpu.memory_space<vmem_shared>>) dst(%dma_wait3A_297 : memref<128x144xf32, #tpu.memory_space<hbm>>)
      tpu.yield
    }) : () -> ()
    %mul3A_281 = arith.constant 640 : i32
    %mul3A_282 = arith.muli %mul3A_281, %arg1 : i32
    %add3A_283 = arith.constant 384 : i32
    %add3A_284 = arith.addi %mul3A_282, %add3A_283 : i32
    "tpu.region"() ({
      %run_scoped3A_289 = tpu.sem_alloc : memref<!tpu.dma_semaphore, #tpu.memory_space<semaphore_mem>>
      %dma_start3A_290 = arith.constant 0 : i32
      %dma_start3A_291 = tpu.memref_slice %arg5[%arg0, %add3A_284, %dma_start3A_290] : memref<2x10240x144xf32, #tpu.memory_space<hbm>> -> memref<1x128x144xf32, #tpu.memory_space<hbm>>
      %dma_start3A_292 = tpu.memref_squeeze %dma_start3A_291 : memref<1x128x144xf32, #tpu.memory_space<hbm>> -> memref<128x144xf32, #tpu.memory_space<hbm>>
      %dma_start3A_293 = arith.constant 0 : i32
      %dma_start3A_294 = tpu.memref_slice %arg6[%add3A_284, %dma_start3A_293] : memref<10240x144xf32, #tpu.memory_space<vmem_shared>> -> memref<128x144xf32, #tpu.memory_space<vmem_shared>>
      tpu.enqueue_dma source(%dma_start3A_294 : memref<128x144xf32, #tpu.memory_space<vmem_shared>>) target(%dma_start3A_292 : memref<128x144xf32, #tpu.memory_space<hbm>>) target_semaphore(%run_scoped3A_289 : memref<!tpu.dma_semaphore, #tpu.memory_space<semaphore_mem>>)
      %dma_wait3A_295 = arith.constant 0 : i32
      %dma_wait3A_296 = tpu.memref_slice %arg5[%arg0, %add3A_284, %dma_wait3A_295] : memref<2x10240x144xf32, #tpu.memory_space<hbm>> -> memref<1x128x144xf32, #tpu.memory_space<hbm>>
      %dma_wait3A_297 = tpu.memref_squeeze %dma_wait3A_296 : memref<1x128x144xf32, #tpu.memory_space<hbm>> -> memref<128x144xf32, #tpu.memory_space<hbm>>
      %dma_wait3A_298 = arith.constant 0 : i32
      %dma_wait3A_299 = tpu.memref_slice %arg6[%add3A_284, %dma_wait3A_298] : memref<10240x144xf32, #tpu.memory_space<vmem_shared>> -> memref<128x144xf32, #tpu.memory_space<vmem_shared>>
      tpu.wait_dma2 semaphore(%run_scoped3A_289 : memref<!tpu.dma_semaphore, #tpu.memory_space<semaphore_mem>>) src(%dma_wait3A_299 : memref<128x144xf32, #tpu.memory_space<vmem_shared>>) dst(%dma_wait3A_297 : memref<128x144xf32, #tpu.memory_space<hbm>>)
      tpu.yield
    }) : () -> ()
    %mul3A_285 = arith.constant 640 : i32
    %mul3A_286 = arith.muli %mul3A_285, %arg1 : i32
    %add3A_287 = arith.constant 512 : i32
    %add3A_288 = arith.addi %mul3A_286, %add3A_287 : i32
    "tpu.region"() ({
      %run_scoped3A_289 = tpu.sem_alloc : memref<!tpu.dma_semaphore, #tpu.memory_space<semaphore_mem>>
      %dma_start3A_290 = arith.constant 0 : i32
      %dma_start3A_291 = tpu.memref_slice %arg5[%arg0, %add3A_288, %dma_start3A_290] : memref<2x10240x144xf32, #tpu.memory_space<hbm>> -> memref<1x128x144xf32, #tpu.memory_space<hbm>>
      %dma_start3A_292 = tpu.memref_squeeze %dma_start3A_291 : memref<1x128x144xf32, #tpu.memory_space<hbm>> -> memref<128x144xf32, #tpu.memory_space<hbm>>
      %dma_start3A_293 = arith.constant 0 : i32
      %dma_start3A_294 = tpu.memref_slice %arg6[%add3A_288, %dma_start3A_293] : memref<10240x144xf32, #tpu.memory_space<vmem_shared>> -> memref<128x144xf32, #tpu.memory_space<vmem_shared>>
      tpu.enqueue_dma source(%dma_start3A_294 : memref<128x144xf32, #tpu.memory_space<vmem_shared>>) target(%dma_start3A_292 : memref<128x144xf32, #tpu.memory_space<hbm>>) target_semaphore(%run_scoped3A_289 : memref<!tpu.dma_semaphore, #tpu.memory_space<semaphore_mem>>)
      %dma_wait3A_295 = arith.constant 0 : i32
      %dma_wait3A_296 = tpu.memref_slice %arg5[%arg0, %add3A_288, %dma_wait3A_295] : memref<2x10240x144xf32, #tpu.memory_space<hbm>> -> memref<1x128x144xf32, #tpu.memory_space<hbm>>
      %dma_wait3A_297 = tpu.memref_squeeze %dma_wait3A_296 : memref<1x128x144xf32, #tpu.memory_space<hbm>> -> memref<128x144xf32, #tpu.memory_space<hbm>>
      %dma_wait3A_298 = arith.constant 0 : i32
      %dma_wait3A_299 = tpu.memref_slice %arg6[%add3A_288, %dma_wait3A_298] : memref<10240x144xf32, #tpu.memory_space<vmem_shared>> -> memref<128x144xf32, #tpu.memory_space<vmem_shared>>
      tpu.wait_dma2 semaphore(%run_scoped3A_289 : memref<!tpu.dma_semaphore, #tpu.memory_space<semaphore_mem>>) src(%dma_wait3A_299 : memref<128x144xf32, #tpu.memory_space<vmem_shared>>) dst(%dma_wait3A_297 : memref<128x144xf32, #tpu.memory_space<hbm>>)
      tpu.yield
    }) : () -> ()
    return
  }
}

module attributes {stable_mosaic.version = 14 : i64} {
  func.func @_stage1_body(%arg0: i32, %arg1: memref<1024x128xf32, #tpu.memory_space<vmem>>, %arg2: memref<128x128xf32, #tpu.memory_space<vmem>>, %arg3: memref<1x256xf32, #tpu.memory_space<vmem>>, %arg4: memref<1024x144xf32, #tpu.memory_space<vmem>>, %arg5: memref<1024xf32, #tpu.memory_space<vmem>>) attributes {dimension_semantics = [#tpu.dimension_semantics<arbitrary>], iteration_bounds = array<i64: 10>, scalar_prefetch = 0 : i64, scratch_operands = 0 : i64, tpu.core_type = #tpu.core_type<tc>, window_params = [{transform_indices = @transform_0, window_bounds = array<i64: 1024, 128>}, {pipeline_mode = #tpu.pipeline_mode<synchronous>, transform_indices = @transform_1, window_bounds = array<i64: 128, 128>}, {pipeline_mode = #tpu.pipeline_mode<synchronous>, transform_indices = @transform_2, window_bounds = array<i64: 1, 256>}, {transform_indices = @transform_3, window_bounds = array<i64: 1024, 144>}, {transform_indices = @transform_4, window_bounds = array<i64: 1024>}]} {
    %get3A = arith.constant 0 : index
    %get3A_0 = arith.constant 0 : index
    %get3A_1 = vector.load %arg1[%get3A, %get3A_0] : memref<1024x128xf32, #tpu.memory_space<vmem>>, vector<1024x128xf32>
    %get3A_2 = arith.constant 0 : index
    %get3A_3 = arith.constant 0 : index
    %get3A_4 = vector.load %arg2[%get3A_2, %get3A_3] : memref<128x128xf32, #tpu.memory_space<vmem>>, vector<128x128xf32>
    %dot_general3A = arith.constant dense<0.000000e+00> : vector<1024x128xf32>
    %dot_general3A_5 = tpu.matmul %get3A_1, %get3A_4, %dot_general3A {dimension_numbers = #tpu.dot_dimension_numbers<[1], [1], [0], [0], [0, 0, 1, 0], [], []>, transpose_lhs_hint = false} : vector<1024x128xf32>, vector<128x128xf32>, vector<1024x128xf32> -> vector<1024x128xf32>
    %get3A_6 = arith.constant 0 : index
    %get3A_7 = arith.constant 0 : index
    %get3A_8 = vector.load %arg3[%get3A_6, %get3A_7] : memref<1x256xf32, #tpu.memory_space<vmem>>, vector<1x128xf32>
    %dot_general3A_9 = arith.constant dense<0.000000e+00> : vector<1024x1xf32>
    %dot_general3A_10 = tpu.matmul %dot_general3A_5, %get3A_8, %dot_general3A_9 {dimension_numbers = #tpu.dot_dimension_numbers<[1], [1], [0], [0], [0, 0, 1, 0], [], []>, transpose_lhs_hint = false} : vector<1024x128xf32>, vector<1x128xf32>, vector<1024x1xf32> -> vector<1024x1xf32>
    %get3A_11 = arith.constant 0 : index
    %get3A_12 = arith.constant 128 : index
    %get3A_13 = vector.load %arg3[%get3A_11, %get3A_12] : memref<1x256xf32, #tpu.memory_space<vmem>>, vector<1x128xf32>
    %dot_general3A_14 = arith.constant dense<0.000000e+00> : vector<1x1024xf32>
    %dot_general3A_15 = tpu.matmul %get3A_13, %dot_general3A_5, %dot_general3A_14 {dimension_numbers = #tpu.dot_dimension_numbers<[1], [1], [0], [0], [0, 0, 1, 0], [], []>, transpose_lhs_hint = false} : vector<1x128xf32>, vector<1024x128xf32>, vector<1x1024xf32> -> vector<1x1024xf32>
    %broadcast_in_dim3A = arith.constant 0.000000e+00 : f32
    %broadcast_in_dim3A_16 = vector.broadcast %broadcast_in_dim3A : f32 to vector<1024x15xf32>
    %concatenate3A = tpu.concatenate %dot_general3A_5, %dot_general3A_10, %broadcast_in_dim3A_16 in 1 : vector<1024x128xf32>, vector<1024x1xf32>, vector<1024x15xf32> -> vector<1024x144xf32>
    %swap3A = arith.constant 0 : index
    %swap3A_17 = arith.constant 0 : index
    %swap3A_18 = vector.load %arg4[%swap3A, %swap3A_17] : memref<1024x144xf32, #tpu.memory_space<vmem>>, vector<1024x144xf32>
    tpu.vector_store %arg4[%swap3A, %swap3A_17], %concatenate3A {strides = array<i32>} : memref<1024x144xf32, #tpu.memory_space<vmem>>, vector<1024x144xf32>,
    %squeeze3A = vector.shape_cast %dot_general3A_15 : vector<1x1024xf32> to vector<1024xf32>
    %swap3A_19 = arith.constant 0 : index
    %swap3A_20 = vector.load %arg5[%swap3A_19] : memref<1024xf32, #tpu.memory_space<vmem>>, vector<1024xf32>
    tpu.vector_store %arg5[%swap3A_19], %squeeze3A {strides = array<i32>} : memref<1024xf32, #tpu.memory_space<vmem>>, vector<1024xf32>,
    return
  }
  func.func @transform_0(%arg0: i32) -> (i32, i32) {
    %c0_i32 = arith.constant 0 : i32
    %c0_i32_0 = arith.constant 0 : i32
    return %arg0, %c0_i32 : i32, i32
  }
  func.func @transform_1(%arg0: i32) -> (i32, i32) {
    %c0_i32 = arith.constant 0 : i32
    %c0_i32_0 = arith.constant 0 : i32
    %c0_i32_1 = arith.constant 0 : i32
    return %c0_i32, %c0_i32_0 : i32, i32
  }
  func.func @transform_2(%arg0: i32) -> (i32, i32) {
    %c0_i32 = arith.constant 0 : i32
    %c0_i32_0 = arith.constant 0 : i32
    %c0_i32_1 = arith.constant 0 : i32
    return %c0_i32, %c0_i32_0 : i32, i32
  }
  func.func @transform_3(%arg0: i32) -> (i32, i32) {
    %c0_i32 = arith.constant 0 : i32
    %c0_i32_0 = arith.constant 0 : i32
    return %arg0, %c0_i32 : i32, i32
  }
  func.func @transform_4(%arg0: i32) -> i32 {
    %c0_i32 = arith.constant 0 : i32
    return %arg0 : i32
  }
}

module attributes {stable_mosaic.version = 14 : i64} {
  func.func @_combine_body(%arg0: i32, %arg1: memref<2x1000x144xf32, #tpu.memory_space<vmem>>, %arg2: memref<1000x128xf32, #tpu.memory_space<vmem>>) attributes {dimension_semantics = [#tpu.dimension_semantics<arbitrary>], iteration_bounds = array<i64: 10>, scalar_prefetch = 0 : i64, scratch_operands = 0 : i64, tpu.core_type = #tpu.core_type<tc>, window_params = [{transform_indices = @transform_0, window_bounds = array<i64: 2, 1000, 144>}, {transform_indices = @transform_1, window_bounds = array<i64: 1000, 128>}]} {
    %get3A = arith.constant 0 : index
    %get3A_0 = arith.constant 0 : index
    %get3A_1 = arith.constant 0 : index
    %get3A_2 = vector.load %arg1[%get3A, %get3A_0, %get3A_1] : memref<2x1000x144xf32, #tpu.memory_space<vmem>>, vector<2x1000x144xf32>
    %slice3A = vector.extract_strided_slice %get3A_2 {offsets = [0, 0, 128], sizes = [1, 1000, 1], strides = [1, 1, 1]} : vector<2x1000x144xf32> to vector<1x1000x1xf32>
    %squeeze3A = vector.shape_cast %slice3A : vector<1x1000x1xf32> to vector<1000x1xf32>
    %slice3A_3 = vector.extract_strided_slice %get3A_2 {offsets = [1, 0, 128], sizes = [1, 1000, 1], strides = [1, 1, 1]} : vector<2x1000x144xf32> to vector<1x1000x1xf32>
    %squeeze3A_4 = vector.shape_cast %slice3A_3 : vector<1x1000x1xf32> to vector<1000x1xf32>
    %add3A = arith.addf %squeeze3A, %squeeze3A_4 : vector<1000x1xf32>
    %eq3A = arith.constant 0.000000e+00 : f32
    %eq3A_5 = vector.broadcast %eq3A : f32 to vector<1000x1xf32>
    %eq3A_6 = arith.cmpf oeq, %add3A, %eq3A_5 : vector<1000x1xf32>
    %jit3A = arith.constant 1.000000e+00 : f32
    %broadcast_in_dim3A = vector.broadcast %jit3A : f32 to vector<1000x1xf32>
    %select_n3A = arith.select %eq3A_6, %broadcast_in_dim3A, %add3A : vector<1000x1xi1>, vector<1000x1xf32>
    %slice3A_7 = vector.extract_strided_slice %get3A_2 {offsets = [0, 0, 0], sizes = [1, 1000, 128], strides = [1, 1, 1]} : vector<2x1000x144xf32> to vector<1x1000x128xf32>
    %squeeze3A_8 = vector.shape_cast %slice3A_7 : vector<1x1000x128xf32> to vector<1000x128xf32>
    %slice3A_9 = vector.extract_strided_slice %get3A_2 {offsets = [1, 0, 0], sizes = [1, 1000, 128], strides = [1, 1, 1]} : vector<2x1000x144xf32> to vector<1x1000x128xf32>
    %squeeze3A_10 = vector.shape_cast %slice3A_9 : vector<1x1000x128xf32> to vector<1000x128xf32>
    %add3A_11 = arith.addf %squeeze3A_8, %squeeze3A_10 : vector<1000x128xf32>
    %div3A = vector.broadcast %select_n3A : vector<1000x1xf32> to vector<1000x128xf32>
    %div3A_12 = arith.divf %add3A_11, %div3A : vector<1000x128xf32>
    %swap3A = arith.constant 0 : index
    %swap3A_13 = arith.constant 0 : index
    %swap3A_14 = vector.load %arg2[%swap3A, %swap3A_13] : memref<1000x128xf32, #tpu.memory_space<vmem>>, vector<1000x128xf32>
    tpu.vector_store %arg2[%swap3A, %swap3A_13], %div3A_12 {strides = array<i32>} : memref<1000x128xf32, #tpu.memory_space<vmem>>, vector<1000x128xf32>,
    return
  }
  func.func @transform_0(%arg0: i32) -> (i32, i32, i32) {
    %c0_i32 = arith.constant 0 : i32
    %c0_i32_0 = arith.constant 0 : i32
    %c0_i32_1 = arith.constant 0 : i32
    return %c0_i32, %arg0, %c0_i32_0 : i32, i32, i32
  }
  func.func @transform_1(%arg0: i32) -> (i32, i32) {
    %c0_i32 = arith.constant 0 : i32
    %c0_i32_0 = arith.constant 0 : i32
    return %arg0, %c0_i32 : i32, i32
  }
}

</mosaic_0001>

<sc_bundles>
// kernel: kernel.5.cloned.1.call-start
scs
__scs_entry_jumppad:
0x0: {  	(pc) =	sbr.rel $0x88, $3  }
0x1: {  	(tag) =	ssettag $0x0;
	lr =	simm.s32 $0x1  }
0x2: {  	[smem:$0x3F9D] =	sst lr;
	_ =	strace $0xD0000000  }
0x3: {  	_ = 	snop  }
0x4: {  	_ = 	snop  }
0x5: {  	_ = 	snop  }
0x6: {  	_ = 	snop  }
0x7: {  	_ = 	snop  }
__scs_overlays_trampoline_lowered:
0x8: {  	[smem:$0x3FAC] =	sst s0  }
0x9: {  	[smem:$0x3FAD] =	sst s1  }
0xa: {  	[smem:$0x3FAE] =	sst s2  }
0xb: {  	[smem:$0x3FAF] =	sst s3  }
0xc: {  	[smem:$0x3FB0] =	sst s4  }
0xd: {  	[smem:$0x3FB1] =	sst s5  }
0xe: {  	[smem:$0x3FB2] =	sst s6  }
0xf: {  	[smem:$0x3FB3] =	sst s7  }
0x10: {  	[smem:$0x3FB4] =	sst s8  }
0x11: {  	[smem:$0x3FB5] =	sst s9;
	s0 =	simm.s32 @!p0 $0x0  }
0x12: {  	s1 =	sld [smem:$0x3F9B];
	s0 =	simm.s32 @p0 $0x1  }
0x13: {  	[smem:$0x3FB6] =	sst s0;
	s0 =	simm.s32 @!p1 $0x0  }
0x14: {  	s2 =	sld [smem:$0x3F9A];
	s0 =	simm.s32 @p1 $0x1  }
0x15: {  	[smem:$0x3FB7] =	sst s0;
	s0 =	simm.s32 @!p2 $0x0  }
0x16: {  	s3 =	sld [smem:$0x3FDB];
	s0 =	simm.s32 @p2 $0x1  }
0x17: {  	s4 =	simm.s32 $0x1BF5;
	[smem:$0x3FB9] =	sst s0  }
0x18: {  	s0 =	sld [smem:$0x3F9C];
	_ =	swait.ge [sflag:s4], $0x0  }
0x19: {  	s7 =	sld [smem:$0x3F9D]  }
0x1a: {  	s8 =	sadd.s32 $0xFFFFE003, lr  }
0x1b: {  	s9 =	sadd.s32 $0xFFFFFEF7, lr;
	s5 =	simm.s32 $0xFFFFFFFF;
	p2 =	slt.u32 s8, $0xFFFFF086  }
0x1c: {  	p1 =	slt.u32 s9, $0xF7A;
	s5 =	simm.s32 @!p2 $0x0  }
0x1d: {  	s5 =	simm.s32 @p1 $0x1;
	p0 =	seq.s32 s7, s2  }
0x1e: {  	s7 =	smul.u32 @!p0 $0xF7A, s2;
	p2 =	seq.s32 @!p0 s5, $0x0  }
0x1f: {  	s9 =	smul.u32 $0xF7A, s1;
	s8 =	simm.s32 @!p0 $0x1BF5;
	p2 =	por !p2, p0  }
0x20: {  	[sflag:s8] =	ssyncset.s32 @!p0 $0xFFFFF086;
	s6 =	sadd.s32 @!p0 s3, s7;
	s7 =	simm.s32 @!p0 $0x108  }
0x21: {  	s3 =	sadd.s32 s3, s9;
	s6 =	sadd.s32 @!p0 $0x88, s6;
	s7 =	simm.s32 @p2 $0x1082  }
0x22: {  	[simem:s7], [sflag:s8] =	dma.local @!p0 [hbm:s6], $0xF7A  }
0x23: {  	s9 =	sor.u32 $0xD0000000, s2;
	s6 =	simm.s32 $0x108;
	_ =	swait.ge @!p0 [sflag:s8], $0x0  }
0x24: {  	s3 =	sadd.s32 $0x88, s3;
	s6 =	simm.s32 @!p1 $0x1082;
	[sflag:s4] =	ssyncset.s32 $0xFFFFF086  }
0x25: {  	[simem:s6], [sflag:s4] =	dma.local [hbm:s3], $0xF7A  }
0x26: {  	[smem:$0x3F9D] =	sst s1;
	(tag) =	ssettag s2;
	_ =	strace s9  }
0x27: {  	s1 =	sld [smem:$0x3FAD]  }
0x28: {  	s2 =	sld [smem:$0x3FAE]  }
0x29: {  	s4 =	sld [smem:$0x3FB0]  }
0x2a: {  	p0 =	seq.s32 s5, $0x0;
	s5 =	sld [smem:$0x3FB1]  }
0x2b: {  	s6 =	sld [smem:$0x3FB2]  }
0x2c: {  	s7 =	sld [smem:$0x3FB3]  }
0x2d: {  	s3 =	simm.s32 $0x108;
	s8 =	sld [smem:$0x3FB4]  }
0x2e: {  	s3 =	simm.s32 @!p0 $0x1082;
	s9 =	sld [smem:$0x3FB5]  }
0x2f: {  	lr =	sadd.s32 s0, s3;
	s0 =	sld [smem:$0x3FAC]  }
0x30: {  	s3 =	sld [smem:$0x3FAF]  }
0x31: {  	[smem:$0x3FB8] =	sst s10  }
0x32: {  	s10 =	sld [smem:$0x3FB6];
	_ =	sdelay $0x3  }
0x33: {  	p0 =	seq.s32 s10, $0x1;
	s10 =	sld [smem:$0x3FB8];
	_ =	sdelay $0x3  }
0x34: {  	[smem:$0x3FB8] =	sst s10  }
0x35: {  	s10 =	sld [smem:$0x3FB7];
	_ =	sdelay $0x3  }
0x36: {  	p1 =	seq.s32 s10, $0x1;
	s10 =	sld [smem:$0x3FB8];
	_ =	sdelay $0x3  }
0x37: {  	[smem:$0x3FB8] =	sst s10  }
0x38: {  	s10 =	sld [smem:$0x3FB9]  }
0x39: {  	_ = 	snop;
	(pc) =	sbr.ind lr, $3  }
0x3a: {  	_ = 	snop  }
0x3b: {  	_ = 	snop  }
0x3c: {  	p2 =	seq.s32 s10, $0x1;
	s10 =	sld [smem:$0x3FB8]  }
0x3d: {  	_ =	shalt  }
0x3e: {  	_ =	shalt  }
0x3f: {  	_ =	shalt  }
0x40: {  	_ =	shalt  }
0x41: {  	_ =	shalt  }
0x42: {  	_ =	shalt  }
0x43: {  	_ =	shalt  }
0x44: {  	_ =	shalt  }
0x45: {  	_ =	shalt  }
0x46: {  	_ =	shalt  }
0x47: {  	_ =	shalt  }
0x48: {  	_ =	shalt  }
0x49: {  	_ =	shalt  }
0x4a: {  	_ =	shalt  }
0x4b: {  	_ =	shalt  }
0x4c: {  	_ =	shalt  }
0x4d: {  	_ =	shalt  }
0x4e: {  	_ =	shalt  }
0x4f: {  	_ =	shalt  }
0x50: {  	_ =	shalt  }
0x51: {  	_ =	shalt  }
0x52: {  	_ =	shalt  }
0x53: {  	_ =	shalt  }
0x54: {  	_ =	shalt  }
0x55: {  	_ =	shalt  }
0x56: {  	_ =	shalt  }
0x57: {  	_ =	shalt  }
0x58: {  	_ =	shalt  }
0x59: {  	_ =	shalt  }
0x5a: {  	_ =	shalt  }
0x5b: {  	_ =	shalt  }
0x5c: {  	_ =	shalt  }
0x5d: {  	_ =	shalt  }
0x5e: {  	_ =	shalt  }
0x5f: {  	_ =	shalt  }
0x60: {  	_ =	shalt  }
0x61: {  	_ =	shalt  }
0x62: {  	_ =	shalt  }
0x63: {  	_ =	shalt  }
0x64: {  	_ =	shalt  }
0x65: {  	_ =	shalt  }
0x66: {  	_ =	shalt  }
0x67: {  	_ =	shalt  }
0x68: {  	_ =	shalt  }
0x69: {  	_ =	shalt  }
0x6a: {  	_ =	shalt  }
0x6b: {  	_ =	shalt  }
0x6c: {  	_ =	shalt  }
0x6d: {  	_ =	shalt  }
0x6e: {  	_ =	shalt  }
0x6f: {  	_ =	shalt  }
0x70: {  	_ =	shalt  }
0x71: {  	_ =	shalt  }
0x72: {  	_ =	shalt  }
0x73: {  	_ =	shalt  }
0x74: {  	_ =	shalt  }
0x75: {  	_ =	shalt  }
0x76: {  	_ =	shalt  }
0x77: {  	_ =	shalt  }
0x78: {  	_ =	shalt  }
0x79: {  	_ =	shalt  }
0x7a: {  	_ =	shalt  }
0x7b: {  	_ =	shalt  }
0x7c: {  	_ =	shalt  }
0x7d: {  	_ =	shalt  }
0x7e: {  	_ =	shalt  }
0x7f: {  	_ =	shalt  }
0x80: {  	_ =	shalt  }
0x81: {  	_ =	shalt  }
0x82: {  	_ =	shalt  }
0x83: {  	_ =	shalt  }
0x84: {  	_ =	shalt  }
0x85: {  	_ =	shalt  }
0x86: {  	_ =	shalt  }
0x87: {  	_ =	shalt  }
.Lfunc_end0:
.L_simem_size_0:
called_computation_lowered:
.L_overlay_start_0:
0x88: {  	s2 =	sld [smem:$0x3FD9]  }
0x89: {  	s3 =	sld [smem:$0x3FFE];
	_ =	sdelay $0x1  }
0x8a: {  	s1 =	srdreg.scid  }
0x8b: {  	s0 =	sand.u32 $0x1, s1  }
0x8c: {  	s17 =	sshll.u32 s0, $0xA;
	s2 =	sadd.s32 s3, s2  }
0x8d: {  	s2 =	sadd.s32 s2, s17  }
0x8e: {  	[smem:$0x3FC4] =	sst s2  }
0x8f: {  	_ = 	snop  }
0x90: {  	s2 =	sld [smem:$0x3FD0];
	(tm) =	ssettm $0x1  }
0x91: {  	s18 =	sld [smem:$0x3FFB];
	_ =	sdelay $0x3  }
0x92: {  	_ =	strace s18  }
0x93: {  	s3 =	sld [smem:$0x3FFC];
	_ =	sdelay $0x3  }
0x94: {  	_ =	strace s3  }
0x95: {  	s3 =	sld [smem:$0x3FFD];
	_ =	sdelay $0x3  }
0x96: {  	_ =	strace s3  }
0x97: {  	_ =	strace $0x8FFFFFFF  }
0x98: {  	s19 =	sld [smem:$0x3FDB];
	_ =	sdelay $0x1  }
0x99: {  	s4 =	simm.s32 $_scs_section_size  }
0x9a: {  	s5 =	simm.s32 $_size__tile_overlayer_lowered;
	s6 =	simm.s32 $_tile_overlayer_lowered  }
0x9b: {  	s22 =	simm.s32 $0x1BFF;
	s21 =	sshll.u32 s6, $0x1;
	s3 =	sadd.s32 s4, s19  }
0x9c: {  	s7 =	simm.s32 $0x0;
	s20 =	sshll.u32 s5, $0x1;
	s5 =	sadd.s32 s21, s3  }
0x9d: {  	[timem:s7], [sflag:s22] =	dma.local [hbm:s5], s20  }
0x9e: {  	_ =	swait.ge [sflag:s22], s20  }
0x9f: {  	s4 =	ssub.s32 $0x0, s20;
	[sflag:s22] =	ssyncset.done $0x0  }
0xa0: {  	[sflag:s22] =	ssyncadd.s32 s4;
	_ =	sdelay $0x1  }
0xa1: {  	s23 =	simm.s32 $0x1B8B  }
0xa2: {  	_ =	swait.ge [sflag:s23], $0x1  }
0xa3: {  	[sflag:s23] =	ssyncset.done $0x0  }
0xa4: {  	s25 =	simm.s32 $0x1B8E;
	s24 =	sld [smem:$0x3FFE];
	[sflag:s23] =	ssyncadd.s32 $0xFFFFFFFF  }
0xa5: {  	s26 =	simm.s32 $execute0_lowered;
	[smem:$0x3FD2] =	sst s25  }
0xa6: {  	s5 =	sshll.u32 s26, $0x1;
	_ =	strace $0x80000046;
	[dreg:$0x1] =	wrdreg $0xFFFFFFFF  }
0xa7: {  	s28 =	simm.s32 $_size_execute0_lowered;
	s3 =	sadd.s32 s3, s5;
	[dreg:$0x0] =	wrdreg $0x0  }
0xa8: {  	s5 =	sshll.u32 s28, $0x1;
	[dreg:$0x2] =	wrdreg s3  }
0xa9: {  	[dreg:$0x3] =	wrdreg s5  }
0xaa: {  	[dreg:$0x4] =	wrdreg $0xC0  }
0xab: {  	_ =	task [dreg:s7], $0x5FFFF  }
0xac: {  	[dreg:$0x1] =	wrdreg $0xFFFFFFFF  }
0xad: {  	[dreg:$0x0] =	wrdreg $0x60  }
0xae: {  	[dreg:$0x2] =	wrdreg s24  }
0xaf: {  	[dreg:$0x3] =	wrdreg s2  }
0xb0: {  	[dreg:$0x4] =	wrdreg $0x0  }
0xb1: {  	[dreg:$0x5] =	wrdreg $0x9  }
0xb2: {  	_ =	task.clear_ibuf [dreg:s7], $0x6FFFF;
	_ =	strace $0x90000046  }
0xb3: {  	s29 =	simm.s32 $0x9;
	_ =	strace $0x80000048  }
0xb4: {  	_ =	swait.ge [sflag:s29], $0x1  }
0xb5: {  	[sflag:s29] =	ssyncadd.s32 $0xFFFFFFFF  }
0xb6: {  	_ =	strace $0x90000048  }
0xb7: {  	_ =	sfence  }
0xb8: {  	s30 =	sld [smem:$0x0];
	_ =	sdelay $0x2  }
0xb9: {  	s31 =	sshll.u32 s1, $0xD;
	s1 =	sshrl.u32 s1, $0x2  }
0xba: {  	s3 =	sand.u32 $0x4000, s31;
	s1 =	sadd.s32 s1, s30  }
0xbb: {  	s0 =	sor.u32 s3, s0;
	s1 =	sshll.u32 s1, $0x11  }
0xbc: {  	s0 =	sor.u32 s1, s0  }
0xbd: {  	s0 =	sadd.s32 $0x8F2B, s0  }
0xbe: {  	[sflag:s0] =	ssyncadd.remote.s32 $0x1  }
0xbf: {  	_ =	sfence.sel $0xFFFF  }
0xc0: {  	[dreg:$0x0] =	wrdreg $0xFFFFFFFF;
	(pc) =	sbr.abs _section_cstart, $3  }
0xc1: {  	[dreg:$0x1] =	wrdreg $0xFFFFFFFF  }
0xc2: {  	_ =	task.clear_ibuf [dreg:s7], $0x2FFFF;
	_ =	strace $0x9FFFFFFF  }
0xc3: {  	(tm) =	ssettm $0x7FFFFFFF  }
tec
execute0_lowered:
.L_overlay_start_1:
0x0: {  	(tag) =	ssettag $0x1  }
0x1: {  	s0 =	rddreg [dreg:$0x0]  }
0x2: {  	s1 =	rddreg [dreg:$0x1]  }
0x3: {  	s2 =	rddreg [dreg:$0x2];
	s4 =	simm.s32 $0x0;
	s3 =	srdreg.scid  }
0x4: {  	s11 =	stileid.u32;
	[smem:$0x7FF] =	sst s4;
	s3 =	sand.u32 $0x1, s3  }
0x5: {  	s5 =	sadd.s32 $0x1400, s0;
	s7 =	smul.u32 $0x5A000, s11;
	s8 =	sadd.s32 $0xE00, s0  }
0x6: {  	s0 =	sadd.s32 $0x2D400, s0;
	s10 =	smul.u32 $0x16800, s11;
	_ =	strace $0x80000047  }
0x7: {  	s6 =	ssub.s32 $0x2, s3;
	[dreg:$0x4] =	wrdreg s8;
	s9 =	sshll.u32 s3, $0x4  }
0x8: {  	s3 =	smul.u32 $0x168000, s3;
	s21 =	sshrl.u32 s6, $0x1;
	s7 =	sshrl.u32 s7, $0x2  }
0x9: {  	s22 =	sor.u32 s11, s9;
	s26 =	sadd.s32 $0x4800, s10;
	s29 =	sadd.s32 $0xD800, s10  }
0xa: {  	s6 =	ssub.s32 s6, s21;
	s9 =	sadd.s32 s7, s2;
	s7 =	sadd.s32 s10, s2  }
0xb: {  	s31 =	sadd.s32 s10, s3;
	s13 =	sadd.s32 s3, s26;
	s23 =	sadd.s32 $0x1680, s9  }
0xc: {  	s15 =	sadd.s32 s3, s29;
	s24 =	sadd.s32 $0x2D00, s9;
	[dreg:$0x5] =	wrdreg s23  }
0xd: {  	s19 =	smul.u32 $0x2710, s22;
	s25 =	sadd.s32 $0x4380, s9;
	[dreg:$0x6] =	wrdreg s24  }
0xe: {  	s26 =	sadd.s32 s26, s2;
	s12 =	sadd.s32 $0x5A00, s9;
	[dreg:$0x7] =	wrdreg s25  }
0xf: {  	s29 =	sadd.s32 s29, s2;
	s14 =	sadd.s32 $0x7080, s9;
	[dreg:$0x8] =	wrdreg s12  }
0x10: {  	s13 =	sshrl.u32 s13, $0x3;
	s16 =	sadd.s32 $0xB400, s9;
	[dreg:$0x9] =	wrdreg s14  }
0x11: {  	s17 =	sadd.s32 $0xCA80, s9;
	s18 =	sadd.s32 $0xE100, s9;
	[dreg:$0x11] =	wrdreg s16  }
0x12: {  	s20 =	sadd.s32 $0xF780, s9;
	s21 =	sadd.s32 $0x10E00, s9;
	[dreg:$0x12] =	wrdreg s17  }
0x13: {  	s22 =	sadd.s32 $0x12480, s9;
	s6 =	smax.u32 s6, $0x1;
	[dreg:$0x13] =	wrdreg s18  }
0x14: {  	s12 =	sshrl.u32 s31, $0x3;
	s13 =	sadd.s32 s0, s13;
	[dreg:$0x14] =	wrdreg s20  }
0x15: {  	s14 =	sadd.s32 $0x9000, s10;
	s10 =	sadd.s32 $0x12000, s10;
	[dreg:$0x15] =	wrdreg s21  }
0x16: {  	s31 =	sshrl.u32 s15, $0x3;
	s15 =	sadd.s32 $0x9D80, s9;
	[dreg:$0x16] =	wrdreg s22  }
0x17: {  	s23 =	sshrl.u32 s19, $0x3;
	s24 =	sadd.s32 $0x13B00, s9;
	s25 =	sadd.s32 $0x15180, s9  }
0x18: {  	[dreg:$0x19] =	wrdreg s6;
	s6 =	sshrl.u32 s29, $0x3;
	s16 =	simm.s32 $0x4E200  }
0x19: {  	s20 =	simm.s32 $0x1;
	s21 =	simm.s32 $0x2;
	[dreg:$0xb] =	wrdreg s13  }
0x1a: {  	s22 =	simm.s32 $0x3;
	s12 =	sadd.s32 s0, s12;
	[dreg:$0x10] =	wrdreg s15  }
0x1b: {  	s28 =	sadd.s32 s3, s14;
	s3 =	sadd.s32 s3, s10;
	[dreg:$0x17] =	wrdreg s24  }
0x1c: {  	[dreg:$0x18] =	wrdreg s25;
	s30 =	sadd.s32 s1, s23;
	s15 =	simm.s32 $0x30  }
0x1d: {  	s23 =	simm.s32 $0x10;
	s24 =	simm.s32 $0x19150;
	[dreg:$0xa] =	wrdreg s12  }
0x1e: {  	s13 =	sshrl.u32 s28, $0x3;
	s3 =	sshrl.u32 s3, $0x3;
	s28 =	sadd.s32 s14, s2  }
0x1f: {  	s11 =	sadd.s32 $0x4E0, s30;
	s12 =	simm.s32 $0x19170;
	s13 =	sadd.s32 s0, s13  }
0x20: {  	s14 =	simm.s32 $0x16800;
	[dreg:$0xc] =	wrdreg s13;
	s13 =	sadd.s32 s0, s31  }
0x21: {  	v0 =	vlaneseq.u32;
	s0 =	sadd.s32 s0, s3;
	s31 =	sadd.s32 s10, s2;
	[dreg:$0xd] =	wrdreg s13  }
0x22: {  	v3 =	vmul.u32 $0x90, v0;
	s3 =	sshrl.u32 s28, $0x3;
	s10 =	sadd.s32 $0xC, s30;
	[dreg:$0xe] =	wrdreg s0  }
0x23: {  	v0 =	vimm.f32 $0.0e+00;
	s13 =	sadd.s32 $0x8700, s9;
	s0 =	sshrl.u32 s26, $0x3;
	s8 =	sshrl.u32 s31, $0x3  }
0x24: {  	v1 =	vadd.s32 $0x80, v3;
	v2 =	vadd.s32 $0x980, v3;
	v3 =	vadd.s32 $0x1280, v3;
	s9 =	sadd.s32 $0x6, s30;
	[dreg:$0xf] =	wrdreg s13;
	s13 =	simm.s32 $0x4  }
.LBB2_1:
0x25: {  	s17 =	simm.s32 $0x0;
	s18 =	simm.s32 $0x240  }
.LBB2_2:
0x26: {  	p0 =	sne.s32 s18, $0x69C0;
	[tilespmem:s17+$0x191F0] =	vst v0  }
0x27: {  	[tilespmem:s17+$0x19170] =	vst v0  }
0x28: {  	[tilespmem:s17+$0x19180] =	vst v0  }
0x29: {  	[tilespmem:s17+$0x19190] =	vst v0  }
.Ltmp0:
0x2a: {  	[tilespmem:s17+$0x191A0] =	vst v0;
	(pc) =	sbr.rel @p0 .LBB2_2-.Ltmp0, $4  }
0x2b: {  	[tilespmem:s17+$0x191B0] =	vst v0  }
0x2c: {  	[tilespmem:s17+$0x191C0] =	vst v0  }
0x2d: {  	[tilespmem:s17+$0x191D0] =	vst v0  }
0x2e: {  	[tilespmem:s17+$0x191E0] =	vst v0;
	s17 =	sshra.s32 s18, $0x2;
	s18 =	sadd.s32 $0x240, s18  }
0x2f: {  	[tilespmem:s17+$0x191F0] =	vst v0  }
0x30: {  	[tilespmem:s17+$0x19170] =	vst v0  }
0x31: {  	[tilespmem:s17+$0x19180] =	vst v0  }
0x32: {  	[tilespmem:s17+$0x19190] =	vst v0  }
0x33: {  	[tilespmem:s17+$0x191A0] =	vst v0  }
0x34: {  	[tilespmem:s17+$0x191B0] =	vst v0  }
0x35: {  	[tilespmem:s17+$0x191C0] =	vst v0  }
0x36: {  	[tilespmem:s17+$0x191D0] =	vst v0  }
0x37: {  	[tilespmem:s17+$0x191E0] =	vst v0  }
0x38: {  	[spmem:s7] =	stream.linear.scatter [tilespmem:s12], [sflag:$0x4], $0x1680, $0x38;
	[tilespmem:$0x1FD70] =	vst v63  }
0x39: {  	_ =	swait.ge [sflag:s13], $0x1680  }
0x3a: {  	[sflag:s13] =	ssyncset.done $0x0  }
0x3b: {  	s18 =	rddreg [dreg:$0x5];
	[sflag:s13] =	ssyncadd.s32 $0xFFFFE980  }
0x3c: {  	[spmem:s18] =	stream.linear.scatter [tilespmem:s12], [sflag:$0x4], $0x1680, $0x38;
	[tilespmem:$0x1FD70] =	vst v63  }
0x3d: {  	_ =	swait.ge [sflag:s13], $0x1680  }
0x3e: {  	[sflag:s13] =	ssyncset.done $0x0  }
0x3f: {  	s25 =	rddreg [dreg:$0x6];
	[sflag:s13] =	ssyncadd.s32 $0xFFFFE980  }
0x40: {  	[spmem:s25] =	stream.linear.scatter [tilespmem:s12], [sflag:$0x4], $0x1680, $0x38;
	[tilespmem:$0x1FD70] =	vst v63  }
0x41: {  	_ =	swait.ge [sflag:s13], $0x1680  }
0x42: {  	[sflag:s13] =	ssyncset.done $0x0  }
0x43: {  	s26 =	rddreg [dreg:$0x7];
	[sflag:s13] =	ssyncadd.s32 $0xFFFFE980  }
0x44: {  	[spmem:s26] =	stream.linear.scatter [tilespmem:s12], [sflag:$0x4], $0x1680, $0x38;
	[tilespmem:$0x1FD70] =	vst v63  }
0x45: {  	_ =	swait.ge [sflag:s13], $0x1680  }
0x46: {  	[sflag:s13] =	ssyncset.done $0x0  }
0x47: {  	s28 =	rddreg [dreg:$0x8];
	[sflag:s13] =	ssyncadd.s32 $0xFFFFE980  }
0x48: {  	[spmem:s28] =	stream.linear.scatter [tilespmem:s12], [sflag:$0x4], $0x1680, $0x38;
	[tilespmem:$0x1FD70] =	vst v63  }
0x49: {  	_ =	swait.ge [sflag:s13], $0x1680  }
0x4a: {  	[sflag:s13] =	ssyncset.done $0x0  }
0x4b: {  	s29 =	rddreg [dreg:$0x9];
	[sflag:s13] =	ssyncadd.s32 $0xFFFFE980  }
0x4c: {  	[spmem:s29] =	stream.linear.scatter [tilespmem:s12], [sflag:$0x4], $0x1680, $0x38;
	[tilespmem:$0x1FD70] =	vst v63  }
0x4d: {  	_ =	swait.ge [sflag:s13], $0x1680  }
0x4e: {  	[sflag:s13] =	ssyncset.done $0x0  }
0x4f: {  	s31 =	rddreg [dreg:$0xf];
	[sflag:s13] =	ssyncadd.s32 $0xFFFFE980  }
0x50: {  	[spmem:s31] =	stream.linear.scatter [tilespmem:s12], [sflag:$0x4], $0x1680, $0x38;
	[tilespmem:$0x1FD70] =	vst v63  }
0x51: {  	_ =	swait.ge [sflag:s13], $0x1680  }
0x52: {  	[sflag:s13] =	ssyncset.done $0x0  }
0x53: {  	s18 =	rddreg [dreg:$0x10];
	[sflag:s13] =	ssyncadd.s32 $0xFFFFE980  }
0x54: {  	[spmem:s18] =	stream.linear.scatter [tilespmem:s12], [sflag:$0x4], $0x1680, $0x38;
	[tilespmem:$0x1FD70] =	vst v63  }
0x55: {  	_ =	swait.ge [sflag:s13], $0x1680  }
0x56: {  	[sflag:s13] =	ssyncset.done $0x0  }
0x57: {  	s25 =	rddreg [dreg:$0x11];
	[sflag:s13] =	ssyncadd.s32 $0xFFFFE980  }
0x58: {  	[spmem:s25] =	stream.linear.scatter [tilespmem:s12], [sflag:$0x4], $0x1680, $0x38;
	[tilespmem:$0x1FD70] =	vst v63  }
0x59: {  	_ =	swait.ge [sflag:s13], $0x1680  }
0x5a: {  	[sflag:s13] =	ssyncset.done $0x0  }
0x5b: {  	s26 =	rddreg [dreg:$0x12];
	[sflag:s13] =	ssyncadd.s32 $0xFFFFE980  }
0x5c: {  	[spmem:s26] =	stream.linear.scatter [tilespmem:s12], [sflag:$0x4], $0x1680, $0x38;
	[tilespmem:$0x1FD70] =	vst v63  }
0x5d: {  	_ =	swait.ge [sflag:s13], $0x1680  }
0x5e: {  	[sflag:s13] =	ssyncset.done $0x0  }
0x5f: {  	s28 =	rddreg [dreg:$0x13];
	[sflag:s13] =	ssyncadd.s32 $0xFFFFE980  }
0x60: {  	[spmem:s28] =	stream.linear.scatter [tilespmem:s12], [sflag:$0x4], $0x1680, $0x38;
	[tilespmem:$0x1FD70] =	vst v63  }
0x61: {  	_ =	swait.ge [sflag:s13], $0x1680  }
0x62: {  	[sflag:s13] =	ssyncset.done $0x0  }
0x63: {  	s29 =	rddreg [dreg:$0x14];
	[sflag:s13] =	ssyncadd.s32 $0xFFFFE980  }
0x64: {  	[spmem:s29] =	stream.linear.scatter [tilespmem:s12], [sflag:$0x4], $0x1680, $0x38;
	[tilespmem:$0x1FD70] =	vst v63  }
0x65: {  	_ =	swait.ge [sflag:s13], $0x1680  }
0x66: {  	[sflag:s13] =	ssyncset.done $0x0  }
0x67: {  	s31 =	rddreg [dreg:$0x15];
	[sflag:s13] =	ssyncadd.s32 $0xFFFFE980  }
0x68: {  	[spmem:s31] =	stream.linear.scatter [tilespmem:s12], [sflag:$0x4], $0x1680, $0x38;
	[tilespmem:$0x1FD70] =	vst v63  }
0x69: {  	_ =	swait.ge [sflag:s13], $0x1680  }
0x6a: {  	[sflag:s13] =	ssyncset.done $0x0  }
0x6b: {  	s18 =	rddreg [dreg:$0x16];
	[sflag:s13] =	ssyncadd.s32 $0xFFFFE980  }
0x6c: {  	[spmem:s18] =	stream.linear.scatter [tilespmem:s12], [sflag:$0x4], $0x1680, $0x38;
	[tilespmem:$0x1FD70] =	vst v63  }
0x6d: {  	_ =	swait.ge [sflag:s13], $0x1680  }
0x6e: {  	[sflag:s13] =	ssyncset.done $0x0  }
0x6f: {  	s25 =	rddreg [dreg:$0x17];
	[sflag:s13] =	ssyncadd.s32 $0xFFFFE980  }
0x70: {  	[spmem:s25] =	stream.linear.scatter [tilespmem:s12], [sflag:$0x4], $0x1680, $0x38;
	[tilespmem:$0x1FD70] =	vst v63  }
0x71: {  	_ =	swait.ge [sflag:s13], $0x1680  }
0x72: {  	[sflag:s13] =	ssyncset.done $0x0  }
0x73: {  	s26 =	rddreg [dreg:$0x18];
	[sflag:s13] =	ssyncadd.s32 $0xFFFFE980  }
0x74: {  	[spmem:s26] =	stream.linear.scatter [tilespmem:s12], [sflag:$0x4], $0x1680, $0x38;
	[tilespmem:$0x1FD70] =	vst v63  }
0x75: {  	_ =	swait.ge [sflag:s13], $0x1680  }
0x76: {  	[sflag:s13] =	ssyncset.done $0x0  }
0x77: {  	s25 =	simm.s32 $0x0;
	s28 =	rddreg [dreg:$0x4];
	[sflag:s13] =	ssyncadd.s32 $0xFFFFE980  }
0x78: {  	[tilespmem:s14], [sflag:$0x4] =	stream.linear.gather [hbm4b:s28+s25], $0x2710, $0x38;
	[tilespmem:$0x1FD70] =	vst v63  }
0x79: {  	_ =	swait.ge [sflag:s13], $0x2710  }
0x7a: {  	[sflag:s13] =	ssyncset.done $0x0  }
0x7b: {  	[sflag:s13] =	ssyncadd.s32 $0xFFFFD8F0  }
0x7c: {  	s29 =	simm.s32 $0x18F10;
	[bflag:$0x0] =	sbarrier.arrive $0xFFFF  }
0x7d: {  	[tilespmem:s29], [sflag:$0x4] =	stream.strided.gather [hbm4b:s30+s15], $0x60, s16, s15, $0x38;
	[tilespmem:$0x1FD70] =	vst v63  }
0x7e: {  	_ =	swait.ge [sflag:s13], $0x60  }
0x7f: {  	[sflag:s13] =	ssyncset.done $0x0  }
0x80: {  	s18 =	simm.s32 $0x18F70;
	[sflag:s13] =	ssyncadd.s32 $0xFFFFFFA0  }
0x81: {  	[tilespmem:s18], [sflag:$0x1] =	stream.strided.gather [hbm4b:s9+s15], $0x60, s16, s15, $0x38;
	[tilespmem:$0x1FD70] =	vst v63  }
0x82: {  	s26 =	simm.s32 $0x18FD0  }
0x83: {  	[tilespmem:s26], [sflag:$0x1] =	stream.strided.gather [hbm4b:s10+s15], $0x60, s16, s15, $0x38;
	[tilespmem:$0x1FD70] =	vst v63  }
0x84: {  	_ = 	snop  }
0x85: {  	[tilespmem:s12], [sflag:$0x2] =	stream.indirect.gather [hbm4b:s5+s15], $0x90, s29, s15, $0xb8;
	[tilespmem:$0x1FD70] =	vst v63  }
0x86: {  	_ =	swait.ge [sflag:s20], $0x60  }
0x87: {  	[sflag:s20] =	ssyncset.done $0x0  }
0x88: {  	s31 =	simm.s32 $0x1AC70;
	s26 =	simm.s32 $0x0;
	[sflag:s20] =	ssyncadd.s32 $0xFFFFFFA0  }
0x89: {  	[tilespmem:s31], [sflag:$0x2] =	stream.indirect.gather [hbm4b:s5+s15], $0x90, s18, s15, $0xb8;
	[tilespmem:$0x1FD70] =	vst v63  }
.LBB2_4:
0x8a: {  	p0 =	slt.u32 s26, $0x2  }
0x8b: {  	p1 =	sgt.u32 @!p0 s26, $0xCD  }
0x8c: {  	p1 =	por p0, !p1  }
.Ltmp1:
0x8d: {  	_ = 	snop;
	(pc) =	sbr.rel @!p1 .LBB2_6-.Ltmp1, $4  }
0x8e: {  	s17 =	simm.s32 @!p0 $0x3  }
0x8f: {  	_ =	swait.ge @!p0 [sflag:s17], $0x1B00  }
0x90: {  	[sflag:s17] =	ssyncset.done @!p0 $0x0  }
0x91: {  	[sflag:s17] =	ssyncadd.s32 @!p0 $0xFFFFE500  }
0x92: {  	s17 =	sadd.s32 $0x2, s26  }
0x93: {  	s18 =	sand.u32 $0xFF, s17  }
0x94: {  	s28 =	sadd.s32 $0x3, s26;
	s18 =	smul.u32 $0xAB, s18  }
0x95: {  	s29 =	sand.u32 $0xFF, s28  }
0x96: {  	s29 =	smul.u32 $0xAB, s29;
	s18 =	sshrl.u32 s18, $0xA  }
0x97: {  	s18 =	smul.u32 $0x6, s18  }
0x98: {  	s29 =	sshrl.u32 s29, $0xA  }
0x99: {  	s29 =	smul.u32 $0x6, s29;
	s18 =	ssub.s32 s17, s18;
	s17 =	sand.u32 $0x3, s17  }
0x9a: {  	_ =	swait.ge [sflag:s20], $0x60;
	s18 =	sand.u32 $0xFF, s18;
	s17 =	smul.u32 $0x6C00, s17  }
0x9b: {  	p0 =	sgt.u32 s26, $0xCC;
	[sflag:s20] =	ssyncset.done $0x0;
	s18 =	smul.u32 $0x180, s18  }
0x9c: {  	[sflag:s20] =	ssyncadd.s32 $0xFFFFFFA0;
	s29 =	ssub.s32 s28, s29;
	s28 =	smul.u32 @!p0 $0x30, s28  }
0x9d: {  	s29 =	sand.u32 $0xFF, s29;
	s17 =	sshrl.u32 s17, $0x2;
	s18 =	sshrl.u32 s18, $0x2  }
0x9e: {  	s29 =	smul.u32 @!p0 $0x180, s29;
	s17 =	sadd.s32 $0x19170, s17;
	s18 =	sadd.s32 $0x18F10, s18  }
0x9f: {  	[tilespmem:s17], [sflag:$0x2] =	stream.indirect.gather [hbm4b:s5+s15], $0x90, s18, s15, $0xb8;
	[tilespmem:$0x1FD70] =	vst v63  }
0xa0: {  	s18 =	sadd.s32 @!p0 s19, s28  }
0xa1: {  	s17 =	sshrl.u32 @!p0 s29, $0x2;
	s28 =	simm.s32 @!p0 $0x30;
	s18 =	sshrl.u32 @!p0 s18, $0x3  }
0xa2: {  	s29 =	simm.s32 @!p0 $0x4E200;
	s17 =	sadd.s32 @!p0 $0x18F10, s17;
	s18 =	sadd.s32 @!p0 s1, s18  }
0xa3: {  	[tilespmem:s17], [sflag:$0x1] =	stream.strided.gather @!p0 [hbm4b:s18+s28], $0x60, s29, s28, $0x38;
	[tilespmem:$0x1FD70] =	vst v63  }
.LBB2_6:
0xa4: {  	s17 =	smul.u32 $0xAB, s26;
	_ =	sdelay $0x1  }
0xa5: {  	s17 =	sshrl.u32 s17, $0xA  }
0xa6: {  	s17 =	sand.u32 $0x3F, s17  }
0xa7: {  	s17 =	smul.u32 $0x6, s17;
	_ =	sdelay $0x1  }
0xa8: {  	s17 =	ssub.s32 s26, s17  }
0xa9: {  	s17 =	sand.u32 $0xFF, s17  }
0xaa: {  	_ =	swait.ge [sflag:s21], $0x1B00;
	s17 =	smul.u32 $0x180, s17  }
0xab: {  	[sflag:s21] =	ssyncset.done $0x0  }
0xac: {  	[sflag:s21] =	ssyncadd.s32 $0xFFFFE500;
	s17 =	sshrl.u32 s17, $0x2  }
0xad: {  	v4 =	vld [tilespmem:s17+$0x18F40];
	_ =	sdelay $0x2  }
0xae: {  	s18 =	sand.u32 $0x3, s26  }
0xaf: {  	s18 =	smul.u32 $0x6C00, s18;
	_ =	sdelay $0x1  }
0xb0: {  	s18 =	sshrl.u32 s18, $0x2  }
0xb1: {  	v5 =	vld.idx.msk [tilespmem:v1+s18+$0x19170], $0xffff  }
0xb2: {  	v4 =	vld.idx.msk [tilespmem:v4+s14+$0x0], $0xffff;
	_ =	sdelay $0x4  }
0xb3: {  	v4 =	vadd.f32 v4, v5;
	_ =	sdelay $0x1  }
0xb4: {  	v5 =	vmul.f32 $9.999999770e-03, v4;
	_ =	sdelay $0x1  }
0xb5: {  	v4 =	vmax.f32 v4, v5  }
0xb6: {  	v4 =	vmul.f32 $1.442695020e+00, v4;
	_ =	sdelay $0x1  }
0xb7: {  	(erf) = vpow2.f32 v4;
	_ =	sdelay $0x8  }
0xb8: {  	v4 =	vpop (erf)  }
0xb9: {  	[tilespmem:v1+s18+$0x19170] =	vst.idx.msk $0xffff, v4  }
0xba: {  	v4 =	vld [tilespmem:s17+$0x18F50];
	_ =	sdelay $0x6  }
0xbb: {  	v5 =	vld.idx.msk [tilespmem:v2+s18+$0x19170], $0xffff  }
0xbc: {  	v4 =	vld.idx.msk [tilespmem:v4+s14+$0x0], $0xffff;
	_ =	sdelay $0x4  }
0xbd: {  	v4 =	vadd.f32 v4, v5;
	_ =	sdelay $0x1  }
0xbe: {  	v5 =	vmul.f32 $9.999999770e-03, v4;
	_ =	sdelay $0x1  }
0xbf: {  	v4 =	vmax.f32 v4, v5  }
0xc0: {  	v4 =	vmul.f32 $1.442695020e+00, v4;
	_ =	sdelay $0x1  }
0xc1: {  	(erf) = vpow2.f32 v4;
	_ =	sdelay $0x8  }
0xc2: {  	v4 =	vpop (erf)  }
0xc3: {  	[tilespmem:v2+s18+$0x19170] =	vst.idx.msk $0xffff, v4  }
0xc4: {  	v4 =	vld [tilespmem:s17+$0x18F60];
	_ =	sdelay $0x6  }
0xc5: {  	v5 =	vld.idx.msk [tilespmem:v3+s18+$0x19170], $0xffff  }
0xc6: {  	v4 =	vld.idx.msk [tilespmem:v4+s14+$0x0], $0xffff;
	_ =	sdelay $0x4  }
0xc7: {  	v4 =	vadd.f32 v4, v5;
	_ =	sdelay $0x1  }
0xc8: {  	v5 =	vmul.f32 $9.999999770e-03, v4;
	_ =	sdelay $0x1  }
0xc9: {  	v4 =	vmax.f32 v4, v5  }
0xca: {  	v4 =	vmul.f32 $1.442695020e+00, v4;
	_ =	sdelay $0x1  }
0xcb: {  	(erf) = vpow2.f32 v4;
	_ =	sdelay $0x5  }
0xcc: {  	s28 =	sand.u32 $0x3, s25  }
0xcd: {  	s28 =	smul.u32 $0x6C00, s28;
	_ =	sdelay $0x1  }
0xce: {  	s28 =	sshrl.u32 s28, $0x2;
	v4 =	vpop (erf)  }
0xcf: {  	s28 =	sadd.s32 $0x193B0, s28;
	[tilespmem:v3+s18+$0x19170] =	vst.idx.msk $0xffff, v4  }
0xd0: {  	v7 =	vld [tilespmem:s28+$0x220]  }
0xd1: {  	v8 =	vld [tilespmem:s28+$0x210]  }
0xd2: {  	v9 =	vld [tilespmem:s28+$0x200]  }
0xd3: {  	v4 =	vld.msk [tilespmem:s28+$0x230 ss:$0x0], $0xffff  }
0xd4: {  	v6 =	vld [tilespmem:s28+$0x1B0]  }
0xd5: {  	v10 =	vld [tilespmem:s28+$0x1C0]  }
0xd6: {  	v11 =	vld [tilespmem:s28+$0x1D0]  }
0xd7: {  	v12 =	vld [tilespmem:s28+$0x190]  }
0xd8: {  	v13 =	vld [tilespmem:s28+$0x180]  }
0xd9: {  	v14 =	vld [tilespmem:s28+$0x170]  }
0xda: {  	v5 =	vld.msk [tilespmem:s28+$0x1A0 ss:$0x0], $0xffff  }
0xdb: {  	v15 =	vld [tilespmem:s28+$0x120]  }
0xdc: {  	v16 =	vld [tilespmem:s28+$0x130]  }
0xdd: {  	v17 =	vld [tilespmem:s28+$0x140]  }
0xde: {  	v18 =	vld [tilespmem:s28+$0x100]  }
0xdf: {  	v19 =	vld [tilespmem:s28+$0xF0]  }
0xe0: {  	v21 =	vld [tilespmem:s28+$0xE0];
	v20 =	vmul.f32 v4, v6  }
0xe1: {  	v54 =	vld [tilespmem:s28+$0x90];
	v10 =	vmul.f32 v10, v4  }
0xe2: {  	v22 =	vld [tilespmem:s28+$0x50];
	v11 =	vmul.f32 v11, v4;
	[tilespmem:s28+$0x1B0] =	vst v20  }
0xe3: {  	v56 =	vld [tilespmem:s28+$0xFFFFFF80];
	v9 =	vmul.f32 v9, v4;
	[tilespmem:s28+$0x1C0] =	vst v10  }
0xe4: {  	v58 =	vld [tilespmem:s28+$0xFFFFFEE0];
	v8 =	vmul.f32 v8, v4;
	[tilespmem:s28+$0x1D0] =	vst v11  }
0xe5: {  	v59 =	vld [tilespmem:s28+$0xFFFFFF00];
	v7 =	vmul.f32 v7, v4;
	[tilespmem:s28+$0x200] =	vst v9  }
0xe6: {  	v60 =	vld [tilespmem:s28+$0xFFFFFE50];
	v16 =	vmul.f32 v16, v5;
	[tilespmem:s28+$0x210] =	vst v8  }
0xe7: {  	v6 =	vld.msk [tilespmem:s28+$0x110 ss:$0x0], $0xffff;
	v14 =	vmul.f32 v14, v5;
	[tilespmem:s28+$0x220] =	vst v7  }
0xe8: {  	v61 =	vld [tilespmem:s28+$0xFFFFFE70];
	v13 =	vmul.f32 v13, v5;
	[tilespmem:s28+$0x130] =	vst v16  }
0xe9: {  	v62 =	vld [tilespmem:s28+$0xFFFFFE20];
	v8 =	vmul.f32 v5, v15;
	[tilespmem:s28+$0x170] =	vst v14  }
0xea: {  	v12 =	vmul.f32 v12, v5;
	v10 =	vld [tilespmem:s28+$0xA0];
	[tilespmem:s28+$0x180] =	vst v13  }
0xeb: {  	v11 =	vld [tilespmem:s28+$0xB0];
	[tilespmem:s28+$0x120] =	vst v8;
	v8 =	vmul.f32 v17, v5  }
0xec: {  	v7 =	vld.msk [tilespmem:s28+$0x80 ss:$0x0], $0xffff;
	[tilespmem:s28+$0x190] =	vst v12;
	v13 =	vmul.f32 v6, v54  }
0xed: {  	v16 =	vld [tilespmem:s28+$0x0];
	v55 =	vmul.f32 v21, v6;
	[tilespmem:s28+$0x140] =	vst v8  }
0xee: {  	v14 =	vld [tilespmem:s28+$0x20];
	v19 =	vmul.f32 v19, v6;
	[tilespmem:s28+$0x90] =	vst v13  }
0xef: {  	v9 =	vld [tilespmem:s28+$0x70];
	v18 =	vmul.f32 v18, v6;
	[tilespmem:s28+$0xE0] =	vst v55  }
0xf0: {  	v15 =	vld [tilespmem:s28+$0x60];
	v10 =	vmul.f32 v10, v6;
	[tilespmem:s28+$0xF0] =	vst v19  }
0xf1: {  	v8 =	vld [tilespmem:s28+$0x10];
	v11 =	vmul.f32 v11, v6;
	[tilespmem:s28+$0x100] =	vst v18  }
0xf2: {  	v16 =	vmul.f32 v7, v16;
	[tilespmem:s28+$0xA0] =	vst v10;
	v10 =	vld.msk [tilespmem:s28+$0xFFFFFFF0 ss:$0x0], $0xffff  }
0xf3: {  	v14 =	vmul.f32 v14, v7;
	[tilespmem:s28+$0xB0] =	vst v11;
	v11 =	vld [tilespmem:s28+$0xFFFFFF70]  }
0xf4: {  	v12 =	vld [tilespmem:s28+$0xFFFFFFD0];
	v57 =	vmul.f32 v22, v7;
	[tilespmem:s28+$0x0] =	vst v16  }
0xf5: {  	v13 =	vld [tilespmem:s28+$0xFFFFFFC0];
	v15 =	vmul.f32 v15, v7;
	[tilespmem:s28+$0x20] =	vst v14  }
0xf6: {  	v17 =	vld [tilespmem:s28+$0xFFFFFFE0];
	v9 =	vmul.f32 v9, v7;
	[tilespmem:s28+$0x50] =	vst v57  }
0xf7: {  	v14 =	vld.msk [tilespmem:s28+$0xFFFFFF60 ss:$0x0], $0xffff;
	[tilespmem:s28+$0x60] =	vst v15;
	v8 =	vmul.f32 v8, v7  }
0xf8: {  	v15 =	vld [tilespmem:s28+$0xFFFFFEF0];
	[tilespmem:s28+$0x70] =	vst v9;
	v11 =	vmul.f32 v10, v11  }
0xf9: {  	v16 =	vld [tilespmem:s28+$0xFFFFFF40];
	[tilespmem:s28+$0x10] =	vst v8;
	v9 =	vmul.f32 v56, v10  }
0xfa: {  	v19 =	vld [tilespmem:s28+$0xFFFFFF90];
	v13 =	vmul.f32 v13, v10;
	[tilespmem:s28+$0xFFFFFF70] =	vst v11  }
0xfb: {  	v63 =	vld [tilespmem:s28+$0xFFFFFE10];
	v12 =	vmul.f32 v12, v10;
	[tilespmem:s28+$0xFFFFFF80] =	vst v9  }
0xfc: {  	v8 =	vld [tilespmem:s28+$0xFFFFFF30];
	v17 =	vmul.f32 v17, v10;
	[tilespmem:s28+$0xFFFFFFC0] =	vst v13  }
0xfd: {  	v18 =	vld [tilespmem:s28+$0xFFFFFF50];
	v15 =	vmul.f32 v15, v14;
	[tilespmem:s28+$0xFFFFFFD0] =	vst v12  }
0xfe: {  	v16 =	vmul.f32 v16, v14;
	v13 =	vld.msk [tilespmem:s28+$0xFFFFFED0 ss:$0x0], $0xffff;
	[tilespmem:s28+$0xFFFFFFE0] =	vst v17  }
0xff: {  	v11 =	vmul.f32 v19, v10;
	v17 =	vld [tilespmem:s28+$0xFFFFFE60];
	[tilespmem:s28+$0xFFFFFEF0] =	vst v15  }
0x100: {  	v19 =	vld [tilespmem:s28+$0xFFFFFEC0];
	v12 =	vmul.f32 v14, v58;
	[tilespmem:s28+$0xFFFFFF40] =	vst v16  }
0x101: {  	[tilespmem:s28+$0xFFFFFF90] =	vst v11;
	v11 =	vld [tilespmem:s28+$0xFFFFFEA0];
	v8 =	vmul.f32 v8, v14  }
0x102: {  	v9 =	vld [tilespmem:s28+$0xFFFFFEB0];
	[tilespmem:s28+$0xFFFFFEE0] =	vst v12;
	v12 =	vmul.f32 v59, v14  }
0x103: {  	v15 =	vld [tilespmem:s28+$0xFFFFFE30];
	[tilespmem:s28+$0xFFFFFF30] =	vst v8;
	v8 =	vmul.f32 v13, v60  }
0x104: {  	v16 =	vld.msk [tilespmem:s28+$0xFFFFFE40 ss:$0x0], $0xffff;
	[tilespmem:s28+$0xFFFFFF00] =	vst v12;
	v12 =	vmul.f32 v17, v13  }
0x105: {  	v17 =	vld [tilespmem:s28+$0xFFFFFDC0];
	[tilespmem:s28+$0xFFFFFE50] =	vst v8;
	v8 =	vmul.f32 v61, v13  }
0x106: {  	v11 =	vmul.f32 v11, v13;
	[tilespmem:s28+$0xFFFFFE60] =	vst v12;
	v12 =	vld [tilespmem:s28+$0xFFFFFDD0]  }
0x107: {  	v9 =	vmul.f32 v9, v13;
	[tilespmem:s28+$0xFFFFFE70] =	vst v8;
	v8 =	vld [tilespmem:s28+$0xFFFFFDE0]  }
0x108: {  	v19 =	vmul.f32 v19, v13;
	[tilespmem:s28+$0xFFFFFEA0] =	vst v11;
	v11 =	vld [tilespmem:s28+$0xFFFFFDF0]  }
0x109: {  	v18 =	vmul.f32 v18, v14;
	[tilespmem:s28+$0xFFFFFEB0] =	vst v9;
	v9 =	vld [tilespmem:s28+$0xFFFFFE00]  }
0x10a: {  	[tilespmem:s28+$0xFFFFFEC0] =	vst v19;
	v19 =	vld [tilespmem:s28+$0xFFFFFE80];
	v17 =	vmul.f32 v16, v17  }
0x10b: {  	[tilespmem:s28+$0xFFFFFF50] =	vst v18;
	v18 =	vld [tilespmem:s28+$0xFFFFFE90];
	v12 =	vmul.f32 v12, v16  }
0x10c: {  	[tilespmem:s28+$0xFFFFFDC0] =	vst v17;
	v17 =	vld [tilespmem:s28+$0xFFFFFF10];
	v8 =	vmul.f32 v8, v16  }
0x10d: {  	[tilespmem:s28+$0xFFFFFDD0] =	vst v12;
	v11 =	vmul.f32 v11, v16;
	v12 =	vld [tilespmem:s28+$0xFFFFFF20]  }
0x10e: {  	[tilespmem:s28+$0xFFFFFDE0] =	vst v8;
	v8 =	vmul.f32 v9, v16;
	v9 =	vld [tilespmem:s28+$0xFFFFFFA0]  }
0x10f: {  	[tilespmem:s28+$0xFFFFFDF0] =	vst v11;
	v11 =	vmul.f32 v19, v13;
	v19 =	vld [tilespmem:s28+$0xFFFFFFB0]  }
0x110: {  	[tilespmem:s28+$0xFFFFFE00] =	vst v8;
	v8 =	vmul.f32 v18, v13;
	v13 =	vld [tilespmem:s28+$0x30]  }
0x111: {  	[tilespmem:s28+$0xFFFFFE80] =	vst v11;
	v11 =	vmul.f32 v17, v14;
	v17 =	vld [tilespmem:s28+$0x40]  }
0x112: {  	v18 =	vld [tilespmem:s28+$0xC0];
	[tilespmem:s28+$0xFFFFFE90] =	vst v8;
	v8 =	vmul.f32 v12, v14  }
0x113: {  	[tilespmem:s28+$0xFFFFFF10] =	vst v11;
	v12 =	vld [tilespmem:s28+$0xD0];
	v11 =	vmul.f32 v9, v10  }
0x114: {  	v14 =	vmul.f32 v19, v10;
	[tilespmem:s28+$0xFFFFFF20] =	vst v8;
	v8 =	vld [tilespmem:s28+$0x150]  }
0x115: {  	v9 =	vmul.f32 v63, v16;
	[tilespmem:s28+$0xFFFFFFA0] =	vst v11;
	v19 =	vmul.f32 v13, v7;
	v13 =	vld [tilespmem:s28+$0x160]  }
0x116: {  	s31 =	simm.s32 $0x0;
	v11 =	vmul.f32 v15, v16;
	[tilespmem:s28+$0xFFFFFFB0] =	vst v14;
	v14 =	vld [tilespmem:s28+$0x1E0];
	v15 =	vmul.f32 v17, v7  }
0x117: {  	s29 =	sadd.s32 $0x19170, s18;
	s17 =	sadd.s32 $0x18F40, s17;
	s18 =	sadd.s32 $0x480, s28;
	v10 =	vmul.f32 v62, v16;
	v16 =	vmul.f32 v18, v6;
	v7 =	vld [tilespmem:s28+$0x1F0];
	[tilespmem:s28+$0x30] =	vst v19  }
.LBB2_7:
0x118: {  	v17 =	vld [tilespmem:s18+$0x220];
	[tilespmem:s28+$0x40] =	vst v15;
	v6 =	vmul.f32 v12, v6  }
0x119: {  	v12 =	vld [tilespmem:s18+$0x210];
	[tilespmem:s28+$0xC0] =	vst v16;
	v8 =	vmul.f32 v8, v5  }
0x11a: {  	v15 =	vld [tilespmem:s18+$0x200];
	[tilespmem:s28+$0xD0] =	vst v6;
	v5 =	vmul.f32 v13, v5  }
0x11b: {  	v6 =	vld.msk [tilespmem:s18+$0x230 ss:$0x0], $0xffff;
	[tilespmem:s28+$0x150] =	vst v8;
	v8 =	vmul.f32 v14, v4  }
0x11c: {  	v13 =	vld [tilespmem:s18+$0x1B0];
	[tilespmem:s28+$0x160] =	vst v5;
	v4 =	vmul.f32 v7, v4  }
0x11d: {  	v5 =	vld [tilespmem:s18+$0x1C0];
	[tilespmem:s28+$0x1E0] =	vst v8  }
0x11e: {  	v7 =	vld [tilespmem:s18+$0x1D0];
	[tilespmem:s28+$0x1F0] =	vst v4  }
0x11f: {  	[tilespmem:s28+$0xFFFFFE10] =	vst v9  }
0x120: {  	v8 =	vld [tilespmem:s18+$0x190];
	[tilespmem:s28+$0xFFFFFE20] =	vst v10  }
0x121: {  	v4 =	vmov v6;
	v9 =	vld [tilespmem:s18+$0x180];
	v10 =	vmul.f32 v6, v13;
	v13 =	vmul.f32 v15, v6;
	[tilespmem:s28+$0xFFFFFE30] =	vst v11;
	s28 =	smov.u32 s18  }
0x122: {  	v12 =	vmul.f32 v12, v4;
	v6 =	vld [tilespmem:s18+$0x170];
	v11 =	vmul.f32 v5, v4  }
0x123: {  	v5 =	vld.msk [tilespmem:s18+$0x1A0 ss:$0x0], $0xffff;
	[tilespmem:s18+$0x1B0] =	vst v10;
	v7 =	vmul.f32 v7, v4;
	v10 =	vmul.f32 v17, v4  }
0x124: {  	v14 =	vld [tilespmem:s18+$0x120];
	[tilespmem:s18+$0x1C0] =	vst v11  }
0x125: {  	v11 =	vld [tilespmem:s18+$0x130];
	[tilespmem:s18+$0x1D0] =	vst v7  }
0x126: {  	v7 =	vld [tilespmem:s18+$0x140];
	[tilespmem:s18+$0x200] =	vst v13  }
0x127: {  	[tilespmem:s18+$0x210] =	vst v12  }
0x128: {  	v12 =	vld [tilespmem:s18+$0x100];
	[tilespmem:s18+$0x220] =	vst v10  }
0x129: {  	v10 =	vld [tilespmem:s18+$0xF0];
	v13 =	vmul.f32 v5, v14;
	v14 =	vmul.f32 v6, v5  }
0x12a: {  	v9 =	vmul.f32 v9, v5;
	v15 =	vld [tilespmem:s18+$0xE0];
	v11 =	vmul.f32 v11, v5  }
0x12b: {  	v8 =	vmul.f32 v8, v5;
	v6 =	vld.msk [tilespmem:s18+$0x110 ss:$0x0], $0xffff;
	[tilespmem:s18+$0x120] =	vst v13;
	v7 =	vmul.f32 v7, v5  }
0x12c: {  	v13 =	vld [tilespmem:s18+$0x90];
	[tilespmem:s18+$0x130] =	vst v11  }
0x12d: {  	v11 =	vld [tilespmem:s18+$0xA0];
	[tilespmem:s18+$0x140] =	vst v7  }
0x12e: {  	v16 =	vld [tilespmem:s18+$0xB0];
	[tilespmem:s18+$0x170] =	vst v14  }
0x12f: {  	[tilespmem:s18+$0x180] =	vst v9  }
0x130: {  	v9 =	vld [tilespmem:s18+$0x70];
	[tilespmem:s18+$0x190] =	vst v8  }
0x131: {  	v14 =	vmul.f32 v15, v6;
	v8 =	vld [tilespmem:s18+$0x60];
	v13 =	vmul.f32 v6, v13  }
0x132: {  	v10 =	vmul.f32 v10, v6;
	v15 =	vld [tilespmem:s18+$0x50];
	v11 =	vmul.f32 v11, v6  }
0x133: {  	v12 =	vmul.f32 v12, v6;
	v7 =	vld.msk [tilespmem:s18+$0x80 ss:$0x0], $0xffff;
	[tilespmem:s18+$0x90] =	vst v13;
	v13 =	vmul.f32 v16, v6  }
0x134: {  	v16 =	vld [tilespmem:s18+$0x0];
	[tilespmem:s18+$0xA0] =	vst v11  }
0x135: {  	v11 =	vld [tilespmem:s18+$0x10];
	[tilespmem:s18+$0xB0] =	vst v13  }
0x136: {  	v13 =	vld [tilespmem:s18+$0x20];
	[tilespmem:s18+$0xE0] =	vst v14  }
0x137: {  	[tilespmem:s18+$0xF0] =	vst v10  }
0x138: {  	v10 =	vld [tilespmem:s18+$0xFFFFFFE0];
	[tilespmem:s18+$0x100] =	vst v12  }
0x139: {  	v15 =	vmul.f32 v15, v7;
	v12 =	vld [tilespmem:s18+$0xFFFFFFD0];
	v14 =	vmul.f32 v7, v16  }
0x13a: {  	v17 =	vmul.f32 v8, v7;
	v16 =	vld [tilespmem:s18+$0xFFFFFFC0];
	v11 =	vmul.f32 v11, v7  }
0x13b: {  	v9 =	vmul.f32 v9, v7;
	v8 =	vld.msk [tilespmem:s18+$0xFFFFFFF0 ss:$0x0], $0xffff;
	[tilespmem:s18+$0x0] =	vst v14;
	v13 =	vmul.f32 v13, v7  }
0x13c: {  	v14 =	vld [tilespmem:s18+$0xFFFFFF70];
	[tilespmem:s18+$0x10] =	vst v11  }
0x13d: {  	v11 =	vld [tilespmem:s18+$0xFFFFFF80];
	[tilespmem:s18+$0x20] =	vst v13  }
0x13e: {  	v13 =	vld [tilespmem:s18+$0xFFFFFF90];
	[tilespmem:s18+$0x50] =	vst v15  }
0x13f: {  	[tilespmem:s18+$0x60] =	vst v17  }
0x140: {  	v15 =	vld [tilespmem:s18+$0xFFFFFF50];
	[tilespmem:s18+$0x70] =	vst v9  }
0x141: {  	v16 =	vmul.f32 v16, v8;
	v9 =	vld [tilespmem:s18+$0xFFFFFF40];
	v14 =	vmul.f32 v8, v14  }
0x142: {  	v12 =	vmul.f32 v12, v8;
	v17 =	vld [tilespmem:s18+$0xFFFFFF30];
	v11 =	vmul.f32 v11, v8  }
0x143: {  	v10 =	vmul.f32 v10, v8;
	v18 =	vld.msk [tilespmem:s18+$0xFFFFFF60 ss:$0x0], $0xffff;
	[tilespmem:s18+$0xFFFFFF70] =	vst v14;
	v13 =	vmul.f32 v13, v8  }
0x144: {  	v14 =	vld [tilespmem:s18+$0xFFFFFEE0];
	[tilespmem:s18+$0xFFFFFF80] =	vst v11  }
0x145: {  	v11 =	vld [tilespmem:s18+$0xFFFFFEF0];
	[tilespmem:s18+$0xFFFFFF90] =	vst v13  }
0x146: {  	v13 =	vld [tilespmem:s18+$0xFFFFFF00];
	[tilespmem:s18+$0xFFFFFFC0] =	vst v16  }
0x147: {  	[tilespmem:s18+$0xFFFFFFD0] =	vst v12  }
0x148: {  	v12 =	vld [tilespmem:s18+$0xFFFFFEC0];
	[tilespmem:s18+$0xFFFFFFE0] =	vst v10  }
0x149: {  	v16 =	vmul.f32 v17, v18;
	v10 =	vld [tilespmem:s18+$0xFFFFFEB0];
	v14 =	vmul.f32 v18, v14  }
0x14a: {  	v9 =	vmul.f32 v9, v18;
	v17 =	vld [tilespmem:s18+$0xFFFFFEA0];
	v11 =	vmul.f32 v11, v18  }
0x14b: {  	v19 =	vld.msk [tilespmem:s18+$0xFFFFFED0 ss:$0x0], $0xffff;
	[tilespmem:s18+$0xFFFFFEE0] =	vst v14;
	v13 =	vmul.f32 v13, v18;
	v14 =	vmul.f32 v15, v18  }
0x14c: {  	v15 =	vld [tilespmem:s18+$0xFFFFFE50];
	[tilespmem:s18+$0xFFFFFEF0] =	vst v11  }
0x14d: {  	v11 =	vld [tilespmem:s18+$0xFFFFFE60];
	[tilespmem:s18+$0xFFFFFF00] =	vst v13  }
0x14e: {  	v13 =	vld [tilespmem:s18+$0xFFFFFE70];
	[tilespmem:s18+$0xFFFFFF30] =	vst v16  }
0x14f: {  	[tilespmem:s18+$0xFFFFFF40] =	vst v9  }
0x150: {  	v16 =	vld [tilespmem:s18+$0xFFFFFE30];
	[tilespmem:s18+$0xFFFFFF50] =	vst v14  }
0x151: {  	v14 =	vld [tilespmem:s18+$0xFFFFFE20];
	v9 =	vmul.f32 v19, v15;
	v15 =	vmul.f32 v17, v19  }
0x152: {  	v10 =	vmul.f32 v10, v19;
	v17 =	vld [tilespmem:s18+$0xFFFFFE10];
	v11 =	vmul.f32 v11, v19  }
0x153: {  	v12 =	vmul.f32 v12, v19;
	v20 =	vld.msk [tilespmem:s18+$0xFFFFFE40 ss:$0x0], $0xffff;
	[tilespmem:s18+$0xFFFFFE50] =	vst v9;
	v9 =	vmul.f32 v13, v19  }
0x154: {  	v13 =	vld [tilespmem:s18+$0xFFFFFDC0];
	[tilespmem:s18+$0xFFFFFE60] =	vst v11  }
0x155: {  	v11 =	vld [tilespmem:s18+$0xFFFFFDD0];
	[tilespmem:s18+$0xFFFFFE70] =	vst v9  }
0x156: {  	v21 =	vld [tilespmem:s18+$0xFFFFFDE0];
	[tilespmem:s18+$0xFFFFFEA0] =	vst v15  }
0x157: {  	v15 =	vld [tilespmem:s18+$0xFFFFFDF0];
	[tilespmem:s18+$0xFFFFFEB0] =	vst v10  }
0x158: {  	v22 =	vld [tilespmem:s18+$0xFFFFFE00];
	[tilespmem:s18+$0xFFFFFEC0] =	vst v12  }
0x159: {  	v9 =	vmul.f32 v17, v20;
	v12 =	vmul.f32 v20, v13;
	v13 =	vld [tilespmem:s18+$0xFFFFFE80]  }
0x15a: {  	v10 =	vmul.f32 v14, v20;
	v17 =	vmul.f32 v11, v20;
	v14 =	vld [tilespmem:s18+$0xFFFFFE90]  }
0x15b: {  	v11 =	vmul.f32 v16, v20;
	[tilespmem:s18+$0xFFFFFDC0] =	vst v12;
	v12 =	vmul.f32 v21, v20;
	v16 =	vld [tilespmem:s18+$0xFFFFFF10]  }
0x15c: {  	[tilespmem:s18+$0xFFFFFDD0] =	vst v17;
	v15 =	vmul.f32 v15, v20;
	v17 =	vld [tilespmem:s18+$0xFFFFFF20]  }
0x15d: {  	[tilespmem:s18+$0xFFFFFDE0] =	vst v12;
	v12 =	vmul.f32 v22, v20;
	v20 =	vld [tilespmem:s18+$0xFFFFFFA0]  }
0x15e: {  	[tilespmem:s18+$0xFFFFFDF0] =	vst v15;
	v13 =	vmul.f32 v13, v19;
	v15 =	vld [tilespmem:s18+$0xFFFFFFB0]  }
0x15f: {  	[tilespmem:s18+$0xFFFFFE00] =	vst v12;
	v12 =	vmul.f32 v14, v19;
	v14 =	vld [tilespmem:s18+$0x30]  }
0x160: {  	s31 =	sadd.s32 $0x8, s31;
	[tilespmem:s18+$0xFFFFFE80] =	vst v13;
	v13 =	vmul.f32 v16, v18;
	v16 =	vld [tilespmem:s18+$0x40]  }
0x161: {  	p0 =	slt.u32 s31, $0x28;
	[tilespmem:s18+$0xFFFFFE90] =	vst v12;
	v17 =	vmul.f32 v17, v18;
	v18 =	vld [tilespmem:s18+$0xC0]  }
.Ltmp2:
0x162: {  	[tilespmem:s18+$0xFFFFFF10] =	vst v13;
	v13 =	vmul.f32 v20, v8;
	v12 =	vld [tilespmem:s18+$0xD0];
	(pc) =	sbr.rel @p0 .LBB2_7-.Ltmp2, $4  }
0x163: {  	[tilespmem:s18+$0xFFFFFF20] =	vst v17;
	v15 =	vmul.f32 v15, v8;
	v8 =	vld [tilespmem:s18+$0x150]  }
0x164: {  	[tilespmem:s18+$0xFFFFFFA0] =	vst v13;
	v17 =	vmul.f32 v14, v7;
	v13 =	vld [tilespmem:s18+$0x160]  }
0x165: {  	[tilespmem:s18+$0xFFFFFFB0] =	vst v15;
	v15 =	vmul.f32 v16, v7;
	v14 =	vld [tilespmem:s18+$0x1E0]  }
0x166: {  	s18 =	sadd.s32 $0x480, s18;
	[tilespmem:s28+$0x30] =	vst v17;
	v16 =	vmul.f32 v18, v6;
	v7 =	vld [tilespmem:s28+$0x1F0]  }
0x167: {  	[tilespmem:s28+$0x40] =	vst v15  }
0x168: {  	[tilespmem:s28+$0xFFFFFE10] =	vst v9  }
0x169: {  	[tilespmem:s28+$0xFFFFFE20] =	vst v10  }
0x16a: {  	v6 =	vmul.f32 v12, v6;
	[tilespmem:s28+$0xFFFFFE30] =	vst v11  }
0x16b: {  	s26 =	sadd.s32 $0x1, s26;
	[tilespmem:s28+$0xC0] =	vst v16;
	v8 =	vmul.f32 v8, v5  }
0x16c: {  	p0 =	sne.s32 s26, $0xD0;
	[tilespmem:s28+$0xD0] =	vst v6;
	v5 =	vmul.f32 v13, v5  }
.Ltmp3:
0x16d: {  	[tilespmem:s28+$0x150] =	vst v8;
	v63 =	vmul.f32 v14, v4;
	(pc) =	sbr.rel @p0 .LBB2_4-.Ltmp3, $4  }
0x16e: {  	[tilespmem:s28+$0x160] =	vst v5;
	v4 =	vmul.f32 v7, v4  }
0x16f: {  	[tilespmem:s28+$0x1E0] =	vst v63  }
0x170: {  	s25 =	sadd.s32 $0x1, s25;
	[tilespmem:s28+$0x1F0] =	vst v4  }
0x171: {  	[spmem:s2] =	stream.indirect.scatter.add.f32 [tilespmem:s29], [sflag:$0x3], $0x90, s17, s15, $0xb8;
	[tilespmem:$0x1FD70] =	vst v63  }
0x172: {  	_ =	swait.ge [sflag:s22], $0x1B00  }
0x173: {  	[sflag:s22] =	ssyncset.done $0x0  }
0x174: {  	[sflag:s22] =	ssyncadd.s32 $0xFFFFE500  }
0x175: {  	_ =	swait.ge [sflag:s22], $0x1B00  }
0x176: {  	[sflag:s22] =	ssyncset.done $0x0  }
0x177: {  	[sflag:s22] =	ssyncadd.s32 $0xFFFFE500  }
0x178: {  	[tilespmem:s24], [sflag:$0x4] =	stream.strided.gather [hbm4b:s11+s23], $0x20, s16, s23, $0x38;
	[tilespmem:$0x1FD70] =	vst v63  }
0x179: {  	_ =	swait.ge [sflag:s13], $0x20  }
0x17a: {  	[sflag:s13] =	ssyncset.done $0x0  }
0x17b: {  	[sflag:s13] =	ssyncadd.s32 $0xFFFFFFE0  }
0x17c: {  	[tilespmem:s12], [sflag:$0x2] =	stream.indirect.gather [hbm4b:s5+s23], $0x90, s24, s23, $0xb8;
	[tilespmem:$0x1FD70] =	vst v63  }
0x17d: {  	_ =	swait.ge [sflag:s21], $0x900  }
0x17e: {  	[sflag:s21] =	ssyncset.done $0x0  }
0x17f: {  	[sflag:s21] =	ssyncadd.s32 $0xFFFFF700  }
0x180: {  	v4 =	vld [tilespmem:$0x19160];
	_ =	sdelay $0x6  }
0x181: {  	v5 =	vld.idx.msk [tilespmem:v1+s12+$0x0], $0xffff  }
0x182: {  	v4 =	vld.idx.msk [tilespmem:v4+s14+$0x0], $0xffff;
	_ =	sdelay $0x4  }
0x183: {  	v4 =	vadd.f32 v4, v5;
	_ =	sdelay $0x1  }
0x184: {  	v5 =	vmul.f32 $9.999999770e-03, v4;
	_ =	sdelay $0x1  }
0x185: {  	v4 =	vmax.f32 v4, v5  }
0x186: {  	v4 =	vmul.f32 $1.442695020e+00, v4;
	_ =	sdelay $0x1  }
0x187: {  	(erf) = vpow2.f32 v4;
	_ =	sdelay $0x8  }
0x188: {  	v4 =	vpop (erf)  }
0x189: {  	s17 =	simm.s32 $0x0;
	p0 =	por $0x1, $0x1;
	[tilespmem:v1+s12+$0x0] =	vst.idx.msk $0xffff, v4  }
.LBB2_10:
0x18a: {  	s17 =	sshra.s32 s17, $0x2  }
0x18b: {  	v4 =	vld [tilespmem:s17+$0x19170]  }
0x18c: {  	v5 =	vld.msk [tilespmem:s17+$0x191F0 ss:$0x0], $0xffff  }
0x18d: {  	v6 =	vld [tilespmem:s17+$0x19180]  }
0x18e: {  	v7 =	vld [tilespmem:s17+$0x19190]  }
0x18f: {  	v8 =	vld [tilespmem:s17+$0x191A0]  }
0x190: {  	v9 =	vld [tilespmem:s17+$0x191B0]  }
0x191: {  	v10 =	vld [tilespmem:s17+$0x191C0];
	v4 =	vmul.f32 v5, v4  }
0x192: {  	v11 =	vld [tilespmem:s17+$0x191D0];
	v6 =	vmul.f32 v6, v5  }
0x193: {  	v50 =	vld [tilespmem:s17+$0x191E0];
	[tilespmem:s17+$0x19170] =	vst v4;
	v4 =	vmul.f32 v7, v5  }
0x194: {  	v51 =	vmul.f32 v8, v5;
	[tilespmem:s17+$0x19180] =	vst v6  }
0x195: {  	[tilespmem:s17+$0x19190] =	vst v4;
	v4 =	vmul.f32 v9, v5  }
0x196: {  	v52 =	vmul.f32 v10, v5;
	[tilespmem:s17+$0x191A0] =	vst v51  }
0x197: {  	[tilespmem:s17+$0x191B0] =	vst v4;
	v4 =	vmul.f32 v11, v5  }
0x198: {  	[tilespmem:s17+$0x191C0] =	vst v52;
	v5 =	vmul.f32 v50, v5  }
0x199: {  	[tilespmem:s17+$0x191D0] =	vst v4  }
0x19a: {  	[tilespmem:s17+$0x191E0] =	vst v5;
	v4 =	vld [tilespmem:s17+$0x19200]  }
0x19b: {  	v5 =	vld.msk [tilespmem:s17+$0x19280 ss:$0x0], $0xffff  }
0x19c: {  	v53 =	vld [tilespmem:s17+$0x19210]  }
0x19d: {  	v54 =	vld [tilespmem:s17+$0x19220]  }
0x19e: {  	v55 =	vld [tilespmem:s17+$0x19230]  }
0x19f: {  	v56 =	vld [tilespmem:s17+$0x19240]  }
0x1a0: {  	v57 =	vld [tilespmem:s17+$0x19250];
	v4 =	vmul.f32 v5, v4  }
0x1a1: {  	v58 =	vld [tilespmem:s17+$0x19260];
	v6 =	vmul.f32 v53, v5  }
0x1a2: {  	v59 =	vld [tilespmem:s17+$0x19270];
	[tilespmem:s17+$0x19200] =	vst v4;
	v4 =	vmul.f32 v54, v5  }
0x1a3: {  	v60 =	vmul.f32 v55, v5;
	[tilespmem:s17+$0x19210] =	vst v6  }
0x1a4: {  	[tilespmem:s17+$0x19220] =	vst v4;
	v4 =	vmul.f32 v56, v5  }
0x1a5: {  	v61 =	vmul.f32 v57, v5;
	[tilespmem:s17+$0x19230] =	vst v60  }
0x1a6: {  	[tilespmem:s17+$0x19240] =	vst v4;
	v4 =	vmul.f32 v58, v5  }
0x1a7: {  	[tilespmem:s17+$0x19250] =	vst v61;
	v5 =	vmul.f32 v59, v5  }
0x1a8: {  	[tilespmem:s17+$0x19260] =	vst v4  }
0x1a9: {  	[tilespmem:s17+$0x19270] =	vst v5;
	v4 =	vld [tilespmem:s17+$0x19290]  }
0x1aa: {  	v5 =	vld.msk [tilespmem:s17+$0x19310 ss:$0x0], $0xffff  }
0x1ab: {  	v62 =	vld [tilespmem:s17+$0x192A0]  }
0x1ac: {  	v63 =	vld [tilespmem:s17+$0x192B0]  }
0x1ad: {  	v12 =	vld [tilespmem:s17+$0x192C0]  }
0x1ae: {  	v13 =	vld [tilespmem:s17+$0x192D0]  }
0x1af: {  	v14 =	vld [tilespmem:s17+$0x192E0];
	v4 =	vmul.f32 v5, v4  }
0x1b0: {  	v15 =	vld [tilespmem:s17+$0x192F0];
	v6 =	vmul.f32 v62, v5  }
0x1b1: {  	v16 =	vld [tilespmem:s17+$0x19300];
	[tilespmem:s17+$0x19290] =	vst v4;
	v4 =	vmul.f32 v63, v5  }
0x1b2: {  	v17 =	vmul.f32 v12, v5;
	[tilespmem:s17+$0x192A0] =	vst v6  }
0x1b3: {  	[tilespmem:s17+$0x192B0] =	vst v4;
	v4 =	vmul.f32 v13, v5  }
0x1b4: {  	v18 =	vmul.f32 v14, v5;
	[tilespmem:s17+$0x192C0] =	vst v17  }
0x1b5: {  	[tilespmem:s17+$0x192D0] =	vst v4;
	v4 =	vmul.f32 v15, v5  }
0x1b6: {  	[tilespmem:s17+$0x192E0] =	vst v18;
	v5 =	vmul.f32 v16, v5  }
0x1b7: {  	[tilespmem:s17+$0x192F0] =	vst v4  }
0x1b8: {  	[tilespmem:s17+$0x19300] =	vst v5;
	v4 =	vld [tilespmem:s17+$0x19320]  }
0x1b9: {  	v5 =	vld.msk [tilespmem:s17+$0x193A0 ss:$0x0], $0xffff  }
0x1ba: {  	v19 =	vld [tilespmem:s17+$0x19330]  }
0x1bb: {  	v20 =	vld [tilespmem:s17+$0x19340]  }
0x1bc: {  	v21 =	vld [tilespmem:s17+$0x19350]  }
0x1bd: {  	v22 =	vld [tilespmem:s17+$0x19360]  }
0x1be: {  	v23 =	vld [tilespmem:s17+$0x19370];
	v4 =	vmul.f32 v5, v4  }
0x1bf: {  	v24 =	vld [tilespmem:s17+$0x19380];
	v6 =	vmul.f32 v19, v5  }
0x1c0: {  	v25 =	vld [tilespmem:s17+$0x19390];
	[tilespmem:s17+$0x19320] =	vst v4;
	v4 =	vmul.f32 v20, v5  }
0x1c1: {  	v26 =	vmul.f32 v21, v5;
	[tilespmem:s17+$0x19330] =	vst v6  }
0x1c2: {  	[tilespmem:s17+$0x19340] =	vst v4;
	v4 =	vmul.f32 v22, v5  }
0x1c3: {  	v27 =	vmul.f32 v23, v5;
	[tilespmem:s17+$0x19350] =	vst v26  }
0x1c4: {  	[tilespmem:s17+$0x19360] =	vst v4;
	v4 =	vmul.f32 v24, v5  }
0x1c5: {  	[tilespmem:s17+$0x19370] =	vst v27;
	v5 =	vmul.f32 v25, v5  }
0x1c6: {  	[tilespmem:s17+$0x19380] =	vst v4  }
0x1c7: {  	[tilespmem:s17+$0x19390] =	vst v5;
	v4 =	vld [tilespmem:s17+$0x193B0]  }
0x1c8: {  	v5 =	vld.msk [tilespmem:s17+$0x19430 ss:$0x0], $0xffff  }
0x1c9: {  	v28 =	vld [tilespmem:s17+$0x193C0]  }
0x1ca: {  	v29 =	vld [tilespmem:s17+$0x193D0]  }
0x1cb: {  	v30 =	vld [tilespmem:s17+$0x193E0]  }
0x1cc: {  	v31 =	vld [tilespmem:s17+$0x193F0]  }
0x1cd: {  	v32 =	vld [tilespmem:s17+$0x19400];
	v4 =	vmul.f32 v5, v4  }
0x1ce: {  	v33 =	vld [tilespmem:s17+$0x19410];
	v6 =	vmul.f32 v28, v5  }
0x1cf: {  	v34 =	vld [tilespmem:s17+$0x19420];
	[tilespmem:s17+$0x193B0] =	vst v4;
	v4 =	vmul.f32 v29, v5  }
0x1d0: {  	v35 =	vmul.f32 v30, v5;
	[tilespmem:s17+$0x193C0] =	vst v6  }
0x1d1: {  	[tilespmem:s17+$0x193D0] =	vst v4;
	v4 =	vmul.f32 v31, v5  }
0x1d2: {  	v36 =	vmul.f32 v32, v5;
	[tilespmem:s17+$0x193E0] =	vst v35  }
0x1d3: {  	[tilespmem:s17+$0x193F0] =	vst v4;
	v4 =	vmul.f32 v33, v5  }
0x1d4: {  	[tilespmem:s17+$0x19400] =	vst v36;
	v5 =	vmul.f32 v34, v5  }
0x1d5: {  	[tilespmem:s17+$0x19410] =	vst v4  }
0x1d6: {  	[tilespmem:s17+$0x19420] =	vst v5;
	v4 =	vld [tilespmem:s17+$0x19440]  }
0x1d7: {  	v5 =	vld.msk [tilespmem:s17+$0x194C0 ss:$0x0], $0xffff  }
0x1d8: {  	v37 =	vld [tilespmem:s17+$0x19450]  }
0x1d9: {  	v38 =	vld [tilespmem:s17+$0x19460]  }
0x1da: {  	v39 =	vld [tilespmem:s17+$0x19470]  }
0x1db: {  	v40 =	vld [tilespmem:s17+$0x19480]  }
0x1dc: {  	v41 =	vld [tilespmem:s17+$0x19490];
	v4 =	vmul.f32 v5, v4  }
0x1dd: {  	v42 =	vld [tilespmem:s17+$0x194A0];
	v6 =	vmul.f32 v37, v5  }
0x1de: {  	v43 =	vld [tilespmem:s17+$0x194B0];
	[tilespmem:s17+$0x19440] =	vst v4;
	v4 =	vmul.f32 v38, v5  }
0x1df: {  	v44 =	vmul.f32 v39, v5;
	[tilespmem:s17+$0x19450] =	vst v6  }
0x1e0: {  	[tilespmem:s17+$0x19460] =	vst v4;
	v4 =	vmul.f32 v40, v5  }
0x1e1: {  	v45 =	vmul.f32 v41, v5;
	[tilespmem:s17+$0x19470] =	vst v44  }
0x1e2: {  	[tilespmem:s17+$0x19480] =	vst v4;
	v4 =	vmul.f32 v42, v5  }
0x1e3: {  	[tilespmem:s17+$0x19490] =	vst v45;
	v5 =	vmul.f32 v43, v5  }
0x1e4: {  	[tilespmem:s17+$0x194A0] =	vst v4  }
0x1e5: {  	[tilespmem:s17+$0x194B0] =	vst v5;
	v4 =	vld [tilespmem:s17+$0x194D0]  }
0x1e6: {  	v5 =	vld.msk [tilespmem:s17+$0x19550 ss:$0x0], $0xffff  }
0x1e7: {  	v46 =	vld [tilespmem:s17+$0x194E0]  }
0x1e8: {  	v47 =	vld [tilespmem:s17+$0x194F0]  }
0x1e9: {  	v48 =	vld [tilespmem:s17+$0x19500]  }
0x1ea: {  	v49 =	vld [tilespmem:s17+$0x19510]  }
0x1eb: {  	v50 =	vld [tilespmem:s17+$0x19520];
	v4 =	vmul.f32 v5, v4  }
0x1ec: {  	v51 =	vld [tilespmem:s17+$0x19530];
	v6 =	vmul.f32 v46, v5  }
0x1ed: {  	v52 =	vld [tilespmem:s17+$0x19540];
	[tilespmem:s17+$0x194D0] =	vst v4;
	v4 =	vmul.f32 v47, v5  }
0x1ee: {  	v53 =	vmul.f32 v48, v5;
	[tilespmem:s17+$0x194E0] =	vst v6  }
0x1ef: {  	[tilespmem:s17+$0x194F0] =	vst v4;
	v4 =	vmul.f32 v49, v5  }
0x1f0: {  	v54 =	vmul.f32 v50, v5;
	[tilespmem:s17+$0x19500] =	vst v53  }
0x1f1: {  	[tilespmem:s17+$0x19510] =	vst v4;
	v4 =	vmul.f32 v51, v5  }
0x1f2: {  	[tilespmem:s17+$0x19520] =	vst v54;
	v5 =	vmul.f32 v52, v5  }
0x1f3: {  	[tilespmem:s17+$0x19530] =	vst v4  }
0x1f4: {  	[tilespmem:s17+$0x19540] =	vst v5;
	v4 =	vld [tilespmem:s17+$0x19560]  }
0x1f5: {  	v5 =	vld.msk [tilespmem:s17+$0x195E0 ss:$0x0], $0xffff  }
0x1f6: {  	v55 =	vld [tilespmem:s17+$0x19570]  }
0x1f7: {  	v56 =	vld [tilespmem:s17+$0x19580]  }
0x1f8: {  	v57 =	vld [tilespmem:s17+$0x19590]  }
0x1f9: {  	v58 =	vld [tilespmem:s17+$0x195A0]  }
0x1fa: {  	v59 =	vld [tilespmem:s17+$0x195B0];
	v4 =	vmul.f32 v5, v4  }
0x1fb: {  	v60 =	vld [tilespmem:s17+$0x195C0];
	v6 =	vmul.f32 v55, v5  }
0x1fc: {  	v61 =	vld [tilespmem:s17+$0x195D0];
	[tilespmem:s17+$0x19560] =	vst v4;
	v4 =	vmul.f32 v56, v5  }
0x1fd: {  	v62 =	vmul.f32 v57, v5;
	[tilespmem:s17+$0x19570] =	vst v6  }
0x1fe: {  	p1 =	por p0, p0;
	[tilespmem:s17+$0x19580] =	vst v4;
	v4 =	vmul.f32 v58, v5  }
.Ltmp4:
0x1ff: {  	v63 =	vmul.f32 v59, v5;
	[tilespmem:s17+$0x19590] =	vst v62;
	(pc) =	sbr.rel @p1 .LBB2_10-.Ltmp4, $4  }
0x200: {  	[tilespmem:s17+$0x195A0] =	vst v4;
	v4 =	vmul.f32 v60, v5  }
0x201: {  	[tilespmem:s17+$0x195B0] =	vst v63;
	v5 =	vmul.f32 v61, v5  }
0x202: {  	[tilespmem:s17+$0x195C0] =	vst v4  }
0x203: {  	p0 =	por $0x0, $0x0;
	[tilespmem:s17+$0x195D0] =	vst v5;
	s17 =	simm.s32 $0x1200  }
0x204: {  	s17 =	simm.s32 $0x19160  }
0x205: {  	[spmem:s2] =	stream.indirect.scatter.add.f32 [tilespmem:s12], [sflag:$0x4], $0x90, s17, s23, $0xb8;
	[tilespmem:$0x1FD70] =	vst v63  }
0x206: {  	_ =	swait.ge [sflag:s13], $0x900  }
0x207: {  	[sflag:s13] =	ssyncset.done $0x0  }
0x208: {  	s18 =	stileid.u32;
	[sflag:s13] =	ssyncadd.s32 $0xFFFFF700  }
0x209: {  	s17 =	sshll.u32 s18, $0x6;
	[bflag:$0x0] =	sbarrier.arrive $0xFFFF  }
0x20a: {  	s18 =	sshrl.u32 s7, $0x3;
	s17 =	sor.u32 $0x1C04, s17;
	s25 =	rddreg [dreg:$0xa]  }
0x20b: {  	[hbm:s25], [sflag:s17] =	dma.local [spmem:s18], $0x900  }
0x20c: {  	_ =	swait.ge [sflag:s13], $0x900  }
0x20d: {  	[sflag:s13] =	ssyncset.done $0x0  }
0x20e: {  	s25 =	rddreg [dreg:$0xb];
	[sflag:s13] =	ssyncadd.s32 $0xFFFFF700  }
0x20f: {  	[hbm:s25], [sflag:s17] =	dma.local [spmem:s0], $0x900  }
0x210: {  	_ =	swait.ge [sflag:s13], $0x900  }
0x211: {  	[sflag:s13] =	ssyncset.done $0x0  }
0x212: {  	s26 =	rddreg [dreg:$0xc];
	[sflag:s13] =	ssyncadd.s32 $0xFFFFF700  }
0x213: {  	[hbm:s26], [sflag:s17] =	dma.local [spmem:s3], $0x900  }
0x214: {  	_ =	swait.ge [sflag:s13], $0x900  }
0x215: {  	[sflag:s13] =	ssyncset.done $0x0  }
0x216: {  	s28 =	rddreg [dreg:$0xd];
	[sflag:s13] =	ssyncadd.s32 $0xFFFFF700  }
0x217: {  	[hbm:s28], [sflag:s17] =	dma.local [spmem:s6], $0x900  }
0x218: {  	_ =	swait.ge [sflag:s13], $0x900  }
0x219: {  	[sflag:s13] =	ssyncset.done $0x0  }
0x21a: {  	s29 =	rddreg [dreg:$0xe];
	[sflag:s13] =	ssyncadd.s32 $0xFFFFF700  }
0x21b: {  	[hbm:s29], [sflag:s17] =	dma.local [spmem:s8], $0x900  }
0x21c: {  	_ =	swait.ge [sflag:s13], $0x900  }
0x21d: {  	s4 =	sadd.s32 $0x1, s4;
	s31 =	rddreg [dreg:$0x19]  }
0x21e: {  	p0 =	sne.s32 s4, s31  }
.Ltmp5:
0x21f: {  	_ = 	snop;
	(pc) =	sbr.rel @p0 .LBB2_1-.Ltmp5, $3  }
0x220: {  	_ =	sdelay $0x1  }
0x221: {  	[sflag:s13] =	ssyncset.done $0x0  }
0x222: {  	[sflag:s13] =	ssyncadd.s32 $0xFFFFF700  }
0x223: {  	_ =	sfence.sel $0x180000  }
0x224: {  	[bflag:$0x0] =	sbarrier.arrive $0xFFFF  }
0x225: {  	_ =	strace $0x90000047  }
0x226: {  	s0 =	stileid.u32;
	[bflag:$0x2] =	sbarrier.arrive $0xFFFF  }
0x227: {  	p0 =	sne.s32 s0, $0x0;
	s0 =	rddreg [dreg:$0x3]  }
0x228: {  	s0 =	sadd.s32 @!p0 $0x100000, s0  }
0x229: {  	[sflag:s0] =	ssyncadd.tile.s32 @!p0 $0x1;
	_ =	shalt  }
.Lfunc_end2:
_tile_overlayer_lowered:
.L_overlay_start_2:
0x22a: {  	(tag) =	ssettag $0x2  }
0x22b: {  	s0 =	rddreg [dreg:$0x0];
	s2 =	stileid.u32  }
0x22c: {  	s1 =	rddreg [dreg:$0x1];
	p0 =	sne.s32 s2, $0x0  }
0x22d: {  	s3 =	rddreg [dreg:$0x2];
	[bflag:$0x3] =	sbarrier.arrive $0xFFFF;
	s2 =	simm.s32 @!p0 $0x1C04  }
0x22e: {  	[timem:s3], [sflag:s2] =	dma.local @!p0 [hbm:s0], s1  }
0x22f: {  	s0 =	simm.s32 @!p0 $0x4  }
0x230: {  	_ =	swait.ge @!p0 [sflag:s0], s1  }
0x231: {  	s1 =	ssub.s32 @!p0 $0x0, s1;
	[sflag:s0] =	ssyncset.done @!p0 $0x0  }
0x232: {  	[sflag:s0] =	ssyncadd.s32 @!p0 s1  }
0x233: {  	[bflag:$0x3] =	sbarrier.arrive $0xFFFF  }
0x234: {  	_ =	shalt  }

</sc_bundles>
